<compile_context>
chip_gen: v7x
topology: tpu7x:2x2x1
jax: 0.10.2.dev20260603
libtpu: 0.0.44.dev20260713+nightly
codegen_flags: <defaults>
</compile_context>

<pallas_src>
import jax
import jax.numpy as jnp
from jax import lax
from jax.experimental import pallas as pl
from jax.experimental.pallas import tpu as pltpu
from jax.experimental.pallas import tpu_sc as plsc

B = 16384
D = 64
NNEG = 20
NW = 32
ROWS_PER_W = B // NW
CB = 32
NCH = ROWS_PER_W // CB
NSTR = CB * NNEG // 128
NIDX_ROWS = ROWS_PER_W * NNEG // 128
OUTW = 32


def _sc_body(pos_t, pos_c, neg2d, temb, cemb, dots,
             tidx, cidx, nidx, tgtv, ctxv, negv, outv, sem0, sem1):
    wid = lax.axis_index("s") * 2 + lax.axis_index("c")
    base = wid * ROWS_PER_W
    lane = lax.iota(jnp.int32, 16)
    sems = (sem0, sem1)

    pltpu.sync_copy(pos_t.at[pl.ds(base, ROWS_PER_W)], tidx)
    pltpu.sync_copy(pos_c.at[pl.ds(base, ROWS_PER_W)], cidx)
    pltpu.sync_copy(neg2d.at[pl.ds(wid * NIDX_ROWS, NIDX_ROWS)], nidx)

    def issue(ch, b):
        pltpu.async_copy(temb.at[tidx.at[pl.ds(ch * CB, CB)]],
                         tgtv.at[pl.ds(b * CB, CB)], sems[b])
        pltpu.async_copy(cemb.at[cidx.at[pl.ds(ch * CB, CB)]],
                         ctxv.at[pl.ds(b * CB, CB)], sems[b])
        for j in range(NSTR):
            pltpu.async_copy(cemb.at[nidx.at[ch * NSTR + j]],
                             negv.at[pl.ds((b * NSTR + j) * 128, 128)],
                             sems[b])

    def drain(b):
        pltpu.make_async_copy(temb.at[pl.ds(0, CB)],
                              tgtv.at[pl.ds(b * CB, CB)], sems[b]).wait()
        pltpu.make_async_copy(cemb.at[pl.ds(0, CB)],
                              ctxv.at[pl.ds(b * CB, CB)], sems[b]).wait()
        for j in range(NSTR):
            pltpu.make_async_copy(
                cemb.at[pl.ds(0, 128)],
                negv.at[pl.ds((b * NSTR + j) * 128, 128)], sems[b]).wait()

    def compute(ch, b):
        def row_body(r, c2):
            rb = b * CB + r
            t0 = tgtv[rb, pl.ds(0, 16)]
            t1 = tgtv[rb, pl.ds(16, 16)]
            t2 = tgtv[rb, pl.ds(32, 16)]
            t3 = tgtv[rb, pl.ds(48, 16)]
            p = (t0 * ctxv[rb, pl.ds(0, 16)] + t1 * ctxv[rb, pl.ds(16, 16)]
                 + t2 * ctxv[rb, pl.ds(32, 16)]
                 + t3 * ctxv[rb, pl.ds(48, 16)])
            rv0 = jnp.where(lane == 0, jnp.sum(p), 0.0)
            rv1 = jnp.zeros((16,), jnp.float32)
            rn = b * CB * NNEG + r * NNEG
            for n in range(NNEG):
                v = (t0 * negv[rn + n, pl.ds(0, 16)]
                     + t1 * negv[rn + n, pl.ds(16, 16)]
                     + t2 * negv[rn + n, pl.ds(32, 16)]
                     + t3 * negv[rn + n, pl.ds(48, 16)])
                s = jnp.sum(v)
                if n < 15:
                    rv0 = jnp.where(lane == 1 + n, s, rv0)
                else:
                    rv1 = jnp.where(lane == n - 15, s, rv1)
            outv[r, pl.ds(0, 16)] = rv0
            outv[r, pl.ds(16, 16)] = rv1
            return c2
        lax.fori_loop(0, CB, row_body, 0)
        pltpu.sync_copy(outv, dots.at[pl.ds(base + ch * CB, CB)])

    issue(0, 0)
    issue(1, 1)

    def pair_body(i, carry):
        ch0 = i * 2
        for b in range(2):
            drain(b)
            compute(ch0 + b, b)
            issue(ch0 + b + 2, b)
        return carry
    lax.fori_loop(0, NCH // 2 - 1, pair_body, 0)
    for b in range(2):
        drain(b)
        compute(NCH - 2 + b, b)


_sc_dots = pl.kernel(
    _sc_body,
    out_type=jax.ShapeDtypeStruct((B, OUTW), jnp.float32),
    mesh=plsc.VectorSubcoreMesh(core_axis_name="c", subcore_axis_name="s"),
    compiler_params=pltpu.CompilerParams(needs_layout_passes=False,
                                         use_tc_tiling_on_sc=False),
    scratch_types=[
        pltpu.VMEM((ROWS_PER_W,), jnp.int32),
        pltpu.VMEM((ROWS_PER_W,), jnp.int32),
        pltpu.VMEM((NIDX_ROWS, 128), jnp.int32),
        pltpu.VMEM((2 * CB, D), jnp.float32),
        pltpu.VMEM((2 * CB, D), jnp.float32),
        pltpu.VMEM((2 * CB * NNEG, D), jnp.float32),
        pltpu.VMEM((CB, OUTW), jnp.float32),
        pltpu.SemaphoreType.DMA,
        pltpu.SemaphoreType.DMA,
    ],
)


def _tc_loss_body(d_ref, o_ref):
    x = d_ref[:]
    col = lax.broadcasted_iota(jnp.int32, x.shape, 1) % OUTW
    xc = jnp.clip(x, -10.0, 10.0)
    pos_f = jnp.log1p(jnp.exp(-xc))
    neg_f = jnp.log1p(jnp.exp(xc))
    contrib = jnp.where(col == 0, pos_f,
                        jnp.where(col <= NNEG, neg_f, 0.0))
    o_ref[0, 0] = jnp.sum(contrib) * (1.0 / B)


_tc_loss = pl.pallas_call(
    _tc_loss_body,
    out_shape=jax.ShapeDtypeStruct((1, 1), jnp.float32),
    in_specs=[pl.BlockSpec(memory_space=pltpu.VMEM)],
    out_specs=pl.BlockSpec(memory_space=pltpu.SMEM),
)


def kernel(pos_target, pos_context, neg_context, target_emb, context_emb):
    neg2d = neg_context.reshape(B * NNEG // 128, 128)
    dots = _sc_dots(pos_target, pos_context, neg2d, target_emb, context_emb)
    loss = _tc_loss(dots.reshape(B * OUTW // 128, 128))
    return loss[0, 0]

# --- scband reference (transcript-rebuilt; emitter-appended) ---
"""Pipeline reference for scband-skipgram-88699664597525 (READ-ONLY COPY).

The authoritative reference and input builder live on the scoring server;
editing this copy changes nothing except your own understanding.
"""

import jax, jax.numpy as jnp
import numpy as np

NUM_TARGETS = 1000000
VOCAB_SIZE = 1000000
EMB_DIM = 64
BATCH = 16384
N_NEG = 20


def setup_inputs(seed: int = 0) -> dict:
    key = jax.random.key(seed)
    k1, k2, k3, k4 = jax.random.split(key, 4)
    pos_target = jax.random.randint(k1, (BATCH,), 0, NUM_TARGETS, dtype=jnp.int64 if jax.config.jax_enable_x64 else jnp.int32).astype(jnp.int32)
    pos_context = jax.random.randint(k2, (BATCH,), 0, VOCAB_SIZE).astype(jnp.int32)
    neg_context = jax.random.randint(k3, (BATCH, N_NEG), 0, VOCAB_SIZE).astype(jnp.int32)
    initrange = 1.0 / (EMB_DIM + VOCAB_SIZE)
    target_emb = jax.random.uniform(k4, (NUM_TARGETS, EMB_DIM), dtype=jnp.float32, minval=-initrange, maxval=initrange)
    context_emb = jnp.zeros((VOCAB_SIZE, EMB_DIM), dtype=jnp.float32)
    return {"pos_target": pos_target, "pos_context": pos_context, "neg_context": neg_context, "target_emb": target_emb, "context_emb": context_emb}


def reference(pos_target, pos_context, neg_context, target_emb, context_emb):
    emb_target = jnp.take(target_emb, pos_target, axis=0)          # [B, d]
    emb_context = jnp.take(context_emb, pos_context, axis=0)       # [B, d]
    emb_neg_context = jnp.take(context_emb, neg_context, axis=0)   # [B, N, d]
    objective = jnp.sum(emb_target * emb_context, axis=1)          # [B]
    objective = jnp.clip(objective, -10.0, 10.0)
    objective = -jax.nn.log_sigmoid(objective)
    neg_objective = jnp.einsum('bnd,bd->bn', emb_neg_context, emb_target)  # [B, N]
    neg_objective = jnp.clip(neg_objective, -10.0, 10.0)
    neg_objective = -jnp.sum(jax.nn.log_sigmoid(-neg_objective), axis=1)   # [B]
    return jnp.mean(objective + neg_objective)

if __name__ == "__main__":
    import jax
    _d = setup_inputs()
    print(jax.jit(kernel)(*tuple(_d.values())))

</pallas_src>

<mosaic_0001>
#map = affine_map<(d0, d1) -> (0)>
#map1 = affine_map<(d0, d1) -> (0, 0)>
module attributes {stable_mosaic.version = 14 : i64} {
  func.func @_sc_body(%arg0: i32, %arg1: i32, %arg2: memref<16384xi32, #tpu.memory_space<hbm>>, %arg3: memref<16384xi32, #tpu.memory_space<hbm>>, %arg4: memref<2560x128xi32, #tpu.memory_space<hbm>>, %arg5: memref<1000000x64xf32, #tpu.memory_space<hbm>>, %arg6: memref<1000000x64xf32, #tpu.memory_space<hbm>>, %arg7: memref<16384x32xf32, #tpu.memory_space<hbm>>, %arg8: memref<512xi32, #tpu.memory_space<vmem>>, %arg9: memref<512xi32, #tpu.memory_space<vmem>>, %arg10: memref<80x128xi32, #tpu.memory_space<vmem>>, %arg11: memref<64x64xf32, #tpu.memory_space<vmem>>, %arg12: memref<64x64xf32, #tpu.memory_space<vmem>>, %arg13: memref<1280x64xf32, #tpu.memory_space<vmem>>, %arg14: memref<32x32xf32, #tpu.memory_space<vmem>>, %arg15: memref<!tpu.dma_semaphore, #tpu.memory_space<semaphore_mem>>, %arg16: memref<!tpu.dma_semaphore, #tpu.memory_space<semaphore_mem>>) attributes {dimension_semantics = [#tpu.dimension_semantics<core_parallel>, #tpu.dimension_semantics<subcore_parallel>], iteration_bounds = array<i64: 2, 16>, scalar_prefetch = 0 : i64, scratch_operands = 9 : i64, tpu.core_type = #tpu.core_type<sc_vector_subcore>, window_params = [{transform_indices = #map}, {transform_indices = #map}, {transform_indices = #map1}, {transform_indices = #map1}, {transform_indices = #map1}, {transform_indices = #map1}]} {
    %mul3A = arith.constant 2 : i32
    %mul3A_0 = arith.muli %arg1, %mul3A : i32
    %add3A = arith.addi %mul3A_0, %arg0 : i32
    %mul3A_1 = arith.constant 512 : i32
    %mul3A_2 = arith.muli %add3A, %mul3A_1 : i32
    %iota3A = tpu.iota {dimensions = array<i32: 0>} : vector<16xi32>
    "tpu.region"() ({
      %run_scoped3A = tpu.sem_alloc : memref<!tpu.dma_semaphore, #tpu.memory_space<semaphore_mem>>
      %dma_start3A_324 = tpu.memref_slice %arg2[%mul3A_2] : memref<16384xi32, #tpu.memory_space<hbm>> -> memref<512xi32, #tpu.memory_space<hbm>>
      %dma_start3A_325 = tpu.memref_slice %arg2[%mul3A_2] : memref<16384xi32, #tpu.memory_space<hbm>> -> memref<512xi32, #tpu.memory_space<hbm>>
      tpu.enqueue_dma source(%dma_start3A_325 : memref<512xi32, #tpu.memory_space<hbm>>) target(%arg8 : memref<512xi32, #tpu.memory_space<vmem>>) target_semaphore(%run_scoped3A : memref<!tpu.dma_semaphore, #tpu.memory_space<semaphore_mem>>)
      %dma_wait3A_326 = tpu.memref_slice %arg2[%mul3A_2] : memref<16384xi32, #tpu.memory_space<hbm>> -> memref<512xi32, #tpu.memory_space<hbm>>
      %dma_wait3A_327 = tpu.memref_slice %arg2[%mul3A_2] : memref<16384xi32, #tpu.memory_space<hbm>> -> memref<512xi32, #tpu.memory_space<hbm>>
      tpu.wait_dma2 semaphore(%run_scoped3A : memref<!tpu.dma_semaphore, #tpu.memory_space<semaphore_mem>>) src(%dma_wait3A_327 : memref<512xi32, #tpu.memory_space<hbm>>) dst(%arg8 : memref<512xi32, #tpu.memory_space<vmem>>)
      tpu.yield
    }) : () -> ()
    "tpu.region"() ({
      %run_scoped3A = tpu.sem_alloc : memref<!tpu.dma_semaphore, #tpu.memory_space<semaphore_mem>>
      %dma_start3A_324 = tpu.memref_slice %arg3[%mul3A_2] : memref<16384xi32, #tpu.memory_space<hbm>> -> memref<512xi32, #tpu.memory_space<hbm>>
      %dma_start3A_325 = tpu.memref_slice %arg3[%mul3A_2] : memref<16384xi32, #tpu.memory_space<hbm>> -> memref<512xi32, #tpu.memory_space<hbm>>
      tpu.enqueue_dma source(%dma_start3A_325 : memref<512xi32, #tpu.memory_space<hbm>>) target(%arg9 : memref<512xi32, #tpu.memory_space<vmem>>) target_semaphore(%run_scoped3A : memref<!tpu.dma_semaphore, #tpu.memory_space<semaphore_mem>>)
      %dma_wait3A_326 = tpu.memref_slice %arg3[%mul3A_2] : memref<16384xi32, #tpu.memory_space<hbm>> -> memref<512xi32, #tpu.memory_space<hbm>>
      %dma_wait3A_327 = tpu.memref_slice %arg3[%mul3A_2] : memref<16384xi32, #tpu.memory_space<hbm>> -> memref<512xi32, #tpu.memory_space<hbm>>
      tpu.wait_dma2 semaphore(%run_scoped3A : memref<!tpu.dma_semaphore, #tpu.memory_space<semaphore_mem>>) src(%dma_wait3A_327 : memref<512xi32, #tpu.memory_space<hbm>>) dst(%arg9 : memref<512xi32, #tpu.memory_space<vmem>>)
      tpu.yield
    }) : () -> ()
    %mul3A_3 = arith.constant 80 : i32
    %mul3A_4 = arith.muli %add3A, %mul3A_3 : i32
    "tpu.region"() ({
      %run_scoped3A = tpu.sem_alloc : memref<!tpu.dma_semaphore, #tpu.memory_space<semaphore_mem>>
      %dma_start3A_324 = arith.constant 0 : i32
      %dma_start3A_325 = tpu.memref_slice %arg4[%mul3A_4, %dma_start3A_324] : memref<2560x128xi32, #tpu.memory_space<hbm>> -> memref<80x128xi32, #tpu.memory_space<hbm>>
      %dma_start3A_326 = arith.constant 0 : i32
      %dma_start3A_327 = tpu.memref_slice %arg4[%mul3A_4, %dma_start3A_326] : memref<2560x128xi32, #tpu.memory_space<hbm>> -> memref<80x128xi32, #tpu.memory_space<hbm>>
      tpu.enqueue_dma source(%dma_start3A_327 : memref<80x128xi32, #tpu.memory_space<hbm>>) target(%arg10 : memref<80x128xi32, #tpu.memory_space<vmem>>) target_semaphore(%run_scoped3A : memref<!tpu.dma_semaphore, #tpu.memory_space<semaphore_mem>>)
      %dma_wait3A_328 = arith.constant 0 : i32
      %dma_wait3A_329 = tpu.memref_slice %arg4[%mul3A_4, %dma_wait3A_328] : memref<2560x128xi32, #tpu.memory_space<hbm>> -> memref<80x128xi32, #tpu.memory_space<hbm>>
      %dma_wait3A_330 = arith.constant 0 : i32
      %dma_wait3A_331 = tpu.memref_slice %arg4[%mul3A_4, %dma_wait3A_330] : memref<2560x128xi32, #tpu.memory_space<hbm>> -> memref<80x128xi32, #tpu.memory_space<hbm>>
      tpu.wait_dma2 semaphore(%run_scoped3A : memref<!tpu.dma_semaphore, #tpu.memory_space<semaphore_mem>>) src(%dma_wait3A_331 : memref<80x128xi32, #tpu.memory_space<hbm>>) dst(%arg10 : memref<80x128xi32, #tpu.memory_space<vmem>>)
      tpu.yield
    }) : () -> ()
    %dma_start3A = arith.constant 0 : i32
    %dma_start3A_5 = arith.constant 0 : i32
    %dma_start3A_6 = tpu.memref_slice %arg11[%dma_start3A, %dma_start3A_5] : memref<64x64xf32, #tpu.memory_space<vmem>> -> memref<32x64xf32, #tpu.memory_space<vmem>>
    %dma_start3A_7 = arith.constant 0 : i32
    %dma_start3A_8 = tpu.memref_slice %arg8[%dma_start3A_7] : memref<512xi32, #tpu.memory_space<vmem>> -> memref<32xi32, #tpu.memory_space<vmem>>
    %dma_start3A_9 = arith.constant 0 : i32
    %dma_start3A_10 = arith.constant 0 : i32
    %dma_start3A_11 = tpu.memref_slice %arg5[%dma_start3A_9, %dma_start3A_10] : memref<1000000x64xf32, #tpu.memory_space<hbm>> -> memref<1000000x64xf32, #tpu.memory_space<hbm>>
    tpu.enqueue_indirect_dma source(%dma_start3A_11 : memref<1000000x64xf32, #tpu.memory_space<hbm>>) target(%dma_start3A_6 : memref<32x64xf32, #tpu.memory_space<vmem>>) offsets(%dma_start3A_8 : memref<32xi32, #tpu.memory_space<vmem>>) semaphore(%arg15 : memref<!tpu.dma_semaphore, #tpu.memory_space<semaphore_mem>>)
    %dma_start3A_12 = arith.constant 0 : i32
    %dma_start3A_13 = arith.constant 0 : i32
    %dma_start3A_14 = tpu.memref_slice %arg12[%dma_start3A_12, %dma_start3A_13] : memref<64x64xf32, #tpu.memory_space<vmem>> -> memref<32x64xf32, #tpu.memory_space<vmem>>
    %dma_start3A_15 = arith.constant 0 : i32
    %dma_start3A_16 = tpu.memref_slice %arg9[%dma_start3A_15] : memref<512xi32, #tpu.memory_space<vmem>> -> memref<32xi32, #tpu.memory_space<vmem>>
    %dma_start3A_17 = arith.constant 0 : i32
    %dma_start3A_18 = arith.constant 0 : i32
    %dma_start3A_19 = tpu.memref_slice %arg6[%dma_start3A_17, %dma_start3A_18] : memref<1000000x64xf32, #tpu.memory_space<hbm>> -> memref<1000000x64xf32, #tpu.memory_space<hbm>>
    tpu.enqueue_indirect_dma source(%dma_start3A_19 : memref<1000000x64xf32, #tpu.memory_space<hbm>>) target(%dma_start3A_14 : memref<32x64xf32, #tpu.memory_space<vmem>>) offsets(%dma_start3A_16 : memref<32xi32, #tpu.memory_space<vmem>>) semaphore(%arg15 : memref<!tpu.dma_semaphore, #tpu.memory_space<semaphore_mem>>)
    %dma_start3A_20 = arith.constant 0 : i32
    %dma_start3A_21 = arith.constant 0 : i32
    %dma_start3A_22 = arith.constant 0 : i32
    %dma_start3A_23 = tpu.memref_slice %arg13[%dma_start3A_21, %dma_start3A_22] : memref<1280x64xf32, #tpu.memory_space<vmem>> -> memref<128x64xf32, #tpu.memory_space<vmem>>
    %dma_start3A_24 = arith.constant 0 : i32
    %dma_start3A_25 = tpu.memref_slice %arg10[%dma_start3A_20, %dma_start3A_24] : memref<80x128xi32, #tpu.memory_space<vmem>> -> memref<1x128xi32, #tpu.memory_space<vmem>>
    %dma_start3A_26 = tpu.memref_squeeze %dma_start3A_25 : memref<1x128xi32, #tpu.memory_space<vmem>> -> memref<128xi32, #tpu.memory_space<vmem>>
    %dma_start3A_27 = arith.constant 0 : i32
    %dma_start3A_28 = arith.constant 0 : i32
    %dma_start3A_29 = tpu.memref_slice %arg6[%dma_start3A_27, %dma_start3A_28] : memref<1000000x64xf32, #tpu.memory_space<hbm>> -> memref<1000000x64xf32, #tpu.memory_space<hbm>>
    tpu.enqueue_indirect_dma source(%dma_start3A_29 : memref<1000000x64xf32, #tpu.memory_space<hbm>>) target(%dma_start3A_23 : memref<128x64xf32, #tpu.memory_space<vmem>>) offsets(%dma_start3A_26 : memref<128xi32, #tpu.memory_space<vmem>>) semaphore(%arg15 : memref<!tpu.dma_semaphore, #tpu.memory_space<semaphore_mem>>)
    %dma_start3A_30 = arith.constant 1 : i32
    %dma_start3A_31 = arith.constant 128 : i32
    %dma_start3A_32 = arith.constant 0 : i32
    %dma_start3A_33 = tpu.memref_slice %arg13[%dma_start3A_31, %dma_start3A_32] : memref<1280x64xf32, #tpu.memory_space<vmem>> -> memref<128x64xf32, #tpu.memory_space<vmem>>
    %dma_start3A_34 = arith.constant 0 : i32
    %dma_start3A_35 = tpu.memref_slice %arg10[%dma_start3A_30, %dma_start3A_34] : memref<80x128xi32, #tpu.memory_space<vmem>> -> memref<1x128xi32, #tpu.memory_space<vmem>>
    %dma_start3A_36 = tpu.memref_squeeze %dma_start3A_35 : memref<1x128xi32, #tpu.memory_space<vmem>> -> memref<128xi32, #tpu.memory_space<vmem>>
    %dma_start3A_37 = arith.constant 0 : i32
    %dma_start3A_38 = arith.constant 0 : i32
    %dma_start3A_39 = tpu.memref_slice %arg6[%dma_start3A_37, %dma_start3A_38] : memref<1000000x64xf32, #tpu.memory_space<hbm>> -> memref<1000000x64xf32, #tpu.memory_space<hbm>>
    tpu.enqueue_indirect_dma source(%dma_start3A_39 : memref<1000000x64xf32, #tpu.memory_space<hbm>>) target(%dma_start3A_33 : memref<128x64xf32, #tpu.memory_space<vmem>>) offsets(%dma_start3A_36 : memref<128xi32, #tpu.memory_space<vmem>>) semaphore(%arg15 : memref<!tpu.dma_semaphore, #tpu.memory_space<semaphore_mem>>)
    %dma_start3A_40 = arith.constant 2 : i32
    %dma_start3A_41 = arith.constant 256 : i32
    %dma_start3A_42 = arith.constant 0 : i32
    %dma_start3A_43 = tpu.memref_slice %arg13[%dma_start3A_41, %dma_start3A_42] : memref<1280x64xf32, #tpu.memory_space<vmem>> -> memref<128x64xf32, #tpu.memory_space<vmem>>
    %dma_start3A_44 = arith.constant 0 : i32
    %dma_start3A_45 = tpu.memref_slice %arg10[%dma_start3A_40, %dma_start3A_44] : memref<80x128xi32, #tpu.memory_space<vmem>> -> memref<1x128xi32, #tpu.memory_space<vmem>>
    %dma_start3A_46 = tpu.memref_squeeze %dma_start3A_45 : memref<1x128xi32, #tpu.memory_space<vmem>> -> memref<128xi32, #tpu.memory_space<vmem>>
    %dma_start3A_47 = arith.constant 0 : i32
    %dma_start3A_48 = arith.constant 0 : i32
    %dma_start3A_49 = tpu.memref_slice %arg6[%dma_start3A_47, %dma_start3A_48] : memref<1000000x64xf32, #tpu.memory_space<hbm>> -> memref<1000000x64xf32, #tpu.memory_space<hbm>>
    tpu.enqueue_indirect_dma source(%dma_start3A_49 : memref<1000000x64xf32, #tpu.memory_space<hbm>>) target(%dma_start3A_43 : memref<128x64xf32, #tpu.memory_space<vmem>>) offsets(%dma_start3A_46 : memref<128xi32, #tpu.memory_space<vmem>>) semaphore(%arg15 : memref<!tpu.dma_semaphore, #tpu.memory_space<semaphore_mem>>)
    %dma_start3A_50 = arith.constant 3 : i32
    %dma_start3A_51 = arith.constant 384 : i32
    %dma_start3A_52 = arith.constant 0 : i32
    %dma_start3A_53 = tpu.memref_slice %arg13[%dma_start3A_51, %dma_start3A_52] : memref<1280x64xf32, #tpu.memory_space<vmem>> -> memref<128x64xf32, #tpu.memory_space<vmem>>
    %dma_start3A_54 = arith.constant 0 : i32
    %dma_start3A_55 = tpu.memref_slice %arg10[%dma_start3A_50, %dma_start3A_54] : memref<80x128xi32, #tpu.memory_space<vmem>> -> memref<1x128xi32, #tpu.memory_space<vmem>>
    %dma_start3A_56 = tpu.memref_squeeze %dma_start3A_55 : memref<1x128xi32, #tpu.memory_space<vmem>> -> memref<128xi32, #tpu.memory_space<vmem>>
    %dma_start3A_57 = arith.constant 0 : i32
    %dma_start3A_58 = arith.constant 0 : i32
    %dma_start3A_59 = tpu.memref_slice %arg6[%dma_start3A_57, %dma_start3A_58] : memref<1000000x64xf32, #tpu.memory_space<hbm>> -> memref<1000000x64xf32, #tpu.memory_space<hbm>>
    tpu.enqueue_indirect_dma source(%dma_start3A_59 : memref<1000000x64xf32, #tpu.memory_space<hbm>>) target(%dma_start3A_53 : memref<128x64xf32, #tpu.memory_space<vmem>>) offsets(%dma_start3A_56 : memref<128xi32, #tpu.memory_space<vmem>>) semaphore(%arg15 : memref<!tpu.dma_semaphore, #tpu.memory_space<semaphore_mem>>)
    %dma_start3A_60 = arith.constant 4 : i32
    %dma_start3A_61 = arith.constant 512 : i32
    %dma_start3A_62 = arith.constant 0 : i32
    %dma_start3A_63 = tpu.memref_slice %arg13[%dma_start3A_61, %dma_start3A_62] : memref<1280x64xf32, #tpu.memory_space<vmem>> -> memref<128x64xf32, #tpu.memory_space<vmem>>
    %dma_start3A_64 = arith.constant 0 : i32
    %dma_start3A_65 = tpu.memref_slice %arg10[%dma_start3A_60, %dma_start3A_64] : memref<80x128xi32, #tpu.memory_space<vmem>> -> memref<1x128xi32, #tpu.memory_space<vmem>>
    %dma_start3A_66 = tpu.memref_squeeze %dma_start3A_65 : memref<1x128xi32, #tpu.memory_space<vmem>> -> memref<128xi32, #tpu.memory_space<vmem>>
    %dma_start3A_67 = arith.constant 0 : i32
    %dma_start3A_68 = arith.constant 0 : i32
    %dma_start3A_69 = tpu.memref_slice %arg6[%dma_start3A_67, %dma_start3A_68] : memref<1000000x64xf32, #tpu.memory_space<hbm>> -> memref<1000000x64xf32, #tpu.memory_space<hbm>>
    tpu.enqueue_indirect_dma source(%dma_start3A_69 : memref<1000000x64xf32, #tpu.memory_space<hbm>>) target(%dma_start3A_63 : memref<128x64xf32, #tpu.memory_space<vmem>>) offsets(%dma_start3A_66 : memref<128xi32, #tpu.memory_space<vmem>>) semaphore(%arg15 : memref<!tpu.dma_semaphore, #tpu.memory_space<semaphore_mem>>)
    %dma_start3A_70 = arith.constant 32 : i32
    %dma_start3A_71 = arith.constant 0 : i32
    %dma_start3A_72 = tpu.memref_slice %arg11[%dma_start3A_70, %dma_start3A_71] : memref<64x64xf32, #tpu.memory_space<vmem>> -> memref<32x64xf32, #tpu.memory_space<vmem>>
    %dma_start3A_73 = arith.constant 32 : i32
    %dma_start3A_74 = tpu.memref_slice %arg8[%dma_start3A_73] : memref<512xi32, #tpu.memory_space<vmem>> -> memref<32xi32, #tpu.memory_space<vmem>>
    %dma_start3A_75 = arith.constant 0 : i32
    %dma_start3A_76 = arith.constant 0 : i32
    %dma_start3A_77 = tpu.memref_slice %arg5[%dma_start3A_75, %dma_start3A_76] : memref<1000000x64xf32, #tpu.memory_space<hbm>> -> memref<1000000x64xf32, #tpu.memory_space<hbm>>
    tpu.enqueue_indirect_dma source(%dma_start3A_77 : memref<1000000x64xf32, #tpu.memory_space<hbm>>) target(%dma_start3A_72 : memref<32x64xf32, #tpu.memory_space<vmem>>) offsets(%dma_start3A_74 : memref<32xi32, #tpu.memory_space<vmem>>) semaphore(%arg16 : memref<!tpu.dma_semaphore, #tpu.memory_space<semaphore_mem>>)
    %dma_start3A_78 = arith.constant 32 : i32
    %dma_start3A_79 = arith.constant 0 : i32
    %dma_start3A_80 = tpu.memref_slice %arg12[%dma_start3A_78, %dma_start3A_79] : memref<64x64xf32, #tpu.memory_space<vmem>> -> memref<32x64xf32, #tpu.memory_space<vmem>>
    %dma_start3A_81 = arith.constant 32 : i32
    %dma_start3A_82 = tpu.memref_slice %arg9[%dma_start3A_81] : memref<512xi32, #tpu.memory_space<vmem>> -> memref<32xi32, #tpu.memory_space<vmem>>
    %dma_start3A_83 = arith.constant 0 : i32
    %dma_start3A_84 = arith.constant 0 : i32
    %dma_start3A_85 = tpu.memref_slice %arg6[%dma_start3A_83, %dma_start3A_84] : memref<1000000x64xf32, #tpu.memory_space<hbm>> -> memref<1000000x64xf32, #tpu.memory_space<hbm>>
    tpu.enqueue_indirect_dma source(%dma_start3A_85 : memref<1000000x64xf32, #tpu.memory_space<hbm>>) target(%dma_start3A_80 : memref<32x64xf32, #tpu.memory_space<vmem>>) offsets(%dma_start3A_82 : memref<32xi32, #tpu.memory_space<vmem>>) semaphore(%arg16 : memref<!tpu.dma_semaphore, #tpu.memory_space<semaphore_mem>>)
    %dma_start3A_86 = arith.constant 5 : i32
    %dma_start3A_87 = arith.constant 640 : i32
    %dma_start3A_88 = arith.constant 0 : i32
    %dma_start3A_89 = tpu.memref_slice %arg13[%dma_start3A_87, %dma_start3A_88] : memref<1280x64xf32, #tpu.memory_space<vmem>> -> memref<128x64xf32, #tpu.memory_space<vmem>>
    %dma_start3A_90 = arith.constant 0 : i32
    %dma_start3A_91 = tpu.memref_slice %arg10[%dma_start3A_86, %dma_start3A_90] : memref<80x128xi32, #tpu.memory_space<vmem>> -> memref<1x128xi32, #tpu.memory_space<vmem>>
    %dma_start3A_92 = tpu.memref_squeeze %dma_start3A_91 : memref<1x128xi32, #tpu.memory_space<vmem>> -> memref<128xi32, #tpu.memory_space<vmem>>
    %dma_start3A_93 = arith.constant 0 : i32
    %dma_start3A_94 = arith.constant 0 : i32
    %dma_start3A_95 = tpu.memref_slice %arg6[%dma_start3A_93, %dma_start3A_94] : memref<1000000x64xf32, #tpu.memory_space<hbm>> -> memref<1000000x64xf32, #tpu.memory_space<hbm>>
    tpu.enqueue_indirect_dma source(%dma_start3A_95 : memref<1000000x64xf32, #tpu.memory_space<hbm>>) target(%dma_start3A_89 : memref<128x64xf32, #tpu.memory_space<vmem>>) offsets(%dma_start3A_92 : memref<128xi32, #tpu.memory_space<vmem>>) semaphore(%arg16 : memref<!tpu.dma_semaphore, #tpu.memory_space<semaphore_mem>>)
    %dma_start3A_96 = arith.constant 6 : i32
    %dma_start3A_97 = arith.constant 768 : i32
    %dma_start3A_98 = arith.constant 0 : i32
    %dma_start3A_99 = tpu.memref_slice %arg13[%dma_start3A_97, %dma_start3A_98] : memref<1280x64xf32, #tpu.memory_space<vmem>> -> memref<128x64xf32, #tpu.memory_space<vmem>>
    %dma_start3A_100 = arith.constant 0 : i32
    %dma_start3A_101 = tpu.memref_slice %arg10[%dma_start3A_96, %dma_start3A_100] : memref<80x128xi32, #tpu.memory_space<vmem>> -> memref<1x128xi32, #tpu.memory_space<vmem>>
    %dma_start3A_102 = tpu.memref_squeeze %dma_start3A_101 : memref<1x128xi32, #tpu.memory_space<vmem>> -> memref<128xi32, #tpu.memory_space<vmem>>
    %dma_start3A_103 = arith.constant 0 : i32
    %dma_start3A_104 = arith.constant 0 : i32
    %dma_start3A_105 = tpu.memref_slice %arg6[%dma_start3A_103, %dma_start3A_104] : memref<1000000x64xf32, #tpu.memory_space<hbm>> -> memref<1000000x64xf32, #tpu.memory_space<hbm>>
    tpu.enqueue_indirect_dma source(%dma_start3A_105 : memref<1000000x64xf32, #tpu.memory_space<hbm>>) target(%dma_start3A_99 : memref<128x64xf32, #tpu.memory_space<vmem>>) offsets(%dma_start3A_102 : memref<128xi32, #tpu.memory_space<vmem>>) semaphore(%arg16 : memref<!tpu.dma_semaphore, #tpu.memory_space<semaphore_mem>>)
    %dma_start3A_106 = arith.constant 7 : i32
    %dma_start3A_107 = arith.constant 896 : i32
    %dma_start3A_108 = arith.constant 0 : i32
    %dma_start3A_109 = tpu.memref_slice %arg13[%dma_start3A_107, %dma_start3A_108] : memref<1280x64xf32, #tpu.memory_space<vmem>> -> memref<128x64xf32, #tpu.memory_space<vmem>>
    %dma_start3A_110 = arith.constant 0 : i32
    %dma_start3A_111 = tpu.memref_slice %arg10[%dma_start3A_106, %dma_start3A_110] : memref<80x128xi32, #tpu.memory_space<vmem>> -> memref<1x128xi32, #tpu.memory_space<vmem>>
    %dma_start3A_112 = tpu.memref_squeeze %dma_start3A_111 : memref<1x128xi32, #tpu.memory_space<vmem>> -> memref<128xi32, #tpu.memory_space<vmem>>
    %dma_start3A_113 = arith.constant 0 : i32
    %dma_start3A_114 = arith.constant 0 : i32
    %dma_start3A_115 = tpu.memref_slice %arg6[%dma_start3A_113, %dma_start3A_114] : memref<1000000x64xf32, #tpu.memory_space<hbm>> -> memref<1000000x64xf32, #tpu.memory_space<hbm>>
    tpu.enqueue_indirect_dma source(%dma_start3A_115 : memref<1000000x64xf32, #tpu.memory_space<hbm>>) target(%dma_start3A_109 : memref<128x64xf32, #tpu.memory_space<vmem>>) offsets(%dma_start3A_112 : memref<128xi32, #tpu.memory_space<vmem>>) semaphore(%arg16 : memref<!tpu.dma_semaphore, #tpu.memory_space<semaphore_mem>>)
    %dma_start3A_116 = arith.constant 8 : i32
    %dma_start3A_117 = arith.constant 1024 : i32
    %dma_start3A_118 = arith.constant 0 : i32
    %dma_start3A_119 = tpu.memref_slice %arg13[%dma_start3A_117, %dma_start3A_118] : memref<1280x64xf32, #tpu.memory_space<vmem>> -> memref<128x64xf32, #tpu.memory_space<vmem>>
    %dma_start3A_120 = arith.constant 0 : i32
    %dma_start3A_121 = tpu.memref_slice %arg10[%dma_start3A_116, %dma_start3A_120] : memref<80x128xi32, #tpu.memory_space<vmem>> -> memref<1x128xi32, #tpu.memory_space<vmem>>
    %dma_start3A_122 = tpu.memref_squeeze %dma_start3A_121 : memref<1x128xi32, #tpu.memory_space<vmem>> -> memref<128xi32, #tpu.memory_space<vmem>>
    %dma_start3A_123 = arith.constant 0 : i32
    %dma_start3A_124 = arith.constant 0 : i32
    %dma_start3A_125 = tpu.memref_slice %arg6[%dma_start3A_123, %dma_start3A_124] : memref<1000000x64xf32, #tpu.memory_space<hbm>> -> memref<1000000x64xf32, #tpu.memory_space<hbm>>
    tpu.enqueue_indirect_dma source(%dma_start3A_125 : memref<1000000x64xf32, #tpu.memory_space<hbm>>) target(%dma_start3A_119 : memref<128x64xf32, #tpu.memory_space<vmem>>) offsets(%dma_start3A_122 : memref<128xi32, #tpu.memory_space<vmem>>) semaphore(%arg16 : memref<!tpu.dma_semaphore, #tpu.memory_space<semaphore_mem>>)
    %dma_start3A_126 = arith.constant 9 : i32
    %dma_start3A_127 = arith.constant 1152 : i32
    %dma_start3A_128 = arith.constant 0 : i32
    %dma_start3A_129 = tpu.memref_slice %arg13[%dma_start3A_127, %dma_start3A_128] : memref<1280x64xf32, #tpu.memory_space<vmem>> -> memref<128x64xf32, #tpu.memory_space<vmem>>
    %dma_start3A_130 = arith.constant 0 : i32
    %dma_start3A_131 = tpu.memref_slice %arg10[%dma_start3A_126, %dma_start3A_130] : memref<80x128xi32, #tpu.memory_space<vmem>> -> memref<1x128xi32, #tpu.memory_space<vmem>>
    %dma_start3A_132 = tpu.memref_squeeze %dma_start3A_131 : memref<1x128xi32, #tpu.memory_space<vmem>> -> memref<128xi32, #tpu.memory_space<vmem>>
    %dma_start3A_133 = arith.constant 0 : i32
    %dma_start3A_134 = arith.constant 0 : i32
    %dma_start3A_135 = tpu.memref_slice %arg6[%dma_start3A_133, %dma_start3A_134] : memref<1000000x64xf32, #tpu.memory_space<hbm>> -> memref<1000000x64xf32, #tpu.memory_space<hbm>>
    tpu.enqueue_indirect_dma source(%dma_start3A_135 : memref<1000000x64xf32, #tpu.memory_space<hbm>>) target(%dma_start3A_129 : memref<128x64xf32, #tpu.memory_space<vmem>>) offsets(%dma_start3A_132 : memref<128xi32, #tpu.memory_space<vmem>>) semaphore(%arg16 : memref<!tpu.dma_semaphore, #tpu.memory_space<semaphore_mem>>)
    %scan3A = arith.constant 0 : i32
    %scan3A_136 = arith.constant 0 : i32
    %scan3A_137 = arith.constant 7 : i32
    %scan3A_138 = arith.addi %scan3A_136, %scan3A_137 : i32
    %scan3A_139 = arith.constant 1 : i32
    scf.for %scan3A_324 = %scan3A_136 to %scan3A_138 step %scan3A_139  : i32 {
      %mul3A_325 = arith.constant 2 : i32
      %mul3A_326 = arith.muli %scan3A_324, %mul3A_325 : i32
      %dma_wait3A_327 = arith.constant 0 : i32
      %dma_wait3A_328 = arith.constant 0 : i32
      %dma_wait3A_329 = tpu.memref_slice %arg11[%dma_wait3A_327, %dma_wait3A_328] : memref<64x64xf32, #tpu.memory_space<vmem>> -> memref<32x64xf32, #tpu.memory_space<vmem>>
      %dma_wait3A_330 = arith.constant 0 : i32
      %dma_wait3A_331 = arith.constant 0 : i32
      %dma_wait3A_332 = tpu.memref_slice %arg5[%dma_wait3A_330, %dma_wait3A_331] : memref<1000000x64xf32, #tpu.memory_space<hbm>> -> memref<32x64xf32, #tpu.memory_space<hbm>>
      %dma_wait3A_333 = arith.constant 0 : i32
      %dma_wait3A_334 = arith.constant 0 : i32
      %dma_wait3A_335 = tpu.memref_slice %arg11[%dma_wait3A_333, %dma_wait3A_334] : memref<64x64xf32, #tpu.memory_space<vmem>> -> memref<32x64xf32, #tpu.memory_space<vmem>>
      %dma_wait3A_336 = arith.constant 0 : i32
      %dma_wait3A_337 = arith.constant 0 : i32
      %dma_wait3A_338 = tpu.memref_slice %arg5[%dma_wait3A_336, %dma_wait3A_337] : memref<1000000x64xf32, #tpu.memory_space<hbm>> -> memref<32x64xf32, #tpu.memory_space<hbm>>
      tpu.wait_dma2 semaphore(%arg15 : memref<!tpu.dma_semaphore, #tpu.memory_space<semaphore_mem>>) src(%dma_wait3A_338 : memref<32x64xf32, #tpu.memory_space<hbm>>) dst(%dma_wait3A_335 : memref<32x64xf32, #tpu.memory_space<vmem>>)
      %dma_wait3A_339 = arith.constant 0 : i32
      %dma_wait3A_340 = arith.constant 0 : i32
      %dma_wait3A_341 = tpu.memref_slice %arg12[%dma_wait3A_339, %dma_wait3A_340] : memref<64x64xf32, #tpu.memory_space<vmem>> -> memref<32x64xf32, #tpu.memory_space<vmem>>
      %dma_wait3A_342 = arith.constant 0 : i32
      %dma_wait3A_343 = arith.constant 0 : i32
      %dma_wait3A_344 = tpu.memref_slice %arg6[%dma_wait3A_342, %dma_wait3A_343] : memref<1000000x64xf32, #tpu.memory_space<hbm>> -> memref<32x64xf32, #tpu.memory_space<hbm>>
      %dma_wait3A_345 = arith.constant 0 : i32
      %dma_wait3A_346 = arith.constant 0 : i32
      %dma_wait3A_347 = tpu.memref_slice %arg12[%dma_wait3A_345, %dma_wait3A_346] : memref<64x64xf32, #tpu.memory_space<vmem>> -> memref<32x64xf32, #tpu.memory_space<vmem>>
      %dma_wait3A_348 = arith.constant 0 : i32
      %dma_wait3A_349 = arith.constant 0 : i32
      %dma_wait3A_350 = tpu.memref_slice %arg6[%dma_wait3A_348, %dma_wait3A_349] : memref<1000000x64xf32, #tpu.memory_space<hbm>> -> memref<32x64xf32, #tpu.memory_space<hbm>>
      tpu.wait_dma2 semaphore(%arg15 : memref<!tpu.dma_semaphore, #tpu.memory_space<semaphore_mem>>) src(%dma_wait3A_350 : memref<32x64xf32, #tpu.memory_space<hbm>>) dst(%dma_wait3A_347 : memref<32x64xf32, #tpu.memory_space<vmem>>)
      %dma_wait3A_351 = arith.constant 0 : i32
      %dma_wait3A_352 = arith.constant 0 : i32
      %dma_wait3A_353 = tpu.memref_slice %arg13[%dma_wait3A_351, %dma_wait3A_352] : memref<1280x64xf32, #tpu.memory_space<vmem>> -> memref<128x64xf32, #tpu.memory_space<vmem>>
      %dma_wait3A_354 = arith.constant 0 : i32
      %dma_wait3A_355 = arith.constant 0 : i32
      %dma_wait3A_356 = tpu.memref_slice %arg6[%dma_wait3A_354, %dma_wait3A_355] : memref<1000000x64xf32, #tpu.memory_space<hbm>> -> memref<128x64xf32, #tpu.memory_space<hbm>>
      %dma_wait3A_357 = arith.constant 0 : i32
      %dma_wait3A_358 = arith.constant 0 : i32
      %dma_wait3A_359 = tpu.memref_slice %arg13[%dma_wait3A_357, %dma_wait3A_358] : memref<1280x64xf32, #tpu.memory_space<vmem>> -> memref<128x64xf32, #tpu.memory_space<vmem>>
      %dma_wait3A_360 = arith.constant 0 : i32
      %dma_wait3A_361 = arith.constant 0 : i32
      %dma_wait3A_362 = tpu.memref_slice %arg6[%dma_wait3A_360, %dma_wait3A_361] : memref<1000000x64xf32, #tpu.memory_space<hbm>> -> memref<128x64xf32, #tpu.memory_space<hbm>>
      tpu.wait_dma2 semaphore(%arg15 : memref<!tpu.dma_semaphore, #tpu.memory_space<semaphore_mem>>) src(%dma_wait3A_362 : memref<128x64xf32, #tpu.memory_space<hbm>>) dst(%dma_wait3A_359 : memref<128x64xf32, #tpu.memory_space<vmem>>)
      %dma_wait3A_363 = arith.constant 128 : i32
      %dma_wait3A_364 = arith.constant 0 : i32
      %dma_wait3A_365 = tpu.memref_slice %arg13[%dma_wait3A_363, %dma_wait3A_364] : memref<1280x64xf32, #tpu.memory_space<vmem>> -> memref<128x64xf32, #tpu.memory_space<vmem>>
      %dma_wait3A_366 = arith.constant 0 : i32
      %dma_wait3A_367 = arith.constant 0 : i32
      %dma_wait3A_368 = tpu.memref_slice %arg6[%dma_wait3A_366, %dma_wait3A_367] : memref<1000000x64xf32, #tpu.memory_space<hbm>> -> memref<128x64xf32, #tpu.memory_space<hbm>>
      %dma_wait3A_369 = arith.constant 128 : i32
      %dma_wait3A_370 = arith.constant 0 : i32
      %dma_wait3A_371 = tpu.memref_slice %arg13[%dma_wait3A_369, %dma_wait3A_370] : memref<1280x64xf32, #tpu.memory_space<vmem>> -> memref<128x64xf32, #tpu.memory_space<vmem>>
      %dma_wait3A_372 = arith.constant 0 : i32
      %dma_wait3A_373 = arith.constant 0 : i32
      %dma_wait3A_374 = tpu.memref_slice %arg6[%dma_wait3A_372, %dma_wait3A_373] : memref<1000000x64xf32, #tpu.memory_space<hbm>> -> memref<128x64xf32, #tpu.memory_space<hbm>>
      tpu.wait_dma2 semaphore(%arg15 : memref<!tpu.dma_semaphore, #tpu.memory_space<semaphore_mem>>) src(%dma_wait3A_374 : memref<128x64xf32, #tpu.memory_space<hbm>>) dst(%dma_wait3A_371 : memref<128x64xf32, #tpu.memory_space<vmem>>)
      %dma_wait3A_375 = arith.constant 256 : i32
      %dma_wait3A_376 = arith.constant 0 : i32
      %dma_wait3A_377 = tpu.memref_slice %arg13[%dma_wait3A_375, %dma_wait3A_376] : memref<1280x64xf32, #tpu.memory_space<vmem>> -> memref<128x64xf32, #tpu.memory_space<vmem>>
      %dma_wait3A_378 = arith.constant 0 : i32
      %dma_wait3A_379 = arith.constant 0 : i32
      %dma_wait3A_380 = tpu.memref_slice %arg6[%dma_wait3A_378, %dma_wait3A_379] : memref<1000000x64xf32, #tpu.memory_space<hbm>> -> memref<128x64xf32, #tpu.memory_space<hbm>>
      %dma_wait3A_381 = arith.constant 256 : i32
      %dma_wait3A_382 = arith.constant 0 : i32
      %dma_wait3A_383 = tpu.memref_slice %arg13[%dma_wait3A_381, %dma_wait3A_382] : memref<1280x64xf32, #tpu.memory_space<vmem>> -> memref<128x64xf32, #tpu.memory_space<vmem>>
      %dma_wait3A_384 = arith.constant 0 : i32
      %dma_wait3A_385 = arith.constant 0 : i32
      %dma_wait3A_386 = tpu.memref_slice %arg6[%dma_wait3A_384, %dma_wait3A_385] : memref<1000000x64xf32, #tpu.memory_space<hbm>> -> memref<128x64xf32, #tpu.memory_space<hbm>>
      tpu.wait_dma2 semaphore(%arg15 : memref<!tpu.dma_semaphore, #tpu.memory_space<semaphore_mem>>) src(%dma_wait3A_386 : memref<128x64xf32, #tpu.memory_space<hbm>>) dst(%dma_wait3A_383 : memref<128x64xf32, #tpu.memory_space<vmem>>)
      %dma_wait3A_387 = arith.constant 384 : i32
      %dma_wait3A_388 = arith.constant 0 : i32
      %dma_wait3A_389 = tpu.memref_slice %arg13[%dma_wait3A_387, %dma_wait3A_388] : memref<1280x64xf32, #tpu.memory_space<vmem>> -> memref<128x64xf32, #tpu.memory_space<vmem>>
      %dma_wait3A_390 = arith.constant 0 : i32
      %dma_wait3A_391 = arith.constant 0 : i32
      %dma_wait3A_392 = tpu.memref_slice %arg6[%dma_wait3A_390, %dma_wait3A_391] : memref<1000000x64xf32, #tpu.memory_space<hbm>> -> memref<128x64xf32, #tpu.memory_space<hbm>>
      %dma_wait3A_393 = arith.constant 384 : i32
      %dma_wait3A_394 = arith.constant 0 : i32
      %dma_wait3A_395 = tpu.memref_slice %arg13[%dma_wait3A_393, %dma_wait3A_394] : memref<1280x64xf32, #tpu.memory_space<vmem>> -> memref<128x64xf32, #tpu.memory_space<vmem>>
      %dma_wait3A_396 = arith.constant 0 : i32
      %dma_wait3A_397 = arith.constant 0 : i32
      %dma_wait3A_398 = tpu.memref_slice %arg6[%dma_wait3A_396, %dma_wait3A_397] : memref<1000000x64xf32, #tpu.memory_space<hbm>> -> memref<128x64xf32, #tpu.memory_space<hbm>>
      tpu.wait_dma2 semaphore(%arg15 : memref<!tpu.dma_semaphore, #tpu.memory_space<semaphore_mem>>) src(%dma_wait3A_398 : memref<128x64xf32, #tpu.memory_space<hbm>>) dst(%dma_wait3A_395 : memref<128x64xf32, #tpu.memory_space<vmem>>)
      %dma_wait3A_399 = arith.constant 512 : i32
      %dma_wait3A_400 = arith.constant 0 : i32
      %dma_wait3A_401 = tpu.memref_slice %arg13[%dma_wait3A_399, %dma_wait3A_400] : memref<1280x64xf32, #tpu.memory_space<vmem>> -> memref<128x64xf32, #tpu.memory_space<vmem>>
      %dma_wait3A_402 = arith.constant 0 : i32
      %dma_wait3A_403 = arith.constant 0 : i32
      %dma_wait3A_404 = tpu.memref_slice %arg6[%dma_wait3A_402, %dma_wait3A_403] : memref<1000000x64xf32, #tpu.memory_space<hbm>> -> memref<128x64xf32, #tpu.memory_space<hbm>>
      %dma_wait3A_405 = arith.constant 512 : i32
      %dma_wait3A_406 = arith.constant 0 : i32
      %dma_wait3A_407 = tpu.memref_slice %arg13[%dma_wait3A_405, %dma_wait3A_406] : memref<1280x64xf32, #tpu.memory_space<vmem>> -> memref<128x64xf32, #tpu.memory_space<vmem>>
      %dma_wait3A_408 = arith.constant 0 : i32
      %dma_wait3A_409 = arith.constant 0 : i32
      %dma_wait3A_410 = tpu.memref_slice %arg6[%dma_wait3A_408, %dma_wait3A_409] : memref<1000000x64xf32, #tpu.memory_space<hbm>> -> memref<128x64xf32, #tpu.memory_space<hbm>>
      tpu.wait_dma2 semaphore(%arg15 : memref<!tpu.dma_semaphore, #tpu.memory_space<semaphore_mem>>) src(%dma_wait3A_410 : memref<128x64xf32, #tpu.memory_space<hbm>>) dst(%dma_wait3A_407 : memref<128x64xf32, #tpu.memory_space<vmem>>)
      %add3A_411 = arith.constant 0 : i32
      %add3A_412 = arith.addi %mul3A_326, %add3A_411 : i32
      %scan3A_413 = arith.constant 0 : i32
      %scan3A_414 = arith.constant 0 : i32
      %scan3A_415 = arith.constant 32 : i32
      %scan3A_416 = arith.addi %scan3A_414, %scan3A_415 : i32
      %scan3A_417 = arith.constant 1 : i32
      scf.for %scan3A_691 = %scan3A_414 to %scan3A_416 step %scan3A_417  : i32 {
        %add3A_692 = arith.constant 0 : i32
        %add3A_693 = arith.addi %add3A_692, %scan3A_691 : i32
        %get3A = arith.index_cast %add3A_693 : i32 to index
        %get3A_694 = arith.constant 0 : index
        %get3A_695 = tpu.vector_load %arg11[%get3A, %get3A_694] {strides = array<i32>} : memref<64x64xf32, #tpu.memory_space<vmem>>, vector<16xf32>,
        %get3A_696 = arith.index_cast %add3A_693 : i32 to index
        %get3A_697 = arith.constant 16 : index
        %get3A_698 = tpu.vector_load %arg11[%get3A_696, %get3A_697] {strides = array<i32>} : memref<64x64xf32, #tpu.memory_space<vmem>>, vector<16xf32>,
        %get3A_699 = arith.index_cast %add3A_693 : i32 to index
        %get3A_700 = arith.constant 32 : index
        %get3A_701 = tpu.vector_load %arg11[%get3A_699, %get3A_700] {strides = array<i32>} : memref<64x64xf32, #tpu.memory_space<vmem>>, vector<16xf32>,
        %get3A_702 = arith.index_cast %add3A_693 : i32 to index
        %get3A_703 = arith.constant 48 : index
        %get3A_704 = tpu.vector_load %arg11[%get3A_702, %get3A_703] {strides = array<i32>} : memref<64x64xf32, #tpu.memory_space<vmem>>, vector<16xf32>,
        %get3A_705 = arith.index_cast %add3A_693 : i32 to index
        %get3A_706 = arith.constant 0 : index
        %get3A_707 = tpu.vector_load %arg12[%get3A_705, %get3A_706] {strides = array<i32>} : memref<64x64xf32, #tpu.memory_space<vmem>>, vector<16xf32>,
        %mul3A_708 = arith.mulf %get3A_695, %get3A_707 : vector<16xf32>
        %get3A_709 = arith.index_cast %add3A_693 : i32 to index
        %get3A_710 = arith.constant 16 : index
        %get3A_711 = tpu.vector_load %arg12[%get3A_709, %get3A_710] {strides = array<i32>} : memref<64x64xf32, #tpu.memory_space<vmem>>, vector<16xf32>,
        %mul3A_712 = arith.mulf %get3A_698, %get3A_711 : vector<16xf32>
        %add3A_713 = arith.addf %mul3A_708, %mul3A_712 : vector<16xf32>
        %get3A_714 = arith.index_cast %add3A_693 : i32 to index
        %get3A_715 = arith.constant 32 : index
        %get3A_716 = tpu.vector_load %arg12[%get3A_714, %get3A_715] {strides = array<i32>} : memref<64x64xf32, #tpu.memory_space<vmem>>, vector<16xf32>,
        %mul3A_717 = arith.mulf %get3A_701, %get3A_716 : vector<16xf32>
        %add3A_718 = arith.addf %add3A_713, %mul3A_717 : vector<16xf32>
        %get3A_719 = arith.index_cast %add3A_693 : i32 to index
        %get3A_720 = arith.constant 48 : index
        %get3A_721 = tpu.vector_load %arg12[%get3A_719, %get3A_720] {strides = array<i32>} : memref<64x64xf32, #tpu.memory_space<vmem>>, vector<16xf32>,
        %mul3A_722 = arith.mulf %get3A_704, %get3A_721 : vector<16xf32>
        %add3A_723 = arith.addf %add3A_718, %mul3A_722 : vector<16xf32>
        %eq3A = arith.constant 0 : i32
        %eq3A_724 = vector.broadcast %eq3A : i32 to vector<16xi32>
        %eq3A_725 = arith.cmpi eq, %iota3A, %eq3A_724 : vector<16xi32>
        %reduce_sum3A = arith.constant true
        %reduce_sum3A_726 = vector.broadcast %reduce_sum3A : i1 to vector<16xi1>
        %reduce_sum3A_727 = tpu.scan <sum>, %add3A_723 masked %reduce_sum3A_726 : vector<16xf32>, vector<16xi1> -> vector<16xf32>
        %reduce_sum3A_728 = vector.extract %reduce_sum3A_727[15] : f32 from vector<16xf32>
        %jit3A = arith.constant 0.000000e+00 : f32
        %broadcast_in_dim3A = vector.broadcast %reduce_sum3A_728 : f32 to vector<16xf32>
        %broadcast_in_dim3A_729 = vector.broadcast %jit3A : f32 to vector<16xf32>
        %select_n3A = arith.select %eq3A_725, %broadcast_in_dim3A, %broadcast_in_dim3A_729 : vector<16xi1>, vector<16xf32>
        %broadcast_in_dim3A_730 = arith.constant 0.000000e+00 : f32
        %broadcast_in_dim3A_731 = vector.broadcast %broadcast_in_dim3A_730 : f32 to vector<16xf32>
        %mul3A_732 = arith.constant 20 : i32
        %mul3A_733 = arith.muli %scan3A_691, %mul3A_732 : i32
        %add3A_734 = arith.constant 0 : i32
        %add3A_735 = arith.addi %add3A_734, %mul3A_733 : i32
        %add3A_736 = arith.constant 0 : i32
        %add3A_737 = arith.addi %add3A_735, %add3A_736 : i32
        %get3A_738 = arith.index_cast %add3A_737 : i32 to index
        %get3A_739 = arith.constant 0 : index
        %get3A_740 = tpu.vector_load %arg13[%get3A_738, %get3A_739] {strides = array<i32>} : memref<1280x64xf32, #tpu.memory_space<vmem>>, vector<16xf32>,
        %mul3A_741 = arith.mulf %get3A_695, %get3A_740 : vector<16xf32>
        %add3A_742 = arith.constant 0 : i32
        %add3A_743 = arith.addi %add3A_735, %add3A_742 : i32
        %get3A_744 = arith.index_cast %add3A_743 : i32 to index
        %get3A_745 = arith.constant 16 : index
        %get3A_746 = tpu.vector_load %arg13[%get3A_744, %get3A_745] {strides = array<i32>} : memref<1280x64xf32, #tpu.memory_space<vmem>>, vector<16xf32>,
        %mul3A_747 = arith.mulf %get3A_698, %get3A_746 : vector<16xf32>
        %add3A_748 = arith.addf %mul3A_741, %mul3A_747 : vector<16xf32>
        %add3A_749 = arith.constant 0 : i32
        %add3A_750 = arith.addi %add3A_735, %add3A_749 : i32
        %get3A_751 = arith.index_cast %add3A_750 : i32 to index
        %get3A_752 = arith.constant 32 : index
        %get3A_753 = tpu.vector_load %arg13[%get3A_751, %get3A_752] {strides = array<i32>} : memref<1280x64xf32, #tpu.memory_space<vmem>>, vector<16xf32>,
        %mul3A_754 = arith.mulf %get3A_701, %get3A_753 : vector<16xf32>
        %add3A_755 = arith.addf %add3A_748, %mul3A_754 : vector<16xf32>
        %add3A_756 = arith.constant 0 : i32
        %add3A_757 = arith.addi %add3A_735, %add3A_756 : i32
        %get3A_758 = arith.index_cast %add3A_757 : i32 to index
        %get3A_759 = arith.constant 48 : index
        %get3A_760 = tpu.vector_load %arg13[%get3A_758, %get3A_759] {strides = array<i32>} : memref<1280x64xf32, #tpu.memory_space<vmem>>, vector<16xf32>,
        %mul3A_761 = arith.mulf %get3A_704, %get3A_760 : vector<16xf32>
        %add3A_762 = arith.addf %add3A_755, %mul3A_761 : vector<16xf32>
        %reduce_sum3A_763 = arith.constant true
        %reduce_sum3A_764 = vector.broadcast %reduce_sum3A_763 : i1 to vector<16xi1>
        %reduce_sum3A_765 = tpu.scan <sum>, %add3A_762 masked %reduce_sum3A_764 : vector<16xf32>, vector<16xi1> -> vector<16xf32>
        %reduce_sum3A_766 = vector.extract %reduce_sum3A_765[15] : f32 from vector<16xf32>
        %eq3A_767 = arith.constant 1 : i32
        %eq3A_768 = vector.broadcast %eq3A_767 : i32 to vector<16xi32>
        %eq3A_769 = arith.cmpi eq, %iota3A, %eq3A_768 : vector<16xi32>
        %broadcast_in_dim3A_770 = vector.broadcast %reduce_sum3A_766 : f32 to vector<16xf32>
        %select_n3A_771 = arith.select %eq3A_769, %broadcast_in_dim3A_770, %select_n3A : vector<16xi1>, vector<16xf32>
        %add3A_772 = arith.constant 1 : i32
        %add3A_773 = arith.addi %add3A_735, %add3A_772 : i32
        %get3A_774 = arith.index_cast %add3A_773 : i32 to index
        %get3A_775 = arith.constant 0 : index
        %get3A_776 = tpu.vector_load %arg13[%get3A_774, %get3A_775] {strides = array<i32>} : memref<1280x64xf32, #tpu.memory_space<vmem>>, vector<16xf32>,
        %mul3A_777 = arith.mulf %get3A_695, %get3A_776 : vector<16xf32>
        %add3A_778 = arith.constant 1 : i32
        %add3A_779 = arith.addi %add3A_735, %add3A_778 : i32
        %get3A_780 = arith.index_cast %add3A_779 : i32 to index
        %get3A_781 = arith.constant 16 : index
        %get3A_782 = tpu.vector_load %arg13[%get3A_780, %get3A_781] {strides = array<i32>} : memref<1280x64xf32, #tpu.memory_space<vmem>>, vector<16xf32>,
        %mul3A_783 = arith.mulf %get3A_698, %get3A_782 : vector<16xf32>
        %add3A_784 = arith.addf %mul3A_777, %mul3A_783 : vector<16xf32>
        %add3A_785 = arith.constant 1 : i32
        %add3A_786 = arith.addi %add3A_735, %add3A_785 : i32
        %get3A_787 = arith.index_cast %add3A_786 : i32 to index
        %get3A_788 = arith.constant 32 : index
        %get3A_789 = tpu.vector_load %arg13[%get3A_787, %get3A_788] {strides = array<i32>} : memref<1280x64xf32, #tpu.memory_space<vmem>>, vector<16xf32>,
        %mul3A_790 = arith.mulf %get3A_701, %get3A_789 : vector<16xf32>
        %add3A_791 = arith.addf %add3A_784, %mul3A_790 : vector<16xf32>
        %add3A_792 = arith.constant 1 : i32
        %add3A_793 = arith.addi %add3A_735, %add3A_792 : i32
        %get3A_794 = arith.index_cast %add3A_793 : i32 to index
        %get3A_795 = arith.constant 48 : index
        %get3A_796 = tpu.vector_load %arg13[%get3A_794, %get3A_795] {strides = array<i32>} : memref<1280x64xf32, #tpu.memory_space<vmem>>, vector<16xf32>,
        %mul3A_797 = arith.mulf %get3A_704, %get3A_796 : vector<16xf32>
        %add3A_798 = arith.addf %add3A_791, %mul3A_797 : vector<16xf32>
        %reduce_sum3A_799 = arith.constant true
        %reduce_sum3A_800 = vector.broadcast %reduce_sum3A_799 : i1 to vector<16xi1>
        %reduce_sum3A_801 = tpu.scan <sum>, %add3A_798 masked %reduce_sum3A_800 : vector<16xf32>, vector<16xi1> -> vector<16xf32>
        %reduce_sum3A_802 = vector.extract %reduce_sum3A_801[15] : f32 from vector<16xf32>
        %eq3A_803 = arith.constant 2 : i32
        %eq3A_804 = vector.broadcast %eq3A_803 : i32 to vector<16xi32>
        %eq3A_805 = arith.cmpi eq, %iota3A, %eq3A_804 : vector<16xi32>
        %broadcast_in_dim3A_806 = vector.broadcast %reduce_sum3A_802 : f32 to vector<16xf32>
        %select_n3A_807 = arith.select %eq3A_805, %broadcast_in_dim3A_806, %select_n3A_771 : vector<16xi1>, vector<16xf32>
        %add3A_808 = arith.constant 2 : i32
        %add3A_809 = arith.addi %add3A_735, %add3A_808 : i32
        %get3A_810 = arith.index_cast %add3A_809 : i32 to index
        %get3A_811 = arith.constant 0 : index
        %get3A_812 = tpu.vector_load %arg13[%get3A_810, %get3A_811] {strides = array<i32>} : memref<1280x64xf32, #tpu.memory_space<vmem>>, vector<16xf32>,
        %mul3A_813 = arith.mulf %get3A_695, %get3A_812 : vector<16xf32>
        %add3A_814 = arith.constant 2 : i32
        %add3A_815 = arith.addi %add3A_735, %add3A_814 : i32
        %get3A_816 = arith.index_cast %add3A_815 : i32 to index
        %get3A_817 = arith.constant 16 : index
        %get3A_818 = tpu.vector_load %arg13[%get3A_816, %get3A_817] {strides = array<i32>} : memref<1280x64xf32, #tpu.memory_space<vmem>>, vector<16xf32>,
        %mul3A_819 = arith.mulf %get3A_698, %get3A_818 : vector<16xf32>
        %add3A_820 = arith.addf %mul3A_813, %mul3A_819 : vector<16xf32>
        %add3A_821 = arith.constant 2 : i32
        %add3A_822 = arith.addi %add3A_735, %add3A_821 : i32
        %get3A_823 = arith.index_cast %add3A_822 : i32 to index
        %get3A_824 = arith.constant 32 : index
        %get3A_825 = tpu.vector_load %arg13[%get3A_823, %get3A_824] {strides = array<i32>} : memref<1280x64xf32, #tpu.memory_space<vmem>>, vector<16xf32>,
        %mul3A_826 = arith.mulf %get3A_701, %get3A_825 : vector<16xf32>
        %add3A_827 = arith.addf %add3A_820, %mul3A_826 : vector<16xf32>
        %add3A_828 = arith.constant 2 : i32
        %add3A_829 = arith.addi %add3A_735, %add3A_828 : i32
        %get3A_830 = arith.index_cast %add3A_829 : i32 to index
        %get3A_831 = arith.constant 48 : index
        %get3A_832 = tpu.vector_load %arg13[%get3A_830, %get3A_831] {strides = array<i32>} : memref<1280x64xf32, #tpu.memory_space<vmem>>, vector<16xf32>,
        %mul3A_833 = arith.mulf %get3A_704, %get3A_832 : vector<16xf32>
        %add3A_834 = arith.addf %add3A_827, %mul3A_833 : vector<16xf32>
        %reduce_sum3A_835 = arith.constant true
        %reduce_sum3A_836 = vector.broadcast %reduce_sum3A_835 : i1 to vector<16xi1>
        %reduce_sum3A_837 = tpu.scan <sum>, %add3A_834 masked %reduce_sum3A_836 : vector<16xf32>, vector<16xi1> -> vector<16xf32>
        %reduce_sum3A_838 = vector.extract %reduce_sum3A_837[15] : f32 from vector<16xf32>
        %eq3A_839 = arith.constant 3 : i32
        %eq3A_840 = vector.broadcast %eq3A_839 : i32 to vector<16xi32>
        %eq3A_841 = arith.cmpi eq, %iota3A, %eq3A_840 : vector<16xi32>
        %broadcast_in_dim3A_842 = vector.broadcast %reduce_sum3A_838 : f32 to vector<16xf32>
        %select_n3A_843 = arith.select %eq3A_841, %broadcast_in_dim3A_842, %select_n3A_807 : vector<16xi1>, vector<16xf32>
        %add3A_844 = arith.constant 3 : i32
        %add3A_845 = arith.addi %add3A_735, %add3A_844 : i32
        %get3A_846 = arith.index_cast %add3A_845 : i32 to index
        %get3A_847 = arith.constant 0 : index
        %get3A_848 = tpu.vector_load %arg13[%get3A_846, %get3A_847] {strides = array<i32>} : memref<1280x64xf32, #tpu.memory_space<vmem>>, vector<16xf32>,
        %mul3A_849 = arith.mulf %get3A_695, %get3A_848 : vector<16xf32>
        %add3A_850 = arith.constant 3 : i32
        %add3A_851 = arith.addi %add3A_735, %add3A_850 : i32
        %get3A_852 = arith.index_cast %add3A_851 : i32 to index
        %get3A_853 = arith.constant 16 : index
        %get3A_854 = tpu.vector_load %arg13[%get3A_852, %get3A_853] {strides = array<i32>} : memref<1280x64xf32, #tpu.memory_space<vmem>>, vector<16xf32>,
        %mul3A_855 = arith.mulf %get3A_698, %get3A_854 : vector<16xf32>
        %add3A_856 = arith.addf %mul3A_849, %mul3A_855 : vector<16xf32>
        %add3A_857 = arith.constant 3 : i32
        %add3A_858 = arith.addi %add3A_735, %add3A_857 : i32
        %get3A_859 = arith.index_cast %add3A_858 : i32 to index
        %get3A_860 = arith.constant 32 : index
        %get3A_861 = tpu.vector_load %arg13[%get3A_859, %get3A_860] {strides = array<i32>} : memref<1280x64xf32, #tpu.memory_space<vmem>>, vector<16xf32>,
        %mul3A_862 = arith.mulf %get3A_701, %get3A_861 : vector<16xf32>
        %add3A_863 = arith.addf %add3A_856, %mul3A_862 : vector<16xf32>
        %add3A_864 = arith.constant 3 : i32
        %add3A_865 = arith.addi %add3A_735, %add3A_864 : i32
        %get3A_866 = arith.index_cast %add3A_865 : i32 to index
        %get3A_867 = arith.constant 48 : index
        %get3A_868 = tpu.vector_load %arg13[%get3A_866, %get3A_867] {strides = array<i32>} : memref<1280x64xf32, #tpu.memory_space<vmem>>, vector<16xf32>,
        %mul3A_869 = arith.mulf %get3A_704, %get3A_868 : vector<16xf32>
        %add3A_870 = arith.addf %add3A_863, %mul3A_869 : vector<16xf32>
        %reduce_sum3A_871 = arith.constant true
        %reduce_sum3A_872 = vector.broadcast %reduce_sum3A_871 : i1 to vector<16xi1>
        %reduce_sum3A_873 = tpu.scan <sum>, %add3A_870 masked %reduce_sum3A_872 : vector<16xf32>, vector<16xi1> -> vector<16xf32>
        %reduce_sum3A_874 = vector.extract %reduce_sum3A_873[15] : f32 from vector<16xf32>
        %eq3A_875 = arith.constant 4 : i32
        %eq3A_876 = vector.broadcast %eq3A_875 : i32 to vector<16xi32>
        %eq3A_877 = arith.cmpi eq, %iota3A, %eq3A_876 : vector<16xi32>
        %broadcast_in_dim3A_878 = vector.broadcast %reduce_sum3A_874 : f32 to vector<16xf32>
        %select_n3A_879 = arith.select %eq3A_877, %broadcast_in_dim3A_878, %select_n3A_843 : vector<16xi1>, vector<16xf32>
        %add3A_880 = arith.constant 4 : i32
        %add3A_881 = arith.addi %add3A_735, %add3A_880 : i32
        %get3A_882 = arith.index_cast %add3A_881 : i32 to index
        %get3A_883 = arith.constant 0 : index
        %get3A_884 = tpu.vector_load %arg13[%get3A_882, %get3A_883] {strides = array<i32>} : memref<1280x64xf32, #tpu.memory_space<vmem>>, vector<16xf32>,
        %mul3A_885 = arith.mulf %get3A_695, %get3A_884 : vector<16xf32>
        %add3A_886 = arith.constant 4 : i32
        %add3A_887 = arith.addi %add3A_735, %add3A_886 : i32
        %get3A_888 = arith.index_cast %add3A_887 : i32 to index
        %get3A_889 = arith.constant 16 : index
        %get3A_890 = tpu.vector_load %arg13[%get3A_888, %get3A_889] {strides = array<i32>} : memref<1280x64xf32, #tpu.memory_space<vmem>>, vector<16xf32>,
        %mul3A_891 = arith.mulf %get3A_698, %get3A_890 : vector<16xf32>
        %add3A_892 = arith.addf %mul3A_885, %mul3A_891 : vector<16xf32>
        %add3A_893 = arith.constant 4 : i32
        %add3A_894 = arith.addi %add3A_735, %add3A_893 : i32
        %get3A_895 = arith.index_cast %add3A_894 : i32 to index
        %get3A_896 = arith.constant 32 : index
        %get3A_897 = tpu.vector_load %arg13[%get3A_895, %get3A_896] {strides = array<i32>} : memref<1280x64xf32, #tpu.memory_space<vmem>>, vector<16xf32>,
        %mul3A_898 = arith.mulf %get3A_701, %get3A_897 : vector<16xf32>
        %add3A_899 = arith.addf %add3A_892, %mul3A_898 : vector<16xf32>
        %add3A_900 = arith.constant 4 : i32
        %add3A_901 = arith.addi %add3A_735, %add3A_900 : i32
        %get3A_902 = arith.index_cast %add3A_901 : i32 to index
        %get3A_903 = arith.constant 48 : index
        %get3A_904 = tpu.vector_load %arg13[%get3A_902, %get3A_903] {strides = array<i32>} : memref<1280x64xf32, #tpu.memory_space<vmem>>, vector<16xf32>,
        %mul3A_905 = arith.mulf %get3A_704, %get3A_904 : vector<16xf32>
        %add3A_906 = arith.addf %add3A_899, %mul3A_905 : vector<16xf32>
        %reduce_sum3A_907 = arith.constant true
        %reduce_sum3A_908 = vector.broadcast %reduce_sum3A_907 : i1 to vector<16xi1>
        %reduce_sum3A_909 = tpu.scan <sum>, %add3A_906 masked %reduce_sum3A_908 : vector<16xf32>, vector<16xi1> -> vector<16xf32>
        %reduce_sum3A_910 = vector.extract %reduce_sum3A_909[15] : f32 from vector<16xf32>
        %eq3A_911 = arith.constant 5 : i32
        %eq3A_912 = vector.broadcast %eq3A_911 : i32 to vector<16xi32>
        %eq3A_913 = arith.cmpi eq, %iota3A, %eq3A_912 : vector<16xi32>
        %broadcast_in_dim3A_914 = vector.broadcast %reduce_sum3A_910 : f32 to vector<16xf32>
        %select_n3A_915 = arith.select %eq3A_913, %broadcast_in_dim3A_914, %select_n3A_879 : vector<16xi1>, vector<16xf32>
        %add3A_916 = arith.constant 5 : i32
        %add3A_917 = arith.addi %add3A_735, %add3A_916 : i32
        %get3A_918 = arith.index_cast %add3A_917 : i32 to index
        %get3A_919 = arith.constant 0 : index
        %get3A_920 = tpu.vector_load %arg13[%get3A_918, %get3A_919] {strides = array<i32>} : memref<1280x64xf32, #tpu.memory_space<vmem>>, vector<16xf32>,
        %mul3A_921 = arith.mulf %get3A_695, %get3A_920 : vector<16xf32>
        %add3A_922 = arith.constant 5 : i32
        %add3A_923 = arith.addi %add3A_735, %add3A_922 : i32
        %get3A_924 = arith.index_cast %add3A_923 : i32 to index
        %get3A_925 = arith.constant 16 : index
        %get3A_926 = tpu.vector_load %arg13[%get3A_924, %get3A_925] {strides = array<i32>} : memref<1280x64xf32, #tpu.memory_space<vmem>>, vector<16xf32>,
        %mul3A_927 = arith.mulf %get3A_698, %get3A_926 : vector<16xf32>
        %add3A_928 = arith.addf %mul3A_921, %mul3A_927 : vector<16xf32>
        %add3A_929 = arith.constant 5 : i32
        %add3A_930 = arith.addi %add3A_735, %add3A_929 : i32
        %get3A_931 = arith.index_cast %add3A_930 : i32 to index
        %get3A_932 = arith.constant 32 : index
        %get3A_933 = tpu.vector_load %arg13[%get3A_931, %get3A_932] {strides = array<i32>} : memref<1280x64xf32, #tpu.memory_space<vmem>>, vector<16xf32>,
        %mul3A_934 = arith.mulf %get3A_701, %get3A_933 : vector<16xf32>
        %add3A_935 = arith.addf %add3A_928, %mul3A_934 : vector<16xf32>
        %add3A_936 = arith.constant 5 : i32
        %add3A_937 = arith.addi %add3A_735, %add3A_936 : i32
        %get3A_938 = arith.index_cast %add3A_937 : i32 to index
        %get3A_939 = arith.constant 48 : index
        %get3A_940 = tpu.vector_load %arg13[%get3A_938, %get3A_939] {strides = array<i32>} : memref<1280x64xf32, #tpu.memory_space<vmem>>, vector<16xf32>,
        %mul3A_941 = arith.mulf %get3A_704, %get3A_940 : vector<16xf32>
        %add3A_942 = arith.addf %add3A_935, %mul3A_941 : vector<16xf32>
        %reduce_sum3A_943 = arith.constant true
        %reduce_sum3A_944 = vector.broadcast %reduce_sum3A_943 : i1 to vector<16xi1>
        %reduce_sum3A_945 = tpu.scan <sum>, %add3A_942 masked %reduce_sum3A_944 : vector<16xf32>, vector<16xi1> -> vector<16xf32>
        %reduce_sum3A_946 = vector.extract %reduce_sum3A_945[15] : f32 from vector<16xf32>
        %eq3A_947 = arith.constant 6 : i32
        %eq3A_948 = vector.broadcast %eq3A_947 : i32 to vector<16xi32>
        %eq3A_949 = arith.cmpi eq, %iota3A, %eq3A_948 : vector<16xi32>
        %broadcast_in_dim3A_950 = vector.broadcast %reduce_sum3A_946 : f32 to vector<16xf32>
        %select_n3A_951 = arith.select %eq3A_949, %broadcast_in_dim3A_950, %select_n3A_915 : vector<16xi1>, vector<16xf32>
        %add3A_952 = arith.constant 6 : i32
        %add3A_953 = arith.addi %add3A_735, %add3A_952 : i32
        %get3A_954 = arith.index_cast %add3A_953 : i32 to index
        %get3A_955 = arith.constant 0 : index
        %get3A_956 = tpu.vector_load %arg13[%get3A_954, %get3A_955] {strides = array<i32>} : memref<1280x64xf32, #tpu.memory_space<vmem>>, vector<16xf32>,
        %mul3A_957 = arith.mulf %get3A_695, %get3A_956 : vector<16xf32>
        %add3A_958 = arith.constant 6 : i32
        %add3A_959 = arith.addi %add3A_735, %add3A_958 : i32
        %get3A_960 = arith.index_cast %add3A_959 : i32 to index
        %get3A_961 = arith.constant 16 : index
        %get3A_962 = tpu.vector_load %arg13[%get3A_960, %get3A_961] {strides = array<i32>} : memref<1280x64xf32, #tpu.memory_space<vmem>>, vector<16xf32>,
        %mul3A_963 = arith.mulf %get3A_698, %get3A_962 : vector<16xf32>
        %add3A_964 = arith.addf %mul3A_957, %mul3A_963 : vector<16xf32>
        %add3A_965 = arith.constant 6 : i32
        %add3A_966 = arith.addi %add3A_735, %add3A_965 : i32
        %get3A_967 = arith.index_cast %add3A_966 : i32 to index
        %get3A_968 = arith.constant 32 : index
        %get3A_969 = tpu.vector_load %arg13[%get3A_967, %get3A_968] {strides = array<i32>} : memref<1280x64xf32, #tpu.memory_space<vmem>>, vector<16xf32>,
        %mul3A_970 = arith.mulf %get3A_701, %get3A_969 : vector<16xf32>
        %add3A_971 = arith.addf %add3A_964, %mul3A_970 : vector<16xf32>
        %add3A_972 = arith.constant 6 : i32
        %add3A_973 = arith.addi %add3A_735, %add3A_972 : i32
        %get3A_974 = arith.index_cast %add3A_973 : i32 to index
        %get3A_975 = arith.constant 48 : index
        %get3A_976 = tpu.vector_load %arg13[%get3A_974, %get3A_975] {strides = array<i32>} : memref<1280x64xf32, #tpu.memory_space<vmem>>, vector<16xf32>,
        %mul3A_977 = arith.mulf %get3A_704, %get3A_976 : vector<16xf32>
        %add3A_978 = arith.addf %add3A_971, %mul3A_977 : vector<16xf32>
        %reduce_sum3A_979 = arith.constant true
        %reduce_sum3A_980 = vector.broadcast %reduce_sum3A_979 : i1 to vector<16xi1>
        %reduce_sum3A_981 = tpu.scan <sum>, %add3A_978 masked %reduce_sum3A_980 : vector<16xf32>, vector<16xi1> -> vector<16xf32>
        %reduce_sum3A_982 = vector.extract %reduce_sum3A_981[15] : f32 from vector<16xf32>
        %eq3A_983 = arith.constant 7 : i32
        %eq3A_984 = vector.broadcast %eq3A_983 : i32 to vector<16xi32>
        %eq3A_985 = arith.cmpi eq, %iota3A, %eq3A_984 : vector<16xi32>
        %broadcast_in_dim3A_986 = vector.broadcast %reduce_sum3A_982 : f32 to vector<16xf32>
        %select_n3A_987 = arith.select %eq3A_985, %broadcast_in_dim3A_986, %select_n3A_951 : vector<16xi1>, vector<16xf32>
        %add3A_988 = arith.constant 7 : i32
        %add3A_989 = arith.addi %add3A_735, %add3A_988 : i32
        %get3A_990 = arith.index_cast %add3A_989 : i32 to index
        %get3A_991 = arith.constant 0 : index
        %get3A_992 = tpu.vector_load %arg13[%get3A_990, %get3A_991] {strides = array<i32>} : memref<1280x64xf32, #tpu.memory_space<vmem>>, vector<16xf32>,
        %mul3A_993 = arith.mulf %get3A_695, %get3A_992 : vector<16xf32>
        %add3A_994 = arith.constant 7 : i32
        %add3A_995 = arith.addi %add3A_735, %add3A_994 : i32
        %get3A_996 = arith.index_cast %add3A_995 : i32 to index
        %get3A_997 = arith.constant 16 : index
        %get3A_998 = tpu.vector_load %arg13[%get3A_996, %get3A_997] {strides = array<i32>} : memref<1280x64xf32, #tpu.memory_space<vmem>>, vector<16xf32>,
        %mul3A_999 = arith.mulf %get3A_698, %get3A_998 : vector<16xf32>
        %add3A_1000 = arith.addf %mul3A_993, %mul3A_999 : vector<16xf32>
        %add3A_1001 = arith.constant 7 : i32
        %add3A_1002 = arith.addi %add3A_735, %add3A_1001 : i32
        %get3A_1003 = arith.index_cast %add3A_1002 : i32 to index
        %get3A_1004 = arith.constant 32 : index
        %get3A_1005 = tpu.vector_load %arg13[%get3A_1003, %get3A_1004] {strides = array<i32>} : memref<1280x64xf32, #tpu.memory_space<vmem>>, vector<16xf32>,
        %mul3A_1006 = arith.mulf %get3A_701, %get3A_1005 : vector<16xf32>
        %add3A_1007 = arith.addf %add3A_1000, %mul3A_1006 : vector<16xf32>
        %add3A_1008 = arith.constant 7 : i32
        %add3A_1009 = arith.addi %add3A_735, %add3A_1008 : i32
        %get3A_1010 = arith.index_cast %add3A_1009 : i32 to index
        %get3A_1011 = arith.constant 48 : index
        %get3A_1012 = tpu.vector_load %arg13[%get3A_1010, %get3A_1011] {strides = array<i32>} : memref<1280x64xf32, #tpu.memory_space<vmem>>, vector<16xf32>,
        %mul3A_1013 = arith.mulf %get3A_704, %get3A_1012 : vector<16xf32>
        %add3A_1014 = arith.addf %add3A_1007, %mul3A_1013 : vector<16xf32>
        %reduce_sum3A_1015 = arith.constant true
        %reduce_sum3A_1016 = vector.broadcast %reduce_sum3A_1015 : i1 to vector<16xi1>
        %reduce_sum3A_1017 = tpu.scan <sum>, %add3A_1014 masked %reduce_sum3A_1016 : vector<16xf32>, vector<16xi1> -> vector<16xf32>
        %reduce_sum3A_1018 = vector.extract %reduce_sum3A_1017[15] : f32 from vector<16xf32>
        %eq3A_1019 = arith.constant 8 : i32
        %eq3A_1020 = vector.broadcast %eq3A_1019 : i32 to vector<16xi32>
        %eq3A_1021 = arith.cmpi eq, %iota3A, %eq3A_1020 : vector<16xi32>
        %broadcast_in_dim3A_1022 = vector.broadcast %reduce_sum3A_1018 : f32 to vector<16xf32>
        %select_n3A_1023 = arith.select %eq3A_1021, %broadcast_in_dim3A_1022, %select_n3A_987 : vector<16xi1>, vector<16xf32>
        %add3A_1024 = arith.constant 8 : i32
        %add3A_1025 = arith.addi %add3A_735, %add3A_1024 : i32
        %get3A_1026 = arith.index_cast %add3A_1025 : i32 to index
        %get3A_1027 = arith.constant 0 : index
        %get3A_1028 = tpu.vector_load %arg13[%get3A_1026, %get3A_1027] {strides = array<i32>} : memref<1280x64xf32, #tpu.memory_space<vmem>>, vector<16xf32>,
        %mul3A_1029 = arith.mulf %get3A_695, %get3A_1028 : vector<16xf32>
        %add3A_1030 = arith.constant 8 : i32
        %add3A_1031 = arith.addi %add3A_735, %add3A_1030 : i32
        %get3A_1032 = arith.index_cast %add3A_1031 : i32 to index
        %get3A_1033 = arith.constant 16 : index
        %get3A_1034 = tpu.vector_load %arg13[%get3A_1032, %get3A_1033] {strides = array<i32>} : memref<1280x64xf32, #tpu.memory_space<vmem>>, vector<16xf32>,
        %mul3A_1035 = arith.mulf %get3A_698, %get3A_1034 : vector<16xf32>
        %add3A_1036 = arith.addf %mul3A_1029, %mul3A_1035 : vector<16xf32>
        %add3A_1037 = arith.constant 8 : i32
        %add3A_1038 = arith.addi %add3A_735, %add3A_1037 : i32
        %get3A_1039 = arith.index_cast %add3A_1038 : i32 to index
        %get3A_1040 = arith.constant 32 : index
        %get3A_1041 = tpu.vector_load %arg13[%get3A_1039, %get3A_1040] {strides = array<i32>} : memref<1280x64xf32, #tpu.memory_space<vmem>>, vector<16xf32>,
        %mul3A_1042 = arith.mulf %get3A_701, %get3A_1041 : vector<16xf32>
        %add3A_1043 = arith.addf %add3A_1036, %mul3A_1042 : vector<16xf32>
        %add3A_1044 = arith.constant 8 : i32
        %add3A_1045 = arith.addi %add3A_735, %add3A_1044 : i32
        %get3A_1046 = arith.index_cast %add3A_1045 : i32 to index
        %get3A_1047 = arith.constant 48 : index
        %get3A_1048 = tpu.vector_load %arg13[%get3A_1046, %get3A_1047] {strides = array<i32>} : memref<1280x64xf32, #tpu.memory_space<vmem>>, vector<16xf32>,
        %mul3A_1049 = arith.mulf %get3A_704, %get3A_1048 : vector<16xf32>
        %add3A_1050 = arith.addf %add3A_1043, %mul3A_1049 : vector<16xf32>
        %reduce_sum3A_1051 = arith.constant true
        %reduce_sum3A_1052 = vector.broadcast %reduce_sum3A_1051 : i1 to vector<16xi1>
        %reduce_sum3A_1053 = tpu.scan <sum>, %add3A_1050 masked %reduce_sum3A_1052 : vector<16xf32>, vector<16xi1> -> vector<16xf32>
        %reduce_sum3A_1054 = vector.extract %reduce_sum3A_1053[15] : f32 from vector<16xf32>
        %eq3A_1055 = arith.constant 9 : i32
        %eq3A_1056 = vector.broadcast %eq3A_1055 : i32 to vector<16xi32>
        %eq3A_1057 = arith.cmpi eq, %iota3A, %eq3A_1056 : vector<16xi32>
        %broadcast_in_dim3A_1058 = vector.broadcast %reduce_sum3A_1054 : f32 to vector<16xf32>
        %select_n3A_1059 = arith.select %eq3A_1057, %broadcast_in_dim3A_1058, %select_n3A_1023 : vector<16xi1>, vector<16xf32>
        %add3A_1060 = arith.constant 9 : i32
        %add3A_1061 = arith.addi %add3A_735, %add3A_1060 : i32
        %get3A_1062 = arith.index_cast %add3A_1061 : i32 to index
        %get3A_1063 = arith.constant 0 : index
        %get3A_1064 = tpu.vector_load %arg13[%get3A_1062, %get3A_1063] {strides = array<i32>} : memref<1280x64xf32, #tpu.memory_space<vmem>>, vector<16xf32>,
        %mul3A_1065 = arith.mulf %get3A_695, %get3A_1064 : vector<16xf32>
        %add3A_1066 = arith.constant 9 : i32
        %add3A_1067 = arith.addi %add3A_735, %add3A_1066 : i32
        %get3A_1068 = arith.index_cast %add3A_1067 : i32 to index
        %get3A_1069 = arith.constant 16 : index
        %get3A_1070 = tpu.vector_load %arg13[%get3A_1068, %get3A_1069] {strides = array<i32>} : memref<1280x64xf32, #tpu.memory_space<vmem>>, vector<16xf32>,
        %mul3A_1071 = arith.mulf %get3A_698, %get3A_1070 : vector<16xf32>
        %add3A_1072 = arith.addf %mul3A_1065, %mul3A_1071 : vector<16xf32>
        %add3A_1073 = arith.constant 9 : i32
        %add3A_1074 = arith.addi %add3A_735, %add3A_1073 : i32
        %get3A_1075 = arith.index_cast %add3A_1074 : i32 to index
        %get3A_1076 = arith.constant 32 : index
        %get3A_1077 = tpu.vector_load %arg13[%get3A_1075, %get3A_1076] {strides = array<i32>} : memref<1280x64xf32, #tpu.memory_space<vmem>>, vector<16xf32>,
        %mul3A_1078 = arith.mulf %get3A_701, %get3A_1077 : vector<16xf32>
        %add3A_1079 = arith.addf %add3A_1072, %mul3A_1078 : vector<16xf32>
        %add3A_1080 = arith.constant 9 : i32
        %add3A_1081 = arith.addi %add3A_735, %add3A_1080 : i32
        %get3A_1082 = arith.index_cast %add3A_1081 : i32 to index
        %get3A_1083 = arith.constant 48 : index
        %get3A_1084 = tpu.vector_load %arg13[%get3A_1082, %get3A_1083] {strides = array<i32>} : memref<1280x64xf32, #tpu.memory_space<vmem>>, vector<16xf32>,
        %mul3A_1085 = arith.mulf %get3A_704, %get3A_1084 : vector<16xf32>
        %add3A_1086 = arith.addf %add3A_1079, %mul3A_1085 : vector<16xf32>
        %reduce_sum3A_1087 = arith.constant true
        %reduce_sum3A_1088 = vector.broadcast %reduce_sum3A_1087 : i1 to vector<16xi1>
        %reduce_sum3A_1089 = tpu.scan <sum>, %add3A_1086 masked %reduce_sum3A_1088 : vector<16xf32>, vector<16xi1> -> vector<16xf32>
        %reduce_sum3A_1090 = vector.extract %reduce_sum3A_1089[15] : f32 from vector<16xf32>
        %eq3A_1091 = arith.constant 10 : i32
        %eq3A_1092 = vector.broadcast %eq3A_1091 : i32 to vector<16xi32>
        %eq3A_1093 = arith.cmpi eq, %iota3A, %eq3A_1092 : vector<16xi32>
        %broadcast_in_dim3A_1094 = vector.broadcast %reduce_sum3A_1090 : f32 to vector<16xf32>
        %select_n3A_1095 = arith.select %eq3A_1093, %broadcast_in_dim3A_1094, %select_n3A_1059 : vector<16xi1>, vector<16xf32>
        %add3A_1096 = arith.constant 10 : i32
        %add3A_1097 = arith.addi %add3A_735, %add3A_1096 : i32
        %get3A_1098 = arith.index_cast %add3A_1097 : i32 to index
        %get3A_1099 = arith.constant 0 : index
        %get3A_1100 = tpu.vector_load %arg13[%get3A_1098, %get3A_1099] {strides = array<i32>} : memref<1280x64xf32, #tpu.memory_space<vmem>>, vector<16xf32>,
        %mul3A_1101 = arith.mulf %get3A_695, %get3A_1100 : vector<16xf32>
        %add3A_1102 = arith.constant 10 : i32
        %add3A_1103 = arith.addi %add3A_735, %add3A_1102 : i32
        %get3A_1104 = arith.index_cast %add3A_1103 : i32 to index
        %get3A_1105 = arith.constant 16 : index
        %get3A_1106 = tpu.vector_load %arg13[%get3A_1104, %get3A_1105] {strides = array<i32>} : memref<1280x64xf32, #tpu.memory_space<vmem>>, vector<16xf32>,
        %mul3A_1107 = arith.mulf %get3A_698, %get3A_1106 : vector<16xf32>
        %add3A_1108 = arith.addf %mul3A_1101, %mul3A_1107 : vector<16xf32>
        %add3A_1109 = arith.constant 10 : i32
        %add3A_1110 = arith.addi %add3A_735, %add3A_1109 : i32
        %get3A_1111 = arith.index_cast %add3A_1110 : i32 to index
        %get3A_1112 = arith.constant 32 : index
        %get3A_1113 = tpu.vector_load %arg13[%get3A_1111, %get3A_1112] {strides = array<i32>} : memref<1280x64xf32, #tpu.memory_space<vmem>>, vector<16xf32>,
        %mul3A_1114 = arith.mulf %get3A_701, %get3A_1113 : vector<16xf32>
        %add3A_1115 = arith.addf %add3A_1108, %mul3A_1114 : vector<16xf32>
        %add3A_1116 = arith.constant 10 : i32
        %add3A_1117 = arith.addi %add3A_735, %add3A_1116 : i32
        %get3A_1118 = arith.index_cast %add3A_1117 : i32 to index
        %get3A_1119 = arith.constant 48 : index
        %get3A_1120 = tpu.vector_load %arg13[%get3A_1118, %get3A_1119] {strides = array<i32>} : memref<1280x64xf32, #tpu.memory_space<vmem>>, vector<16xf32>,
        %mul3A_1121 = arith.mulf %get3A_704, %get3A_1120 : vector<16xf32>
        %add3A_1122 = arith.addf %add3A_1115, %mul3A_1121 : vector<16xf32>
        %reduce_sum3A_1123 = arith.constant true
        %reduce_sum3A_1124 = vector.broadcast %reduce_sum3A_1123 : i1 to vector<16xi1>
        %reduce_sum3A_1125 = tpu.scan <sum>, %add3A_1122 masked %reduce_sum3A_1124 : vector<16xf32>, vector<16xi1> -> vector<16xf32>
        %reduce_sum3A_1126 = vector.extract %reduce_sum3A_1125[15] : f32 from vector<16xf32>
        %eq3A_1127 = arith.constant 11 : i32
        %eq3A_1128 = vector.broadcast %eq3A_1127 : i32 to vector<16xi32>
        %eq3A_1129 = arith.cmpi eq, %iota3A, %eq3A_1128 : vector<16xi32>
        %broadcast_in_dim3A_1130 = vector.broadcast %reduce_sum3A_1126 : f32 to vector<16xf32>
        %select_n3A_1131 = arith.select %eq3A_1129, %broadcast_in_dim3A_1130, %select_n3A_1095 : vector<16xi1>, vector<16xf32>
        %add3A_1132 = arith.constant 11 : i32
        %add3A_1133 = arith.addi %add3A_735, %add3A_1132 : i32
        %get3A_1134 = arith.index_cast %add3A_1133 : i32 to index
        %get3A_1135 = arith.constant 0 : index
        %get3A_1136 = tpu.vector_load %arg13[%get3A_1134, %get3A_1135] {strides = array<i32>} : memref<1280x64xf32, #tpu.memory_space<vmem>>, vector<16xf32>,
        %mul3A_1137 = arith.mulf %get3A_695, %get3A_1136 : vector<16xf32>
        %add3A_1138 = arith.constant 11 : i32
        %add3A_1139 = arith.addi %add3A_735, %add3A_1138 : i32
        %get3A_1140 = arith.index_cast %add3A_1139 : i32 to index
        %get3A_1141 = arith.constant 16 : index
        %get3A_1142 = tpu.vector_load %arg13[%get3A_1140, %get3A_1141] {strides = array<i32>} : memref<1280x64xf32, #tpu.memory_space<vmem>>, vector<16xf32>,
        %mul3A_1143 = arith.mulf %get3A_698, %get3A_1142 : vector<16xf32>
        %add3A_1144 = arith.addf %mul3A_1137, %mul3A_1143 : vector<16xf32>
        %add3A_1145 = arith.constant 11 : i32
        %add3A_1146 = arith.addi %add3A_735, %add3A_1145 : i32
        %get3A_1147 = arith.index_cast %add3A_1146 : i32 to index
        %get3A_1148 = arith.constant 32 : index
        %get3A_1149 = tpu.vector_load %arg13[%get3A_1147, %get3A_1148] {strides = array<i32>} : memref<1280x64xf32, #tpu.memory_space<vmem>>, vector<16xf32>,
        %mul3A_1150 = arith.mulf %get3A_701, %get3A_1149 : vector<16xf32>
        %add3A_1151 = arith.addf %add3A_1144, %mul3A_1150 : vector<16xf32>
        %add3A_1152 = arith.constant 11 : i32
        %add3A_1153 = arith.addi %add3A_735, %add3A_1152 : i32
        %get3A_1154 = arith.index_cast %add3A_1153 : i32 to index
        %get3A_1155 = arith.constant 48 : index
        %get3A_1156 = tpu.vector_load %arg13[%get3A_1154, %get3A_1155] {strides = array<i32>} : memref<1280x64xf32, #tpu.memory_space<vmem>>, vector<16xf32>,
        %mul3A_1157 = arith.mulf %get3A_704, %get3A_1156 : vector<16xf32>
        %add3A_1158 = arith.addf %add3A_1151, %mul3A_1157 : vector<16xf32>
        %reduce_sum3A_1159 = arith.constant true
        %reduce_sum3A_1160 = vector.broadcast %reduce_sum3A_1159 : i1 to vector<16xi1>
        %reduce_sum3A_1161 = tpu.scan <sum>, %add3A_1158 masked %reduce_sum3A_1160 : vector<16xf32>, vector<16xi1> -> vector<16xf32>
        %reduce_sum3A_1162 = vector.extract %reduce_sum3A_1161[15] : f32 from vector<16xf32>
        %eq3A_1163 = arith.constant 12 : i32
        %eq3A_1164 = vector.broadcast %eq3A_1163 : i32 to vector<16xi32>
        %eq3A_1165 = arith.cmpi eq, %iota3A, %eq3A_1164 : vector<16xi32>
        %broadcast_in_dim3A_1166 = vector.broadcast %reduce_sum3A_1162 : f32 to vector<16xf32>
        %select_n3A_1167 = arith.select %eq3A_1165, %broadcast_in_dim3A_1166, %select_n3A_1131 : vector<16xi1>, vector<16xf32>
        %add3A_1168 = arith.constant 12 : i32
        %add3A_1169 = arith.addi %add3A_735, %add3A_1168 : i32
        %get3A_1170 = arith.index_cast %add3A_1169 : i32 to index
        %get3A_1171 = arith.constant 0 : index
        %get3A_1172 = tpu.vector_load %arg13[%get3A_1170, %get3A_1171] {strides = array<i32>} : memref<1280x64xf32, #tpu.memory_space<vmem>>, vector<16xf32>,
        %mul3A_1173 = arith.mulf %get3A_695, %get3A_1172 : vector<16xf32>
        %add3A_1174 = arith.constant 12 : i32
        %add3A_1175 = arith.addi %add3A_735, %add3A_1174 : i32
        %get3A_1176 = arith.index_cast %add3A_1175 : i32 to index
        %get3A_1177 = arith.constant 16 : index
        %get3A_1178 = tpu.vector_load %arg13[%get3A_1176, %get3A_1177] {strides = array<i32>} : memref<1280x64xf32, #tpu.memory_space<vmem>>, vector<16xf32>,
        %mul3A_1179 = arith.mulf %get3A_698, %get3A_1178 : vector<16xf32>
        %add3A_1180 = arith.addf %mul3A_1173, %mul3A_1179 : vector<16xf32>
        %add3A_1181 = arith.constant 12 : i32
        %add3A_1182 = arith.addi %add3A_735, %add3A_1181 : i32
        %get3A_1183 = arith.index_cast %add3A_1182 : i32 to index
        %get3A_1184 = arith.constant 32 : index
        %get3A_1185 = tpu.vector_load %arg13[%get3A_1183, %get3A_1184] {strides = array<i32>} : memref<1280x64xf32, #tpu.memory_space<vmem>>, vector<16xf32>,
        %mul3A_1186 = arith.mulf %get3A_701, %get3A_1185 : vector<16xf32>
        %add3A_1187 = arith.addf %add3A_1180, %mul3A_1186 : vector<16xf32>
        %add3A_1188 = arith.constant 12 : i32
        %add3A_1189 = arith.addi %add3A_735, %add3A_1188 : i32
        %get3A_1190 = arith.index_cast %add3A_1189 : i32 to index
        %get3A_1191 = arith.constant 48 : index
        %get3A_1192 = tpu.vector_load %arg13[%get3A_1190, %get3A_1191] {strides = array<i32>} : memref<1280x64xf32, #tpu.memory_space<vmem>>, vector<16xf32>,
        %mul3A_1193 = arith.mulf %get3A_704, %get3A_1192 : vector<16xf32>
        %add3A_1194 = arith.addf %add3A_1187, %mul3A_1193 : vector<16xf32>
        %reduce_sum3A_1195 = arith.constant true
        %reduce_sum3A_1196 = vector.broadcast %reduce_sum3A_1195 : i1 to vector<16xi1>
        %reduce_sum3A_1197 = tpu.scan <sum>, %add3A_1194 masked %reduce_sum3A_1196 : vector<16xf32>, vector<16xi1> -> vector<16xf32>
        %reduce_sum3A_1198 = vector.extract %reduce_sum3A_1197[15] : f32 from vector<16xf32>
        %eq3A_1199 = arith.constant 13 : i32
        %eq3A_1200 = vector.broadcast %eq3A_1199 : i32 to vector<16xi32>
        %eq3A_1201 = arith.cmpi eq, %iota3A, %eq3A_1200 : vector<16xi32>
        %broadcast_in_dim3A_1202 = vector.broadcast %reduce_sum3A_1198 : f32 to vector<16xf32>
        %select_n3A_1203 = arith.select %eq3A_1201, %broadcast_in_dim3A_1202, %select_n3A_1167 : vector<16xi1>, vector<16xf32>
        %add3A_1204 = arith.constant 13 : i32
        %add3A_1205 = arith.addi %add3A_735, %add3A_1204 : i32
        %get3A_1206 = arith.index_cast %add3A_1205 : i32 to index
        %get3A_1207 = arith.constant 0 : index
        %get3A_1208 = tpu.vector_load %arg13[%get3A_1206, %get3A_1207] {strides = array<i32>} : memref<1280x64xf32, #tpu.memory_space<vmem>>, vector<16xf32>,
        %mul3A_1209 = arith.mulf %get3A_695, %get3A_1208 : vector<16xf32>
        %add3A_1210 = arith.constant 13 : i32
        %add3A_1211 = arith.addi %add3A_735, %add3A_1210 : i32
        %get3A_1212 = arith.index_cast %add3A_1211 : i32 to index
        %get3A_1213 = arith.constant 16 : index
        %get3A_1214 = tpu.vector_load %arg13[%get3A_1212, %get3A_1213] {strides = array<i32>} : memref<1280x64xf32, #tpu.memory_space<vmem>>, vector<16xf32>,
        %mul3A_1215 = arith.mulf %get3A_698, %get3A_1214 : vector<16xf32>
        %add3A_1216 = arith.addf %mul3A_1209, %mul3A_1215 : vector<16xf32>
        %add3A_1217 = arith.constant 13 : i32
        %add3A_1218 = arith.addi %add3A_735, %add3A_1217 : i32
        %get3A_1219 = arith.index_cast %add3A_1218 : i32 to index
        %get3A_1220 = arith.constant 32 : index
        %get3A_1221 = tpu.vector_load %arg13[%get3A_1219, %get3A_1220] {strides = array<i32>} : memref<1280x64xf32, #tpu.memory_space<vmem>>, vector<16xf32>,
        %mul3A_1222 = arith.mulf %get3A_701, %get3A_1221 : vector<16xf32>
        %add3A_1223 = arith.addf %add3A_1216, %mul3A_1222 : vector<16xf32>
        %add3A_1224 = arith.constant 13 : i32
        %add3A_1225 = arith.addi %add3A_735, %add3A_1224 : i32
        %get3A_1226 = arith.index_cast %add3A_1225 : i32 to index
        %get3A_1227 = arith.constant 48 : index
        %get3A_1228 = tpu.vector_load %arg13[%get3A_1226, %get3A_1227] {strides = array<i32>} : memref<1280x64xf32, #tpu.memory_space<vmem>>, vector<16xf32>,
        %mul3A_1229 = arith.mulf %get3A_704, %get3A_1228 : vector<16xf32>
        %add3A_1230 = arith.addf %add3A_1223, %mul3A_1229 : vector<16xf32>
        %reduce_sum3A_1231 = arith.constant true
        %reduce_sum3A_1232 = vector.broadcast %reduce_sum3A_1231 : i1 to vector<16xi1>
        %reduce_sum3A_1233 = tpu.scan <sum>, %add3A_1230 masked %reduce_sum3A_1232 : vector<16xf32>, vector<16xi1> -> vector<16xf32>
        %reduce_sum3A_1234 = vector.extract %reduce_sum3A_1233[15] : f32 from vector<16xf32>
        %eq3A_1235 = arith.constant 14 : i32
        %eq3A_1236 = vector.broadcast %eq3A_1235 : i32 to vector<16xi32>
        %eq3A_1237 = arith.cmpi eq, %iota3A, %eq3A_1236 : vector<16xi32>
        %broadcast_in_dim3A_1238 = vector.broadcast %reduce_sum3A_1234 : f32 to vector<16xf32>
        %select_n3A_1239 = arith.select %eq3A_1237, %broadcast_in_dim3A_1238, %select_n3A_1203 : vector<16xi1>, vector<16xf32>
        %add3A_1240 = arith.constant 14 : i32
        %add3A_1241 = arith.addi %add3A_735, %add3A_1240 : i32
        %get3A_1242 = arith.index_cast %add3A_1241 : i32 to index
        %get3A_1243 = arith.constant 0 : index
        %get3A_1244 = tpu.vector_load %arg13[%get3A_1242, %get3A_1243] {strides = array<i32>} : memref<1280x64xf32, #tpu.memory_space<vmem>>, vector<16xf32>,
        %mul3A_1245 = arith.mulf %get3A_695, %get3A_1244 : vector<16xf32>
        %add3A_1246 = arith.constant 14 : i32
        %add3A_1247 = arith.addi %add3A_735, %add3A_1246 : i32
        %get3A_1248 = arith.index_cast %add3A_1247 : i32 to index
        %get3A_1249 = arith.constant 16 : index
        %get3A_1250 = tpu.vector_load %arg13[%get3A_1248, %get3A_1249] {strides = array<i32>} : memref<1280x64xf32, #tpu.memory_space<vmem>>, vector<16xf32>,
        %mul3A_1251 = arith.mulf %get3A_698, %get3A_1250 : vector<16xf32>
        %add3A_1252 = arith.addf %mul3A_1245, %mul3A_1251 : vector<16xf32>
        %add3A_1253 = arith.constant 14 : i32
        %add3A_1254 = arith.addi %add3A_735, %add3A_1253 : i32
        %get3A_1255 = arith.index_cast %add3A_1254 : i32 to index
        %get3A_1256 = arith.constant 32 : index
        %get3A_1257 = tpu.vector_load %arg13[%get3A_1255, %get3A_1256] {strides = array<i32>} : memref<1280x64xf32, #tpu.memory_space<vmem>>, vector<16xf32>,
        %mul3A_1258 = arith.mulf %get3A_701, %get3A_1257 : vector<16xf32>
        %add3A_1259 = arith.addf %add3A_1252, %mul3A_1258 : vector<16xf32>
        %add3A_1260 = arith.constant 14 : i32
        %add3A_1261 = arith.addi %add3A_735, %add3A_1260 : i32
        %get3A_1262 = arith.index_cast %add3A_1261 : i32 to index
        %get3A_1263 = arith.constant 48 : index
        %get3A_1264 = tpu.vector_load %arg13[%get3A_1262, %get3A_1263] {strides = array<i32>} : memref<1280x64xf32, #tpu.memory_space<vmem>>, vector<16xf32>,
        %mul3A_1265 = arith.mulf %get3A_704, %get3A_1264 : vector<16xf32>
        %add3A_1266 = arith.addf %add3A_1259, %mul3A_1265 : vector<16xf32>
        %reduce_sum3A_1267 = arith.constant true
        %reduce_sum3A_1268 = vector.broadcast %reduce_sum3A_1267 : i1 to vector<16xi1>
        %reduce_sum3A_1269 = tpu.scan <sum>, %add3A_1266 masked %reduce_sum3A_1268 : vector<16xf32>, vector<16xi1> -> vector<16xf32>
        %reduce_sum3A_1270 = vector.extract %reduce_sum3A_1269[15] : f32 from vector<16xf32>
        %eq3A_1271 = arith.constant 15 : i32
        %eq3A_1272 = vector.broadcast %eq3A_1271 : i32 to vector<16xi32>
        %eq3A_1273 = arith.cmpi eq, %iota3A, %eq3A_1272 : vector<16xi32>
        %broadcast_in_dim3A_1274 = vector.broadcast %reduce_sum3A_1270 : f32 to vector<16xf32>
        %select_n3A_1275 = arith.select %eq3A_1273, %broadcast_in_dim3A_1274, %select_n3A_1239 : vector<16xi1>, vector<16xf32>
        %add3A_1276 = arith.constant 15 : i32
        %add3A_1277 = arith.addi %add3A_735, %add3A_1276 : i32
        %get3A_1278 = arith.index_cast %add3A_1277 : i32 to index
        %get3A_1279 = arith.constant 0 : index
        %get3A_1280 = tpu.vector_load %arg13[%get3A_1278, %get3A_1279] {strides = array<i32>} : memref<1280x64xf32, #tpu.memory_space<vmem>>, vector<16xf32>,
        %mul3A_1281 = arith.mulf %get3A_695, %get3A_1280 : vector<16xf32>
        %add3A_1282 = arith.constant 15 : i32
        %add3A_1283 = arith.addi %add3A_735, %add3A_1282 : i32
        %get3A_1284 = arith.index_cast %add3A_1283 : i32 to index
        %get3A_1285 = arith.constant 16 : index
        %get3A_1286 = tpu.vector_load %arg13[%get3A_1284, %get3A_1285] {strides = array<i32>} : memref<1280x64xf32, #tpu.memory_space<vmem>>, vector<16xf32>,
        %mul3A_1287 = arith.mulf %get3A_698, %get3A_1286 : vector<16xf32>
        %add3A_1288 = arith.addf %mul3A_1281, %mul3A_1287 : vector<16xf32>
        %add3A_1289 = arith.constant 15 : i32
        %add3A_1290 = arith.addi %add3A_735, %add3A_1289 : i32
        %get3A_1291 = arith.index_cast %add3A_1290 : i32 to index
        %get3A_1292 = arith.constant 32 : index
        %get3A_1293 = tpu.vector_load %arg13[%get3A_1291, %get3A_1292] {strides = array<i32>} : memref<1280x64xf32, #tpu.memory_space<vmem>>, vector<16xf32>,
        %mul3A_1294 = arith.mulf %get3A_701, %get3A_1293 : vector<16xf32>
        %add3A_1295 = arith.addf %add3A_1288, %mul3A_1294 : vector<16xf32>
        %add3A_1296 = arith.constant 15 : i32
        %add3A_1297 = arith.addi %add3A_735, %add3A_1296 : i32
        %get3A_1298 = arith.index_cast %add3A_1297 : i32 to index
        %get3A_1299 = arith.constant 48 : index
        %get3A_1300 = tpu.vector_load %arg13[%get3A_1298, %get3A_1299] {strides = array<i32>} : memref<1280x64xf32, #tpu.memory_space<vmem>>, vector<16xf32>,
        %mul3A_1301 = arith.mulf %get3A_704, %get3A_1300 : vector<16xf32>
        %add3A_1302 = arith.addf %add3A_1295, %mul3A_1301 : vector<16xf32>
        %reduce_sum3A_1303 = arith.constant true
        %reduce_sum3A_1304 = vector.broadcast %reduce_sum3A_1303 : i1 to vector<16xi1>
        %reduce_sum3A_1305 = tpu.scan <sum>, %add3A_1302 masked %reduce_sum3A_1304 : vector<16xf32>, vector<16xi1> -> vector<16xf32>
        %reduce_sum3A_1306 = vector.extract %reduce_sum3A_1305[15] : f32 from vector<16xf32>
        %eq3A_1307 = arith.constant 0 : i32
        %eq3A_1308 = vector.broadcast %eq3A_1307 : i32 to vector<16xi32>
        %eq3A_1309 = arith.cmpi eq, %iota3A, %eq3A_1308 : vector<16xi32>
        %broadcast_in_dim3A_1310 = vector.broadcast %reduce_sum3A_1306 : f32 to vector<16xf32>
        %select_n3A_1311 = arith.select %eq3A_1309, %broadcast_in_dim3A_1310, %broadcast_in_dim3A_731 : vector<16xi1>, vector<16xf32>
        %add3A_1312 = arith.constant 16 : i32
        %add3A_1313 = arith.addi %add3A_735, %add3A_1312 : i32
        %get3A_1314 = arith.index_cast %add3A_1313 : i32 to index
        %get3A_1315 = arith.constant 0 : index
        %get3A_1316 = tpu.vector_load %arg13[%get3A_1314, %get3A_1315] {strides = array<i32>} : memref<1280x64xf32, #tpu.memory_space<vmem>>, vector<16xf32>,
        %mul3A_1317 = arith.mulf %get3A_695, %get3A_1316 : vector<16xf32>
        %add3A_1318 = arith.constant 16 : i32
        %add3A_1319 = arith.addi %add3A_735, %add3A_1318 : i32
        %get3A_1320 = arith.index_cast %add3A_1319 : i32 to index
        %get3A_1321 = arith.constant 16 : index
        %get3A_1322 = tpu.vector_load %arg13[%get3A_1320, %get3A_1321] {strides = array<i32>} : memref<1280x64xf32, #tpu.memory_space<vmem>>, vector<16xf32>,
        %mul3A_1323 = arith.mulf %get3A_698, %get3A_1322 : vector<16xf32>
        %add3A_1324 = arith.addf %mul3A_1317, %mul3A_1323 : vector<16xf32>
        %add3A_1325 = arith.constant 16 : i32
        %add3A_1326 = arith.addi %add3A_735, %add3A_1325 : i32
        %get3A_1327 = arith.index_cast %add3A_1326 : i32 to index
        %get3A_1328 = arith.constant 32 : index
        %get3A_1329 = tpu.vector_load %arg13[%get3A_1327, %get3A_1328] {strides = array<i32>} : memref<1280x64xf32, #tpu.memory_space<vmem>>, vector<16xf32>,
        %mul3A_1330 = arith.mulf %get3A_701, %get3A_1329 : vector<16xf32>
        %add3A_1331 = arith.addf %add3A_1324, %mul3A_1330 : vector<16xf32>
        %add3A_1332 = arith.constant 16 : i32
        %add3A_1333 = arith.addi %add3A_735, %add3A_1332 : i32
        %get3A_1334 = arith.index_cast %add3A_1333 : i32 to index
        %get3A_1335 = arith.constant 48 : index
        %get3A_1336 = tpu.vector_load %arg13[%get3A_1334, %get3A_1335] {strides = array<i32>} : memref<1280x64xf32, #tpu.memory_space<vmem>>, vector<16xf32>,
        %mul3A_1337 = arith.mulf %get3A_704, %get3A_1336 : vector<16xf32>
        %add3A_1338 = arith.addf %add3A_1331, %mul3A_1337 : vector<16xf32>
        %reduce_sum3A_1339 = arith.constant true
        %reduce_sum3A_1340 = vector.broadcast %reduce_sum3A_1339 : i1 to vector<16xi1>
        %reduce_sum3A_1341 = tpu.scan <sum>, %add3A_1338 masked %reduce_sum3A_1340 : vector<16xf32>, vector<16xi1> -> vector<16xf32>
        %reduce_sum3A_1342 = vector.extract %reduce_sum3A_1341[15] : f32 from vector<16xf32>
        %eq3A_1343 = arith.constant 1 : i32
        %eq3A_1344 = vector.broadcast %eq3A_1343 : i32 to vector<16xi32>
        %eq3A_1345 = arith.cmpi eq, %iota3A, %eq3A_1344 : vector<16xi32>
        %broadcast_in_dim3A_1346 = vector.broadcast %reduce_sum3A_1342 : f32 to vector<16xf32>
        %select_n3A_1347 = arith.select %eq3A_1345, %broadcast_in_dim3A_1346, %select_n3A_1311 : vector<16xi1>, vector<16xf32>
        %add3A_1348 = arith.constant 17 : i32
        %add3A_1349 = arith.addi %add3A_735, %add3A_1348 : i32
        %get3A_1350 = arith.index_cast %add3A_1349 : i32 to index
        %get3A_1351 = arith.constant 0 : index
        %get3A_1352 = tpu.vector_load %arg13[%get3A_1350, %get3A_1351] {strides = array<i32>} : memref<1280x64xf32, #tpu.memory_space<vmem>>, vector<16xf32>,
        %mul3A_1353 = arith.mulf %get3A_695, %get3A_1352 : vector<16xf32>
        %add3A_1354 = arith.constant 17 : i32
        %add3A_1355 = arith.addi %add3A_735, %add3A_1354 : i32
        %get3A_1356 = arith.index_cast %add3A_1355 : i32 to index
        %get3A_1357 = arith.constant 16 : index
        %get3A_1358 = tpu.vector_load %arg13[%get3A_1356, %get3A_1357] {strides = array<i32>} : memref<1280x64xf32, #tpu.memory_space<vmem>>, vector<16xf32>,
        %mul3A_1359 = arith.mulf %get3A_698, %get3A_1358 : vector<16xf32>
        %add3A_1360 = arith.addf %mul3A_1353, %mul3A_1359 : vector<16xf32>
        %add3A_1361 = arith.constant 17 : i32
        %add3A_1362 = arith.addi %add3A_735, %add3A_1361 : i32
        %get3A_1363 = arith.index_cast %add3A_1362 : i32 to index
        %get3A_1364 = arith.constant 32 : index
        %get3A_1365 = tpu.vector_load %arg13[%get3A_1363, %get3A_1364] {strides = array<i32>} : memref<1280x64xf32, #tpu.memory_space<vmem>>, vector<16xf32>,
        %mul3A_1366 = arith.mulf %get3A_701, %get3A_1365 : vector<16xf32>
        %add3A_1367 = arith.addf %add3A_1360, %mul3A_1366 : vector<16xf32>
        %add3A_1368 = arith.constant 17 : i32
        %add3A_1369 = arith.addi %add3A_735, %add3A_1368 : i32
        %get3A_1370 = arith.index_cast %add3A_1369 : i32 to index
        %get3A_1371 = arith.constant 48 : index
        %get3A_1372 = tpu.vector_load %arg13[%get3A_1370, %get3A_1371] {strides = array<i32>} : memref<1280x64xf32, #tpu.memory_space<vmem>>, vector<16xf32>,
        %mul3A_1373 = arith.mulf %get3A_704, %get3A_1372 : vector<16xf32>
        %add3A_1374 = arith.addf %add3A_1367, %mul3A_1373 : vector<16xf32>
        %reduce_sum3A_1375 = arith.constant true
        %reduce_sum3A_1376 = vector.broadcast %reduce_sum3A_1375 : i1 to vector<16xi1>
        %reduce_sum3A_1377 = tpu.scan <sum>, %add3A_1374 masked %reduce_sum3A_1376 : vector<16xf32>, vector<16xi1> -> vector<16xf32>
        %reduce_sum3A_1378 = vector.extract %reduce_sum3A_1377[15] : f32 from vector<16xf32>
        %eq3A_1379 = arith.constant 2 : i32
        %eq3A_1380 = vector.broadcast %eq3A_1379 : i32 to vector<16xi32>
        %eq3A_1381 = arith.cmpi eq, %iota3A, %eq3A_1380 : vector<16xi32>
        %broadcast_in_dim3A_1382 = vector.broadcast %reduce_sum3A_1378 : f32 to vector<16xf32>
        %select_n3A_1383 = arith.select %eq3A_1381, %broadcast_in_dim3A_1382, %select_n3A_1347 : vector<16xi1>, vector<16xf32>
        %add3A_1384 = arith.constant 18 : i32
        %add3A_1385 = arith.addi %add3A_735, %add3A_1384 : i32
        %get3A_1386 = arith.index_cast %add3A_1385 : i32 to index
        %get3A_1387 = arith.constant 0 : index
        %get3A_1388 = tpu.vector_load %arg13[%get3A_1386, %get3A_1387] {strides = array<i32>} : memref<1280x64xf32, #tpu.memory_space<vmem>>, vector<16xf32>,
        %mul3A_1389 = arith.mulf %get3A_695, %get3A_1388 : vector<16xf32>
        %add3A_1390 = arith.constant 18 : i32
        %add3A_1391 = arith.addi %add3A_735, %add3A_1390 : i32
        %get3A_1392 = arith.index_cast %add3A_1391 : i32 to index
        %get3A_1393 = arith.constant 16 : index
        %get3A_1394 = tpu.vector_load %arg13[%get3A_1392, %get3A_1393] {strides = array<i32>} : memref<1280x64xf32, #tpu.memory_space<vmem>>, vector<16xf32>,
        %mul3A_1395 = arith.mulf %get3A_698, %get3A_1394 : vector<16xf32>
        %add3A_1396 = arith.addf %mul3A_1389, %mul3A_1395 : vector<16xf32>
        %add3A_1397 = arith.constant 18 : i32
        %add3A_1398 = arith.addi %add3A_735, %add3A_1397 : i32
        %get3A_1399 = arith.index_cast %add3A_1398 : i32 to index
        %get3A_1400 = arith.constant 32 : index
        %get3A_1401 = tpu.vector_load %arg13[%get3A_1399, %get3A_1400] {strides = array<i32>} : memref<1280x64xf32, #tpu.memory_space<vmem>>, vector<16xf32>,
        %mul3A_1402 = arith.mulf %get3A_701, %get3A_1401 : vector<16xf32>
        %add3A_1403 = arith.addf %add3A_1396, %mul3A_1402 : vector<16xf32>
        %add3A_1404 = arith.constant 18 : i32
        %add3A_1405 = arith.addi %add3A_735, %add3A_1404 : i32
        %get3A_1406 = arith.index_cast %add3A_1405 : i32 to index
        %get3A_1407 = arith.constant 48 : index
        %get3A_1408 = tpu.vector_load %arg13[%get3A_1406, %get3A_1407] {strides = array<i32>} : memref<1280x64xf32, #tpu.memory_space<vmem>>, vector<16xf32>,
        %mul3A_1409 = arith.mulf %get3A_704, %get3A_1408 : vector<16xf32>
        %add3A_1410 = arith.addf %add3A_1403, %mul3A_1409 : vector<16xf32>
        %reduce_sum3A_1411 = arith.constant true
        %reduce_sum3A_1412 = vector.broadcast %reduce_sum3A_1411 : i1 to vector<16xi1>
        %reduce_sum3A_1413 = tpu.scan <sum>, %add3A_1410 masked %reduce_sum3A_1412 : vector<16xf32>, vector<16xi1> -> vector<16xf32>
        %reduce_sum3A_1414 = vector.extract %reduce_sum3A_1413[15] : f32 from vector<16xf32>
        %eq3A_1415 = arith.constant 3 : i32
        %eq3A_1416 = vector.broadcast %eq3A_1415 : i32 to vector<16xi32>
        %eq3A_1417 = arith.cmpi eq, %iota3A, %eq3A_1416 : vector<16xi32>
        %broadcast_in_dim3A_1418 = vector.broadcast %reduce_sum3A_1414 : f32 to vector<16xf32>
        %select_n3A_1419 = arith.select %eq3A_1417, %broadcast_in_dim3A_1418, %select_n3A_1383 : vector<16xi1>, vector<16xf32>
        %add3A_1420 = arith.constant 19 : i32
        %add3A_1421 = arith.addi %add3A_735, %add3A_1420 : i32
        %get3A_1422 = arith.index_cast %add3A_1421 : i32 to index
        %get3A_1423 = arith.constant 0 : index
        %get3A_1424 = tpu.vector_load %arg13[%get3A_1422, %get3A_1423] {strides = array<i32>} : memref<1280x64xf32, #tpu.memory_space<vmem>>, vector<16xf32>,
        %mul3A_1425 = arith.mulf %get3A_695, %get3A_1424 : vector<16xf32>
        %add3A_1426 = arith.constant 19 : i32
        %add3A_1427 = arith.addi %add3A_735, %add3A_1426 : i32
        %get3A_1428 = arith.index_cast %add3A_1427 : i32 to index
        %get3A_1429 = arith.constant 16 : index
        %get3A_1430 = tpu.vector_load %arg13[%get3A_1428, %get3A_1429] {strides = array<i32>} : memref<1280x64xf32, #tpu.memory_space<vmem>>, vector<16xf32>,
        %mul3A_1431 = arith.mulf %get3A_698, %get3A_1430 : vector<16xf32>
        %add3A_1432 = arith.addf %mul3A_1425, %mul3A_1431 : vector<16xf32>
        %add3A_1433 = arith.constant 19 : i32
        %add3A_1434 = arith.addi %add3A_735, %add3A_1433 : i32
        %get3A_1435 = arith.index_cast %add3A_1434 : i32 to index
        %get3A_1436 = arith.constant 32 : index
        %get3A_1437 = tpu.vector_load %arg13[%get3A_1435, %get3A_1436] {strides = array<i32>} : memref<1280x64xf32, #tpu.memory_space<vmem>>, vector<16xf32>,
        %mul3A_1438 = arith.mulf %get3A_701, %get3A_1437 : vector<16xf32>
        %add3A_1439 = arith.addf %add3A_1432, %mul3A_1438 : vector<16xf32>
        %add3A_1440 = arith.constant 19 : i32
        %add3A_1441 = arith.addi %add3A_735, %add3A_1440 : i32
        %get3A_1442 = arith.index_cast %add3A_1441 : i32 to index
        %get3A_1443 = arith.constant 48 : index
        %get3A_1444 = tpu.vector_load %arg13[%get3A_1442, %get3A_1443] {strides = array<i32>} : memref<1280x64xf32, #tpu.memory_space<vmem>>, vector<16xf32>,
        %mul3A_1445 = arith.mulf %get3A_704, %get3A_1444 : vector<16xf32>
        %add3A_1446 = arith.addf %add3A_1439, %mul3A_1445 : vector<16xf32>
        %reduce_sum3A_1447 = arith.constant true
        %reduce_sum3A_1448 = vector.broadcast %reduce_sum3A_1447 : i1 to vector<16xi1>
        %reduce_sum3A_1449 = tpu.scan <sum>, %add3A_1446 masked %reduce_sum3A_1448 : vector<16xf32>, vector<16xi1> -> vector<16xf32>
        %reduce_sum3A_1450 = vector.extract %reduce_sum3A_1449[15] : f32 from vector<16xf32>
        %eq3A_1451 = arith.constant 4 : i32
        %eq3A_1452 = vector.broadcast %eq3A_1451 : i32 to vector<16xi32>
        %eq3A_1453 = arith.cmpi eq, %iota3A, %eq3A_1452 : vector<16xi32>
        %broadcast_in_dim3A_1454 = vector.broadcast %reduce_sum3A_1450 : f32 to vector<16xf32>
        %select_n3A_1455 = arith.select %eq3A_1453, %broadcast_in_dim3A_1454, %select_n3A_1419 : vector<16xi1>, vector<16xf32>
        %swap3A = arith.index_cast %scan3A_691 : i32 to index
        %swap3A_1456 = arith.constant 0 : index
        %swap3A_1457 = tpu.vector_load %arg14[%swap3A, %swap3A_1456] {strides = array<i32>} : memref<32x32xf32, #tpu.memory_space<vmem>>, vector<16xf32>,
        tpu.vector_store %arg14[%swap3A, %swap3A_1456], %select_n3A_1275 {strides = array<i32>} : memref<32x32xf32, #tpu.memory_space<vmem>>, vector<16xf32>,
        %swap3A_1458 = arith.index_cast %scan3A_691 : i32 to index
        %swap3A_1459 = arith.constant 16 : index
        %swap3A_1460 = tpu.vector_load %arg14[%swap3A_1458, %swap3A_1459] {strides = array<i32>} : memref<32x32xf32, #tpu.memory_space<vmem>>, vector<16xf32>,
        tpu.vector_store %arg14[%swap3A_1458, %swap3A_1459], %select_n3A_1455 {strides = array<i32>} : memref<32x32xf32, #tpu.memory_space<vmem>>, vector<16xf32>,
      }
      %scan3A_418 = arith.constant 32 : i32
      %mul3A_419 = arith.constant 32 : i32
      %mul3A_420 = arith.muli %add3A_412, %mul3A_419 : i32
      %add3A_421 = arith.addi %mul3A_2, %mul3A_420 : i32
      "tpu.region"() ({
        %run_scoped3A = tpu.sem_alloc : memref<!tpu.dma_semaphore, #tpu.memory_space<semaphore_mem>>
        %dma_start3A_691 = arith.constant 0 : i32
        %dma_start3A_692 = tpu.memref_slice %arg7[%add3A_421, %dma_start3A_691] : memref<16384x32xf32, #tpu.memory_space<hbm>> -> memref<32x32xf32, #tpu.memory_space<hbm>>
        %dma_start3A_693 = arith.constant 0 : i32
        %dma_start3A_694 = tpu.memref_slice %arg7[%add3A_421, %dma_start3A_693] : memref<16384x32xf32, #tpu.memory_space<hbm>> -> memref<32x32xf32, #tpu.memory_space<hbm>>
        tpu.enqueue_dma source(%arg14 : memref<32x32xf32, #tpu.memory_space<vmem>>) target(%dma_start3A_694 : memref<32x32xf32, #tpu.memory_space<hbm>>) target_semaphore(%run_scoped3A : memref<!tpu.dma_semaphore, #tpu.memory_space<semaphore_mem>>)
        %dma_wait3A_695 = arith.constant 0 : i32
        %dma_wait3A_696 = tpu.memref_slice %arg7[%add3A_421, %dma_wait3A_695] : memref<16384x32xf32, #tpu.memory_space<hbm>> -> memref<32x32xf32, #tpu.memory_space<hbm>>
        %dma_wait3A_697 = arith.constant 0 : i32
        %dma_wait3A_698 = tpu.memref_slice %arg7[%add3A_421, %dma_wait3A_697] : memref<16384x32xf32, #tpu.memory_space<hbm>> -> memref<32x32xf32, #tpu.memory_space<hbm>>
        tpu.wait_dma2 semaphore(%run_scoped3A : memref<!tpu.dma_semaphore, #tpu.memory_space<semaphore_mem>>) src(%arg14 : memref<32x32xf32, #tpu.memory_space<vmem>>) dst(%dma_wait3A_698 : memref<32x32xf32, #tpu.memory_space<hbm>>)
        tpu.yield
      }) : () -> ()
      %add3A_422 = arith.constant 0 : i32
      %add3A_423 = arith.addi %mul3A_326, %add3A_422 : i32
      %add3A_424 = arith.constant 2 : i32
      %add3A_425 = arith.addi %add3A_423, %add3A_424 : i32
      %mul3A_426 = arith.constant 32 : i32
      %mul3A_427 = arith.muli %add3A_425, %mul3A_426 : i32
      %dma_start3A_428 = arith.constant 0 : i32
      %dma_start3A_429 = arith.constant 0 : i32
      %dma_start3A_430 = tpu.memref_slice %arg11[%dma_start3A_428, %dma_start3A_429] : memref<64x64xf32, #tpu.memory_space<vmem>> -> memref<32x64xf32, #tpu.memory_space<vmem>>
      %dma_start3A_431 = tpu.memref_slice %arg8[%mul3A_427] : memref<512xi32, #tpu.memory_space<vmem>> -> memref<32xi32, #tpu.memory_space<vmem>>
      %dma_start3A_432 = arith.constant 0 : i32
      %dma_start3A_433 = arith.constant 0 : i32
      %dma_start3A_434 = tpu.memref_slice %arg5[%dma_start3A_432, %dma_start3A_433] : memref<1000000x64xf32, #tpu.memory_space<hbm>> -> memref<1000000x64xf32, #tpu.memory_space<hbm>>
      tpu.enqueue_indirect_dma source(%dma_start3A_434 : memref<1000000x64xf32, #tpu.memory_space<hbm>>) target(%dma_start3A_430 : memref<32x64xf32, #tpu.memory_space<vmem>>) offsets(%dma_start3A_431 : memref<32xi32, #tpu.memory_space<vmem>>) semaphore(%arg15 : memref<!tpu.dma_semaphore, #tpu.memory_space<semaphore_mem>>)
      %mul3A_435 = arith.constant 32 : i32
      %mul3A_436 = arith.muli %add3A_425, %mul3A_435 : i32
      %dma_start3A_437 = arith.constant 0 : i32
      %dma_start3A_438 = arith.constant 0 : i32
      %dma_start3A_439 = tpu.memref_slice %arg12[%dma_start3A_437, %dma_start3A_438] : memref<64x64xf32, #tpu.memory_space<vmem>> -> memref<32x64xf32, #tpu.memory_space<vmem>>
      %dma_start3A_440 = tpu.memref_slice %arg9[%mul3A_436] : memref<512xi32, #tpu.memory_space<vmem>> -> memref<32xi32, #tpu.memory_space<vmem>>
      %dma_start3A_441 = arith.constant 0 : i32
      %dma_start3A_442 = arith.constant 0 : i32
      %dma_start3A_443 = tpu.memref_slice %arg6[%dma_start3A_441, %dma_start3A_442] : memref<1000000x64xf32, #tpu.memory_space<hbm>> -> memref<1000000x64xf32, #tpu.memory_space<hbm>>
      tpu.enqueue_indirect_dma source(%dma_start3A_443 : memref<1000000x64xf32, #tpu.memory_space<hbm>>) target(%dma_start3A_439 : memref<32x64xf32, #tpu.memory_space<vmem>>) offsets(%dma_start3A_440 : memref<32xi32, #tpu.memory_space<vmem>>) semaphore(%arg15 : memref<!tpu.dma_semaphore, #tpu.memory_space<semaphore_mem>>)
      %mul3A_444 = arith.constant 5 : i32
      %mul3A_445 = arith.muli %add3A_425, %mul3A_444 : i32
      %add3A_446 = arith.constant 0 : i32
      %add3A_447 = arith.addi %mul3A_445, %add3A_446 : i32
      %dma_start3A_448 = arith.constant 0 : i32
      %dma_start3A_449 = arith.constant 0 : i32
      %dma_start3A_450 = tpu.memref_slice %arg13[%dma_start3A_448, %dma_start3A_449] : memref<1280x64xf32, #tpu.memory_space<vmem>> -> memref<128x64xf32, #tpu.memory_space<vmem>>
      %dma_start3A_451 = arith.constant 0 : i32
      %dma_start3A_452 = tpu.memref_slice %arg10[%add3A_447, %dma_start3A_451] : memref<80x128xi32, #tpu.memory_space<vmem>> -> memref<1x128xi32, #tpu.memory_space<vmem>>
      %dma_start3A_453 = tpu.memref_squeeze %dma_start3A_452 : memref<1x128xi32, #tpu.memory_space<vmem>> -> memref<128xi32, #tpu.memory_space<vmem>>
      %dma_start3A_454 = arith.constant 0 : i32
      %dma_start3A_455 = arith.constant 0 : i32
      %dma_start3A_456 = tpu.memref_slice %arg6[%dma_start3A_454, %dma_start3A_455] : memref<1000000x64xf32, #tpu.memory_space<hbm>> -> memref<1000000x64xf32, #tpu.memory_space<hbm>>
      tpu.enqueue_indirect_dma source(%dma_start3A_456 : memref<1000000x64xf32, #tpu.memory_space<hbm>>) target(%dma_start3A_450 : memref<128x64xf32, #tpu.memory_space<vmem>>) offsets(%dma_start3A_453 : memref<128xi32, #tpu.memory_space<vmem>>) semaphore(%arg15 : memref<!tpu.dma_semaphore, #tpu.memory_space<semaphore_mem>>)
      %mul3A_457 = arith.constant 5 : i32
      %mul3A_458 = arith.muli %add3A_425, %mul3A_457 : i32
      %add3A_459 = arith.constant 1 : i32
      %add3A_460 = arith.addi %mul3A_458, %add3A_459 : i32
      %dma_start3A_461 = arith.constant 128 : i32
      %dma_start3A_462 = arith.constant 0 : i32
      %dma_start3A_463 = tpu.memref_slice %arg13[%dma_start3A_461, %dma_start3A_462] : memref<1280x64xf32, #tpu.memory_space<vmem>> -> memref<128x64xf32, #tpu.memory_space<vmem>>
      %dma_start3A_464 = arith.constant 0 : i32
      %dma_start3A_465 = tpu.memref_slice %arg10[%add3A_460, %dma_start3A_464] : memref<80x128xi32, #tpu.memory_space<vmem>> -> memref<1x128xi32, #tpu.memory_space<vmem>>
      %dma_start3A_466 = tpu.memref_squeeze %dma_start3A_465 : memref<1x128xi32, #tpu.memory_space<vmem>> -> memref<128xi32, #tpu.memory_space<vmem>>
      %dma_start3A_467 = arith.constant 0 : i32
      %dma_start3A_468 = arith.constant 0 : i32
      %dma_start3A_469 = tpu.memref_slice %arg6[%dma_start3A_467, %dma_start3A_468] : memref<1000000x64xf32, #tpu.memory_space<hbm>> -> memref<1000000x64xf32, #tpu.memory_space<hbm>>
      tpu.enqueue_indirect_dma source(%dma_start3A_469 : memref<1000000x64xf32, #tpu.memory_space<hbm>>) target(%dma_start3A_463 : memref<128x64xf32, #tpu.memory_space<vmem>>) offsets(%dma_start3A_466 : memref<128xi32, #tpu.memory_space<vmem>>) semaphore(%arg15 : memref<!tpu.dma_semaphore, #tpu.memory_space<semaphore_mem>>)
      %mul3A_470 = arith.constant 5 : i32
      %mul3A_471 = arith.muli %add3A_425, %mul3A_470 : i32
      %add3A_472 = arith.constant 2 : i32
      %add3A_473 = arith.addi %mul3A_471, %add3A_472 : i32
      %dma_start3A_474 = arith.constant 256 : i32
      %dma_start3A_475 = arith.constant 0 : i32
      %dma_start3A_476 = tpu.memref_slice %arg13[%dma_start3A_474, %dma_start3A_475] : memref<1280x64xf32, #tpu.memory_space<vmem>> -> memref<128x64xf32, #tpu.memory_space<vmem>>
      %dma_start3A_477 = arith.constant 0 : i32
      %dma_start3A_478 = tpu.memref_slice %arg10[%add3A_473, %dma_start3A_477] : memref<80x128xi32, #tpu.memory_space<vmem>> -> memref<1x128xi32, #tpu.memory_space<vmem>>
      %dma_start3A_479 = tpu.memref_squeeze %dma_start3A_478 : memref<1x128xi32, #tpu.memory_space<vmem>> -> memref<128xi32, #tpu.memory_space<vmem>>
      %dma_start3A_480 = arith.constant 0 : i32
      %dma_start3A_481 = arith.constant 0 : i32
      %dma_start3A_482 = tpu.memref_slice %arg6[%dma_start3A_480, %dma_start3A_481] : memref<1000000x64xf32, #tpu.memory_space<hbm>> -> memref<1000000x64xf32, #tpu.memory_space<hbm>>
      tpu.enqueue_indirect_dma source(%dma_start3A_482 : memref<1000000x64xf32, #tpu.memory_space<hbm>>) target(%dma_start3A_476 : memref<128x64xf32, #tpu.memory_space<vmem>>) offsets(%dma_start3A_479 : memref<128xi32, #tpu.memory_space<vmem>>) semaphore(%arg15 : memref<!tpu.dma_semaphore, #tpu.memory_space<semaphore_mem>>)
      %mul3A_483 = arith.constant 5 : i32
      %mul3A_484 = arith.muli %add3A_425, %mul3A_483 : i32
      %add3A_485 = arith.constant 3 : i32
      %add3A_486 = arith.addi %mul3A_484, %add3A_485 : i32
      %dma_start3A_487 = arith.constant 384 : i32
      %dma_start3A_488 = arith.constant 0 : i32
      %dma_start3A_489 = tpu.memref_slice %arg13[%dma_start3A_487, %dma_start3A_488] : memref<1280x64xf32, #tpu.memory_space<vmem>> -> memref<128x64xf32, #tpu.memory_space<vmem>>
      %dma_start3A_490 = arith.constant 0 : i32
      %dma_start3A_491 = tpu.memref_slice %arg10[%add3A_486, %dma_start3A_490] : memref<80x128xi32, #tpu.memory_space<vmem>> -> memref<1x128xi32, #tpu.memory_space<vmem>>
      %dma_start3A_492 = tpu.memref_squeeze %dma_start3A_491 : memref<1x128xi32, #tpu.memory_space<vmem>> -> memref<128xi32, #tpu.memory_space<vmem>>
      %dma_start3A_493 = arith.constant 0 : i32
      %dma_start3A_494 = arith.constant 0 : i32
      %dma_start3A_495 = tpu.memref_slice %arg6[%dma_start3A_493, %dma_start3A_494] : memref<1000000x64xf32, #tpu.memory_space<hbm>> -> memref<1000000x64xf32, #tpu.memory_space<hbm>>
      tpu.enqueue_indirect_dma source(%dma_start3A_495 : memref<1000000x64xf32, #tpu.memory_space<hbm>>) target(%dma_start3A_489 : memref<128x64xf32, #tpu.memory_space<vmem>>) offsets(%dma_start3A_492 : memref<128xi32, #tpu.memory_space<vmem>>) semaphore(%arg15 : memref<!tpu.dma_semaphore, #tpu.memory_space<semaphore_mem>>)
      %mul3A_496 = arith.constant 5 : i32
      %mul3A_497 = arith.muli %add3A_425, %mul3A_496 : i32
      %add3A_498 = arith.constant 4 : i32
      %add3A_499 = arith.addi %mul3A_497, %add3A_498 : i32
      %dma_start3A_500 = arith.constant 512 : i32
      %dma_start3A_501 = arith.constant 0 : i32
      %dma_start3A_502 = tpu.memref_slice %arg13[%dma_start3A_500, %dma_start3A_501] : memref<1280x64xf32, #tpu.memory_space<vmem>> -> memref<128x64xf32, #tpu.memory_space<vmem>>
      %dma_start3A_503 = arith.constant 0 : i32
      %dma_start3A_504 = tpu.memref_slice %arg10[%add3A_499, %dma_start3A_503] : memref<80x128xi32, #tpu.memory_space<vmem>> -> memref<1x128xi32, #tpu.memory_space<vmem>>
      %dma_start3A_505 = tpu.memref_squeeze %dma_start3A_504 : memref<1x128xi32, #tpu.memory_space<vmem>> -> memref<128xi32, #tpu.memory_space<vmem>>
      %dma_start3A_506 = arith.constant 0 : i32
      %dma_start3A_507 = arith.constant 0 : i32
      %dma_start3A_508 = tpu.memref_slice %arg6[%dma_start3A_506, %dma_start3A_507] : memref<1000000x64xf32, #tpu.memory_space<hbm>> -> memref<1000000x64xf32, #tpu.memory_space<hbm>>
      tpu.enqueue_indirect_dma source(%dma_start3A_508 : memref<1000000x64xf32, #tpu.memory_space<hbm>>) target(%dma_start3A_502 : memref<128x64xf32, #tpu.memory_space<vmem>>) offsets(%dma_start3A_505 : memref<128xi32, #tpu.memory_space<vmem>>) semaphore(%arg15 : memref<!tpu.dma_semaphore, #tpu.memory_space<semaphore_mem>>)
      %dma_wait3A_509 = arith.constant 32 : i32
      %dma_wait3A_510 = arith.constant 0 : i32
      %dma_wait3A_511 = tpu.memref_slice %arg11[%dma_wait3A_509, %dma_wait3A_510] : memref<64x64xf32, #tpu.memory_space<vmem>> -> memref<32x64xf32, #tpu.memory_space<vmem>>
      %dma_wait3A_512 = arith.constant 0 : i32
      %dma_wait3A_513 = arith.constant 0 : i32
      %dma_wait3A_514 = tpu.memref_slice %arg5[%dma_wait3A_512, %dma_wait3A_513] : memref<1000000x64xf32, #tpu.memory_space<hbm>> -> memref<32x64xf32, #tpu.memory_space<hbm>>
      %dma_wait3A_515 = arith.constant 32 : i32
      %dma_wait3A_516 = arith.constant 0 : i32
      %dma_wait3A_517 = tpu.memref_slice %arg11[%dma_wait3A_515, %dma_wait3A_516] : memref<64x64xf32, #tpu.memory_space<vmem>> -> memref<32x64xf32, #tpu.memory_space<vmem>>
      %dma_wait3A_518 = arith.constant 0 : i32
      %dma_wait3A_519 = arith.constant 0 : i32
      %dma_wait3A_520 = tpu.memref_slice %arg5[%dma_wait3A_518, %dma_wait3A_519] : memref<1000000x64xf32, #tpu.memory_space<hbm>> -> memref<32x64xf32, #tpu.memory_space<hbm>>
      tpu.wait_dma2 semaphore(%arg16 : memref<!tpu.dma_semaphore, #tpu.memory_space<semaphore_mem>>) src(%dma_wait3A_520 : memref<32x64xf32, #tpu.memory_space<hbm>>) dst(%dma_wait3A_517 : memref<32x64xf32, #tpu.memory_space<vmem>>)
      %dma_wait3A_521 = arith.constant 32 : i32
      %dma_wait3A_522 = arith.constant 0 : i32
      %dma_wait3A_523 = tpu.memref_slice %arg12[%dma_wait3A_521, %dma_wait3A_522] : memref<64x64xf32, #tpu.memory_space<vmem>> -> memref<32x64xf32, #tpu.memory_space<vmem>>
      %dma_wait3A_524 = arith.constant 0 : i32
      %dma_wait3A_525 = arith.constant 0 : i32
      %dma_wait3A_526 = tpu.memref_slice %arg6[%dma_wait3A_524, %dma_wait3A_525] : memref<1000000x64xf32, #tpu.memory_space<hbm>> -> memref<32x64xf32, #tpu.memory_space<hbm>>
      %dma_wait3A_527 = arith.constant 32 : i32
      %dma_wait3A_528 = arith.constant 0 : i32
      %dma_wait3A_529 = tpu.memref_slice %arg12[%dma_wait3A_527, %dma_wait3A_528] : memref<64x64xf32, #tpu.memory_space<vmem>> -> memref<32x64xf32, #tpu.memory_space<vmem>>
      %dma_wait3A_530 = arith.constant 0 : i32
      %dma_wait3A_531 = arith.constant 0 : i32
      %dma_wait3A_532 = tpu.memref_slice %arg6[%dma_wait3A_530, %dma_wait3A_531] : memref<1000000x64xf32, #tpu.memory_space<hbm>> -> memref<32x64xf32, #tpu.memory_space<hbm>>
      tpu.wait_dma2 semaphore(%arg16 : memref<!tpu.dma_semaphore, #tpu.memory_space<semaphore_mem>>) src(%dma_wait3A_532 : memref<32x64xf32, #tpu.memory_space<hbm>>) dst(%dma_wait3A_529 : memref<32x64xf32, #tpu.memory_space<vmem>>)
      %dma_wait3A_533 = arith.constant 640 : i32
      %dma_wait3A_534 = arith.constant 0 : i32
      %dma_wait3A_535 = tpu.memref_slice %arg13[%dma_wait3A_533, %dma_wait3A_534] : memref<1280x64xf32, #tpu.memory_space<vmem>> -> memref<128x64xf32, #tpu.memory_space<vmem>>
      %dma_wait3A_536 = arith.constant 0 : i32
      %dma_wait3A_537 = arith.constant 0 : i32
      %dma_wait3A_538 = tpu.memref_slice %arg6[%dma_wait3A_536, %dma_wait3A_537] : memref<1000000x64xf32, #tpu.memory_space<hbm>> -> memref<128x64xf32, #tpu.memory_space<hbm>>
      %dma_wait3A_539 = arith.constant 640 : i32
      %dma_wait3A_540 = arith.constant 0 : i32
      %dma_wait3A_541 = tpu.memref_slice %arg13[%dma_wait3A_539, %dma_wait3A_540] : memref<1280x64xf32, #tpu.memory_space<vmem>> -> memref<128x64xf32, #tpu.memory_space<vmem>>
      %dma_wait3A_542 = arith.constant 0 : i32
      %dma_wait3A_543 = arith.constant 0 : i32
      %dma_wait3A_544 = tpu.memref_slice %arg6[%dma_wait3A_542, %dma_wait3A_543] : memref<1000000x64xf32, #tpu.memory_space<hbm>> -> memref<128x64xf32, #tpu.memory_space<hbm>>
      tpu.wait_dma2 semaphore(%arg16 : memref<!tpu.dma_semaphore, #tpu.memory_space<semaphore_mem>>) src(%dma_wait3A_544 : memref<128x64xf32, #tpu.memory_space<hbm>>) dst(%dma_wait3A_541 : memref<128x64xf32, #tpu.memory_space<vmem>>)
      %dma_wait3A_545 = arith.constant 768 : i32
      %dma_wait3A_546 = arith.constant 0 : i32
      %dma_wait3A_547 = tpu.memref_slice %arg13[%dma_wait3A_545, %dma_wait3A_546] : memref<1280x64xf32, #tpu.memory_space<vmem>> -> memref<128x64xf32, #tpu.memory_space<vmem>>
      %dma_wait3A_548 = arith.constant 0 : i32
      %dma_wait3A_549 = arith.constant 0 : i32
      %dma_wait3A_550 = tpu.memref_slice %arg6[%dma_wait3A_548, %dma_wait3A_549] : memref<1000000x64xf32, #tpu.memory_space<hbm>> -> memref<128x64xf32, #tpu.memory_space<hbm>>
      %dma_wait3A_551 = arith.constant 768 : i32
      %dma_wait3A_552 = arith.constant 0 : i32
      %dma_wait3A_553 = tpu.memref_slice %arg13[%dma_wait3A_551, %dma_wait3A_552] : memref<1280x64xf32, #tpu.memory_space<vmem>> -> memref<128x64xf32, #tpu.memory_space<vmem>>
      %dma_wait3A_554 = arith.constant 0 : i32
      %dma_wait3A_555 = arith.constant 0 : i32
      %dma_wait3A_556 = tpu.memref_slice %arg6[%dma_wait3A_554, %dma_wait3A_555] : memref<1000000x64xf32, #tpu.memory_space<hbm>> -> memref<128x64xf32, #tpu.memory_space<hbm>>
      tpu.wait_dma2 semaphore(%arg16 : memref<!tpu.dma_semaphore, #tpu.memory_space<semaphore_mem>>) src(%dma_wait3A_556 : memref<128x64xf32, #tpu.memory_space<hbm>>) dst(%dma_wait3A_553 : memref<128x64xf32, #tpu.memory_space<vmem>>)
      %dma_wait3A_557 = arith.constant 896 : i32
      %dma_wait3A_558 = arith.constant 0 : i32
      %dma_wait3A_559 = tpu.memref_slice %arg13[%dma_wait3A_557, %dma_wait3A_558] : memref<1280x64xf32, #tpu.memory_space<vmem>> -> memref<128x64xf32, #tpu.memory_space<vmem>>
      %dma_wait3A_560 = arith.constant 0 : i32
      %dma_wait3A_561 = arith.constant 0 : i32
      %dma_wait3A_562 = tpu.memref_slice %arg6[%dma_wait3A_560, %dma_wait3A_561] : memref<1000000x64xf32, #tpu.memory_space<hbm>> -> memref<128x64xf32, #tpu.memory_space<hbm>>
      %dma_wait3A_563 = arith.constant 896 : i32
      %dma_wait3A_564 = arith.constant 0 : i32
      %dma_wait3A_565 = tpu.memref_slice %arg13[%dma_wait3A_563, %dma_wait3A_564] : memref<1280x64xf32, #tpu.memory_space<vmem>> -> memref<128x64xf32, #tpu.memory_space<vmem>>
      %dma_wait3A_566 = arith.constant 0 : i32
      %dma_wait3A_567 = arith.constant 0 : i32
      %dma_wait3A_568 = tpu.memref_slice %arg6[%dma_wait3A_566, %dma_wait3A_567] : memref<1000000x64xf32, #tpu.memory_space<hbm>> -> memref<128x64xf32, #tpu.memory_space<hbm>>
      tpu.wait_dma2 semaphore(%arg16 : memref<!tpu.dma_semaphore, #tpu.memory_space<semaphore_mem>>) src(%dma_wait3A_568 : memref<128x64xf32, #tpu.memory_space<hbm>>) dst(%dma_wait3A_565 : memref<128x64xf32, #tpu.memory_space<vmem>>)
      %dma_wait3A_569 = arith.constant 1024 : i32
      %dma_wait3A_570 = arith.constant 0 : i32
      %dma_wait3A_571 = tpu.memref_slice %arg13[%dma_wait3A_569, %dma_wait3A_570] : memref<1280x64xf32, #tpu.memory_space<vmem>> -> memref<128x64xf32, #tpu.memory_space<vmem>>
      %dma_wait3A_572 = arith.constant 0 : i32
      %dma_wait3A_573 = arith.constant 0 : i32
      %dma_wait3A_574 = tpu.memref_slice %arg6[%dma_wait3A_572, %dma_wait3A_573] : memref<1000000x64xf32, #tpu.memory_space<hbm>> -> memref<128x64xf32, #tpu.memory_space<hbm>>
      %dma_wait3A_575 = arith.constant 1024 : i32
      %dma_wait3A_576 = arith.constant 0 : i32
      %dma_wait3A_577 = tpu.memref_slice %arg13[%dma_wait3A_575, %dma_wait3A_576] : memref<1280x64xf32, #tpu.memory_space<vmem>> -> memref<128x64xf32, #tpu.memory_space<vmem>>
      %dma_wait3A_578 = arith.constant 0 : i32
      %dma_wait3A_579 = arith.constant 0 : i32
      %dma_wait3A_580 = tpu.memref_slice %arg6[%dma_wait3A_578, %dma_wait3A_579] : memref<1000000x64xf32, #tpu.memory_space<hbm>> -> memref<128x64xf32, #tpu.memory_space<hbm>>
      tpu.wait_dma2 semaphore(%arg16 : memref<!tpu.dma_semaphore, #tpu.memory_space<semaphore_mem>>) src(%dma_wait3A_580 : memref<128x64xf32, #tpu.memory_space<hbm>>) dst(%dma_wait3A_577 : memref<128x64xf32, #tpu.memory_space<vmem>>)
      %dma_wait3A_581 = arith.constant 1152 : i32
      %dma_wait3A_582 = arith.constant 0 : i32
      %dma_wait3A_583 = tpu.memref_slice %arg13[%dma_wait3A_581, %dma_wait3A_582] : memref<1280x64xf32, #tpu.memory_space<vmem>> -> memref<128x64xf32, #tpu.memory_space<vmem>>
      %dma_wait3A_584 = arith.constant 0 : i32
      %dma_wait3A_585 = arith.constant 0 : i32
      %dma_wait3A_586 = tpu.memref_slice %arg6[%dma_wait3A_584, %dma_wait3A_585] : memref<1000000x64xf32, #tpu.memory_space<hbm>> -> memref<128x64xf32, #tpu.memory_space<hbm>>
      %dma_wait3A_587 = arith.constant 1152 : i32
      %dma_wait3A_588 = arith.constant 0 : i32
      %dma_wait3A_589 = tpu.memref_slice %arg13[%dma_wait3A_587, %dma_wait3A_588] : memref<1280x64xf32, #tpu.memory_space<vmem>> -> memref<128x64xf32, #tpu.memory_space<vmem>>
      %dma_wait3A_590 = arith.constant 0 : i32
      %dma_wait3A_591 = arith.constant 0 : i32
      %dma_wait3A_592 = tpu.memref_slice %arg6[%dma_wait3A_590, %dma_wait3A_591] : memref<1000000x64xf32, #tpu.memory_space<hbm>> -> memref<128x64xf32, #tpu.memory_space<hbm>>
      tpu.wait_dma2 semaphore(%arg16 : memref<!tpu.dma_semaphore, #tpu.memory_space<semaphore_mem>>) src(%dma_wait3A_592 : memref<128x64xf32, #tpu.memory_space<hbm>>) dst(%dma_wait3A_589 : memref<128x64xf32, #tpu.memory_space<vmem>>)
      %add3A_593 = arith.constant 1 : i32
      %add3A_594 = arith.addi %mul3A_326, %add3A_593 : i32
      %scan3A_595 = arith.constant 0 : i32
      %scan3A_596 = arith.constant 0 : i32
      %scan3A_597 = arith.constant 32 : i32
      %scan3A_598 = arith.addi %scan3A_596, %scan3A_597 : i32
      %scan3A_599 = arith.constant 1 : i32
      scf.for %scan3A_691 = %scan3A_596 to %scan3A_598 step %scan3A_599  : i32 {
        %add3A_692 = arith.constant 32 : i32
        %add3A_693 = arith.addi %add3A_692, %scan3A_691 : i32
        %get3A = arith.index_cast %add3A_693 : i32 to index
        %get3A_694 = arith.constant 0 : index
        %get3A_695 = tpu.vector_load %arg11[%get3A, %get3A_694] {strides = array<i32>} : memref<64x64xf32, #tpu.memory_space<vmem>>, vector<16xf32>,
        %get3A_696 = arith.index_cast %add3A_693 : i32 to index
        %get3A_697 = arith.constant 16 : index
        %get3A_698 = tpu.vector_load %arg11[%get3A_696, %get3A_697] {strides = array<i32>} : memref<64x64xf32, #tpu.memory_space<vmem>>, vector<16xf32>,
        %get3A_699 = arith.index_cast %add3A_693 : i32 to index
        %get3A_700 = arith.constant 32 : index
        %get3A_701 = tpu.vector_load %arg11[%get3A_699, %get3A_700] {strides = array<i32>} : memref<64x64xf32, #tpu.memory_space<vmem>>, vector<16xf32>,
        %get3A_702 = arith.index_cast %add3A_693 : i32 to index
        %get3A_703 = arith.constant 48 : index
        %get3A_704 = tpu.vector_load %arg11[%get3A_702, %get3A_703] {strides = array<i32>} : memref<64x64xf32, #tpu.memory_space<vmem>>, vector<16xf32>,
        %get3A_705 = arith.index_cast %add3A_693 : i32 to index
        %get3A_706 = arith.constant 0 : index
        %get3A_707 = tpu.vector_load %arg12[%get3A_705, %get3A_706] {strides = array<i32>} : memref<64x64xf32, #tpu.memory_space<vmem>>, vector<16xf32>,
        %mul3A_708 = arith.mulf %get3A_695, %get3A_707 : vector<16xf32>
        %get3A_709 = arith.index_cast %add3A_693 : i32 to index
        %get3A_710 = arith.constant 16 : index
        %get3A_711 = tpu.vector_load %arg12[%get3A_709, %get3A_710] {strides = array<i32>} : memref<64x64xf32, #tpu.memory_space<vmem>>, vector<16xf32>,
        %mul3A_712 = arith.mulf %get3A_698, %get3A_711 : vector<16xf32>
        %add3A_713 = arith.addf %mul3A_708, %mul3A_712 : vector<16xf32>
        %get3A_714 = arith.index_cast %add3A_693 : i32 to index
        %get3A_715 = arith.constant 32 : index
        %get3A_716 = tpu.vector_load %arg12[%get3A_714, %get3A_715] {strides = array<i32>} : memref<64x64xf32, #tpu.memory_space<vmem>>, vector<16xf32>,
        %mul3A_717 = arith.mulf %get3A_701, %get3A_716 : vector<16xf32>
        %add3A_718 = arith.addf %add3A_713, %mul3A_717 : vector<16xf32>
        %get3A_719 = arith.index_cast %add3A_693 : i32 to index
        %get3A_720 = arith.constant 48 : index
        %get3A_721 = tpu.vector_load %arg12[%get3A_719, %get3A_720] {strides = array<i32>} : memref<64x64xf32, #tpu.memory_space<vmem>>, vector<16xf32>,
        %mul3A_722 = arith.mulf %get3A_704, %get3A_721 : vector<16xf32>
        %add3A_723 = arith.addf %add3A_718, %mul3A_722 : vector<16xf32>
        %eq3A = arith.constant 0 : i32
        %eq3A_724 = vector.broadcast %eq3A : i32 to vector<16xi32>
        %eq3A_725 = arith.cmpi eq, %iota3A, %eq3A_724 : vector<16xi32>
        %reduce_sum3A = arith.constant true
        %reduce_sum3A_726 = vector.broadcast %reduce_sum3A : i1 to vector<16xi1>
        %reduce_sum3A_727 = tpu.scan <sum>, %add3A_723 masked %reduce_sum3A_726 : vector<16xf32>, vector<16xi1> -> vector<16xf32>
        %reduce_sum3A_728 = vector.extract %reduce_sum3A_727[15] : f32 from vector<16xf32>
        %jit3A = arith.constant 0.000000e+00 : f32
        %broadcast_in_dim3A = vector.broadcast %reduce_sum3A_728 : f32 to vector<16xf32>
        %broadcast_in_dim3A_729 = vector.broadcast %jit3A : f32 to vector<16xf32>
        %select_n3A = arith.select %eq3A_725, %broadcast_in_dim3A, %broadcast_in_dim3A_729 : vector<16xi1>, vector<16xf32>
        %broadcast_in_dim3A_730 = arith.constant 0.000000e+00 : f32
        %broadcast_in_dim3A_731 = vector.broadcast %broadcast_in_dim3A_730 : f32 to vector<16xf32>
        %mul3A_732 = arith.constant 20 : i32
        %mul3A_733 = arith.muli %scan3A_691, %mul3A_732 : i32
        %add3A_734 = arith.constant 640 : i32
        %add3A_735 = arith.addi %add3A_734, %mul3A_733 : i32
        %add3A_736 = arith.constant 0 : i32
        %add3A_737 = arith.addi %add3A_735, %add3A_736 : i32
        %get3A_738 = arith.index_cast %add3A_737 : i32 to index
        %get3A_739 = arith.constant 0 : index
        %get3A_740 = tpu.vector_load %arg13[%get3A_738, %get3A_739] {strides = array<i32>} : memref<1280x64xf32, #tpu.memory_space<vmem>>, vector<16xf32>,
        %mul3A_741 = arith.mulf %get3A_695, %get3A_740 : vector<16xf32>
        %add3A_742 = arith.constant 0 : i32
        %add3A_743 = arith.addi %add3A_735, %add3A_742 : i32
        %get3A_744 = arith.index_cast %add3A_743 : i32 to index
        %get3A_745 = arith.constant 16 : index
        %get3A_746 = tpu.vector_load %arg13[%get3A_744, %get3A_745] {strides = array<i32>} : memref<1280x64xf32, #tpu.memory_space<vmem>>, vector<16xf32>,
        %mul3A_747 = arith.mulf %get3A_698, %get3A_746 : vector<16xf32>
        %add3A_748 = arith.addf %mul3A_741, %mul3A_747 : vector<16xf32>
        %add3A_749 = arith.constant 0 : i32
        %add3A_750 = arith.addi %add3A_735, %add3A_749 : i32
        %get3A_751 = arith.index_cast %add3A_750 : i32 to index
        %get3A_752 = arith.constant 32 : index
        %get3A_753 = tpu.vector_load %arg13[%get3A_751, %get3A_752] {strides = array<i32>} : memref<1280x64xf32, #tpu.memory_space<vmem>>, vector<16xf32>,
        %mul3A_754 = arith.mulf %get3A_701, %get3A_753 : vector<16xf32>
        %add3A_755 = arith.addf %add3A_748, %mul3A_754 : vector<16xf32>
        %add3A_756 = arith.constant 0 : i32
        %add3A_757 = arith.addi %add3A_735, %add3A_756 : i32
        %get3A_758 = arith.index_cast %add3A_757 : i32 to index
        %get3A_759 = arith.constant 48 : index
        %get3A_760 = tpu.vector_load %arg13[%get3A_758, %get3A_759] {strides = array<i32>} : memref<1280x64xf32, #tpu.memory_space<vmem>>, vector<16xf32>,
        %mul3A_761 = arith.mulf %get3A_704, %get3A_760 : vector<16xf32>
        %add3A_762 = arith.addf %add3A_755, %mul3A_761 : vector<16xf32>
        %reduce_sum3A_763 = arith.constant true
        %reduce_sum3A_764 = vector.broadcast %reduce_sum3A_763 : i1 to vector<16xi1>
        %reduce_sum3A_765 = tpu.scan <sum>, %add3A_762 masked %reduce_sum3A_764 : vector<16xf32>, vector<16xi1> -> vector<16xf32>
        %reduce_sum3A_766 = vector.extract %reduce_sum3A_765[15] : f32 from vector<16xf32>
        %eq3A_767 = arith.constant 1 : i32
        %eq3A_768 = vector.broadcast %eq3A_767 : i32 to vector<16xi32>
        %eq3A_769 = arith.cmpi eq, %iota3A, %eq3A_768 : vector<16xi32>
        %broadcast_in_dim3A_770 = vector.broadcast %reduce_sum3A_766 : f32 to vector<16xf32>
        %select_n3A_771 = arith.select %eq3A_769, %broadcast_in_dim3A_770, %select_n3A : vector<16xi1>, vector<16xf32>
        %add3A_772 = arith.constant 1 : i32
        %add3A_773 = arith.addi %add3A_735, %add3A_772 : i32
        %get3A_774 = arith.index_cast %add3A_773 : i32 to index
        %get3A_775 = arith.constant 0 : index
        %get3A_776 = tpu.vector_load %arg13[%get3A_774, %get3A_775] {strides = array<i32>} : memref<1280x64xf32, #tpu.memory_space<vmem>>, vector<16xf32>,
        %mul3A_777 = arith.mulf %get3A_695, %get3A_776 : vector<16xf32>
        %add3A_778 = arith.constant 1 : i32
        %add3A_779 = arith.addi %add3A_735, %add3A_778 : i32
        %get3A_780 = arith.index_cast %add3A_779 : i32 to index
        %get3A_781 = arith.constant 16 : index
        %get3A_782 = tpu.vector_load %arg13[%get3A_780, %get3A_781] {strides = array<i32>} : memref<1280x64xf32, #tpu.memory_space<vmem>>, vector<16xf32>,
        %mul3A_783 = arith.mulf %get3A_698, %get3A_782 : vector<16xf32>
        %add3A_784 = arith.addf %mul3A_777, %mul3A_783 : vector<16xf32>
        %add3A_785 = arith.constant 1 : i32
        %add3A_786 = arith.addi %add3A_735, %add3A_785 : i32
        %get3A_787 = arith.index_cast %add3A_786 : i32 to index
        %get3A_788 = arith.constant 32 : index
        %get3A_789 = tpu.vector_load %arg13[%get3A_787, %get3A_788] {strides = array<i32>} : memref<1280x64xf32, #tpu.memory_space<vmem>>, vector<16xf32>,
        %mul3A_790 = arith.mulf %get3A_701, %get3A_789 : vector<16xf32>
        %add3A_791 = arith.addf %add3A_784, %mul3A_790 : vector<16xf32>
        %add3A_792 = arith.constant 1 : i32
        %add3A_793 = arith.addi %add3A_735, %add3A_792 : i32
        %get3A_794 = arith.index_cast %add3A_793 : i32 to index
        %get3A_795 = arith.constant 48 : index
        %get3A_796 = tpu.vector_load %arg13[%get3A_794, %get3A_795] {strides = array<i32>} : memref<1280x64xf32, #tpu.memory_space<vmem>>, vector<16xf32>,
        %mul3A_797 = arith.mulf %get3A_704, %get3A_796 : vector<16xf32>
        %add3A_798 = arith.addf %add3A_791, %mul3A_797 : vector<16xf32>
        %reduce_sum3A_799 = arith.constant true
        %reduce_sum3A_800 = vector.broadcast %reduce_sum3A_799 : i1 to vector<16xi1>
        %reduce_sum3A_801 = tpu.scan <sum>, %add3A_798 masked %reduce_sum3A_800 : vector<16xf32>, vector<16xi1> -> vector<16xf32>
        %reduce_sum3A_802 = vector.extract %reduce_sum3A_801[15] : f32 from vector<16xf32>
        %eq3A_803 = arith.constant 2 : i32
        %eq3A_804 = vector.broadcast %eq3A_803 : i32 to vector<16xi32>
        %eq3A_805 = arith.cmpi eq, %iota3A, %eq3A_804 : vector<16xi32>
        %broadcast_in_dim3A_806 = vector.broadcast %reduce_sum3A_802 : f32 to vector<16xf32>
        %select_n3A_807 = arith.select %eq3A_805, %broadcast_in_dim3A_806, %select_n3A_771 : vector<16xi1>, vector<16xf32>
        %add3A_808 = arith.constant 2 : i32
        %add3A_809 = arith.addi %add3A_735, %add3A_808 : i32
        %get3A_810 = arith.index_cast %add3A_809 : i32 to index
        %get3A_811 = arith.constant 0 : index
        %get3A_812 = tpu.vector_load %arg13[%get3A_810, %get3A_811] {strides = array<i32>} : memref<1280x64xf32, #tpu.memory_space<vmem>>, vector<16xf32>,
        %mul3A_813 = arith.mulf %get3A_695, %get3A_812 : vector<16xf32>
        %add3A_814 = arith.constant 2 : i32
        %add3A_815 = arith.addi %add3A_735, %add3A_814 : i32
        %get3A_816 = arith.index_cast %add3A_815 : i32 to index
        %get3A_817 = arith.constant 16 : index
        %get3A_818 = tpu.vector_load %arg13[%get3A_816, %get3A_817] {strides = array<i32>} : memref<1280x64xf32, #tpu.memory_space<vmem>>, vector<16xf32>,
        %mul3A_819 = arith.mulf %get3A_698, %get3A_818 : vector<16xf32>
        %add3A_820 = arith.addf %mul3A_813, %mul3A_819 : vector<16xf32>
        %add3A_821 = arith.constant 2 : i32
        %add3A_822 = arith.addi %add3A_735, %add3A_821 : i32
        %get3A_823 = arith.index_cast %add3A_822 : i32 to index
        %get3A_824 = arith.constant 32 : index
        %get3A_825 = tpu.vector_load %arg13[%get3A_823, %get3A_824] {strides = array<i32>} : memref<1280x64xf32, #tpu.memory_space<vmem>>, vector<16xf32>,
        %mul3A_826 = arith.mulf %get3A_701, %get3A_825 : vector<16xf32>
        %add3A_827 = arith.addf %add3A_820, %mul3A_826 : vector<16xf32>
        %add3A_828 = arith.constant 2 : i32
        %add3A_829 = arith.addi %add3A_735, %add3A_828 : i32
        %get3A_830 = arith.index_cast %add3A_829 : i32 to index
        %get3A_831 = arith.constant 48 : index
        %get3A_832 = tpu.vector_load %arg13[%get3A_830, %get3A_831] {strides = array<i32>} : memref<1280x64xf32, #tpu.memory_space<vmem>>, vector<16xf32>,
        %mul3A_833 = arith.mulf %get3A_704, %get3A_832 : vector<16xf32>
        %add3A_834 = arith.addf %add3A_827, %mul3A_833 : vector<16xf32>
        %reduce_sum3A_835 = arith.constant true
        %reduce_sum3A_836 = vector.broadcast %reduce_sum3A_835 : i1 to vector<16xi1>
        %reduce_sum3A_837 = tpu.scan <sum>, %add3A_834 masked %reduce_sum3A_836 : vector<16xf32>, vector<16xi1> -> vector<16xf32>
        %reduce_sum3A_838 = vector.extract %reduce_sum3A_837[15] : f32 from vector<16xf32>
        %eq3A_839 = arith.constant 3 : i32
        %eq3A_840 = vector.broadcast %eq3A_839 : i32 to vector<16xi32>
        %eq3A_841 = arith.cmpi eq, %iota3A, %eq3A_840 : vector<16xi32>
        %broadcast_in_dim3A_842 = vector.broadcast %reduce_sum3A_838 : f32 to vector<16xf32>
        %select_n3A_843 = arith.select %eq3A_841, %broadcast_in_dim3A_842, %select_n3A_807 : vector<16xi1>, vector<16xf32>
        %add3A_844 = arith.constant 3 : i32
        %add3A_845 = arith.addi %add3A_735, %add3A_844 : i32
        %get3A_846 = arith.index_cast %add3A_845 : i32 to index
        %get3A_847 = arith.constant 0 : index
        %get3A_848 = tpu.vector_load %arg13[%get3A_846, %get3A_847] {strides = array<i32>} : memref<1280x64xf32, #tpu.memory_space<vmem>>, vector<16xf32>,
        %mul3A_849 = arith.mulf %get3A_695, %get3A_848 : vector<16xf32>
        %add3A_850 = arith.constant 3 : i32
        %add3A_851 = arith.addi %add3A_735, %add3A_850 : i32
        %get3A_852 = arith.index_cast %add3A_851 : i32 to index
        %get3A_853 = arith.constant 16 : index
        %get3A_854 = tpu.vector_load %arg13[%get3A_852, %get3A_853] {strides = array<i32>} : memref<1280x64xf32, #tpu.memory_space<vmem>>, vector<16xf32>,
        %mul3A_855 = arith.mulf %get3A_698, %get3A_854 : vector<16xf32>
        %add3A_856 = arith.addf %mul3A_849, %mul3A_855 : vector<16xf32>
        %add3A_857 = arith.constant 3 : i32
        %add3A_858 = arith.addi %add3A_735, %add3A_857 : i32
        %get3A_859 = arith.index_cast %add3A_858 : i32 to index
        %get3A_860 = arith.constant 32 : index
        %get3A_861 = tpu.vector_load %arg13[%get3A_859, %get3A_860] {strides = array<i32>} : memref<1280x64xf32, #tpu.memory_space<vmem>>, vector<16xf32>,
        %mul3A_862 = arith.mulf %get3A_701, %get3A_861 : vector<16xf32>
        %add3A_863 = arith.addf %add3A_856, %mul3A_862 : vector<16xf32>
        %add3A_864 = arith.constant 3 : i32
        %add3A_865 = arith.addi %add3A_735, %add3A_864 : i32
        %get3A_866 = arith.index_cast %add3A_865 : i32 to index
        %get3A_867 = arith.constant 48 : index
        %get3A_868 = tpu.vector_load %arg13[%get3A_866, %get3A_867] {strides = array<i32>} : memref<1280x64xf32, #tpu.memory_space<vmem>>, vector<16xf32>,
        %mul3A_869 = arith.mulf %get3A_704, %get3A_868 : vector<16xf32>
        %add3A_870 = arith.addf %add3A_863, %mul3A_869 : vector<16xf32>
        %reduce_sum3A_871 = arith.constant true
        %reduce_sum3A_872 = vector.broadcast %reduce_sum3A_871 : i1 to vector<16xi1>
        %reduce_sum3A_873 = tpu.scan <sum>, %add3A_870 masked %reduce_sum3A_872 : vector<16xf32>, vector<16xi1> -> vector<16xf32>
        %reduce_sum3A_874 = vector.extract %reduce_sum3A_873[15] : f32 from vector<16xf32>
        %eq3A_875 = arith.constant 4 : i32
        %eq3A_876 = vector.broadcast %eq3A_875 : i32 to vector<16xi32>
        %eq3A_877 = arith.cmpi eq, %iota3A, %eq3A_876 : vector<16xi32>
        %broadcast_in_dim3A_878 = vector.broadcast %reduce_sum3A_874 : f32 to vector<16xf32>
        %select_n3A_879 = arith.select %eq3A_877, %broadcast_in_dim3A_878, %select_n3A_843 : vector<16xi1>, vector<16xf32>
        %add3A_880 = arith.constant 4 : i32
        %add3A_881 = arith.addi %add3A_735, %add3A_880 : i32
        %get3A_882 = arith.index_cast %add3A_881 : i32 to index
        %get3A_883 = arith.constant 0 : index
        %get3A_884 = tpu.vector_load %arg13[%get3A_882, %get3A_883] {strides = array<i32>} : memref<1280x64xf32, #tpu.memory_space<vmem>>, vector<16xf32>,
        %mul3A_885 = arith.mulf %get3A_695, %get3A_884 : vector<16xf32>
        %add3A_886 = arith.constant 4 : i32
        %add3A_887 = arith.addi %add3A_735, %add3A_886 : i32
        %get3A_888 = arith.index_cast %add3A_887 : i32 to index
        %get3A_889 = arith.constant 16 : index
        %get3A_890 = tpu.vector_load %arg13[%get3A_888, %get3A_889] {strides = array<i32>} : memref<1280x64xf32, #tpu.memory_space<vmem>>, vector<16xf32>,
        %mul3A_891 = arith.mulf %get3A_698, %get3A_890 : vector<16xf32>
        %add3A_892 = arith.addf %mul3A_885, %mul3A_891 : vector<16xf32>
        %add3A_893 = arith.constant 4 : i32
        %add3A_894 = arith.addi %add3A_735, %add3A_893 : i32
        %get3A_895 = arith.index_cast %add3A_894 : i32 to index
        %get3A_896 = arith.constant 32 : index
        %get3A_897 = tpu.vector_load %arg13[%get3A_895, %get3A_896] {strides = array<i32>} : memref<1280x64xf32, #tpu.memory_space<vmem>>, vector<16xf32>,
        %mul3A_898 = arith.mulf %get3A_701, %get3A_897 : vector<16xf32>
        %add3A_899 = arith.addf %add3A_892, %mul3A_898 : vector<16xf32>
        %add3A_900 = arith.constant 4 : i32
        %add3A_901 = arith.addi %add3A_735, %add3A_900 : i32
        %get3A_902 = arith.index_cast %add3A_901 : i32 to index
        %get3A_903 = arith.constant 48 : index
        %get3A_904 = tpu.vector_load %arg13[%get3A_902, %get3A_903] {strides = array<i32>} : memref<1280x64xf32, #tpu.memory_space<vmem>>, vector<16xf32>,
        %mul3A_905 = arith.mulf %get3A_704, %get3A_904 : vector<16xf32>
        %add3A_906 = arith.addf %add3A_899, %mul3A_905 : vector<16xf32>
        %reduce_sum3A_907 = arith.constant true
        %reduce_sum3A_908 = vector.broadcast %reduce_sum3A_907 : i1 to vector<16xi1>
        %reduce_sum3A_909 = tpu.scan <sum>, %add3A_906 masked %reduce_sum3A_908 : vector<16xf32>, vector<16xi1> -> vector<16xf32>
        %reduce_sum3A_910 = vector.extract %reduce_sum3A_909[15] : f32 from vector<16xf32>
        %eq3A_911 = arith.constant 5 : i32
        %eq3A_912 = vector.broadcast %eq3A_911 : i32 to vector<16xi32>
        %eq3A_913 = arith.cmpi eq, %iota3A, %eq3A_912 : vector<16xi32>
        %broadcast_in_dim3A_914 = vector.broadcast %reduce_sum3A_910 : f32 to vector<16xf32>
        %select_n3A_915 = arith.select %eq3A_913, %broadcast_in_dim3A_914, %select_n3A_879 : vector<16xi1>, vector<16xf32>
        %add3A_916 = arith.constant 5 : i32
        %add3A_917 = arith.addi %add3A_735, %add3A_916 : i32
        %get3A_918 = arith.index_cast %add3A_917 : i32 to index
        %get3A_919 = arith.constant 0 : index
        %get3A_920 = tpu.vector_load %arg13[%get3A_918, %get3A_919] {strides = array<i32>} : memref<1280x64xf32, #tpu.memory_space<vmem>>, vector<16xf32>,
        %mul3A_921 = arith.mulf %get3A_695, %get3A_920 : vector<16xf32>
        %add3A_922 = arith.constant 5 : i32
        %add3A_923 = arith.addi %add3A_735, %add3A_922 : i32
        %get3A_924 = arith.index_cast %add3A_923 : i32 to index
        %get3A_925 = arith.constant 16 : index
        %get3A_926 = tpu.vector_load %arg13[%get3A_924, %get3A_925] {strides = array<i32>} : memref<1280x64xf32, #tpu.memory_space<vmem>>, vector<16xf32>,
        %mul3A_927 = arith.mulf %get3A_698, %get3A_926 : vector<16xf32>
        %add3A_928 = arith.addf %mul3A_921, %mul3A_927 : vector<16xf32>
        %add3A_929 = arith.constant 5 : i32
        %add3A_930 = arith.addi %add3A_735, %add3A_929 : i32
        %get3A_931 = arith.index_cast %add3A_930 : i32 to index
        %get3A_932 = arith.constant 32 : index
        %get3A_933 = tpu.vector_load %arg13[%get3A_931, %get3A_932] {strides = array<i32>} : memref<1280x64xf32, #tpu.memory_space<vmem>>, vector<16xf32>,
        %mul3A_934 = arith.mulf %get3A_701, %get3A_933 : vector<16xf32>
        %add3A_935 = arith.addf %add3A_928, %mul3A_934 : vector<16xf32>
        %add3A_936 = arith.constant 5 : i32
        %add3A_937 = arith.addi %add3A_735, %add3A_936 : i32
        %get3A_938 = arith.index_cast %add3A_937 : i32 to index
        %get3A_939 = arith.constant 48 : index
        %get3A_940 = tpu.vector_load %arg13[%get3A_938, %get3A_939] {strides = array<i32>} : memref<1280x64xf32, #tpu.memory_space<vmem>>, vector<16xf32>,
        %mul3A_941 = arith.mulf %get3A_704, %get3A_940 : vector<16xf32>
        %add3A_942 = arith.addf %add3A_935, %mul3A_941 : vector<16xf32>
        %reduce_sum3A_943 = arith.constant true
        %reduce_sum3A_944 = vector.broadcast %reduce_sum3A_943 : i1 to vector<16xi1>
        %reduce_sum3A_945 = tpu.scan <sum>, %add3A_942 masked %reduce_sum3A_944 : vector<16xf32>, vector<16xi1> -> vector<16xf32>
        %reduce_sum3A_946 = vector.extract %reduce_sum3A_945[15] : f32 from vector<16xf32>
        %eq3A_947 = arith.constant 6 : i32
        %eq3A_948 = vector.broadcast %eq3A_947 : i32 to vector<16xi32>
        %eq3A_949 = arith.cmpi eq, %iota3A, %eq3A_948 : vector<16xi32>
        %broadcast_in_dim3A_950 = vector.broadcast %reduce_sum3A_946 : f32 to vector<16xf32>
        %select_n3A_951 = arith.select %eq3A_949, %broadcast_in_dim3A_950, %select_n3A_915 : vector<16xi1>, vector<16xf32>
        %add3A_952 = arith.constant 6 : i32
        %add3A_953 = arith.addi %add3A_735, %add3A_952 : i32
        %get3A_954 = arith.index_cast %add3A_953 : i32 to index
        %get3A_955 = arith.constant 0 : index
        %get3A_956 = tpu.vector_load %arg13[%get3A_954, %get3A_955] {strides = array<i32>} : memref<1280x64xf32, #tpu.memory_space<vmem>>, vector<16xf32>,
        %mul3A_957 = arith.mulf %get3A_695, %get3A_956 : vector<16xf32>
        %add3A_958 = arith.constant 6 : i32
        %add3A_959 = arith.addi %add3A_735, %add3A_958 : i32
        %get3A_960 = arith.index_cast %add3A_959 : i32 to index
        %get3A_961 = arith.constant 16 : index
        %get3A_962 = tpu.vector_load %arg13[%get3A_960, %get3A_961] {strides = array<i32>} : memref<1280x64xf32, #tpu.memory_space<vmem>>, vector<16xf32>,
        %mul3A_963 = arith.mulf %get3A_698, %get3A_962 : vector<16xf32>
        %add3A_964 = arith.addf %mul3A_957, %mul3A_963 : vector<16xf32>
        %add3A_965 = arith.constant 6 : i32
        %add3A_966 = arith.addi %add3A_735, %add3A_965 : i32
        %get3A_967 = arith.index_cast %add3A_966 : i32 to index
        %get3A_968 = arith.constant 32 : index
        %get3A_969 = tpu.vector_load %arg13[%get3A_967, %get3A_968] {strides = array<i32>} : memref<1280x64xf32, #tpu.memory_space<vmem>>, vector<16xf32>,
        %mul3A_970 = arith.mulf %get3A_701, %get3A_969 : vector<16xf32>
        %add3A_971 = arith.addf %add3A_964, %mul3A_970 : vector<16xf32>
        %add3A_972 = arith.constant 6 : i32
        %add3A_973 = arith.addi %add3A_735, %add3A_972 : i32
        %get3A_974 = arith.index_cast %add3A_973 : i32 to index
        %get3A_975 = arith.constant 48 : index
        %get3A_976 = tpu.vector_load %arg13[%get3A_974, %get3A_975] {strides = array<i32>} : memref<1280x64xf32, #tpu.memory_space<vmem>>, vector<16xf32>,
        %mul3A_977 = arith.mulf %get3A_704, %get3A_976 : vector<16xf32>
        %add3A_978 = arith.addf %add3A_971, %mul3A_977 : vector<16xf32>
        %reduce_sum3A_979 = arith.constant true
        %reduce_sum3A_980 = vector.broadcast %reduce_sum3A_979 : i1 to vector<16xi1>
        %reduce_sum3A_981 = tpu.scan <sum>, %add3A_978 masked %reduce_sum3A_980 : vector<16xf32>, vector<16xi1> -> vector<16xf32>
        %reduce_sum3A_982 = vector.extract %reduce_sum3A_981[15] : f32 from vector<16xf32>
        %eq3A_983 = arith.constant 7 : i32
        %eq3A_984 = vector.broadcast %eq3A_983 : i32 to vector<16xi32>
        %eq3A_985 = arith.cmpi eq, %iota3A, %eq3A_984 : vector<16xi32>
        %broadcast_in_dim3A_986 = vector.broadcast %reduce_sum3A_982 : f32 to vector<16xf32>
        %select_n3A_987 = arith.select %eq3A_985, %broadcast_in_dim3A_986, %select_n3A_951 : vector<16xi1>, vector<16xf32>
        %add3A_988 = arith.constant 7 : i32
        %add3A_989 = arith.addi %add3A_735, %add3A_988 : i32
        %get3A_990 = arith.index_cast %add3A_989 : i32 to index
        %get3A_991 = arith.constant 0 : index
        %get3A_992 = tpu.vector_load %arg13[%get3A_990, %get3A_991] {strides = array<i32>} : memref<1280x64xf32, #tpu.memory_space<vmem>>, vector<16xf32>,
        %mul3A_993 = arith.mulf %get3A_695, %get3A_992 : vector<16xf32>
        %add3A_994 = arith.constant 7 : i32
        %add3A_995 = arith.addi %add3A_735, %add3A_994 : i32
        %get3A_996 = arith.index_cast %add3A_995 : i32 to index
        %get3A_997 = arith.constant 16 : index
        %get3A_998 = tpu.vector_load %arg13[%get3A_996, %get3A_997] {strides = array<i32>} : memref<1280x64xf32, #tpu.memory_space<vmem>>, vector<16xf32>,
        %mul3A_999 = arith.mulf %get3A_698, %get3A_998 : vector<16xf32>
        %add3A_1000 = arith.addf %mul3A_993, %mul3A_999 : vector<16xf32>
        %add3A_1001 = arith.constant 7 : i32
        %add3A_1002 = arith.addi %add3A_735, %add3A_1001 : i32
        %get3A_1003 = arith.index_cast %add3A_1002 : i32 to index
        %get3A_1004 = arith.constant 32 : index
        %get3A_1005 = tpu.vector_load %arg13[%get3A_1003, %get3A_1004] {strides = array<i32>} : memref<1280x64xf32, #tpu.memory_space<vmem>>, vector<16xf32>,
        %mul3A_1006 = arith.mulf %get3A_701, %get3A_1005 : vector<16xf32>
        %add3A_1007 = arith.addf %add3A_1000, %mul3A_1006 : vector<16xf32>
        %add3A_1008 = arith.constant 7 : i32
        %add3A_1009 = arith.addi %add3A_735, %add3A_1008 : i32
        %get3A_1010 = arith.index_cast %add3A_1009 : i32 to index
        %get3A_1011 = arith.constant 48 : index
        %get3A_1012 = tpu.vector_load %arg13[%get3A_1010, %get3A_1011] {strides = array<i32>} : memref<1280x64xf32, #tpu.memory_space<vmem>>, vector<16xf32>,
        %mul3A_1013 = arith.mulf %get3A_704, %get3A_1012 : vector<16xf32>
        %add3A_1014 = arith.addf %add3A_1007, %mul3A_1013 : vector<16xf32>
        %reduce_sum3A_1015 = arith.constant true
        %reduce_sum3A_1016 = vector.broadcast %reduce_sum3A_1015 : i1 to vector<16xi1>
        %reduce_sum3A_1017 = tpu.scan <sum>, %add3A_1014 masked %reduce_sum3A_1016 : vector<16xf32>, vector<16xi1> -> vector<16xf32>
        %reduce_sum3A_1018 = vector.extract %reduce_sum3A_1017[15] : f32 from vector<16xf32>
        %eq3A_1019 = arith.constant 8 : i32
        %eq3A_1020 = vector.broadcast %eq3A_1019 : i32 to vector<16xi32>
        %eq3A_1021 = arith.cmpi eq, %iota3A, %eq3A_1020 : vector<16xi32>
        %broadcast_in_dim3A_1022 = vector.broadcast %reduce_sum3A_1018 : f32 to vector<16xf32>
        %select_n3A_1023 = arith.select %eq3A_1021, %broadcast_in_dim3A_1022, %select_n3A_987 : vector<16xi1>, vector<16xf32>
        %add3A_1024 = arith.constant 8 : i32
        %add3A_1025 = arith.addi %add3A_735, %add3A_1024 : i32
        %get3A_1026 = arith.index_cast %add3A_1025 : i32 to index
        %get3A_1027 = arith.constant 0 : index
        %get3A_1028 = tpu.vector_load %arg13[%get3A_1026, %get3A_1027] {strides = array<i32>} : memref<1280x64xf32, #tpu.memory_space<vmem>>, vector<16xf32>,
        %mul3A_1029 = arith.mulf %get3A_695, %get3A_1028 : vector<16xf32>
        %add3A_1030 = arith.constant 8 : i32
        %add3A_1031 = arith.addi %add3A_735, %add3A_1030 : i32
        %get3A_1032 = arith.index_cast %add3A_1031 : i32 to index
        %get3A_1033 = arith.constant 16 : index
        %get3A_1034 = tpu.vector_load %arg13[%get3A_1032, %get3A_1033] {strides = array<i32>} : memref<1280x64xf32, #tpu.memory_space<vmem>>, vector<16xf32>,
        %mul3A_1035 = arith.mulf %get3A_698, %get3A_1034 : vector<16xf32>
        %add3A_1036 = arith.addf %mul3A_1029, %mul3A_1035 : vector<16xf32>
        %add3A_1037 = arith.constant 8 : i32
        %add3A_1038 = arith.addi %add3A_735, %add3A_1037 : i32
        %get3A_1039 = arith.index_cast %add3A_1038 : i32 to index
        %get3A_1040 = arith.constant 32 : index
        %get3A_1041 = tpu.vector_load %arg13[%get3A_1039, %get3A_1040] {strides = array<i32>} : memref<1280x64xf32, #tpu.memory_space<vmem>>, vector<16xf32>,
        %mul3A_1042 = arith.mulf %get3A_701, %get3A_1041 : vector<16xf32>
        %add3A_1043 = arith.addf %add3A_1036, %mul3A_1042 : vector<16xf32>
        %add3A_1044 = arith.constant 8 : i32
        %add3A_1045 = arith.addi %add3A_735, %add3A_1044 : i32
        %get3A_1046 = arith.index_cast %add3A_1045 : i32 to index
        %get3A_1047 = arith.constant 48 : index
        %get3A_1048 = tpu.vector_load %arg13[%get3A_1046, %get3A_1047] {strides = array<i32>} : memref<1280x64xf32, #tpu.memory_space<vmem>>, vector<16xf32>,
        %mul3A_1049 = arith.mulf %get3A_704, %get3A_1048 : vector<16xf32>
        %add3A_1050 = arith.addf %add3A_1043, %mul3A_1049 : vector<16xf32>
        %reduce_sum3A_1051 = arith.constant true
        %reduce_sum3A_1052 = vector.broadcast %reduce_sum3A_1051 : i1 to vector<16xi1>
        %reduce_sum3A_1053 = tpu.scan <sum>, %add3A_1050 masked %reduce_sum3A_1052 : vector<16xf32>, vector<16xi1> -> vector<16xf32>
        %reduce_sum3A_1054 = vector.extract %reduce_sum3A_1053[15] : f32 from vector<16xf32>
        %eq3A_1055 = arith.constant 9 : i32
        %eq3A_1056 = vector.broadcast %eq3A_1055 : i32 to vector<16xi32>
        %eq3A_1057 = arith.cmpi eq, %iota3A, %eq3A_1056 : vector<16xi32>
        %broadcast_in_dim3A_1058 = vector.broadcast %reduce_sum3A_1054 : f32 to vector<16xf32>
        %select_n3A_1059 = arith.select %eq3A_1057, %broadcast_in_dim3A_1058, %select_n3A_1023 : vector<16xi1>, vector<16xf32>
        %add3A_1060 = arith.constant 9 : i32
        %add3A_1061 = arith.addi %add3A_735, %add3A_1060 : i32
        %get3A_1062 = arith.index_cast %add3A_1061 : i32 to index
        %get3A_1063 = arith.constant 0 : index
        %get3A_1064 = tpu.vector_load %arg13[%get3A_1062, %get3A_1063] {strides = array<i32>} : memref<1280x64xf32, #tpu.memory_space<vmem>>, vector<16xf32>,
        %mul3A_1065 = arith.mulf %get3A_695, %get3A_1064 : vector<16xf32>
        %add3A_1066 = arith.constant 9 : i32
        %add3A_1067 = arith.addi %add3A_735, %add3A_1066 : i32
        %get3A_1068 = arith.index_cast %add3A_1067 : i32 to index
        %get3A_1069 = arith.constant 16 : index
        %get3A_1070 = tpu.vector_load %arg13[%get3A_1068, %get3A_1069] {strides = array<i32>} : memref<1280x64xf32, #tpu.memory_space<vmem>>, vector<16xf32>,
        %mul3A_1071 = arith.mulf %get3A_698, %get3A_1070 : vector<16xf32>
        %add3A_1072 = arith.addf %mul3A_1065, %mul3A_1071 : vector<16xf32>
        %add3A_1073 = arith.constant 9 : i32
        %add3A_1074 = arith.addi %add3A_735, %add3A_1073 : i32
        %get3A_1075 = arith.index_cast %add3A_1074 : i32 to index
        %get3A_1076 = arith.constant 32 : index
        %get3A_1077 = tpu.vector_load %arg13[%get3A_1075, %get3A_1076] {strides = array<i32>} : memref<1280x64xf32, #tpu.memory_space<vmem>>, vector<16xf32>,
        %mul3A_1078 = arith.mulf %get3A_701, %get3A_1077 : vector<16xf32>
        %add3A_1079 = arith.addf %add3A_1072, %mul3A_1078 : vector<16xf32>
        %add3A_1080 = arith.constant 9 : i32
        %add3A_1081 = arith.addi %add3A_735, %add3A_1080 : i32
        %get3A_1082 = arith.index_cast %add3A_1081 : i32 to index
        %get3A_1083 = arith.constant 48 : index
        %get3A_1084 = tpu.vector_load %arg13[%get3A_1082, %get3A_1083] {strides = array<i32>} : memref<1280x64xf32, #tpu.memory_space<vmem>>, vector<16xf32>,
        %mul3A_1085 = arith.mulf %get3A_704, %get3A_1084 : vector<16xf32>
        %add3A_1086 = arith.addf %add3A_1079, %mul3A_1085 : vector<16xf32>
        %reduce_sum3A_1087 = arith.constant true
        %reduce_sum3A_1088 = vector.broadcast %reduce_sum3A_1087 : i1 to vector<16xi1>
        %reduce_sum3A_1089 = tpu.scan <sum>, %add3A_1086 masked %reduce_sum3A_1088 : vector<16xf32>, vector<16xi1> -> vector<16xf32>
        %reduce_sum3A_1090 = vector.extract %reduce_sum3A_1089[15] : f32 from vector<16xf32>
        %eq3A_1091 = arith.constant 10 : i32
        %eq3A_1092 = vector.broadcast %eq3A_1091 : i32 to vector<16xi32>
        %eq3A_1093 = arith.cmpi eq, %iota3A, %eq3A_1092 : vector<16xi32>
        %broadcast_in_dim3A_1094 = vector.broadcast %reduce_sum3A_1090 : f32 to vector<16xf32>
        %select_n3A_1095 = arith.select %eq3A_1093, %broadcast_in_dim3A_1094, %select_n3A_1059 : vector<16xi1>, vector<16xf32>
        %add3A_1096 = arith.constant 10 : i32
        %add3A_1097 = arith.addi %add3A_735, %add3A_1096 : i32
        %get3A_1098 = arith.index_cast %add3A_1097 : i32 to index
        %get3A_1099 = arith.constant 0 : index
        %get3A_1100 = tpu.vector_load %arg13[%get3A_1098, %get3A_1099] {strides = array<i32>} : memref<1280x64xf32, #tpu.memory_space<vmem>>, vector<16xf32>,
        %mul3A_1101 = arith.mulf %get3A_695, %get3A_1100 : vector<16xf32>
        %add3A_1102 = arith.constant 10 : i32
        %add3A_1103 = arith.addi %add3A_735, %add3A_1102 : i32
        %get3A_1104 = arith.index_cast %add3A_1103 : i32 to index
        %get3A_1105 = arith.constant 16 : index
        %get3A_1106 = tpu.vector_load %arg13[%get3A_1104, %get3A_1105] {strides = array<i32>} : memref<1280x64xf32, #tpu.memory_space<vmem>>, vector<16xf32>,
        %mul3A_1107 = arith.mulf %get3A_698, %get3A_1106 : vector<16xf32>
        %add3A_1108 = arith.addf %mul3A_1101, %mul3A_1107 : vector<16xf32>
        %add3A_1109 = arith.constant 10 : i32
        %add3A_1110 = arith.addi %add3A_735, %add3A_1109 : i32
        %get3A_1111 = arith.index_cast %add3A_1110 : i32 to index
        %get3A_1112 = arith.constant 32 : index
        %get3A_1113 = tpu.vector_load %arg13[%get3A_1111, %get3A_1112] {strides = array<i32>} : memref<1280x64xf32, #tpu.memory_space<vmem>>, vector<16xf32>,
        %mul3A_1114 = arith.mulf %get3A_701, %get3A_1113 : vector<16xf32>
        %add3A_1115 = arith.addf %add3A_1108, %mul3A_1114 : vector<16xf32>
        %add3A_1116 = arith.constant 10 : i32
        %add3A_1117 = arith.addi %add3A_735, %add3A_1116 : i32
        %get3A_1118 = arith.index_cast %add3A_1117 : i32 to index
        %get3A_1119 = arith.constant 48 : index
        %get3A_1120 = tpu.vector_load %arg13[%get3A_1118, %get3A_1119] {strides = array<i32>} : memref<1280x64xf32, #tpu.memory_space<vmem>>, vector<16xf32>,
        %mul3A_1121 = arith.mulf %get3A_704, %get3A_1120 : vector<16xf32>
        %add3A_1122 = arith.addf %add3A_1115, %mul3A_1121 : vector<16xf32>
        %reduce_sum3A_1123 = arith.constant true
        %reduce_sum3A_1124 = vector.broadcast %reduce_sum3A_1123 : i1 to vector<16xi1>
        %reduce_sum3A_1125 = tpu.scan <sum>, %add3A_1122 masked %reduce_sum3A_1124 : vector<16xf32>, vector<16xi1> -> vector<16xf32>
        %reduce_sum3A_1126 = vector.extract %reduce_sum3A_1125[15] : f32 from vector<16xf32>
        %eq3A_1127 = arith.constant 11 : i32
        %eq3A_1128 = vector.broadcast %eq3A_1127 : i32 to vector<16xi32>
        %eq3A_1129 = arith.cmpi eq, %iota3A, %eq3A_1128 : vector<16xi32>
        %broadcast_in_dim3A_1130 = vector.broadcast %reduce_sum3A_1126 : f32 to vector<16xf32>
        %select_n3A_1131 = arith.select %eq3A_1129, %broadcast_in_dim3A_1130, %select_n3A_1095 : vector<16xi1>, vector<16xf32>
        %add3A_1132 = arith.constant 11 : i32
        %add3A_1133 = arith.addi %add3A_735, %add3A_1132 : i32
        %get3A_1134 = arith.index_cast %add3A_1133 : i32 to index
        %get3A_1135 = arith.constant 0 : index
        %get3A_1136 = tpu.vector_load %arg13[%get3A_1134, %get3A_1135] {strides = array<i32>} : memref<1280x64xf32, #tpu.memory_space<vmem>>, vector<16xf32>,
        %mul3A_1137 = arith.mulf %get3A_695, %get3A_1136 : vector<16xf32>
        %add3A_1138 = arith.constant 11 : i32
        %add3A_1139 = arith.addi %add3A_735, %add3A_1138 : i32
        %get3A_1140 = arith.index_cast %add3A_1139 : i32 to index
        %get3A_1141 = arith.constant 16 : index
        %get3A_1142 = tpu.vector_load %arg13[%get3A_1140, %get3A_1141] {strides = array<i32>} : memref<1280x64xf32, #tpu.memory_space<vmem>>, vector<16xf32>,
        %mul3A_1143 = arith.mulf %get3A_698, %get3A_1142 : vector<16xf32>
        %add3A_1144 = arith.addf %mul3A_1137, %mul3A_1143 : vector<16xf32>
        %add3A_1145 = arith.constant 11 : i32
        %add3A_1146 = arith.addi %add3A_735, %add3A_1145 : i32
        %get3A_1147 = arith.index_cast %add3A_1146 : i32 to index
        %get3A_1148 = arith.constant 32 : index
        %get3A_1149 = tpu.vector_load %arg13[%get3A_1147, %get3A_1148] {strides = array<i32>} : memref<1280x64xf32, #tpu.memory_space<vmem>>, vector<16xf32>,
        %mul3A_1150 = arith.mulf %get3A_701, %get3A_1149 : vector<16xf32>
        %add3A_1151 = arith.addf %add3A_1144, %mul3A_1150 : vector<16xf32>
        %add3A_1152 = arith.constant 11 : i32
        %add3A_1153 = arith.addi %add3A_735, %add3A_1152 : i32
        %get3A_1154 = arith.index_cast %add3A_1153 : i32 to index
        %get3A_1155 = arith.constant 48 : index
        %get3A_1156 = tpu.vector_load %arg13[%get3A_1154, %get3A_1155] {strides = array<i32>} : memref<1280x64xf32, #tpu.memory_space<vmem>>, vector<16xf32>,
        %mul3A_1157 = arith.mulf %get3A_704, %get3A_1156 : vector<16xf32>
        %add3A_1158 = arith.addf %add3A_1151, %mul3A_1157 : vector<16xf32>
        %reduce_sum3A_1159 = arith.constant true
        %reduce_sum3A_1160 = vector.broadcast %reduce_sum3A_1159 : i1 to vector<16xi1>
        %reduce_sum3A_1161 = tpu.scan <sum>, %add3A_1158 masked %reduce_sum3A_1160 : vector<16xf32>, vector<16xi1> -> vector<16xf32>
        %reduce_sum3A_1162 = vector.extract %reduce_sum3A_1161[15] : f32 from vector<16xf32>
        %eq3A_1163 = arith.constant 12 : i32
        %eq3A_1164 = vector.broadcast %eq3A_1163 : i32 to vector<16xi32>
        %eq3A_1165 = arith.cmpi eq, %iota3A, %eq3A_1164 : vector<16xi32>
        %broadcast_in_dim3A_1166 = vector.broadcast %reduce_sum3A_1162 : f32 to vector<16xf32>
        %select_n3A_1167 = arith.select %eq3A_1165, %broadcast_in_dim3A_1166, %select_n3A_1131 : vector<16xi1>, vector<16xf32>
        %add3A_1168 = arith.constant 12 : i32
        %add3A_1169 = arith.addi %add3A_735, %add3A_1168 : i32
        %get3A_1170 = arith.index_cast %add3A_1169 : i32 to index
        %get3A_1171 = arith.constant 0 : index
        %get3A_1172 = tpu.vector_load %arg13[%get3A_1170, %get3A_1171] {strides = array<i32>} : memref<1280x64xf32, #tpu.memory_space<vmem>>, vector<16xf32>,
        %mul3A_1173 = arith.mulf %get3A_695, %get3A_1172 : vector<16xf32>
        %add3A_1174 = arith.constant 12 : i32
        %add3A_1175 = arith.addi %add3A_735, %add3A_1174 : i32
        %get3A_1176 = arith.index_cast %add3A_1175 : i32 to index
        %get3A_1177 = arith.constant 16 : index
        %get3A_1178 = tpu.vector_load %arg13[%get3A_1176, %get3A_1177] {strides = array<i32>} : memref<1280x64xf32, #tpu.memory_space<vmem>>, vector<16xf32>,
        %mul3A_1179 = arith.mulf %get3A_698, %get3A_1178 : vector<16xf32>
        %add3A_1180 = arith.addf %mul3A_1173, %mul3A_1179 : vector<16xf32>
        %add3A_1181 = arith.constant 12 : i32
        %add3A_1182 = arith.addi %add3A_735, %add3A_1181 : i32
        %get3A_1183 = arith.index_cast %add3A_1182 : i32 to index
        %get3A_1184 = arith.constant 32 : index
        %get3A_1185 = tpu.vector_load %arg13[%get3A_1183, %get3A_1184] {strides = array<i32>} : memref<1280x64xf32, #tpu.memory_space<vmem>>, vector<16xf32>,
        %mul3A_1186 = arith.mulf %get3A_701, %get3A_1185 : vector<16xf32>
        %add3A_1187 = arith.addf %add3A_1180, %mul3A_1186 : vector<16xf32>
        %add3A_1188 = arith.constant 12 : i32
        %add3A_1189 = arith.addi %add3A_735, %add3A_1188 : i32
        %get3A_1190 = arith.index_cast %add3A_1189 : i32 to index
        %get3A_1191 = arith.constant 48 : index
        %get3A_1192 = tpu.vector_load %arg13[%get3A_1190, %get3A_1191] {strides = array<i32>} : memref<1280x64xf32, #tpu.memory_space<vmem>>, vector<16xf32>,
        %mul3A_1193 = arith.mulf %get3A_704, %get3A_1192 : vector<16xf32>
        %add3A_1194 = arith.addf %add3A_1187, %mul3A_1193 : vector<16xf32>
        %reduce_sum3A_1195 = arith.constant true
        %reduce_sum3A_1196 = vector.broadcast %reduce_sum3A_1195 : i1 to vector<16xi1>
        %reduce_sum3A_1197 = tpu.scan <sum>, %add3A_1194 masked %reduce_sum3A_1196 : vector<16xf32>, vector<16xi1> -> vector<16xf32>
        %reduce_sum3A_1198 = vector.extract %reduce_sum3A_1197[15] : f32 from vector<16xf32>
        %eq3A_1199 = arith.constant 13 : i32
        %eq3A_1200 = vector.broadcast %eq3A_1199 : i32 to vector<16xi32>
        %eq3A_1201 = arith.cmpi eq, %iota3A, %eq3A_1200 : vector<16xi32>
        %broadcast_in_dim3A_1202 = vector.broadcast %reduce_sum3A_1198 : f32 to vector<16xf32>
        %select_n3A_1203 = arith.select %eq3A_1201, %broadcast_in_dim3A_1202, %select_n3A_1167 : vector<16xi1>, vector<16xf32>
        %add3A_1204 = arith.constant 13 : i32
        %add3A_1205 = arith.addi %add3A_735, %add3A_1204 : i32
        %get3A_1206 = arith.index_cast %add3A_1205 : i32 to index
        %get3A_1207 = arith.constant 0 : index
        %get3A_1208 = tpu.vector_load %arg13[%get3A_1206, %get3A_1207] {strides = array<i32>} : memref<1280x64xf32, #tpu.memory_space<vmem>>, vector<16xf32>,
        %mul3A_1209 = arith.mulf %get3A_695, %get3A_1208 : vector<16xf32>
        %add3A_1210 = arith.constant 13 : i32
        %add3A_1211 = arith.addi %add3A_735, %add3A_1210 : i32
        %get3A_1212 = arith.index_cast %add3A_1211 : i32 to index
        %get3A_1213 = arith.constant 16 : index
        %get3A_1214 = tpu.vector_load %arg13[%get3A_1212, %get3A_1213] {strides = array<i32>} : memref<1280x64xf32, #tpu.memory_space<vmem>>, vector<16xf32>,
        %mul3A_1215 = arith.mulf %get3A_698, %get3A_1214 : vector<16xf32>
        %add3A_1216 = arith.addf %mul3A_1209, %mul3A_1215 : vector<16xf32>
        %add3A_1217 = arith.constant 13 : i32
        %add3A_1218 = arith.addi %add3A_735, %add3A_1217 : i32
        %get3A_1219 = arith.index_cast %add3A_1218 : i32 to index
        %get3A_1220 = arith.constant 32 : index
        %get3A_1221 = tpu.vector_load %arg13[%get3A_1219, %get3A_1220] {strides = array<i32>} : memref<1280x64xf32, #tpu.memory_space<vmem>>, vector<16xf32>,
        %mul3A_1222 = arith.mulf %get3A_701, %get3A_1221 : vector<16xf32>
        %add3A_1223 = arith.addf %add3A_1216, %mul3A_1222 : vector<16xf32>
        %add3A_1224 = arith.constant 13 : i32
        %add3A_1225 = arith.addi %add3A_735, %add3A_1224 : i32
        %get3A_1226 = arith.index_cast %add3A_1225 : i32 to index
        %get3A_1227 = arith.constant 48 : index
        %get3A_1228 = tpu.vector_load %arg13[%get3A_1226, %get3A_1227] {strides = array<i32>} : memref<1280x64xf32, #tpu.memory_space<vmem>>, vector<16xf32>,
        %mul3A_1229 = arith.mulf %get3A_704, %get3A_1228 : vector<16xf32>
        %add3A_1230 = arith.addf %add3A_1223, %mul3A_1229 : vector<16xf32>
        %reduce_sum3A_1231 = arith.constant true
        %reduce_sum3A_1232 = vector.broadcast %reduce_sum3A_1231 : i1 to vector<16xi1>
        %reduce_sum3A_1233 = tpu.scan <sum>, %add3A_1230 masked %reduce_sum3A_1232 : vector<16xf32>, vector<16xi1> -> vector<16xf32>
        %reduce_sum3A_1234 = vector.extract %reduce_sum3A_1233[15] : f32 from vector<16xf32>
        %eq3A_1235 = arith.constant 14 : i32
        %eq3A_1236 = vector.broadcast %eq3A_1235 : i32 to vector<16xi32>
        %eq3A_1237 = arith.cmpi eq, %iota3A, %eq3A_1236 : vector<16xi32>
        %broadcast_in_dim3A_1238 = vector.broadcast %reduce_sum3A_1234 : f32 to vector<16xf32>
        %select_n3A_1239 = arith.select %eq3A_1237, %broadcast_in_dim3A_1238, %select_n3A_1203 : vector<16xi1>, vector<16xf32>
        %add3A_1240 = arith.constant 14 : i32
        %add3A_1241 = arith.addi %add3A_735, %add3A_1240 : i32
        %get3A_1242 = arith.index_cast %add3A_1241 : i32 to index
        %get3A_1243 = arith.constant 0 : index
        %get3A_1244 = tpu.vector_load %arg13[%get3A_1242, %get3A_1243] {strides = array<i32>} : memref<1280x64xf32, #tpu.memory_space<vmem>>, vector<16xf32>,
        %mul3A_1245 = arith.mulf %get3A_695, %get3A_1244 : vector<16xf32>
        %add3A_1246 = arith.constant 14 : i32
        %add3A_1247 = arith.addi %add3A_735, %add3A_1246 : i32
        %get3A_1248 = arith.index_cast %add3A_1247 : i32 to index
        %get3A_1249 = arith.constant 16 : index
        %get3A_1250 = tpu.vector_load %arg13[%get3A_1248, %get3A_1249] {strides = array<i32>} : memref<1280x64xf32, #tpu.memory_space<vmem>>, vector<16xf32>,
        %mul3A_1251 = arith.mulf %get3A_698, %get3A_1250 : vector<16xf32>
        %add3A_1252 = arith.addf %mul3A_1245, %mul3A_1251 : vector<16xf32>
        %add3A_1253 = arith.constant 14 : i32
        %add3A_1254 = arith.addi %add3A_735, %add3A_1253 : i32
        %get3A_1255 = arith.index_cast %add3A_1254 : i32 to index
        %get3A_1256 = arith.constant 32 : index
        %get3A_1257 = tpu.vector_load %arg13[%get3A_1255, %get3A_1256] {strides = array<i32>} : memref<1280x64xf32, #tpu.memory_space<vmem>>, vector<16xf32>,
        %mul3A_1258 = arith.mulf %get3A_701, %get3A_1257 : vector<16xf32>
        %add3A_1259 = arith.addf %add3A_1252, %mul3A_1258 : vector<16xf32>
        %add3A_1260 = arith.constant 14 : i32
        %add3A_1261 = arith.addi %add3A_735, %add3A_1260 : i32
        %get3A_1262 = arith.index_cast %add3A_1261 : i32 to index
        %get3A_1263 = arith.constant 48 : index
        %get3A_1264 = tpu.vector_load %arg13[%get3A_1262, %get3A_1263] {strides = array<i32>} : memref<1280x64xf32, #tpu.memory_space<vmem>>, vector<16xf32>,
        %mul3A_1265 = arith.mulf %get3A_704, %get3A_1264 : vector<16xf32>
        %add3A_1266 = arith.addf %add3A_1259, %mul3A_1265 : vector<16xf32>
        %reduce_sum3A_1267 = arith.constant true
        %reduce_sum3A_1268 = vector.broadcast %reduce_sum3A_1267 : i1 to vector<16xi1>
        %reduce_sum3A_1269 = tpu.scan <sum>, %add3A_1266 masked %reduce_sum3A_1268 : vector<16xf32>, vector<16xi1> -> vector<16xf32>
        %reduce_sum3A_1270 = vector.extract %reduce_sum3A_1269[15] : f32 from vector<16xf32>
        %eq3A_1271 = arith.constant 15 : i32
        %eq3A_1272 = vector.broadcast %eq3A_1271 : i32 to vector<16xi32>
        %eq3A_1273 = arith.cmpi eq, %iota3A, %eq3A_1272 : vector<16xi32>
        %broadcast_in_dim3A_1274 = vector.broadcast %reduce_sum3A_1270 : f32 to vector<16xf32>
        %select_n3A_1275 = arith.select %eq3A_1273, %broadcast_in_dim3A_1274, %select_n3A_1239 : vector<16xi1>, vector<16xf32>
        %add3A_1276 = arith.constant 15 : i32
        %add3A_1277 = arith.addi %add3A_735, %add3A_1276 : i32
        %get3A_1278 = arith.index_cast %add3A_1277 : i32 to index
        %get3A_1279 = arith.constant 0 : index
        %get3A_1280 = tpu.vector_load %arg13[%get3A_1278, %get3A_1279] {strides = array<i32>} : memref<1280x64xf32, #tpu.memory_space<vmem>>, vector<16xf32>,
        %mul3A_1281 = arith.mulf %get3A_695, %get3A_1280 : vector<16xf32>
        %add3A_1282 = arith.constant 15 : i32
        %add3A_1283 = arith.addi %add3A_735, %add3A_1282 : i32
        %get3A_1284 = arith.index_cast %add3A_1283 : i32 to index
        %get3A_1285 = arith.constant 16 : index
        %get3A_1286 = tpu.vector_load %arg13[%get3A_1284, %get3A_1285] {strides = array<i32>} : memref<1280x64xf32, #tpu.memory_space<vmem>>, vector<16xf32>,
        %mul3A_1287 = arith.mulf %get3A_698, %get3A_1286 : vector<16xf32>
        %add3A_1288 = arith.addf %mul3A_1281, %mul3A_1287 : vector<16xf32>
        %add3A_1289 = arith.constant 15 : i32
        %add3A_1290 = arith.addi %add3A_735, %add3A_1289 : i32
        %get3A_1291 = arith.index_cast %add3A_1290 : i32 to index
        %get3A_1292 = arith.constant 32 : index
        %get3A_1293 = tpu.vector_load %arg13[%get3A_1291, %get3A_1292] {strides = array<i32>} : memref<1280x64xf32, #tpu.memory_space<vmem>>, vector<16xf32>,
        %mul3A_1294 = arith.mulf %get3A_701, %get3A_1293 : vector<16xf32>
        %add3A_1295 = arith.addf %add3A_1288, %mul3A_1294 : vector<16xf32>
        %add3A_1296 = arith.constant 15 : i32
        %add3A_1297 = arith.addi %add3A_735, %add3A_1296 : i32
        %get3A_1298 = arith.index_cast %add3A_1297 : i32 to index
        %get3A_1299 = arith.constant 48 : index
        %get3A_1300 = tpu.vector_load %arg13[%get3A_1298, %get3A_1299] {strides = array<i32>} : memref<1280x64xf32, #tpu.memory_space<vmem>>, vector<16xf32>,
        %mul3A_1301 = arith.mulf %get3A_704, %get3A_1300 : vector<16xf32>
        %add3A_1302 = arith.addf %add3A_1295, %mul3A_1301 : vector<16xf32>
        %reduce_sum3A_1303 = arith.constant true
        %reduce_sum3A_1304 = vector.broadcast %reduce_sum3A_1303 : i1 to vector<16xi1>
        %reduce_sum3A_1305 = tpu.scan <sum>, %add3A_1302 masked %reduce_sum3A_1304 : vector<16xf32>, vector<16xi1> -> vector<16xf32>
        %reduce_sum3A_1306 = vector.extract %reduce_sum3A_1305[15] : f32 from vector<16xf32>
        %eq3A_1307 = arith.constant 0 : i32
        %eq3A_1308 = vector.broadcast %eq3A_1307 : i32 to vector<16xi32>
        %eq3A_1309 = arith.cmpi eq, %iota3A, %eq3A_1308 : vector<16xi32>
        %broadcast_in_dim3A_1310 = vector.broadcast %reduce_sum3A_1306 : f32 to vector<16xf32>
        %select_n3A_1311 = arith.select %eq3A_1309, %broadcast_in_dim3A_1310, %broadcast_in_dim3A_731 : vector<16xi1>, vector<16xf32>
        %add3A_1312 = arith.constant 16 : i32
        %add3A_1313 = arith.addi %add3A_735, %add3A_1312 : i32
        %get3A_1314 = arith.index_cast %add3A_1313 : i32 to index
        %get3A_1315 = arith.constant 0 : index
        %get3A_1316 = tpu.vector_load %arg13[%get3A_1314, %get3A_1315] {strides = array<i32>} : memref<1280x64xf32, #tpu.memory_space<vmem>>, vector<16xf32>,
        %mul3A_1317 = arith.mulf %get3A_695, %get3A_1316 : vector<16xf32>
        %add3A_1318 = arith.constant 16 : i32
        %add3A_1319 = arith.addi %add3A_735, %add3A_1318 : i32
        %get3A_1320 = arith.index_cast %add3A_1319 : i32 to index
        %get3A_1321 = arith.constant 16 : index
        %get3A_1322 = tpu.vector_load %arg13[%get3A_1320, %get3A_1321] {strides = array<i32>} : memref<1280x64xf32, #tpu.memory_space<vmem>>, vector<16xf32>,
        %mul3A_1323 = arith.mulf %get3A_698, %get3A_1322 : vector<16xf32>
        %add3A_1324 = arith.addf %mul3A_1317, %mul3A_1323 : vector<16xf32>
        %add3A_1325 = arith.constant 16 : i32
        %add3A_1326 = arith.addi %add3A_735, %add3A_1325 : i32
        %get3A_1327 = arith.index_cast %add3A_1326 : i32 to index
        %get3A_1328 = arith.constant 32 : index
        %get3A_1329 = tpu.vector_load %arg13[%get3A_1327, %get3A_1328] {strides = array<i32>} : memref<1280x64xf32, #tpu.memory_space<vmem>>, vector<16xf32>,
        %mul3A_1330 = arith.mulf %get3A_701, %get3A_1329 : vector<16xf32>
        %add3A_1331 = arith.addf %add3A_1324, %mul3A_1330 : vector<16xf32>
        %add3A_1332 = arith.constant 16 : i32
        %add3A_1333 = arith.addi %add3A_735, %add3A_1332 : i32
        %get3A_1334 = arith.index_cast %add3A_1333 : i32 to index
        %get3A_1335 = arith.constant 48 : index
        %get3A_1336 = tpu.vector_load %arg13[%get3A_1334, %get3A_1335] {strides = array<i32>} : memref<1280x64xf32, #tpu.memory_space<vmem>>, vector<16xf32>,
        %mul3A_1337 = arith.mulf %get3A_704, %get3A_1336 : vector<16xf32>
        %add3A_1338 = arith.addf %add3A_1331, %mul3A_1337 : vector<16xf32>
        %reduce_sum3A_1339 = arith.constant true
        %reduce_sum3A_1340 = vector.broadcast %reduce_sum3A_1339 : i1 to vector<16xi1>
        %reduce_sum3A_1341 = tpu.scan <sum>, %add3A_1338 masked %reduce_sum3A_1340 : vector<16xf32>, vector<16xi1> -> vector<16xf32>
        %reduce_sum3A_1342 = vector.extract %reduce_sum3A_1341[15] : f32 from vector<16xf32>
        %eq3A_1343 = arith.constant 1 : i32
        %eq3A_1344 = vector.broadcast %eq3A_1343 : i32 to vector<16xi32>
        %eq3A_1345 = arith.cmpi eq, %iota3A, %eq3A_1344 : vector<16xi32>
        %broadcast_in_dim3A_1346 = vector.broadcast %reduce_sum3A_1342 : f32 to vector<16xf32>
        %select_n3A_1347 = arith.select %eq3A_1345, %broadcast_in_dim3A_1346, %select_n3A_1311 : vector<16xi1>, vector<16xf32>
        %add3A_1348 = arith.constant 17 : i32
        %add3A_1349 = arith.addi %add3A_735, %add3A_1348 : i32
        %get3A_1350 = arith.index_cast %add3A_1349 : i32 to index
        %get3A_1351 = arith.constant 0 : index
        %get3A_1352 = tpu.vector_load %arg13[%get3A_1350, %get3A_1351] {strides = array<i32>} : memref<1280x64xf32, #tpu.memory_space<vmem>>, vector<16xf32>,
        %mul3A_1353 = arith.mulf %get3A_695, %get3A_1352 : vector<16xf32>
        %add3A_1354 = arith.constant 17 : i32
        %add3A_1355 = arith.addi %add3A_735, %add3A_1354 : i32
        %get3A_1356 = arith.index_cast %add3A_1355 : i32 to index
        %get3A_1357 = arith.constant 16 : index
        %get3A_1358 = tpu.vector_load %arg13[%get3A_1356, %get3A_1357] {strides = array<i32>} : memref<1280x64xf32, #tpu.memory_space<vmem>>, vector<16xf32>,
        %mul3A_1359 = arith.mulf %get3A_698, %get3A_1358 : vector<16xf32>
        %add3A_1360 = arith.addf %mul3A_1353, %mul3A_1359 : vector<16xf32>
        %add3A_1361 = arith.constant 17 : i32
        %add3A_1362 = arith.addi %add3A_735, %add3A_1361 : i32
        %get3A_1363 = arith.index_cast %add3A_1362 : i32 to index
        %get3A_1364 = arith.constant 32 : index
        %get3A_1365 = tpu.vector_load %arg13[%get3A_1363, %get3A_1364] {strides = array<i32>} : memref<1280x64xf32, #tpu.memory_space<vmem>>, vector<16xf32>,
        %mul3A_1366 = arith.mulf %get3A_701, %get3A_1365 : vector<16xf32>
        %add3A_1367 = arith.addf %add3A_1360, %mul3A_1366 : vector<16xf32>
        %add3A_1368 = arith.constant 17 : i32
        %add3A_1369 = arith.addi %add3A_735, %add3A_1368 : i32
        %get3A_1370 = arith.index_cast %add3A_1369 : i32 to index
        %get3A_1371 = arith.constant 48 : index
        %get3A_1372 = tpu.vector_load %arg13[%get3A_1370, %get3A_1371] {strides = array<i32>} : memref<1280x64xf32, #tpu.memory_space<vmem>>, vector<16xf32>,
        %mul3A_1373 = arith.mulf %get3A_704, %get3A_1372 : vector<16xf32>
        %add3A_1374 = arith.addf %add3A_1367, %mul3A_1373 : vector<16xf32>
        %reduce_sum3A_1375 = arith.constant true
        %reduce_sum3A_1376 = vector.broadcast %reduce_sum3A_1375 : i1 to vector<16xi1>
        %reduce_sum3A_1377 = tpu.scan <sum>, %add3A_1374 masked %reduce_sum3A_1376 : vector<16xf32>, vector<16xi1> -> vector<16xf32>
        %reduce_sum3A_1378 = vector.extract %reduce_sum3A_1377[15] : f32 from vector<16xf32>
        %eq3A_1379 = arith.constant 2 : i32
        %eq3A_1380 = vector.broadcast %eq3A_1379 : i32 to vector<16xi32>
        %eq3A_1381 = arith.cmpi eq, %iota3A, %eq3A_1380 : vector<16xi32>
        %broadcast_in_dim3A_1382 = vector.broadcast %reduce_sum3A_1378 : f32 to vector<16xf32>
        %select_n3A_1383 = arith.select %eq3A_1381, %broadcast_in_dim3A_1382, %select_n3A_1347 : vector<16xi1>, vector<16xf32>
        %add3A_1384 = arith.constant 18 : i32
        %add3A_1385 = arith.addi %add3A_735, %add3A_1384 : i32
        %get3A_1386 = arith.index_cast %add3A_1385 : i32 to index
        %get3A_1387 = arith.constant 0 : index
        %get3A_1388 = tpu.vector_load %arg13[%get3A_1386, %get3A_1387] {strides = array<i32>} : memref<1280x64xf32, #tpu.memory_space<vmem>>, vector<16xf32>,
        %mul3A_1389 = arith.mulf %get3A_695, %get3A_1388 : vector<16xf32>
        %add3A_1390 = arith.constant 18 : i32
        %add3A_1391 = arith.addi %add3A_735, %add3A_1390 : i32
        %get3A_1392 = arith.index_cast %add3A_1391 : i32 to index
        %get3A_1393 = arith.constant 16 : index
        %get3A_1394 = tpu.vector_load %arg13[%get3A_1392, %get3A_1393] {strides = array<i32>} : memref<1280x64xf32, #tpu.memory_space<vmem>>, vector<16xf32>,
        %mul3A_1395 = arith.mulf %get3A_698, %get3A_1394 : vector<16xf32>
        %add3A_1396 = arith.addf %mul3A_1389, %mul3A_1395 : vector<16xf32>
        %add3A_1397 = arith.constant 18 : i32
        %add3A_1398 = arith.addi %add3A_735, %add3A_1397 : i32
        %get3A_1399 = arith.index_cast %add3A_1398 : i32 to index
        %get3A_1400 = arith.constant 32 : index
        %get3A_1401 = tpu.vector_load %arg13[%get3A_1399, %get3A_1400] {strides = array<i32>} : memref<1280x64xf32, #tpu.memory_space<vmem>>, vector<16xf32>,
        %mul3A_1402 = arith.mulf %get3A_701, %get3A_1401 : vector<16xf32>
        %add3A_1403 = arith.addf %add3A_1396, %mul3A_1402 : vector<16xf32>
        %add3A_1404 = arith.constant 18 : i32
        %add3A_1405 = arith.addi %add3A_735, %add3A_1404 : i32
        %get3A_1406 = arith.index_cast %add3A_1405 : i32 to index
        %get3A_1407 = arith.constant 48 : index
        %get3A_1408 = tpu.vector_load %arg13[%get3A_1406, %get3A_1407] {strides = array<i32>} : memref<1280x64xf32, #tpu.memory_space<vmem>>, vector<16xf32>,
        %mul3A_1409 = arith.mulf %get3A_704, %get3A_1408 : vector<16xf32>
        %add3A_1410 = arith.addf %add3A_1403, %mul3A_1409 : vector<16xf32>
        %reduce_sum3A_1411 = arith.constant true
        %reduce_sum3A_1412 = vector.broadcast %reduce_sum3A_1411 : i1 to vector<16xi1>
        %reduce_sum3A_1413 = tpu.scan <sum>, %add3A_1410 masked %reduce_sum3A_1412 : vector<16xf32>, vector<16xi1> -> vector<16xf32>
        %reduce_sum3A_1414 = vector.extract %reduce_sum3A_1413[15] : f32 from vector<16xf32>
        %eq3A_1415 = arith.constant 3 : i32
        %eq3A_1416 = vector.broadcast %eq3A_1415 : i32 to vector<16xi32>
        %eq3A_1417 = arith.cmpi eq, %iota3A, %eq3A_1416 : vector<16xi32>
        %broadcast_in_dim3A_1418 = vector.broadcast %reduce_sum3A_1414 : f32 to vector<16xf32>
        %select_n3A_1419 = arith.select %eq3A_1417, %broadcast_in_dim3A_1418, %select_n3A_1383 : vector<16xi1>, vector<16xf32>
        %add3A_1420 = arith.constant 19 : i32
        %add3A_1421 = arith.addi %add3A_735, %add3A_1420 : i32
        %get3A_1422 = arith.index_cast %add3A_1421 : i32 to index
        %get3A_1423 = arith.constant 0 : index
        %get3A_1424 = tpu.vector_load %arg13[%get3A_1422, %get3A_1423] {strides = array<i32>} : memref<1280x64xf32, #tpu.memory_space<vmem>>, vector<16xf32>,
        %mul3A_1425 = arith.mulf %get3A_695, %get3A_1424 : vector<16xf32>
        %add3A_1426 = arith.constant 19 : i32
        %add3A_1427 = arith.addi %add3A_735, %add3A_1426 : i32
        %get3A_1428 = arith.index_cast %add3A_1427 : i32 to index
        %get3A_1429 = arith.constant 16 : index
        %get3A_1430 = tpu.vector_load %arg13[%get3A_1428, %get3A_1429] {strides = array<i32>} : memref<1280x64xf32, #tpu.memory_space<vmem>>, vector<16xf32>,
        %mul3A_1431 = arith.mulf %get3A_698, %get3A_1430 : vector<16xf32>
        %add3A_1432 = arith.addf %mul3A_1425, %mul3A_1431 : vector<16xf32>
        %add3A_1433 = arith.constant 19 : i32
        %add3A_1434 = arith.addi %add3A_735, %add3A_1433 : i32
        %get3A_1435 = arith.index_cast %add3A_1434 : i32 to index
        %get3A_1436 = arith.constant 32 : index
        %get3A_1437 = tpu.vector_load %arg13[%get3A_1435, %get3A_1436] {strides = array<i32>} : memref<1280x64xf32, #tpu.memory_space<vmem>>, vector<16xf32>,
        %mul3A_1438 = arith.mulf %get3A_701, %get3A_1437 : vector<16xf32>
        %add3A_1439 = arith.addf %add3A_1432, %mul3A_1438 : vector<16xf32>
        %add3A_1440 = arith.constant 19 : i32
        %add3A_1441 = arith.addi %add3A_735, %add3A_1440 : i32
        %get3A_1442 = arith.index_cast %add3A_1441 : i32 to index
        %get3A_1443 = arith.constant 48 : index
        %get3A_1444 = tpu.vector_load %arg13[%get3A_1442, %get3A_1443] {strides = array<i32>} : memref<1280x64xf32, #tpu.memory_space<vmem>>, vector<16xf32>,
        %mul3A_1445 = arith.mulf %get3A_704, %get3A_1444 : vector<16xf32>
        %add3A_1446 = arith.addf %add3A_1439, %mul3A_1445 : vector<16xf32>
        %reduce_sum3A_1447 = arith.constant true
        %reduce_sum3A_1448 = vector.broadcast %reduce_sum3A_1447 : i1 to vector<16xi1>
        %reduce_sum3A_1449 = tpu.scan <sum>, %add3A_1446 masked %reduce_sum3A_1448 : vector<16xf32>, vector<16xi1> -> vector<16xf32>
        %reduce_sum3A_1450 = vector.extract %reduce_sum3A_1449[15] : f32 from vector<16xf32>
        %eq3A_1451 = arith.constant 4 : i32
        %eq3A_1452 = vector.broadcast %eq3A_1451 : i32 to vector<16xi32>
        %eq3A_1453 = arith.cmpi eq, %iota3A, %eq3A_1452 : vector<16xi32>
        %broadcast_in_dim3A_1454 = vector.broadcast %reduce_sum3A_1450 : f32 to vector<16xf32>
        %select_n3A_1455 = arith.select %eq3A_1453, %broadcast_in_dim3A_1454, %select_n3A_1419 : vector<16xi1>, vector<16xf32>
        %swap3A = arith.index_cast %scan3A_691 : i32 to index
        %swap3A_1456 = arith.constant 0 : index
        %swap3A_1457 = tpu.vector_load %arg14[%swap3A, %swap3A_1456] {strides = array<i32>} : memref<32x32xf32, #tpu.memory_space<vmem>>, vector<16xf32>,
        tpu.vector_store %arg14[%swap3A, %swap3A_1456], %select_n3A_1275 {strides = array<i32>} : memref<32x32xf32, #tpu.memory_space<vmem>>, vector<16xf32>,
        %swap3A_1458 = arith.index_cast %scan3A_691 : i32 to index
        %swap3A_1459 = arith.constant 16 : index
        %swap3A_1460 = tpu.vector_load %arg14[%swap3A_1458, %swap3A_1459] {strides = array<i32>} : memref<32x32xf32, #tpu.memory_space<vmem>>, vector<16xf32>,
        tpu.vector_store %arg14[%swap3A_1458, %swap3A_1459], %select_n3A_1455 {strides = array<i32>} : memref<32x32xf32, #tpu.memory_space<vmem>>, vector<16xf32>,
      }
      %scan3A_600 = arith.constant 32 : i32
      %mul3A_601 = arith.constant 32 : i32
      %mul3A_602 = arith.muli %add3A_594, %mul3A_601 : i32
      %add3A_603 = arith.addi %mul3A_2, %mul3A_602 : i32
      "tpu.region"() ({
        %run_scoped3A = tpu.sem_alloc : memref<!tpu.dma_semaphore, #tpu.memory_space<semaphore_mem>>
        %dma_start3A_691 = arith.constant 0 : i32
        %dma_start3A_692 = tpu.memref_slice %arg7[%add3A_603, %dma_start3A_691] : memref<16384x32xf32, #tpu.memory_space<hbm>> -> memref<32x32xf32, #tpu.memory_space<hbm>>
        %dma_start3A_693 = arith.constant 0 : i32
        %dma_start3A_694 = tpu.memref_slice %arg7[%add3A_603, %dma_start3A_693] : memref<16384x32xf32, #tpu.memory_space<hbm>> -> memref<32x32xf32, #tpu.memory_space<hbm>>
        tpu.enqueue_dma source(%arg14 : memref<32x32xf32, #tpu.memory_space<vmem>>) target(%dma_start3A_694 : memref<32x32xf32, #tpu.memory_space<hbm>>) target_semaphore(%run_scoped3A : memref<!tpu.dma_semaphore, #tpu.memory_space<semaphore_mem>>)
        %dma_wait3A_695 = arith.constant 0 : i32
        %dma_wait3A_696 = tpu.memref_slice %arg7[%add3A_603, %dma_wait3A_695] : memref<16384x32xf32, #tpu.memory_space<hbm>> -> memref<32x32xf32, #tpu.memory_space<hbm>>
        %dma_wait3A_697 = arith.constant 0 : i32
        %dma_wait3A_698 = tpu.memref_slice %arg7[%add3A_603, %dma_wait3A_697] : memref<16384x32xf32, #tpu.memory_space<hbm>> -> memref<32x32xf32, #tpu.memory_space<hbm>>
        tpu.wait_dma2 semaphore(%run_scoped3A : memref<!tpu.dma_semaphore, #tpu.memory_space<semaphore_mem>>) src(%arg14 : memref<32x32xf32, #tpu.memory_space<vmem>>) dst(%dma_wait3A_698 : memref<32x32xf32, #tpu.memory_space<hbm>>)
        tpu.yield
      }) : () -> ()
      %add3A_604 = arith.constant 1 : i32
      %add3A_605 = arith.addi %mul3A_326, %add3A_604 : i32
      %add3A_606 = arith.constant 2 : i32
      %add3A_607 = arith.addi %add3A_605, %add3A_606 : i32
      %mul3A_608 = arith.constant 32 : i32
      %mul3A_609 = arith.muli %add3A_607, %mul3A_608 : i32
      %dma_start3A_610 = arith.constant 32 : i32
      %dma_start3A_611 = arith.constant 0 : i32
      %dma_start3A_612 = tpu.memref_slice %arg11[%dma_start3A_610, %dma_start3A_611] : memref<64x64xf32, #tpu.memory_space<vmem>> -> memref<32x64xf32, #tpu.memory_space<vmem>>
      %dma_start3A_613 = tpu.memref_slice %arg8[%mul3A_609] : memref<512xi32, #tpu.memory_space<vmem>> -> memref<32xi32, #tpu.memory_space<vmem>>
      %dma_start3A_614 = arith.constant 0 : i32
      %dma_start3A_615 = arith.constant 0 : i32
      %dma_start3A_616 = tpu.memref_slice %arg5[%dma_start3A_614, %dma_start3A_615] : memref<1000000x64xf32, #tpu.memory_space<hbm>> -> memref<1000000x64xf32, #tpu.memory_space<hbm>>
      tpu.enqueue_indirect_dma source(%dma_start3A_616 : memref<1000000x64xf32, #tpu.memory_space<hbm>>) target(%dma_start3A_612 : memref<32x64xf32, #tpu.memory_space<vmem>>) offsets(%dma_start3A_613 : memref<32xi32, #tpu.memory_space<vmem>>) semaphore(%arg16 : memref<!tpu.dma_semaphore, #tpu.memory_space<semaphore_mem>>)
      %mul3A_617 = arith.constant 32 : i32
      %mul3A_618 = arith.muli %add3A_607, %mul3A_617 : i32
      %dma_start3A_619 = arith.constant 32 : i32
      %dma_start3A_620 = arith.constant 0 : i32
      %dma_start3A_621 = tpu.memref_slice %arg12[%dma_start3A_619, %dma_start3A_620] : memref<64x64xf32, #tpu.memory_space<vmem>> -> memref<32x64xf32, #tpu.memory_space<vmem>>
      %dma_start3A_622 = tpu.memref_slice %arg9[%mul3A_618] : memref<512xi32, #tpu.memory_space<vmem>> -> memref<32xi32, #tpu.memory_space<vmem>>
      %dma_start3A_623 = arith.constant 0 : i32
      %dma_start3A_624 = arith.constant 0 : i32
      %dma_start3A_625 = tpu.memref_slice %arg6[%dma_start3A_623, %dma_start3A_624] : memref<1000000x64xf32, #tpu.memory_space<hbm>> -> memref<1000000x64xf32, #tpu.memory_space<hbm>>
      tpu.enqueue_indirect_dma source(%dma_start3A_625 : memref<1000000x64xf32, #tpu.memory_space<hbm>>) target(%dma_start3A_621 : memref<32x64xf32, #tpu.memory_space<vmem>>) offsets(%dma_start3A_622 : memref<32xi32, #tpu.memory_space<vmem>>) semaphore(%arg16 : memref<!tpu.dma_semaphore, #tpu.memory_space<semaphore_mem>>)
      %mul3A_626 = arith.constant 5 : i32
      %mul3A_627 = arith.muli %add3A_607, %mul3A_626 : i32
      %add3A_628 = arith.constant 0 : i32
      %add3A_629 = arith.addi %mul3A_627, %add3A_628 : i32
      %dma_start3A_630 = arith.constant 640 : i32
      %dma_start3A_631 = arith.constant 0 : i32
      %dma_start3A_632 = tpu.memref_slice %arg13[%dma_start3A_630, %dma_start3A_631] : memref<1280x64xf32, #tpu.memory_space<vmem>> -> memref<128x64xf32, #tpu.memory_space<vmem>>
      %dma_start3A_633 = arith.constant 0 : i32
      %dma_start3A_634 = tpu.memref_slice %arg10[%add3A_629, %dma_start3A_633] : memref<80x128xi32, #tpu.memory_space<vmem>> -> memref<1x128xi32, #tpu.memory_space<vmem>>
      %dma_start3A_635 = tpu.memref_squeeze %dma_start3A_634 : memref<1x128xi32, #tpu.memory_space<vmem>> -> memref<128xi32, #tpu.memory_space<vmem>>
      %dma_start3A_636 = arith.constant 0 : i32
      %dma_start3A_637 = arith.constant 0 : i32
      %dma_start3A_638 = tpu.memref_slice %arg6[%dma_start3A_636, %dma_start3A_637] : memref<1000000x64xf32, #tpu.memory_space<hbm>> -> memref<1000000x64xf32, #tpu.memory_space<hbm>>
      tpu.enqueue_indirect_dma source(%dma_start3A_638 : memref<1000000x64xf32, #tpu.memory_space<hbm>>) target(%dma_start3A_632 : memref<128x64xf32, #tpu.memory_space<vmem>>) offsets(%dma_start3A_635 : memref<128xi32, #tpu.memory_space<vmem>>) semaphore(%arg16 : memref<!tpu.dma_semaphore, #tpu.memory_space<semaphore_mem>>)
      %mul3A_639 = arith.constant 5 : i32
      %mul3A_640 = arith.muli %add3A_607, %mul3A_639 : i32
      %add3A_641 = arith.constant 1 : i32
      %add3A_642 = arith.addi %mul3A_640, %add3A_641 : i32
      %dma_start3A_643 = arith.constant 768 : i32
      %dma_start3A_644 = arith.constant 0 : i32
      %dma_start3A_645 = tpu.memref_slice %arg13[%dma_start3A_643, %dma_start3A_644] : memref<1280x64xf32, #tpu.memory_space<vmem>> -> memref<128x64xf32, #tpu.memory_space<vmem>>
      %dma_start3A_646 = arith.constant 0 : i32
      %dma_start3A_647 = tpu.memref_slice %arg10[%add3A_642, %dma_start3A_646] : memref<80x128xi32, #tpu.memory_space<vmem>> -> memref<1x128xi32, #tpu.memory_space<vmem>>
      %dma_start3A_648 = tpu.memref_squeeze %dma_start3A_647 : memref<1x128xi32, #tpu.memory_space<vmem>> -> memref<128xi32, #tpu.memory_space<vmem>>
      %dma_start3A_649 = arith.constant 0 : i32
      %dma_start3A_650 = arith.constant 0 : i32
      %dma_start3A_651 = tpu.memref_slice %arg6[%dma_start3A_649, %dma_start3A_650] : memref<1000000x64xf32, #tpu.memory_space<hbm>> -> memref<1000000x64xf32, #tpu.memory_space<hbm>>
      tpu.enqueue_indirect_dma source(%dma_start3A_651 : memref<1000000x64xf32, #tpu.memory_space<hbm>>) target(%dma_start3A_645 : memref<128x64xf32, #tpu.memory_space<vmem>>) offsets(%dma_start3A_648 : memref<128xi32, #tpu.memory_space<vmem>>) semaphore(%arg16 : memref<!tpu.dma_semaphore, #tpu.memory_space<semaphore_mem>>)
      %mul3A_652 = arith.constant 5 : i32
      %mul3A_653 = arith.muli %add3A_607, %mul3A_652 : i32
      %add3A_654 = arith.constant 2 : i32
      %add3A_655 = arith.addi %mul3A_653, %add3A_654 : i32
      %dma_start3A_656 = arith.constant 896 : i32
      %dma_start3A_657 = arith.constant 0 : i32
      %dma_start3A_658 = tpu.memref_slice %arg13[%dma_start3A_656, %dma_start3A_657] : memref<1280x64xf32, #tpu.memory_space<vmem>> -> memref<128x64xf32, #tpu.memory_space<vmem>>
      %dma_start3A_659 = arith.constant 0 : i32
      %dma_start3A_660 = tpu.memref_slice %arg10[%add3A_655, %dma_start3A_659] : memref<80x128xi32, #tpu.memory_space<vmem>> -> memref<1x128xi32, #tpu.memory_space<vmem>>
      %dma_start3A_661 = tpu.memref_squeeze %dma_start3A_660 : memref<1x128xi32, #tpu.memory_space<vmem>> -> memref<128xi32, #tpu.memory_space<vmem>>
      %dma_start3A_662 = arith.constant 0 : i32
      %dma_start3A_663 = arith.constant 0 : i32
      %dma_start3A_664 = tpu.memref_slice %arg6[%dma_start3A_662, %dma_start3A_663] : memref<1000000x64xf32, #tpu.memory_space<hbm>> -> memref<1000000x64xf32, #tpu.memory_space<hbm>>
      tpu.enqueue_indirect_dma source(%dma_start3A_664 : memref<1000000x64xf32, #tpu.memory_space<hbm>>) target(%dma_start3A_658 : memref<128x64xf32, #tpu.memory_space<vmem>>) offsets(%dma_start3A_661 : memref<128xi32, #tpu.memory_space<vmem>>) semaphore(%arg16 : memref<!tpu.dma_semaphore, #tpu.memory_space<semaphore_mem>>)
      %mul3A_665 = arith.constant 5 : i32
      %mul3A_666 = arith.muli %add3A_607, %mul3A_665 : i32
      %add3A_667 = arith.constant 3 : i32
      %add3A_668 = arith.addi %mul3A_666, %add3A_667 : i32
      %dma_start3A_669 = arith.constant 1024 : i32
      %dma_start3A_670 = arith.constant 0 : i32
      %dma_start3A_671 = tpu.memref_slice %arg13[%dma_start3A_669, %dma_start3A_670] : memref<1280x64xf32, #tpu.memory_space<vmem>> -> memref<128x64xf32, #tpu.memory_space<vmem>>
      %dma_start3A_672 = arith.constant 0 : i32
      %dma_start3A_673 = tpu.memref_slice %arg10[%add3A_668, %dma_start3A_672] : memref<80x128xi32, #tpu.memory_space<vmem>> -> memref<1x128xi32, #tpu.memory_space<vmem>>
      %dma_start3A_674 = tpu.memref_squeeze %dma_start3A_673 : memref<1x128xi32, #tpu.memory_space<vmem>> -> memref<128xi32, #tpu.memory_space<vmem>>
      %dma_start3A_675 = arith.constant 0 : i32
      %dma_start3A_676 = arith.constant 0 : i32
      %dma_start3A_677 = tpu.memref_slice %arg6[%dma_start3A_675, %dma_start3A_676] : memref<1000000x64xf32, #tpu.memory_space<hbm>> -> memref<1000000x64xf32, #tpu.memory_space<hbm>>
      tpu.enqueue_indirect_dma source(%dma_start3A_677 : memref<1000000x64xf32, #tpu.memory_space<hbm>>) target(%dma_start3A_671 : memref<128x64xf32, #tpu.memory_space<vmem>>) offsets(%dma_start3A_674 : memref<128xi32, #tpu.memory_space<vmem>>) semaphore(%arg16 : memref<!tpu.dma_semaphore, #tpu.memory_space<semaphore_mem>>)
      %mul3A_678 = arith.constant 5 : i32
      %mul3A_679 = arith.muli %add3A_607, %mul3A_678 : i32
      %add3A_680 = arith.constant 4 : i32
      %add3A_681 = arith.addi %mul3A_679, %add3A_680 : i32
      %dma_start3A_682 = arith.constant 1152 : i32
      %dma_start3A_683 = arith.constant 0 : i32
      %dma_start3A_684 = tpu.memref_slice %arg13[%dma_start3A_682, %dma_start3A_683] : memref<1280x64xf32, #tpu.memory_space<vmem>> -> memref<128x64xf32, #tpu.memory_space<vmem>>
      %dma_start3A_685 = arith.constant 0 : i32
      %dma_start3A_686 = tpu.memref_slice %arg10[%add3A_681, %dma_start3A_685] : memref<80x128xi32, #tpu.memory_space<vmem>> -> memref<1x128xi32, #tpu.memory_space<vmem>>
      %dma_start3A_687 = tpu.memref_squeeze %dma_start3A_686 : memref<1x128xi32, #tpu.memory_space<vmem>> -> memref<128xi32, #tpu.memory_space<vmem>>
      %dma_start3A_688 = arith.constant 0 : i32
      %dma_start3A_689 = arith.constant 0 : i32
      %dma_start3A_690 = tpu.memref_slice %arg6[%dma_start3A_688, %dma_start3A_689] : memref<1000000x64xf32, #tpu.memory_space<hbm>> -> memref<1000000x64xf32, #tpu.memory_space<hbm>>
      tpu.enqueue_indirect_dma source(%dma_start3A_690 : memref<1000000x64xf32, #tpu.memory_space<hbm>>) target(%dma_start3A_684 : memref<128x64xf32, #tpu.memory_space<vmem>>) offsets(%dma_start3A_687 : memref<128xi32, #tpu.memory_space<vmem>>) semaphore(%arg16 : memref<!tpu.dma_semaphore, #tpu.memory_space<semaphore_mem>>)
    }
    %scan3A_140 = arith.constant 7 : i32
    %dma_wait3A = arith.constant 0 : i32
    %dma_wait3A_141 = arith.constant 0 : i32
    %dma_wait3A_142 = tpu.memref_slice %arg11[%dma_wait3A, %dma_wait3A_141] : memref<64x64xf32, #tpu.memory_space<vmem>> -> memref<32x64xf32, #tpu.memory_space<vmem>>
    %dma_wait3A_143 = arith.constant 0 : i32
    %dma_wait3A_144 = arith.constant 0 : i32
    %dma_wait3A_145 = tpu.memref_slice %arg5[%dma_wait3A_143, %dma_wait3A_144] : memref<1000000x64xf32, #tpu.memory_space<hbm>> -> memref<32x64xf32, #tpu.memory_space<hbm>>
    %dma_wait3A_146 = arith.constant 0 : i32
    %dma_wait3A_147 = arith.constant 0 : i32
    %dma_wait3A_148 = tpu.memref_slice %arg11[%dma_wait3A_146, %dma_wait3A_147] : memref<64x64xf32, #tpu.memory_space<vmem>> -> memref<32x64xf32, #tpu.memory_space<vmem>>
    %dma_wait3A_149 = arith.constant 0 : i32
    %dma_wait3A_150 = arith.constant 0 : i32
    %dma_wait3A_151 = tpu.memref_slice %arg5[%dma_wait3A_149, %dma_wait3A_150] : memref<1000000x64xf32, #tpu.memory_space<hbm>> -> memref<32x64xf32, #tpu.memory_space<hbm>>
    tpu.wait_dma2 semaphore(%arg15 : memref<!tpu.dma_semaphore, #tpu.memory_space<semaphore_mem>>) src(%dma_wait3A_151 : memref<32x64xf32, #tpu.memory_space<hbm>>) dst(%dma_wait3A_148 : memref<32x64xf32, #tpu.memory_space<vmem>>)
    %dma_wait3A_152 = arith.constant 0 : i32
    %dma_wait3A_153 = arith.constant 0 : i32
    %dma_wait3A_154 = tpu.memref_slice %arg12[%dma_wait3A_152, %dma_wait3A_153] : memref<64x64xf32, #tpu.memory_space<vmem>> -> memref<32x64xf32, #tpu.memory_space<vmem>>
    %dma_wait3A_155 = arith.constant 0 : i32
    %dma_wait3A_156 = arith.constant 0 : i32
    %dma_wait3A_157 = tpu.memref_slice %arg6[%dma_wait3A_155, %dma_wait3A_156] : memref<1000000x64xf32, #tpu.memory_space<hbm>> -> memref<32x64xf32, #tpu.memory_space<hbm>>
    %dma_wait3A_158 = arith.constant 0 : i32
    %dma_wait3A_159 = arith.constant 0 : i32
    %dma_wait3A_160 = tpu.memref_slice %arg12[%dma_wait3A_158, %dma_wait3A_159] : memref<64x64xf32, #tpu.memory_space<vmem>> -> memref<32x64xf32, #tpu.memory_space<vmem>>
    %dma_wait3A_161 = arith.constant 0 : i32
    %dma_wait3A_162 = arith.constant 0 : i32
    %dma_wait3A_163 = tpu.memref_slice %arg6[%dma_wait3A_161, %dma_wait3A_162] : memref<1000000x64xf32, #tpu.memory_space<hbm>> -> memref<32x64xf32, #tpu.memory_space<hbm>>
    tpu.wait_dma2 semaphore(%arg15 : memref<!tpu.dma_semaphore, #tpu.memory_space<semaphore_mem>>) src(%dma_wait3A_163 : memref<32x64xf32, #tpu.memory_space<hbm>>) dst(%dma_wait3A_160 : memref<32x64xf32, #tpu.memory_space<vmem>>)
    %dma_wait3A_164 = arith.constant 0 : i32
    %dma_wait3A_165 = arith.constant 0 : i32
    %dma_wait3A_166 = tpu.memref_slice %arg13[%dma_wait3A_164, %dma_wait3A_165] : memref<1280x64xf32, #tpu.memory_space<vmem>> -> memref<128x64xf32, #tpu.memory_space<vmem>>
    %dma_wait3A_167 = arith.constant 0 : i32
    %dma_wait3A_168 = arith.constant 0 : i32
    %dma_wait3A_169 = tpu.memref_slice %arg6[%dma_wait3A_167, %dma_wait3A_168] : memref<1000000x64xf32, #tpu.memory_space<hbm>> -> memref<128x64xf32, #tpu.memory_space<hbm>>
    %dma_wait3A_170 = arith.constant 0 : i32
    %dma_wait3A_171 = arith.constant 0 : i32
    %dma_wait3A_172 = tpu.memref_slice %arg13[%dma_wait3A_170, %dma_wait3A_171] : memref<1280x64xf32, #tpu.memory_space<vmem>> -> memref<128x64xf32, #tpu.memory_space<vmem>>
    %dma_wait3A_173 = arith.constant 0 : i32
    %dma_wait3A_174 = arith.constant 0 : i32
    %dma_wait3A_175 = tpu.memref_slice %arg6[%dma_wait3A_173, %dma_wait3A_174] : memref<1000000x64xf32, #tpu.memory_space<hbm>> -> memref<128x64xf32, #tpu.memory_space<hbm>>
    tpu.wait_dma2 semaphore(%arg15 : memref<!tpu.dma_semaphore, #tpu.memory_space<semaphore_mem>>) src(%dma_wait3A_175 : memref<128x64xf32, #tpu.memory_space<hbm>>) dst(%dma_wait3A_172 : memref<128x64xf32, #tpu.memory_space<vmem>>)
    %dma_wait3A_176 = arith.constant 128 : i32
    %dma_wait3A_177 = arith.constant 0 : i32
    %dma_wait3A_178 = tpu.memref_slice %arg13[%dma_wait3A_176, %dma_wait3A_177] : memref<1280x64xf32, #tpu.memory_space<vmem>> -> memref<128x64xf32, #tpu.memory_space<vmem>>
    %dma_wait3A_179 = arith.constant 0 : i32
    %dma_wait3A_180 = arith.constant 0 : i32
    %dma_wait3A_181 = tpu.memref_slice %arg6[%dma_wait3A_179, %dma_wait3A_180] : memref<1000000x64xf32, #tpu.memory_space<hbm>> -> memref<128x64xf32, #tpu.memory_space<hbm>>
    %dma_wait3A_182 = arith.constant 128 : i32
    %dma_wait3A_183 = arith.constant 0 : i32
    %dma_wait3A_184 = tpu.memref_slice %arg13[%dma_wait3A_182, %dma_wait3A_183] : memref<1280x64xf32, #tpu.memory_space<vmem>> -> memref<128x64xf32, #tpu.memory_space<vmem>>
    %dma_wait3A_185 = arith.constant 0 : i32
    %dma_wait3A_186 = arith.constant 0 : i32
    %dma_wait3A_187 = tpu.memref_slice %arg6[%dma_wait3A_185, %dma_wait3A_186] : memref<1000000x64xf32, #tpu.memory_space<hbm>> -> memref<128x64xf32, #tpu.memory_space<hbm>>
    tpu.wait_dma2 semaphore(%arg15 : memref<!tpu.dma_semaphore, #tpu.memory_space<semaphore_mem>>) src(%dma_wait3A_187 : memref<128x64xf32, #tpu.memory_space<hbm>>) dst(%dma_wait3A_184 : memref<128x64xf32, #tpu.memory_space<vmem>>)
    %dma_wait3A_188 = arith.constant 256 : i32
    %dma_wait3A_189 = arith.constant 0 : i32
    %dma_wait3A_190 = tpu.memref_slice %arg13[%dma_wait3A_188, %dma_wait3A_189] : memref<1280x64xf32, #tpu.memory_space<vmem>> -> memref<128x64xf32, #tpu.memory_space<vmem>>
    %dma_wait3A_191 = arith.constant 0 : i32
    %dma_wait3A_192 = arith.constant 0 : i32
    %dma_wait3A_193 = tpu.memref_slice %arg6[%dma_wait3A_191, %dma_wait3A_192] : memref<1000000x64xf32, #tpu.memory_space<hbm>> -> memref<128x64xf32, #tpu.memory_space<hbm>>
    %dma_wait3A_194 = arith.constant 256 : i32
    %dma_wait3A_195 = arith.constant 0 : i32
    %dma_wait3A_196 = tpu.memref_slice %arg13[%dma_wait3A_194, %dma_wait3A_195] : memref<1280x64xf32, #tpu.memory_space<vmem>> -> memref<128x64xf32, #tpu.memory_space<vmem>>
    %dma_wait3A_197 = arith.constant 0 : i32
    %dma_wait3A_198 = arith.constant 0 : i32
    %dma_wait3A_199 = tpu.memref_slice %arg6[%dma_wait3A_197, %dma_wait3A_198] : memref<1000000x64xf32, #tpu.memory_space<hbm>> -> memref<128x64xf32, #tpu.memory_space<hbm>>
    tpu.wait_dma2 semaphore(%arg15 : memref<!tpu.dma_semaphore, #tpu.memory_space<semaphore_mem>>) src(%dma_wait3A_199 : memref<128x64xf32, #tpu.memory_space<hbm>>) dst(%dma_wait3A_196 : memref<128x64xf32, #tpu.memory_space<vmem>>)
    %dma_wait3A_200 = arith.constant 384 : i32
    %dma_wait3A_201 = arith.constant 0 : i32
    %dma_wait3A_202 = tpu.memref_slice %arg13[%dma_wait3A_200, %dma_wait3A_201] : memref<1280x64xf32, #tpu.memory_space<vmem>> -> memref<128x64xf32, #tpu.memory_space<vmem>>
    %dma_wait3A_203 = arith.constant 0 : i32
    %dma_wait3A_204 = arith.constant 0 : i32
    %dma_wait3A_205 = tpu.memref_slice %arg6[%dma_wait3A_203, %dma_wait3A_204] : memref<1000000x64xf32, #tpu.memory_space<hbm>> -> memref<128x64xf32, #tpu.memory_space<hbm>>
    %dma_wait3A_206 = arith.constant 384 : i32
    %dma_wait3A_207 = arith.constant 0 : i32
    %dma_wait3A_208 = tpu.memref_slice %arg13[%dma_wait3A_206, %dma_wait3A_207] : memref<1280x64xf32, #tpu.memory_space<vmem>> -> memref<128x64xf32, #tpu.memory_space<vmem>>
    %dma_wait3A_209 = arith.constant 0 : i32
    %dma_wait3A_210 = arith.constant 0 : i32
    %dma_wait3A_211 = tpu.memref_slice %arg6[%dma_wait3A_209, %dma_wait3A_210] : memref<1000000x64xf32, #tpu.memory_space<hbm>> -> memref<128x64xf32, #tpu.memory_space<hbm>>
    tpu.wait_dma2 semaphore(%arg15 : memref<!tpu.dma_semaphore, #tpu.memory_space<semaphore_mem>>) src(%dma_wait3A_211 : memref<128x64xf32, #tpu.memory_space<hbm>>) dst(%dma_wait3A_208 : memref<128x64xf32, #tpu.memory_space<vmem>>)
    %dma_wait3A_212 = arith.constant 512 : i32
    %dma_wait3A_213 = arith.constant 0 : i32
    %dma_wait3A_214 = tpu.memref_slice %arg13[%dma_wait3A_212, %dma_wait3A_213] : memref<1280x64xf32, #tpu.memory_space<vmem>> -> memref<128x64xf32, #tpu.memory_space<vmem>>
    %dma_wait3A_215 = arith.constant 0 : i32
    %dma_wait3A_216 = arith.constant 0 : i32
    %dma_wait3A_217 = tpu.memref_slice %arg6[%dma_wait3A_215, %dma_wait3A_216] : memref<1000000x64xf32, #tpu.memory_space<hbm>> -> memref<128x64xf32, #tpu.memory_space<hbm>>
    %dma_wait3A_218 = arith.constant 512 : i32
    %dma_wait3A_219 = arith.constant 0 : i32
    %dma_wait3A_220 = tpu.memref_slice %arg13[%dma_wait3A_218, %dma_wait3A_219] : memref<1280x64xf32, #tpu.memory_space<vmem>> -> memref<128x64xf32, #tpu.memory_space<vmem>>
    %dma_wait3A_221 = arith.constant 0 : i32
    %dma_wait3A_222 = arith.constant 0 : i32
    %dma_wait3A_223 = tpu.memref_slice %arg6[%dma_wait3A_221, %dma_wait3A_222] : memref<1000000x64xf32, #tpu.memory_space<hbm>> -> memref<128x64xf32, #tpu.memory_space<hbm>>
    tpu.wait_dma2 semaphore(%arg15 : memref<!tpu.dma_semaphore, #tpu.memory_space<semaphore_mem>>) src(%dma_wait3A_223 : memref<128x64xf32, #tpu.memory_space<hbm>>) dst(%dma_wait3A_220 : memref<128x64xf32, #tpu.memory_space<vmem>>)
    %scan3A_224 = arith.constant 0 : i32
    %scan3A_225 = arith.constant 0 : i32
    %scan3A_226 = arith.constant 32 : i32
    %scan3A_227 = arith.addi %scan3A_225, %scan3A_226 : i32
    %scan3A_228 = arith.constant 1 : i32
    scf.for %scan3A_324 = %scan3A_225 to %scan3A_227 step %scan3A_228  : i32 {
      %add3A_325 = arith.constant 0 : i32
      %add3A_326 = arith.addi %add3A_325, %scan3A_324 : i32
      %get3A = arith.index_cast %add3A_326 : i32 to index
      %get3A_327 = arith.constant 0 : index
      %get3A_328 = tpu.vector_load %arg11[%get3A, %get3A_327] {strides = array<i32>} : memref<64x64xf32, #tpu.memory_space<vmem>>, vector<16xf32>,
      %get3A_329 = arith.index_cast %add3A_326 : i32 to index
      %get3A_330 = arith.constant 16 : index
      %get3A_331 = tpu.vector_load %arg11[%get3A_329, %get3A_330] {strides = array<i32>} : memref<64x64xf32, #tpu.memory_space<vmem>>, vector<16xf32>,
      %get3A_332 = arith.index_cast %add3A_326 : i32 to index
      %get3A_333 = arith.constant 32 : index
      %get3A_334 = tpu.vector_load %arg11[%get3A_332, %get3A_333] {strides = array<i32>} : memref<64x64xf32, #tpu.memory_space<vmem>>, vector<16xf32>,
      %get3A_335 = arith.index_cast %add3A_326 : i32 to index
      %get3A_336 = arith.constant 48 : index
      %get3A_337 = tpu.vector_load %arg11[%get3A_335, %get3A_336] {strides = array<i32>} : memref<64x64xf32, #tpu.memory_space<vmem>>, vector<16xf32>,
      %get3A_338 = arith.index_cast %add3A_326 : i32 to index
      %get3A_339 = arith.constant 0 : index
      %get3A_340 = tpu.vector_load %arg12[%get3A_338, %get3A_339] {strides = array<i32>} : memref<64x64xf32, #tpu.memory_space<vmem>>, vector<16xf32>,
      %mul3A_341 = arith.mulf %get3A_328, %get3A_340 : vector<16xf32>
      %get3A_342 = arith.index_cast %add3A_326 : i32 to index
      %get3A_343 = arith.constant 16 : index
      %get3A_344 = tpu.vector_load %arg12[%get3A_342, %get3A_343] {strides = array<i32>} : memref<64x64xf32, #tpu.memory_space<vmem>>, vector<16xf32>,
      %mul3A_345 = arith.mulf %get3A_331, %get3A_344 : vector<16xf32>
      %add3A_346 = arith.addf %mul3A_341, %mul3A_345 : vector<16xf32>
      %get3A_347 = arith.index_cast %add3A_326 : i32 to index
      %get3A_348 = arith.constant 32 : index
      %get3A_349 = tpu.vector_load %arg12[%get3A_347, %get3A_348] {strides = array<i32>} : memref<64x64xf32, #tpu.memory_space<vmem>>, vector<16xf32>,
      %mul3A_350 = arith.mulf %get3A_334, %get3A_349 : vector<16xf32>
      %add3A_351 = arith.addf %add3A_346, %mul3A_350 : vector<16xf32>
      %get3A_352 = arith.index_cast %add3A_326 : i32 to index
      %get3A_353 = arith.constant 48 : index
      %get3A_354 = tpu.vector_load %arg12[%get3A_352, %get3A_353] {strides = array<i32>} : memref<64x64xf32, #tpu.memory_space<vmem>>, vector<16xf32>,
      %mul3A_355 = arith.mulf %get3A_337, %get3A_354 : vector<16xf32>
      %add3A_356 = arith.addf %add3A_351, %mul3A_355 : vector<16xf32>
      %eq3A = arith.constant 0 : i32
      %eq3A_357 = vector.broadcast %eq3A : i32 to vector<16xi32>
      %eq3A_358 = arith.cmpi eq, %iota3A, %eq3A_357 : vector<16xi32>
      %reduce_sum3A = arith.constant true
      %reduce_sum3A_359 = vector.broadcast %reduce_sum3A : i1 to vector<16xi1>
      %reduce_sum3A_360 = tpu.scan <sum>, %add3A_356 masked %reduce_sum3A_359 : vector<16xf32>, vector<16xi1> -> vector<16xf32>
      %reduce_sum3A_361 = vector.extract %reduce_sum3A_360[15] : f32 from vector<16xf32>
      %jit3A = arith.constant 0.000000e+00 : f32
      %broadcast_in_dim3A = vector.broadcast %reduce_sum3A_361 : f32 to vector<16xf32>
      %broadcast_in_dim3A_362 = vector.broadcast %jit3A : f32 to vector<16xf32>
      %select_n3A = arith.select %eq3A_358, %broadcast_in_dim3A, %broadcast_in_dim3A_362 : vector<16xi1>, vector<16xf32>
      %broadcast_in_dim3A_363 = arith.constant 0.000000e+00 : f32
      %broadcast_in_dim3A_364 = vector.broadcast %broadcast_in_dim3A_363 : f32 to vector<16xf32>
      %mul3A_365 = arith.constant 20 : i32
      %mul3A_366 = arith.muli %scan3A_324, %mul3A_365 : i32
      %add3A_367 = arith.constant 0 : i32
      %add3A_368 = arith.addi %add3A_367, %mul3A_366 : i32
      %add3A_369 = arith.constant 0 : i32
      %add3A_370 = arith.addi %add3A_368, %add3A_369 : i32
      %get3A_371 = arith.index_cast %add3A_370 : i32 to index
      %get3A_372 = arith.constant 0 : index
      %get3A_373 = tpu.vector_load %arg13[%get3A_371, %get3A_372] {strides = array<i32>} : memref<1280x64xf32, #tpu.memory_space<vmem>>, vector<16xf32>,
      %mul3A_374 = arith.mulf %get3A_328, %get3A_373 : vector<16xf32>
      %add3A_375 = arith.constant 0 : i32
      %add3A_376 = arith.addi %add3A_368, %add3A_375 : i32
      %get3A_377 = arith.index_cast %add3A_376 : i32 to index
      %get3A_378 = arith.constant 16 : index
      %get3A_379 = tpu.vector_load %arg13[%get3A_377, %get3A_378] {strides = array<i32>} : memref<1280x64xf32, #tpu.memory_space<vmem>>, vector<16xf32>,
      %mul3A_380 = arith.mulf %get3A_331, %get3A_379 : vector<16xf32>
      %add3A_381 = arith.addf %mul3A_374, %mul3A_380 : vector<16xf32>
      %add3A_382 = arith.constant 0 : i32
      %add3A_383 = arith.addi %add3A_368, %add3A_382 : i32
      %get3A_384 = arith.index_cast %add3A_383 : i32 to index
      %get3A_385 = arith.constant 32 : index
      %get3A_386 = tpu.vector_load %arg13[%get3A_384, %get3A_385] {strides = array<i32>} : memref<1280x64xf32, #tpu.memory_space<vmem>>, vector<16xf32>,
      %mul3A_387 = arith.mulf %get3A_334, %get3A_386 : vector<16xf32>
      %add3A_388 = arith.addf %add3A_381, %mul3A_387 : vector<16xf32>
      %add3A_389 = arith.constant 0 : i32
      %add3A_390 = arith.addi %add3A_368, %add3A_389 : i32
      %get3A_391 = arith.index_cast %add3A_390 : i32 to index
      %get3A_392 = arith.constant 48 : index
      %get3A_393 = tpu.vector_load %arg13[%get3A_391, %get3A_392] {strides = array<i32>} : memref<1280x64xf32, #tpu.memory_space<vmem>>, vector<16xf32>,
      %mul3A_394 = arith.mulf %get3A_337, %get3A_393 : vector<16xf32>
      %add3A_395 = arith.addf %add3A_388, %mul3A_394 : vector<16xf32>
      %reduce_sum3A_396 = arith.constant true
      %reduce_sum3A_397 = vector.broadcast %reduce_sum3A_396 : i1 to vector<16xi1>
      %reduce_sum3A_398 = tpu.scan <sum>, %add3A_395 masked %reduce_sum3A_397 : vector<16xf32>, vector<16xi1> -> vector<16xf32>
      %reduce_sum3A_399 = vector.extract %reduce_sum3A_398[15] : f32 from vector<16xf32>
      %eq3A_400 = arith.constant 1 : i32
      %eq3A_401 = vector.broadcast %eq3A_400 : i32 to vector<16xi32>
      %eq3A_402 = arith.cmpi eq, %iota3A, %eq3A_401 : vector<16xi32>
      %broadcast_in_dim3A_403 = vector.broadcast %reduce_sum3A_399 : f32 to vector<16xf32>
      %select_n3A_404 = arith.select %eq3A_402, %broadcast_in_dim3A_403, %select_n3A : vector<16xi1>, vector<16xf32>
      %add3A_405 = arith.constant 1 : i32
      %add3A_406 = arith.addi %add3A_368, %add3A_405 : i32
      %get3A_407 = arith.index_cast %add3A_406 : i32 to index
      %get3A_408 = arith.constant 0 : index
      %get3A_409 = tpu.vector_load %arg13[%get3A_407, %get3A_408] {strides = array<i32>} : memref<1280x64xf32, #tpu.memory_space<vmem>>, vector<16xf32>,
      %mul3A_410 = arith.mulf %get3A_328, %get3A_409 : vector<16xf32>
      %add3A_411 = arith.constant 1 : i32
      %add3A_412 = arith.addi %add3A_368, %add3A_411 : i32
      %get3A_413 = arith.index_cast %add3A_412 : i32 to index
      %get3A_414 = arith.constant 16 : index
      %get3A_415 = tpu.vector_load %arg13[%get3A_413, %get3A_414] {strides = array<i32>} : memref<1280x64xf32, #tpu.memory_space<vmem>>, vector<16xf32>,
      %mul3A_416 = arith.mulf %get3A_331, %get3A_415 : vector<16xf32>
      %add3A_417 = arith.addf %mul3A_410, %mul3A_416 : vector<16xf32>
      %add3A_418 = arith.constant 1 : i32
      %add3A_419 = arith.addi %add3A_368, %add3A_418 : i32
      %get3A_420 = arith.index_cast %add3A_419 : i32 to index
      %get3A_421 = arith.constant 32 : index
      %get3A_422 = tpu.vector_load %arg13[%get3A_420, %get3A_421] {strides = array<i32>} : memref<1280x64xf32, #tpu.memory_space<vmem>>, vector<16xf32>,
      %mul3A_423 = arith.mulf %get3A_334, %get3A_422 : vector<16xf32>
      %add3A_424 = arith.addf %add3A_417, %mul3A_423 : vector<16xf32>
      %add3A_425 = arith.constant 1 : i32
      %add3A_426 = arith.addi %add3A_368, %add3A_425 : i32
      %get3A_427 = arith.index_cast %add3A_426 : i32 to index
      %get3A_428 = arith.constant 48 : index
      %get3A_429 = tpu.vector_load %arg13[%get3A_427, %get3A_428] {strides = array<i32>} : memref<1280x64xf32, #tpu.memory_space<vmem>>, vector<16xf32>,
      %mul3A_430 = arith.mulf %get3A_337, %get3A_429 : vector<16xf32>
      %add3A_431 = arith.addf %add3A_424, %mul3A_430 : vector<16xf32>
      %reduce_sum3A_432 = arith.constant true
      %reduce_sum3A_433 = vector.broadcast %reduce_sum3A_432 : i1 to vector<16xi1>
      %reduce_sum3A_434 = tpu.scan <sum>, %add3A_431 masked %reduce_sum3A_433 : vector<16xf32>, vector<16xi1> -> vector<16xf32>
      %reduce_sum3A_435 = vector.extract %reduce_sum3A_434[15] : f32 from vector<16xf32>
      %eq3A_436 = arith.constant 2 : i32
      %eq3A_437 = vector.broadcast %eq3A_436 : i32 to vector<16xi32>
      %eq3A_438 = arith.cmpi eq, %iota3A, %eq3A_437 : vector<16xi32>
      %broadcast_in_dim3A_439 = vector.broadcast %reduce_sum3A_435 : f32 to vector<16xf32>
      %select_n3A_440 = arith.select %eq3A_438, %broadcast_in_dim3A_439, %select_n3A_404 : vector<16xi1>, vector<16xf32>
      %add3A_441 = arith.constant 2 : i32
      %add3A_442 = arith.addi %add3A_368, %add3A_441 : i32
      %get3A_443 = arith.index_cast %add3A_442 : i32 to index
      %get3A_444 = arith.constant 0 : index
      %get3A_445 = tpu.vector_load %arg13[%get3A_443, %get3A_444] {strides = array<i32>} : memref<1280x64xf32, #tpu.memory_space<vmem>>, vector<16xf32>,
      %mul3A_446 = arith.mulf %get3A_328, %get3A_445 : vector<16xf32>
      %add3A_447 = arith.constant 2 : i32
      %add3A_448 = arith.addi %add3A_368, %add3A_447 : i32
      %get3A_449 = arith.index_cast %add3A_448 : i32 to index
      %get3A_450 = arith.constant 16 : index
      %get3A_451 = tpu.vector_load %arg13[%get3A_449, %get3A_450] {strides = array<i32>} : memref<1280x64xf32, #tpu.memory_space<vmem>>, vector<16xf32>,
      %mul3A_452 = arith.mulf %get3A_331, %get3A_451 : vector<16xf32>
      %add3A_453 = arith.addf %mul3A_446, %mul3A_452 : vector<16xf32>
      %add3A_454 = arith.constant 2 : i32
      %add3A_455 = arith.addi %add3A_368, %add3A_454 : i32
      %get3A_456 = arith.index_cast %add3A_455 : i32 to index
      %get3A_457 = arith.constant 32 : index
      %get3A_458 = tpu.vector_load %arg13[%get3A_456, %get3A_457] {strides = array<i32>} : memref<1280x64xf32, #tpu.memory_space<vmem>>, vector<16xf32>,
      %mul3A_459 = arith.mulf %get3A_334, %get3A_458 : vector<16xf32>
      %add3A_460 = arith.addf %add3A_453, %mul3A_459 : vector<16xf32>
      %add3A_461 = arith.constant 2 : i32
      %add3A_462 = arith.addi %add3A_368, %add3A_461 : i32
      %get3A_463 = arith.index_cast %add3A_462 : i32 to index
      %get3A_464 = arith.constant 48 : index
      %get3A_465 = tpu.vector_load %arg13[%get3A_463, %get3A_464] {strides = array<i32>} : memref<1280x64xf32, #tpu.memory_space<vmem>>, vector<16xf32>,
      %mul3A_466 = arith.mulf %get3A_337, %get3A_465 : vector<16xf32>
      %add3A_467 = arith.addf %add3A_460, %mul3A_466 : vector<16xf32>
      %reduce_sum3A_468 = arith.constant true
      %reduce_sum3A_469 = vector.broadcast %reduce_sum3A_468 : i1 to vector<16xi1>
      %reduce_sum3A_470 = tpu.scan <sum>, %add3A_467 masked %reduce_sum3A_469 : vector<16xf32>, vector<16xi1> -> vector<16xf32>
      %reduce_sum3A_471 = vector.extract %reduce_sum3A_470[15] : f32 from vector<16xf32>
      %eq3A_472 = arith.constant 3 : i32
      %eq3A_473 = vector.broadcast %eq3A_472 : i32 to vector<16xi32>
      %eq3A_474 = arith.cmpi eq, %iota3A, %eq3A_473 : vector<16xi32>
      %broadcast_in_dim3A_475 = vector.broadcast %reduce_sum3A_471 : f32 to vector<16xf32>
      %select_n3A_476 = arith.select %eq3A_474, %broadcast_in_dim3A_475, %select_n3A_440 : vector<16xi1>, vector<16xf32>
      %add3A_477 = arith.constant 3 : i32
      %add3A_478 = arith.addi %add3A_368, %add3A_477 : i32
      %get3A_479 = arith.index_cast %add3A_478 : i32 to index
      %get3A_480 = arith.constant 0 : index
      %get3A_481 = tpu.vector_load %arg13[%get3A_479, %get3A_480] {strides = array<i32>} : memref<1280x64xf32, #tpu.memory_space<vmem>>, vector<16xf32>,
      %mul3A_482 = arith.mulf %get3A_328, %get3A_481 : vector<16xf32>
      %add3A_483 = arith.constant 3 : i32
      %add3A_484 = arith.addi %add3A_368, %add3A_483 : i32
      %get3A_485 = arith.index_cast %add3A_484 : i32 to index
      %get3A_486 = arith.constant 16 : index
      %get3A_487 = tpu.vector_load %arg13[%get3A_485, %get3A_486] {strides = array<i32>} : memref<1280x64xf32, #tpu.memory_space<vmem>>, vector<16xf32>,
      %mul3A_488 = arith.mulf %get3A_331, %get3A_487 : vector<16xf32>
      %add3A_489 = arith.addf %mul3A_482, %mul3A_488 : vector<16xf32>
      %add3A_490 = arith.constant 3 : i32
      %add3A_491 = arith.addi %add3A_368, %add3A_490 : i32
      %get3A_492 = arith.index_cast %add3A_491 : i32 to index
      %get3A_493 = arith.constant 32 : index
      %get3A_494 = tpu.vector_load %arg13[%get3A_492, %get3A_493] {strides = array<i32>} : memref<1280x64xf32, #tpu.memory_space<vmem>>, vector<16xf32>,
      %mul3A_495 = arith.mulf %get3A_334, %get3A_494 : vector<16xf32>
      %add3A_496 = arith.addf %add3A_489, %mul3A_495 : vector<16xf32>
      %add3A_497 = arith.constant 3 : i32
      %add3A_498 = arith.addi %add3A_368, %add3A_497 : i32
      %get3A_499 = arith.index_cast %add3A_498 : i32 to index
      %get3A_500 = arith.constant 48 : index
      %get3A_501 = tpu.vector_load %arg13[%get3A_499, %get3A_500] {strides = array<i32>} : memref<1280x64xf32, #tpu.memory_space<vmem>>, vector<16xf32>,
      %mul3A_502 = arith.mulf %get3A_337, %get3A_501 : vector<16xf32>
      %add3A_503 = arith.addf %add3A_496, %mul3A_502 : vector<16xf32>
      %reduce_sum3A_504 = arith.constant true
      %reduce_sum3A_505 = vector.broadcast %reduce_sum3A_504 : i1 to vector<16xi1>
      %reduce_sum3A_506 = tpu.scan <sum>, %add3A_503 masked %reduce_sum3A_505 : vector<16xf32>, vector<16xi1> -> vector<16xf32>
      %reduce_sum3A_507 = vector.extract %reduce_sum3A_506[15] : f32 from vector<16xf32>
      %eq3A_508 = arith.constant 4 : i32
      %eq3A_509 = vector.broadcast %eq3A_508 : i32 to vector<16xi32>
      %eq3A_510 = arith.cmpi eq, %iota3A, %eq3A_509 : vector<16xi32>
      %broadcast_in_dim3A_511 = vector.broadcast %reduce_sum3A_507 : f32 to vector<16xf32>
      %select_n3A_512 = arith.select %eq3A_510, %broadcast_in_dim3A_511, %select_n3A_476 : vector<16xi1>, vector<16xf32>
      %add3A_513 = arith.constant 4 : i32
      %add3A_514 = arith.addi %add3A_368, %add3A_513 : i32
      %get3A_515 = arith.index_cast %add3A_514 : i32 to index
      %get3A_516 = arith.constant 0 : index
      %get3A_517 = tpu.vector_load %arg13[%get3A_515, %get3A_516] {strides = array<i32>} : memref<1280x64xf32, #tpu.memory_space<vmem>>, vector<16xf32>,
      %mul3A_518 = arith.mulf %get3A_328, %get3A_517 : vector<16xf32>
      %add3A_519 = arith.constant 4 : i32
      %add3A_520 = arith.addi %add3A_368, %add3A_519 : i32
      %get3A_521 = arith.index_cast %add3A_520 : i32 to index
      %get3A_522 = arith.constant 16 : index
      %get3A_523 = tpu.vector_load %arg13[%get3A_521, %get3A_522] {strides = array<i32>} : memref<1280x64xf32, #tpu.memory_space<vmem>>, vector<16xf32>,
      %mul3A_524 = arith.mulf %get3A_331, %get3A_523 : vector<16xf32>
      %add3A_525 = arith.addf %mul3A_518, %mul3A_524 : vector<16xf32>
      %add3A_526 = arith.constant 4 : i32
      %add3A_527 = arith.addi %add3A_368, %add3A_526 : i32
      %get3A_528 = arith.index_cast %add3A_527 : i32 to index
      %get3A_529 = arith.constant 32 : index
      %get3A_530 = tpu.vector_load %arg13[%get3A_528, %get3A_529] {strides = array<i32>} : memref<1280x64xf32, #tpu.memory_space<vmem>>, vector<16xf32>,
      %mul3A_531 = arith.mulf %get3A_334, %get3A_530 : vector<16xf32>
      %add3A_532 = arith.addf %add3A_525, %mul3A_531 : vector<16xf32>
      %add3A_533 = arith.constant 4 : i32
      %add3A_534 = arith.addi %add3A_368, %add3A_533 : i32
      %get3A_535 = arith.index_cast %add3A_534 : i32 to index
      %get3A_536 = arith.constant 48 : index
      %get3A_537 = tpu.vector_load %arg13[%get3A_535, %get3A_536] {strides = array<i32>} : memref<1280x64xf32, #tpu.memory_space<vmem>>, vector<16xf32>,
      %mul3A_538 = arith.mulf %get3A_337, %get3A_537 : vector<16xf32>
      %add3A_539 = arith.addf %add3A_532, %mul3A_538 : vector<16xf32>
      %reduce_sum3A_540 = arith.constant true
      %reduce_sum3A_541 = vector.broadcast %reduce_sum3A_540 : i1 to vector<16xi1>
      %reduce_sum3A_542 = tpu.scan <sum>, %add3A_539 masked %reduce_sum3A_541 : vector<16xf32>, vector<16xi1> -> vector<16xf32>
      %reduce_sum3A_543 = vector.extract %reduce_sum3A_542[15] : f32 from vector<16xf32>
      %eq3A_544 = arith.constant 5 : i32
      %eq3A_545 = vector.broadcast %eq3A_544 : i32 to vector<16xi32>
      %eq3A_546 = arith.cmpi eq, %iota3A, %eq3A_545 : vector<16xi32>
      %broadcast_in_dim3A_547 = vector.broadcast %reduce_sum3A_543 : f32 to vector<16xf32>
      %select_n3A_548 = arith.select %eq3A_546, %broadcast_in_dim3A_547, %select_n3A_512 : vector<16xi1>, vector<16xf32>
      %add3A_549 = arith.constant 5 : i32
      %add3A_550 = arith.addi %add3A_368, %add3A_549 : i32
      %get3A_551 = arith.index_cast %add3A_550 : i32 to index
      %get3A_552 = arith.constant 0 : index
      %get3A_553 = tpu.vector_load %arg13[%get3A_551, %get3A_552] {strides = array<i32>} : memref<1280x64xf32, #tpu.memory_space<vmem>>, vector<16xf32>,
      %mul3A_554 = arith.mulf %get3A_328, %get3A_553 : vector<16xf32>
      %add3A_555 = arith.constant 5 : i32
      %add3A_556 = arith.addi %add3A_368, %add3A_555 : i32
      %get3A_557 = arith.index_cast %add3A_556 : i32 to index
      %get3A_558 = arith.constant 16 : index
      %get3A_559 = tpu.vector_load %arg13[%get3A_557, %get3A_558] {strides = array<i32>} : memref<1280x64xf32, #tpu.memory_space<vmem>>, vector<16xf32>,
      %mul3A_560 = arith.mulf %get3A_331, %get3A_559 : vector<16xf32>
      %add3A_561 = arith.addf %mul3A_554, %mul3A_560 : vector<16xf32>
      %add3A_562 = arith.constant 5 : i32
      %add3A_563 = arith.addi %add3A_368, %add3A_562 : i32
      %get3A_564 = arith.index_cast %add3A_563 : i32 to index
      %get3A_565 = arith.constant 32 : index
      %get3A_566 = tpu.vector_load %arg13[%get3A_564, %get3A_565] {strides = array<i32>} : memref<1280x64xf32, #tpu.memory_space<vmem>>, vector<16xf32>,
      %mul3A_567 = arith.mulf %get3A_334, %get3A_566 : vector<16xf32>
      %add3A_568 = arith.addf %add3A_561, %mul3A_567 : vector<16xf32>
      %add3A_569 = arith.constant 5 : i32
      %add3A_570 = arith.addi %add3A_368, %add3A_569 : i32
      %get3A_571 = arith.index_cast %add3A_570 : i32 to index
      %get3A_572 = arith.constant 48 : index
      %get3A_573 = tpu.vector_load %arg13[%get3A_571, %get3A_572] {strides = array<i32>} : memref<1280x64xf32, #tpu.memory_space<vmem>>, vector<16xf32>,
      %mul3A_574 = arith.mulf %get3A_337, %get3A_573 : vector<16xf32>
      %add3A_575 = arith.addf %add3A_568, %mul3A_574 : vector<16xf32>
      %reduce_sum3A_576 = arith.constant true
      %reduce_sum3A_577 = vector.broadcast %reduce_sum3A_576 : i1 to vector<16xi1>
      %reduce_sum3A_578 = tpu.scan <sum>, %add3A_575 masked %reduce_sum3A_577 : vector<16xf32>, vector<16xi1> -> vector<16xf32>
      %reduce_sum3A_579 = vector.extract %reduce_sum3A_578[15] : f32 from vector<16xf32>
      %eq3A_580 = arith.constant 6 : i32
      %eq3A_581 = vector.broadcast %eq3A_580 : i32 to vector<16xi32>
      %eq3A_582 = arith.cmpi eq, %iota3A, %eq3A_581 : vector<16xi32>
      %broadcast_in_dim3A_583 = vector.broadcast %reduce_sum3A_579 : f32 to vector<16xf32>
      %select_n3A_584 = arith.select %eq3A_582, %broadcast_in_dim3A_583, %select_n3A_548 : vector<16xi1>, vector<16xf32>
      %add3A_585 = arith.constant 6 : i32
      %add3A_586 = arith.addi %add3A_368, %add3A_585 : i32
      %get3A_587 = arith.index_cast %add3A_586 : i32 to index
      %get3A_588 = arith.constant 0 : index
      %get3A_589 = tpu.vector_load %arg13[%get3A_587, %get3A_588] {strides = array<i32>} : memref<1280x64xf32, #tpu.memory_space<vmem>>, vector<16xf32>,
      %mul3A_590 = arith.mulf %get3A_328, %get3A_589 : vector<16xf32>
      %add3A_591 = arith.constant 6 : i32
      %add3A_592 = arith.addi %add3A_368, %add3A_591 : i32
      %get3A_593 = arith.index_cast %add3A_592 : i32 to index
      %get3A_594 = arith.constant 16 : index
      %get3A_595 = tpu.vector_load %arg13[%get3A_593, %get3A_594] {strides = array<i32>} : memref<1280x64xf32, #tpu.memory_space<vmem>>, vector<16xf32>,
      %mul3A_596 = arith.mulf %get3A_331, %get3A_595 : vector<16xf32>
      %add3A_597 = arith.addf %mul3A_590, %mul3A_596 : vector<16xf32>
      %add3A_598 = arith.constant 6 : i32
      %add3A_599 = arith.addi %add3A_368, %add3A_598 : i32
      %get3A_600 = arith.index_cast %add3A_599 : i32 to index
      %get3A_601 = arith.constant 32 : index
      %get3A_602 = tpu.vector_load %arg13[%get3A_600, %get3A_601] {strides = array<i32>} : memref<1280x64xf32, #tpu.memory_space<vmem>>, vector<16xf32>,
      %mul3A_603 = arith.mulf %get3A_334, %get3A_602 : vector<16xf32>
      %add3A_604 = arith.addf %add3A_597, %mul3A_603 : vector<16xf32>
      %add3A_605 = arith.constant 6 : i32
      %add3A_606 = arith.addi %add3A_368, %add3A_605 : i32
      %get3A_607 = arith.index_cast %add3A_606 : i32 to index
      %get3A_608 = arith.constant 48 : index
      %get3A_609 = tpu.vector_load %arg13[%get3A_607, %get3A_608] {strides = array<i32>} : memref<1280x64xf32, #tpu.memory_space<vmem>>, vector<16xf32>,
      %mul3A_610 = arith.mulf %get3A_337, %get3A_609 : vector<16xf32>
      %add3A_611 = arith.addf %add3A_604, %mul3A_610 : vector<16xf32>
      %reduce_sum3A_612 = arith.constant true
      %reduce_sum3A_613 = vector.broadcast %reduce_sum3A_612 : i1 to vector<16xi1>
      %reduce_sum3A_614 = tpu.scan <sum>, %add3A_611 masked %reduce_sum3A_613 : vector<16xf32>, vector<16xi1> -> vector<16xf32>
      %reduce_sum3A_615 = vector.extract %reduce_sum3A_614[15] : f32 from vector<16xf32>
      %eq3A_616 = arith.constant 7 : i32
      %eq3A_617 = vector.broadcast %eq3A_616 : i32 to vector<16xi32>
      %eq3A_618 = arith.cmpi eq, %iota3A, %eq3A_617 : vector<16xi32>
      %broadcast_in_dim3A_619 = vector.broadcast %reduce_sum3A_615 : f32 to vector<16xf32>
      %select_n3A_620 = arith.select %eq3A_618, %broadcast_in_dim3A_619, %select_n3A_584 : vector<16xi1>, vector<16xf32>
      %add3A_621 = arith.constant 7 : i32
      %add3A_622 = arith.addi %add3A_368, %add3A_621 : i32
      %get3A_623 = arith.index_cast %add3A_622 : i32 to index
      %get3A_624 = arith.constant 0 : index
      %get3A_625 = tpu.vector_load %arg13[%get3A_623, %get3A_624] {strides = array<i32>} : memref<1280x64xf32, #tpu.memory_space<vmem>>, vector<16xf32>,
      %mul3A_626 = arith.mulf %get3A_328, %get3A_625 : vector<16xf32>
      %add3A_627 = arith.constant 7 : i32
      %add3A_628 = arith.addi %add3A_368, %add3A_627 : i32
      %get3A_629 = arith.index_cast %add3A_628 : i32 to index
      %get3A_630 = arith.constant 16 : index
      %get3A_631 = tpu.vector_load %arg13[%get3A_629, %get3A_630] {strides = array<i32>} : memref<1280x64xf32, #tpu.memory_space<vmem>>, vector<16xf32>,
      %mul3A_632 = arith.mulf %get3A_331, %get3A_631 : vector<16xf32>
      %add3A_633 = arith.addf %mul3A_626, %mul3A_632 : vector<16xf32>
      %add3A_634 = arith.constant 7 : i32
      %add3A_635 = arith.addi %add3A_368, %add3A_634 : i32
      %get3A_636 = arith.index_cast %add3A_635 : i32 to index
      %get3A_637 = arith.constant 32 : index
      %get3A_638 = tpu.vector_load %arg13[%get3A_636, %get3A_637] {strides = array<i32>} : memref<1280x64xf32, #tpu.memory_space<vmem>>, vector<16xf32>,
      %mul3A_639 = arith.mulf %get3A_334, %get3A_638 : vector<16xf32>
      %add3A_640 = arith.addf %add3A_633, %mul3A_639 : vector<16xf32>
      %add3A_641 = arith.constant 7 : i32
      %add3A_642 = arith.addi %add3A_368, %add3A_641 : i32
      %get3A_643 = arith.index_cast %add3A_642 : i32 to index
      %get3A_644 = arith.constant 48 : index
      %get3A_645 = tpu.vector_load %arg13[%get3A_643, %get3A_644] {strides = array<i32>} : memref<1280x64xf32, #tpu.memory_space<vmem>>, vector<16xf32>,
      %mul3A_646 = arith.mulf %get3A_337, %get3A_645 : vector<16xf32>
      %add3A_647 = arith.addf %add3A_640, %mul3A_646 : vector<16xf32>
      %reduce_sum3A_648 = arith.constant true
      %reduce_sum3A_649 = vector.broadcast %reduce_sum3A_648 : i1 to vector<16xi1>
      %reduce_sum3A_650 = tpu.scan <sum>, %add3A_647 masked %reduce_sum3A_649 : vector<16xf32>, vector<16xi1> -> vector<16xf32>
      %reduce_sum3A_651 = vector.extract %reduce_sum3A_650[15] : f32 from vector<16xf32>
      %eq3A_652 = arith.constant 8 : i32
      %eq3A_653 = vector.broadcast %eq3A_652 : i32 to vector<16xi32>
      %eq3A_654 = arith.cmpi eq, %iota3A, %eq3A_653 : vector<16xi32>
      %broadcast_in_dim3A_655 = vector.broadcast %reduce_sum3A_651 : f32 to vector<16xf32>
      %select_n3A_656 = arith.select %eq3A_654, %broadcast_in_dim3A_655, %select_n3A_620 : vector<16xi1>, vector<16xf32>
      %add3A_657 = arith.constant 8 : i32
      %add3A_658 = arith.addi %add3A_368, %add3A_657 : i32
      %get3A_659 = arith.index_cast %add3A_658 : i32 to index
      %get3A_660 = arith.constant 0 : index
      %get3A_661 = tpu.vector_load %arg13[%get3A_659, %get3A_660] {strides = array<i32>} : memref<1280x64xf32, #tpu.memory_space<vmem>>, vector<16xf32>,
      %mul3A_662 = arith.mulf %get3A_328, %get3A_661 : vector<16xf32>
      %add3A_663 = arith.constant 8 : i32
      %add3A_664 = arith.addi %add3A_368, %add3A_663 : i32
      %get3A_665 = arith.index_cast %add3A_664 : i32 to index
      %get3A_666 = arith.constant 16 : index
      %get3A_667 = tpu.vector_load %arg13[%get3A_665, %get3A_666] {strides = array<i32>} : memref<1280x64xf32, #tpu.memory_space<vmem>>, vector<16xf32>,
      %mul3A_668 = arith.mulf %get3A_331, %get3A_667 : vector<16xf32>
      %add3A_669 = arith.addf %mul3A_662, %mul3A_668 : vector<16xf32>
      %add3A_670 = arith.constant 8 : i32
      %add3A_671 = arith.addi %add3A_368, %add3A_670 : i32
      %get3A_672 = arith.index_cast %add3A_671 : i32 to index
      %get3A_673 = arith.constant 32 : index
      %get3A_674 = tpu.vector_load %arg13[%get3A_672, %get3A_673] {strides = array<i32>} : memref<1280x64xf32, #tpu.memory_space<vmem>>, vector<16xf32>,
      %mul3A_675 = arith.mulf %get3A_334, %get3A_674 : vector<16xf32>
      %add3A_676 = arith.addf %add3A_669, %mul3A_675 : vector<16xf32>
      %add3A_677 = arith.constant 8 : i32
      %add3A_678 = arith.addi %add3A_368, %add3A_677 : i32
      %get3A_679 = arith.index_cast %add3A_678 : i32 to index
      %get3A_680 = arith.constant 48 : index
      %get3A_681 = tpu.vector_load %arg13[%get3A_679, %get3A_680] {strides = array<i32>} : memref<1280x64xf32, #tpu.memory_space<vmem>>, vector<16xf32>,
      %mul3A_682 = arith.mulf %get3A_337, %get3A_681 : vector<16xf32>
      %add3A_683 = arith.addf %add3A_676, %mul3A_682 : vector<16xf32>
      %reduce_sum3A_684 = arith.constant true
      %reduce_sum3A_685 = vector.broadcast %reduce_sum3A_684 : i1 to vector<16xi1>
      %reduce_sum3A_686 = tpu.scan <sum>, %add3A_683 masked %reduce_sum3A_685 : vector<16xf32>, vector<16xi1> -> vector<16xf32>
      %reduce_sum3A_687 = vector.extract %reduce_sum3A_686[15] : f32 from vector<16xf32>
      %eq3A_688 = arith.constant 9 : i32
      %eq3A_689 = vector.broadcast %eq3A_688 : i32 to vector<16xi32>
      %eq3A_690 = arith.cmpi eq, %iota3A, %eq3A_689 : vector<16xi32>
      %broadcast_in_dim3A_691 = vector.broadcast %reduce_sum3A_687 : f32 to vector<16xf32>
      %select_n3A_692 = arith.select %eq3A_690, %broadcast_in_dim3A_691, %select_n3A_656 : vector<16xi1>, vector<16xf32>
      %add3A_693 = arith.constant 9 : i32
      %add3A_694 = arith.addi %add3A_368, %add3A_693 : i32
      %get3A_695 = arith.index_cast %add3A_694 : i32 to index
      %get3A_696 = arith.constant 0 : index
      %get3A_697 = tpu.vector_load %arg13[%get3A_695, %get3A_696] {strides = array<i32>} : memref<1280x64xf32, #tpu.memory_space<vmem>>, vector<16xf32>,
      %mul3A_698 = arith.mulf %get3A_328, %get3A_697 : vector<16xf32>
      %add3A_699 = arith.constant 9 : i32
      %add3A_700 = arith.addi %add3A_368, %add3A_699 : i32
      %get3A_701 = arith.index_cast %add3A_700 : i32 to index
      %get3A_702 = arith.constant 16 : index
      %get3A_703 = tpu.vector_load %arg13[%get3A_701, %get3A_702] {strides = array<i32>} : memref<1280x64xf32, #tpu.memory_space<vmem>>, vector<16xf32>,
      %mul3A_704 = arith.mulf %get3A_331, %get3A_703 : vector<16xf32>
      %add3A_705 = arith.addf %mul3A_698, %mul3A_704 : vector<16xf32>
      %add3A_706 = arith.constant 9 : i32
      %add3A_707 = arith.addi %add3A_368, %add3A_706 : i32
      %get3A_708 = arith.index_cast %add3A_707 : i32 to index
      %get3A_709 = arith.constant 32 : index
      %get3A_710 = tpu.vector_load %arg13[%get3A_708, %get3A_709] {strides = array<i32>} : memref<1280x64xf32, #tpu.memory_space<vmem>>, vector<16xf32>,
      %mul3A_711 = arith.mulf %get3A_334, %get3A_710 : vector<16xf32>
      %add3A_712 = arith.addf %add3A_705, %mul3A_711 : vector<16xf32>
      %add3A_713 = arith.constant 9 : i32
      %add3A_714 = arith.addi %add3A_368, %add3A_713 : i32
      %get3A_715 = arith.index_cast %add3A_714 : i32 to index
      %get3A_716 = arith.constant 48 : index
      %get3A_717 = tpu.vector_load %arg13[%get3A_715, %get3A_716] {strides = array<i32>} : memref<1280x64xf32, #tpu.memory_space<vmem>>, vector<16xf32>,
      %mul3A_718 = arith.mulf %get3A_337, %get3A_717 : vector<16xf32>
      %add3A_719 = arith.addf %add3A_712, %mul3A_718 : vector<16xf32>
      %reduce_sum3A_720 = arith.constant true
      %reduce_sum3A_721 = vector.broadcast %reduce_sum3A_720 : i1 to vector<16xi1>
      %reduce_sum3A_722 = tpu.scan <sum>, %add3A_719 masked %reduce_sum3A_721 : vector<16xf32>, vector<16xi1> -> vector<16xf32>
      %reduce_sum3A_723 = vector.extract %reduce_sum3A_722[15] : f32 from vector<16xf32>
      %eq3A_724 = arith.constant 10 : i32
      %eq3A_725 = vector.broadcast %eq3A_724 : i32 to vector<16xi32>
      %eq3A_726 = arith.cmpi eq, %iota3A, %eq3A_725 : vector<16xi32>
      %broadcast_in_dim3A_727 = vector.broadcast %reduce_sum3A_723 : f32 to vector<16xf32>
      %select_n3A_728 = arith.select %eq3A_726, %broadcast_in_dim3A_727, %select_n3A_692 : vector<16xi1>, vector<16xf32>
      %add3A_729 = arith.constant 10 : i32
      %add3A_730 = arith.addi %add3A_368, %add3A_729 : i32
      %get3A_731 = arith.index_cast %add3A_730 : i32 to index
      %get3A_732 = arith.constant 0 : index
      %get3A_733 = tpu.vector_load %arg13[%get3A_731, %get3A_732] {strides = array<i32>} : memref<1280x64xf32, #tpu.memory_space<vmem>>, vector<16xf32>,
      %mul3A_734 = arith.mulf %get3A_328, %get3A_733 : vector<16xf32>
      %add3A_735 = arith.constant 10 : i32
      %add3A_736 = arith.addi %add3A_368, %add3A_735 : i32
      %get3A_737 = arith.index_cast %add3A_736 : i32 to index
      %get3A_738 = arith.constant 16 : index
      %get3A_739 = tpu.vector_load %arg13[%get3A_737, %get3A_738] {strides = array<i32>} : memref<1280x64xf32, #tpu.memory_space<vmem>>, vector<16xf32>,
      %mul3A_740 = arith.mulf %get3A_331, %get3A_739 : vector<16xf32>
      %add3A_741 = arith.addf %mul3A_734, %mul3A_740 : vector<16xf32>
      %add3A_742 = arith.constant 10 : i32
      %add3A_743 = arith.addi %add3A_368, %add3A_742 : i32
      %get3A_744 = arith.index_cast %add3A_743 : i32 to index
      %get3A_745 = arith.constant 32 : index
      %get3A_746 = tpu.vector_load %arg13[%get3A_744, %get3A_745] {strides = array<i32>} : memref<1280x64xf32, #tpu.memory_space<vmem>>, vector<16xf32>,
      %mul3A_747 = arith.mulf %get3A_334, %get3A_746 : vector<16xf32>
      %add3A_748 = arith.addf %add3A_741, %mul3A_747 : vector<16xf32>
      %add3A_749 = arith.constant 10 : i32
      %add3A_750 = arith.addi %add3A_368, %add3A_749 : i32
      %get3A_751 = arith.index_cast %add3A_750 : i32 to index
      %get3A_752 = arith.constant 48 : index
      %get3A_753 = tpu.vector_load %arg13[%get3A_751, %get3A_752] {strides = array<i32>} : memref<1280x64xf32, #tpu.memory_space<vmem>>, vector<16xf32>,
      %mul3A_754 = arith.mulf %get3A_337, %get3A_753 : vector<16xf32>
      %add3A_755 = arith.addf %add3A_748, %mul3A_754 : vector<16xf32>
      %reduce_sum3A_756 = arith.constant true
      %reduce_sum3A_757 = vector.broadcast %reduce_sum3A_756 : i1 to vector<16xi1>
      %reduce_sum3A_758 = tpu.scan <sum>, %add3A_755 masked %reduce_sum3A_757 : vector<16xf32>, vector<16xi1> -> vector<16xf32>
      %reduce_sum3A_759 = vector.extract %reduce_sum3A_758[15] : f32 from vector<16xf32>
      %eq3A_760 = arith.constant 11 : i32
      %eq3A_761 = vector.broadcast %eq3A_760 : i32 to vector<16xi32>
      %eq3A_762 = arith.cmpi eq, %iota3A, %eq3A_761 : vector<16xi32>
      %broadcast_in_dim3A_763 = vector.broadcast %reduce_sum3A_759 : f32 to vector<16xf32>
      %select_n3A_764 = arith.select %eq3A_762, %broadcast_in_dim3A_763, %select_n3A_728 : vector<16xi1>, vector<16xf32>
      %add3A_765 = arith.constant 11 : i32
      %add3A_766 = arith.addi %add3A_368, %add3A_765 : i32
      %get3A_767 = arith.index_cast %add3A_766 : i32 to index
      %get3A_768 = arith.constant 0 : index
      %get3A_769 = tpu.vector_load %arg13[%get3A_767, %get3A_768] {strides = array<i32>} : memref<1280x64xf32, #tpu.memory_space<vmem>>, vector<16xf32>,
      %mul3A_770 = arith.mulf %get3A_328, %get3A_769 : vector<16xf32>
      %add3A_771 = arith.constant 11 : i32
      %add3A_772 = arith.addi %add3A_368, %add3A_771 : i32
      %get3A_773 = arith.index_cast %add3A_772 : i32 to index
      %get3A_774 = arith.constant 16 : index
      %get3A_775 = tpu.vector_load %arg13[%get3A_773, %get3A_774] {strides = array<i32>} : memref<1280x64xf32, #tpu.memory_space<vmem>>, vector<16xf32>,
      %mul3A_776 = arith.mulf %get3A_331, %get3A_775 : vector<16xf32>
      %add3A_777 = arith.addf %mul3A_770, %mul3A_776 : vector<16xf32>
      %add3A_778 = arith.constant 11 : i32
      %add3A_779 = arith.addi %add3A_368, %add3A_778 : i32
      %get3A_780 = arith.index_cast %add3A_779 : i32 to index
      %get3A_781 = arith.constant 32 : index
      %get3A_782 = tpu.vector_load %arg13[%get3A_780, %get3A_781] {strides = array<i32>} : memref<1280x64xf32, #tpu.memory_space<vmem>>, vector<16xf32>,
      %mul3A_783 = arith.mulf %get3A_334, %get3A_782 : vector<16xf32>
      %add3A_784 = arith.addf %add3A_777, %mul3A_783 : vector<16xf32>
      %add3A_785 = arith.constant 11 : i32
      %add3A_786 = arith.addi %add3A_368, %add3A_785 : i32
      %get3A_787 = arith.index_cast %add3A_786 : i32 to index
      %get3A_788 = arith.constant 48 : index
      %get3A_789 = tpu.vector_load %arg13[%get3A_787, %get3A_788] {strides = array<i32>} : memref<1280x64xf32, #tpu.memory_space<vmem>>, vector<16xf32>,
      %mul3A_790 = arith.mulf %get3A_337, %get3A_789 : vector<16xf32>
      %add3A_791 = arith.addf %add3A_784, %mul3A_790 : vector<16xf32>
      %reduce_sum3A_792 = arith.constant true
      %reduce_sum3A_793 = vector.broadcast %reduce_sum3A_792 : i1 to vector<16xi1>
      %reduce_sum3A_794 = tpu.scan <sum>, %add3A_791 masked %reduce_sum3A_793 : vector<16xf32>, vector<16xi1> -> vector<16xf32>
      %reduce_sum3A_795 = vector.extract %reduce_sum3A_794[15] : f32 from vector<16xf32>
      %eq3A_796 = arith.constant 12 : i32
      %eq3A_797 = vector.broadcast %eq3A_796 : i32 to vector<16xi32>
      %eq3A_798 = arith.cmpi eq, %iota3A, %eq3A_797 : vector<16xi32>
      %broadcast_in_dim3A_799 = vector.broadcast %reduce_sum3A_795 : f32 to vector<16xf32>
      %select_n3A_800 = arith.select %eq3A_798, %broadcast_in_dim3A_799, %select_n3A_764 : vector<16xi1>, vector<16xf32>
      %add3A_801 = arith.constant 12 : i32
      %add3A_802 = arith.addi %add3A_368, %add3A_801 : i32
      %get3A_803 = arith.index_cast %add3A_802 : i32 to index
      %get3A_804 = arith.constant 0 : index
      %get3A_805 = tpu.vector_load %arg13[%get3A_803, %get3A_804] {strides = array<i32>} : memref<1280x64xf32, #tpu.memory_space<vmem>>, vector<16xf32>,
      %mul3A_806 = arith.mulf %get3A_328, %get3A_805 : vector<16xf32>
      %add3A_807 = arith.constant 12 : i32
      %add3A_808 = arith.addi %add3A_368, %add3A_807 : i32
      %get3A_809 = arith.index_cast %add3A_808 : i32 to index
      %get3A_810 = arith.constant 16 : index
      %get3A_811 = tpu.vector_load %arg13[%get3A_809, %get3A_810] {strides = array<i32>} : memref<1280x64xf32, #tpu.memory_space<vmem>>, vector<16xf32>,
      %mul3A_812 = arith.mulf %get3A_331, %get3A_811 : vector<16xf32>
      %add3A_813 = arith.addf %mul3A_806, %mul3A_812 : vector<16xf32>
      %add3A_814 = arith.constant 12 : i32
      %add3A_815 = arith.addi %add3A_368, %add3A_814 : i32
      %get3A_816 = arith.index_cast %add3A_815 : i32 to index
      %get3A_817 = arith.constant 32 : index
      %get3A_818 = tpu.vector_load %arg13[%get3A_816, %get3A_817] {strides = array<i32>} : memref<1280x64xf32, #tpu.memory_space<vmem>>, vector<16xf32>,
      %mul3A_819 = arith.mulf %get3A_334, %get3A_818 : vector<16xf32>
      %add3A_820 = arith.addf %add3A_813, %mul3A_819 : vector<16xf32>
      %add3A_821 = arith.constant 12 : i32
      %add3A_822 = arith.addi %add3A_368, %add3A_821 : i32
      %get3A_823 = arith.index_cast %add3A_822 : i32 to index
      %get3A_824 = arith.constant 48 : index
      %get3A_825 = tpu.vector_load %arg13[%get3A_823, %get3A_824] {strides = array<i32>} : memref<1280x64xf32, #tpu.memory_space<vmem>>, vector<16xf32>,
      %mul3A_826 = arith.mulf %get3A_337, %get3A_825 : vector<16xf32>
      %add3A_827 = arith.addf %add3A_820, %mul3A_826 : vector<16xf32>
      %reduce_sum3A_828 = arith.constant true
      %reduce_sum3A_829 = vector.broadcast %reduce_sum3A_828 : i1 to vector<16xi1>
      %reduce_sum3A_830 = tpu.scan <sum>, %add3A_827 masked %reduce_sum3A_829 : vector<16xf32>, vector<16xi1> -> vector<16xf32>
      %reduce_sum3A_831 = vector.extract %reduce_sum3A_830[15] : f32 from vector<16xf32>
      %eq3A_832 = arith.constant 13 : i32
      %eq3A_833 = vector.broadcast %eq3A_832 : i32 to vector<16xi32>
      %eq3A_834 = arith.cmpi eq, %iota3A, %eq3A_833 : vector<16xi32>
      %broadcast_in_dim3A_835 = vector.broadcast %reduce_sum3A_831 : f32 to vector<16xf32>
      %select_n3A_836 = arith.select %eq3A_834, %broadcast_in_dim3A_835, %select_n3A_800 : vector<16xi1>, vector<16xf32>
      %add3A_837 = arith.constant 13 : i32
      %add3A_838 = arith.addi %add3A_368, %add3A_837 : i32
      %get3A_839 = arith.index_cast %add3A_838 : i32 to index
      %get3A_840 = arith.constant 0 : index
      %get3A_841 = tpu.vector_load %arg13[%get3A_839, %get3A_840] {strides = array<i32>} : memref<1280x64xf32, #tpu.memory_space<vmem>>, vector<16xf32>,
      %mul3A_842 = arith.mulf %get3A_328, %get3A_841 : vector<16xf32>
      %add3A_843 = arith.constant 13 : i32
      %add3A_844 = arith.addi %add3A_368, %add3A_843 : i32
      %get3A_845 = arith.index_cast %add3A_844 : i32 to index
      %get3A_846 = arith.constant 16 : index
      %get3A_847 = tpu.vector_load %arg13[%get3A_845, %get3A_846] {strides = array<i32>} : memref<1280x64xf32, #tpu.memory_space<vmem>>, vector<16xf32>,
      %mul3A_848 = arith.mulf %get3A_331, %get3A_847 : vector<16xf32>
      %add3A_849 = arith.addf %mul3A_842, %mul3A_848 : vector<16xf32>
      %add3A_850 = arith.constant 13 : i32
      %add3A_851 = arith.addi %add3A_368, %add3A_850 : i32
      %get3A_852 = arith.index_cast %add3A_851 : i32 to index
      %get3A_853 = arith.constant 32 : index
      %get3A_854 = tpu.vector_load %arg13[%get3A_852, %get3A_853] {strides = array<i32>} : memref<1280x64xf32, #tpu.memory_space<vmem>>, vector<16xf32>,
      %mul3A_855 = arith.mulf %get3A_334, %get3A_854 : vector<16xf32>
      %add3A_856 = arith.addf %add3A_849, %mul3A_855 : vector<16xf32>
      %add3A_857 = arith.constant 13 : i32
      %add3A_858 = arith.addi %add3A_368, %add3A_857 : i32
      %get3A_859 = arith.index_cast %add3A_858 : i32 to index
      %get3A_860 = arith.constant 48 : index
      %get3A_861 = tpu.vector_load %arg13[%get3A_859, %get3A_860] {strides = array<i32>} : memref<1280x64xf32, #tpu.memory_space<vmem>>, vector<16xf32>,
      %mul3A_862 = arith.mulf %get3A_337, %get3A_861 : vector<16xf32>
      %add3A_863 = arith.addf %add3A_856, %mul3A_862 : vector<16xf32>
      %reduce_sum3A_864 = arith.constant true
      %reduce_sum3A_865 = vector.broadcast %reduce_sum3A_864 : i1 to vector<16xi1>
      %reduce_sum3A_866 = tpu.scan <sum>, %add3A_863 masked %reduce_sum3A_865 : vector<16xf32>, vector<16xi1> -> vector<16xf32>
      %reduce_sum3A_867 = vector.extract %reduce_sum3A_866[15] : f32 from vector<16xf32>
      %eq3A_868 = arith.constant 14 : i32
      %eq3A_869 = vector.broadcast %eq3A_868 : i32 to vector<16xi32>
      %eq3A_870 = arith.cmpi eq, %iota3A, %eq3A_869 : vector<16xi32>
      %broadcast_in_dim3A_871 = vector.broadcast %reduce_sum3A_867 : f32 to vector<16xf32>
      %select_n3A_872 = arith.select %eq3A_870, %broadcast_in_dim3A_871, %select_n3A_836 : vector<16xi1>, vector<16xf32>
      %add3A_873 = arith.constant 14 : i32
      %add3A_874 = arith.addi %add3A_368, %add3A_873 : i32
      %get3A_875 = arith.index_cast %add3A_874 : i32 to index
      %get3A_876 = arith.constant 0 : index
      %get3A_877 = tpu.vector_load %arg13[%get3A_875, %get3A_876] {strides = array<i32>} : memref<1280x64xf32, #tpu.memory_space<vmem>>, vector<16xf32>,
      %mul3A_878 = arith.mulf %get3A_328, %get3A_877 : vector<16xf32>
      %add3A_879 = arith.constant 14 : i32
      %add3A_880 = arith.addi %add3A_368, %add3A_879 : i32
      %get3A_881 = arith.index_cast %add3A_880 : i32 to index
      %get3A_882 = arith.constant 16 : index
      %get3A_883 = tpu.vector_load %arg13[%get3A_881, %get3A_882] {strides = array<i32>} : memref<1280x64xf32, #tpu.memory_space<vmem>>, vector<16xf32>,
      %mul3A_884 = arith.mulf %get3A_331, %get3A_883 : vector<16xf32>
      %add3A_885 = arith.addf %mul3A_878, %mul3A_884 : vector<16xf32>
      %add3A_886 = arith.constant 14 : i32
      %add3A_887 = arith.addi %add3A_368, %add3A_886 : i32
      %get3A_888 = arith.index_cast %add3A_887 : i32 to index
      %get3A_889 = arith.constant 32 : index
      %get3A_890 = tpu.vector_load %arg13[%get3A_888, %get3A_889] {strides = array<i32>} : memref<1280x64xf32, #tpu.memory_space<vmem>>, vector<16xf32>,
      %mul3A_891 = arith.mulf %get3A_334, %get3A_890 : vector<16xf32>
      %add3A_892 = arith.addf %add3A_885, %mul3A_891 : vector<16xf32>
      %add3A_893 = arith.constant 14 : i32
      %add3A_894 = arith.addi %add3A_368, %add3A_893 : i32
      %get3A_895 = arith.index_cast %add3A_894 : i32 to index
      %get3A_896 = arith.constant 48 : index
      %get3A_897 = tpu.vector_load %arg13[%get3A_895, %get3A_896] {strides = array<i32>} : memref<1280x64xf32, #tpu.memory_space<vmem>>, vector<16xf32>,
      %mul3A_898 = arith.mulf %get3A_337, %get3A_897 : vector<16xf32>
      %add3A_899 = arith.addf %add3A_892, %mul3A_898 : vector<16xf32>
      %reduce_sum3A_900 = arith.constant true
      %reduce_sum3A_901 = vector.broadcast %reduce_sum3A_900 : i1 to vector<16xi1>
      %reduce_sum3A_902 = tpu.scan <sum>, %add3A_899 masked %reduce_sum3A_901 : vector<16xf32>, vector<16xi1> -> vector<16xf32>
      %reduce_sum3A_903 = vector.extract %reduce_sum3A_902[15] : f32 from vector<16xf32>
      %eq3A_904 = arith.constant 15 : i32
      %eq3A_905 = vector.broadcast %eq3A_904 : i32 to vector<16xi32>
      %eq3A_906 = arith.cmpi eq, %iota3A, %eq3A_905 : vector<16xi32>
      %broadcast_in_dim3A_907 = vector.broadcast %reduce_sum3A_903 : f32 to vector<16xf32>
      %select_n3A_908 = arith.select %eq3A_906, %broadcast_in_dim3A_907, %select_n3A_872 : vector<16xi1>, vector<16xf32>
      %add3A_909 = arith.constant 15 : i32
      %add3A_910 = arith.addi %add3A_368, %add3A_909 : i32
      %get3A_911 = arith.index_cast %add3A_910 : i32 to index
      %get3A_912 = arith.constant 0 : index
      %get3A_913 = tpu.vector_load %arg13[%get3A_911, %get3A_912] {strides = array<i32>} : memref<1280x64xf32, #tpu.memory_space<vmem>>, vector<16xf32>,
      %mul3A_914 = arith.mulf %get3A_328, %get3A_913 : vector<16xf32>
      %add3A_915 = arith.constant 15 : i32
      %add3A_916 = arith.addi %add3A_368, %add3A_915 : i32
      %get3A_917 = arith.index_cast %add3A_916 : i32 to index
      %get3A_918 = arith.constant 16 : index
      %get3A_919 = tpu.vector_load %arg13[%get3A_917, %get3A_918] {strides = array<i32>} : memref<1280x64xf32, #tpu.memory_space<vmem>>, vector<16xf32>,
      %mul3A_920 = arith.mulf %get3A_331, %get3A_919 : vector<16xf32>
      %add3A_921 = arith.addf %mul3A_914, %mul3A_920 : vector<16xf32>
      %add3A_922 = arith.constant 15 : i32
      %add3A_923 = arith.addi %add3A_368, %add3A_922 : i32
      %get3A_924 = arith.index_cast %add3A_923 : i32 to index
      %get3A_925 = arith.constant 32 : index
      %get3A_926 = tpu.vector_load %arg13[%get3A_924, %get3A_925] {strides = array<i32>} : memref<1280x64xf32, #tpu.memory_space<vmem>>, vector<16xf32>,
      %mul3A_927 = arith.mulf %get3A_334, %get3A_926 : vector<16xf32>
      %add3A_928 = arith.addf %add3A_921, %mul3A_927 : vector<16xf32>
      %add3A_929 = arith.constant 15 : i32
      %add3A_930 = arith.addi %add3A_368, %add3A_929 : i32
      %get3A_931 = arith.index_cast %add3A_930 : i32 to index
      %get3A_932 = arith.constant 48 : index
      %get3A_933 = tpu.vector_load %arg13[%get3A_931, %get3A_932] {strides = array<i32>} : memref<1280x64xf32, #tpu.memory_space<vmem>>, vector<16xf32>,
      %mul3A_934 = arith.mulf %get3A_337, %get3A_933 : vector<16xf32>
      %add3A_935 = arith.addf %add3A_928, %mul3A_934 : vector<16xf32>
      %reduce_sum3A_936 = arith.constant true
      %reduce_sum3A_937 = vector.broadcast %reduce_sum3A_936 : i1 to vector<16xi1>
      %reduce_sum3A_938 = tpu.scan <sum>, %add3A_935 masked %reduce_sum3A_937 : vector<16xf32>, vector<16xi1> -> vector<16xf32>
      %reduce_sum3A_939 = vector.extract %reduce_sum3A_938[15] : f32 from vector<16xf32>
      %eq3A_940 = arith.constant 0 : i32
      %eq3A_941 = vector.broadcast %eq3A_940 : i32 to vector<16xi32>
      %eq3A_942 = arith.cmpi eq, %iota3A, %eq3A_941 : vector<16xi32>
      %broadcast_in_dim3A_943 = vector.broadcast %reduce_sum3A_939 : f32 to vector<16xf32>
      %select_n3A_944 = arith.select %eq3A_942, %broadcast_in_dim3A_943, %broadcast_in_dim3A_364 : vector<16xi1>, vector<16xf32>
      %add3A_945 = arith.constant 16 : i32
      %add3A_946 = arith.addi %add3A_368, %add3A_945 : i32
      %get3A_947 = arith.index_cast %add3A_946 : i32 to index
      %get3A_948 = arith.constant 0 : index
      %get3A_949 = tpu.vector_load %arg13[%get3A_947, %get3A_948] {strides = array<i32>} : memref<1280x64xf32, #tpu.memory_space<vmem>>, vector<16xf32>,
      %mul3A_950 = arith.mulf %get3A_328, %get3A_949 : vector<16xf32>
      %add3A_951 = arith.constant 16 : i32
      %add3A_952 = arith.addi %add3A_368, %add3A_951 : i32
      %get3A_953 = arith.index_cast %add3A_952 : i32 to index
      %get3A_954 = arith.constant 16 : index
      %get3A_955 = tpu.vector_load %arg13[%get3A_953, %get3A_954] {strides = array<i32>} : memref<1280x64xf32, #tpu.memory_space<vmem>>, vector<16xf32>,
      %mul3A_956 = arith.mulf %get3A_331, %get3A_955 : vector<16xf32>
      %add3A_957 = arith.addf %mul3A_950, %mul3A_956 : vector<16xf32>
      %add3A_958 = arith.constant 16 : i32
      %add3A_959 = arith.addi %add3A_368, %add3A_958 : i32
      %get3A_960 = arith.index_cast %add3A_959 : i32 to index
      %get3A_961 = arith.constant 32 : index
      %get3A_962 = tpu.vector_load %arg13[%get3A_960, %get3A_961] {strides = array<i32>} : memref<1280x64xf32, #tpu.memory_space<vmem>>, vector<16xf32>,
      %mul3A_963 = arith.mulf %get3A_334, %get3A_962 : vector<16xf32>
      %add3A_964 = arith.addf %add3A_957, %mul3A_963 : vector<16xf32>
      %add3A_965 = arith.constant 16 : i32
      %add3A_966 = arith.addi %add3A_368, %add3A_965 : i32
      %get3A_967 = arith.index_cast %add3A_966 : i32 to index
      %get3A_968 = arith.constant 48 : index
      %get3A_969 = tpu.vector_load %arg13[%get3A_967, %get3A_968] {strides = array<i32>} : memref<1280x64xf32, #tpu.memory_space<vmem>>, vector<16xf32>,
      %mul3A_970 = arith.mulf %get3A_337, %get3A_969 : vector<16xf32>
      %add3A_971 = arith.addf %add3A_964, %mul3A_970 : vector<16xf32>
      %reduce_sum3A_972 = arith.constant true
      %reduce_sum3A_973 = vector.broadcast %reduce_sum3A_972 : i1 to vector<16xi1>
      %reduce_sum3A_974 = tpu.scan <sum>, %add3A_971 masked %reduce_sum3A_973 : vector<16xf32>, vector<16xi1> -> vector<16xf32>
      %reduce_sum3A_975 = vector.extract %reduce_sum3A_974[15] : f32 from vector<16xf32>
      %eq3A_976 = arith.constant 1 : i32
      %eq3A_977 = vector.broadcast %eq3A_976 : i32 to vector<16xi32>
      %eq3A_978 = arith.cmpi eq, %iota3A, %eq3A_977 : vector<16xi32>
      %broadcast_in_dim3A_979 = vector.broadcast %reduce_sum3A_975 : f32 to vector<16xf32>
      %select_n3A_980 = arith.select %eq3A_978, %broadcast_in_dim3A_979, %select_n3A_944 : vector<16xi1>, vector<16xf32>
      %add3A_981 = arith.constant 17 : i32
      %add3A_982 = arith.addi %add3A_368, %add3A_981 : i32
      %get3A_983 = arith.index_cast %add3A_982 : i32 to index
      %get3A_984 = arith.constant 0 : index
      %get3A_985 = tpu.vector_load %arg13[%get3A_983, %get3A_984] {strides = array<i32>} : memref<1280x64xf32, #tpu.memory_space<vmem>>, vector<16xf32>,
      %mul3A_986 = arith.mulf %get3A_328, %get3A_985 : vector<16xf32>
      %add3A_987 = arith.constant 17 : i32
      %add3A_988 = arith.addi %add3A_368, %add3A_987 : i32
      %get3A_989 = arith.index_cast %add3A_988 : i32 to index
      %get3A_990 = arith.constant 16 : index
      %get3A_991 = tpu.vector_load %arg13[%get3A_989, %get3A_990] {strides = array<i32>} : memref<1280x64xf32, #tpu.memory_space<vmem>>, vector<16xf32>,
      %mul3A_992 = arith.mulf %get3A_331, %get3A_991 : vector<16xf32>
      %add3A_993 = arith.addf %mul3A_986, %mul3A_992 : vector<16xf32>
      %add3A_994 = arith.constant 17 : i32
      %add3A_995 = arith.addi %add3A_368, %add3A_994 : i32
      %get3A_996 = arith.index_cast %add3A_995 : i32 to index
      %get3A_997 = arith.constant 32 : index
      %get3A_998 = tpu.vector_load %arg13[%get3A_996, %get3A_997] {strides = array<i32>} : memref<1280x64xf32, #tpu.memory_space<vmem>>, vector<16xf32>,
      %mul3A_999 = arith.mulf %get3A_334, %get3A_998 : vector<16xf32>
      %add3A_1000 = arith.addf %add3A_993, %mul3A_999 : vector<16xf32>
      %add3A_1001 = arith.constant 17 : i32
      %add3A_1002 = arith.addi %add3A_368, %add3A_1001 : i32
      %get3A_1003 = arith.index_cast %add3A_1002 : i32 to index
      %get3A_1004 = arith.constant 48 : index
      %get3A_1005 = tpu.vector_load %arg13[%get3A_1003, %get3A_1004] {strides = array<i32>} : memref<1280x64xf32, #tpu.memory_space<vmem>>, vector<16xf32>,
      %mul3A_1006 = arith.mulf %get3A_337, %get3A_1005 : vector<16xf32>
      %add3A_1007 = arith.addf %add3A_1000, %mul3A_1006 : vector<16xf32>
      %reduce_sum3A_1008 = arith.constant true
      %reduce_sum3A_1009 = vector.broadcast %reduce_sum3A_1008 : i1 to vector<16xi1>
      %reduce_sum3A_1010 = tpu.scan <sum>, %add3A_1007 masked %reduce_sum3A_1009 : vector<16xf32>, vector<16xi1> -> vector<16xf32>
      %reduce_sum3A_1011 = vector.extract %reduce_sum3A_1010[15] : f32 from vector<16xf32>
      %eq3A_1012 = arith.constant 2 : i32
      %eq3A_1013 = vector.broadcast %eq3A_1012 : i32 to vector<16xi32>
      %eq3A_1014 = arith.cmpi eq, %iota3A, %eq3A_1013 : vector<16xi32>
      %broadcast_in_dim3A_1015 = vector.broadcast %reduce_sum3A_1011 : f32 to vector<16xf32>
      %select_n3A_1016 = arith.select %eq3A_1014, %broadcast_in_dim3A_1015, %select_n3A_980 : vector<16xi1>, vector<16xf32>
      %add3A_1017 = arith.constant 18 : i32
      %add3A_1018 = arith.addi %add3A_368, %add3A_1017 : i32
      %get3A_1019 = arith.index_cast %add3A_1018 : i32 to index
      %get3A_1020 = arith.constant 0 : index
      %get3A_1021 = tpu.vector_load %arg13[%get3A_1019, %get3A_1020] {strides = array<i32>} : memref<1280x64xf32, #tpu.memory_space<vmem>>, vector<16xf32>,
      %mul3A_1022 = arith.mulf %get3A_328, %get3A_1021 : vector<16xf32>
      %add3A_1023 = arith.constant 18 : i32
      %add3A_1024 = arith.addi %add3A_368, %add3A_1023 : i32
      %get3A_1025 = arith.index_cast %add3A_1024 : i32 to index
      %get3A_1026 = arith.constant 16 : index
      %get3A_1027 = tpu.vector_load %arg13[%get3A_1025, %get3A_1026] {strides = array<i32>} : memref<1280x64xf32, #tpu.memory_space<vmem>>, vector<16xf32>,
      %mul3A_1028 = arith.mulf %get3A_331, %get3A_1027 : vector<16xf32>
      %add3A_1029 = arith.addf %mul3A_1022, %mul3A_1028 : vector<16xf32>
      %add3A_1030 = arith.constant 18 : i32
      %add3A_1031 = arith.addi %add3A_368, %add3A_1030 : i32
      %get3A_1032 = arith.index_cast %add3A_1031 : i32 to index
      %get3A_1033 = arith.constant 32 : index
      %get3A_1034 = tpu.vector_load %arg13[%get3A_1032, %get3A_1033] {strides = array<i32>} : memref<1280x64xf32, #tpu.memory_space<vmem>>, vector<16xf32>,
      %mul3A_1035 = arith.mulf %get3A_334, %get3A_1034 : vector<16xf32>
      %add3A_1036 = arith.addf %add3A_1029, %mul3A_1035 : vector<16xf32>
      %add3A_1037 = arith.constant 18 : i32
      %add3A_1038 = arith.addi %add3A_368, %add3A_1037 : i32
      %get3A_1039 = arith.index_cast %add3A_1038 : i32 to index
      %get3A_1040 = arith.constant 48 : index
      %get3A_1041 = tpu.vector_load %arg13[%get3A_1039, %get3A_1040] {strides = array<i32>} : memref<1280x64xf32, #tpu.memory_space<vmem>>, vector<16xf32>,
      %mul3A_1042 = arith.mulf %get3A_337, %get3A_1041 : vector<16xf32>
      %add3A_1043 = arith.addf %add3A_1036, %mul3A_1042 : vector<16xf32>
      %reduce_sum3A_1044 = arith.constant true
      %reduce_sum3A_1045 = vector.broadcast %reduce_sum3A_1044 : i1 to vector<16xi1>
      %reduce_sum3A_1046 = tpu.scan <sum>, %add3A_1043 masked %reduce_sum3A_1045 : vector<16xf32>, vector<16xi1> -> vector<16xf32>
      %reduce_sum3A_1047 = vector.extract %reduce_sum3A_1046[15] : f32 from vector<16xf32>
      %eq3A_1048 = arith.constant 3 : i32
      %eq3A_1049 = vector.broadcast %eq3A_1048 : i32 to vector<16xi32>
      %eq3A_1050 = arith.cmpi eq, %iota3A, %eq3A_1049 : vector<16xi32>
      %broadcast_in_dim3A_1051 = vector.broadcast %reduce_sum3A_1047 : f32 to vector<16xf32>
      %select_n3A_1052 = arith.select %eq3A_1050, %broadcast_in_dim3A_1051, %select_n3A_1016 : vector<16xi1>, vector<16xf32>
      %add3A_1053 = arith.constant 19 : i32
      %add3A_1054 = arith.addi %add3A_368, %add3A_1053 : i32
      %get3A_1055 = arith.index_cast %add3A_1054 : i32 to index
      %get3A_1056 = arith.constant 0 : index
      %get3A_1057 = tpu.vector_load %arg13[%get3A_1055, %get3A_1056] {strides = array<i32>} : memref<1280x64xf32, #tpu.memory_space<vmem>>, vector<16xf32>,
      %mul3A_1058 = arith.mulf %get3A_328, %get3A_1057 : vector<16xf32>
      %add3A_1059 = arith.constant 19 : i32
      %add3A_1060 = arith.addi %add3A_368, %add3A_1059 : i32
      %get3A_1061 = arith.index_cast %add3A_1060 : i32 to index
      %get3A_1062 = arith.constant 16 : index
      %get3A_1063 = tpu.vector_load %arg13[%get3A_1061, %get3A_1062] {strides = array<i32>} : memref<1280x64xf32, #tpu.memory_space<vmem>>, vector<16xf32>,
      %mul3A_1064 = arith.mulf %get3A_331, %get3A_1063 : vector<16xf32>
      %add3A_1065 = arith.addf %mul3A_1058, %mul3A_1064 : vector<16xf32>
      %add3A_1066 = arith.constant 19 : i32
      %add3A_1067 = arith.addi %add3A_368, %add3A_1066 : i32
      %get3A_1068 = arith.index_cast %add3A_1067 : i32 to index
      %get3A_1069 = arith.constant 32 : index
      %get3A_1070 = tpu.vector_load %arg13[%get3A_1068, %get3A_1069] {strides = array<i32>} : memref<1280x64xf32, #tpu.memory_space<vmem>>, vector<16xf32>,
      %mul3A_1071 = arith.mulf %get3A_334, %get3A_1070 : vector<16xf32>
      %add3A_1072 = arith.addf %add3A_1065, %mul3A_1071 : vector<16xf32>
      %add3A_1073 = arith.constant 19 : i32
      %add3A_1074 = arith.addi %add3A_368, %add3A_1073 : i32
      %get3A_1075 = arith.index_cast %add3A_1074 : i32 to index
      %get3A_1076 = arith.constant 48 : index
      %get3A_1077 = tpu.vector_load %arg13[%get3A_1075, %get3A_1076] {strides = array<i32>} : memref<1280x64xf32, #tpu.memory_space<vmem>>, vector<16xf32>,
      %mul3A_1078 = arith.mulf %get3A_337, %get3A_1077 : vector<16xf32>
      %add3A_1079 = arith.addf %add3A_1072, %mul3A_1078 : vector<16xf32>
      %reduce_sum3A_1080 = arith.constant true
      %reduce_sum3A_1081 = vector.broadcast %reduce_sum3A_1080 : i1 to vector<16xi1>
      %reduce_sum3A_1082 = tpu.scan <sum>, %add3A_1079 masked %reduce_sum3A_1081 : vector<16xf32>, vector<16xi1> -> vector<16xf32>
      %reduce_sum3A_1083 = vector.extract %reduce_sum3A_1082[15] : f32 from vector<16xf32>
      %eq3A_1084 = arith.constant 4 : i32
      %eq3A_1085 = vector.broadcast %eq3A_1084 : i32 to vector<16xi32>
      %eq3A_1086 = arith.cmpi eq, %iota3A, %eq3A_1085 : vector<16xi32>
      %broadcast_in_dim3A_1087 = vector.broadcast %reduce_sum3A_1083 : f32 to vector<16xf32>
      %select_n3A_1088 = arith.select %eq3A_1086, %broadcast_in_dim3A_1087, %select_n3A_1052 : vector<16xi1>, vector<16xf32>
      %swap3A = arith.index_cast %scan3A_324 : i32 to index
      %swap3A_1089 = arith.constant 0 : index
      %swap3A_1090 = tpu.vector_load %arg14[%swap3A, %swap3A_1089] {strides = array<i32>} : memref<32x32xf32, #tpu.memory_space<vmem>>, vector<16xf32>,
      tpu.vector_store %arg14[%swap3A, %swap3A_1089], %select_n3A_908 {strides = array<i32>} : memref<32x32xf32, #tpu.memory_space<vmem>>, vector<16xf32>,
      %swap3A_1091 = arith.index_cast %scan3A_324 : i32 to index
      %swap3A_1092 = arith.constant 16 : index
      %swap3A_1093 = tpu.vector_load %arg14[%swap3A_1091, %swap3A_1092] {strides = array<i32>} : memref<32x32xf32, #tpu.memory_space<vmem>>, vector<16xf32>,
      tpu.vector_store %arg14[%swap3A_1091, %swap3A_1092], %select_n3A_1088 {strides = array<i32>} : memref<32x32xf32, #tpu.memory_space<vmem>>, vector<16xf32>,
    }
    %scan3A_229 = arith.constant 32 : i32
    %add3A_230 = arith.constant 448 : i32
    %add3A_231 = arith.addi %mul3A_2, %add3A_230 : i32
    "tpu.region"() ({
      %run_scoped3A = tpu.sem_alloc : memref<!tpu.dma_semaphore, #tpu.memory_space<semaphore_mem>>
      %dma_start3A_324 = arith.constant 0 : i32
      %dma_start3A_325 = tpu.memref_slice %arg7[%add3A_231, %dma_start3A_324] : memref<16384x32xf32, #tpu.memory_space<hbm>> -> memref<32x32xf32, #tpu.memory_space<hbm>>
      %dma_start3A_326 = arith.constant 0 : i32
      %dma_start3A_327 = tpu.memref_slice %arg7[%add3A_231, %dma_start3A_326] : memref<16384x32xf32, #tpu.memory_space<hbm>> -> memref<32x32xf32, #tpu.memory_space<hbm>>
      tpu.enqueue_dma source(%arg14 : memref<32x32xf32, #tpu.memory_space<vmem>>) target(%dma_start3A_327 : memref<32x32xf32, #tpu.memory_space<hbm>>) target_semaphore(%run_scoped3A : memref<!tpu.dma_semaphore, #tpu.memory_space<semaphore_mem>>)
      %dma_wait3A_328 = arith.constant 0 : i32
      %dma_wait3A_329 = tpu.memref_slice %arg7[%add3A_231, %dma_wait3A_328] : memref<16384x32xf32, #tpu.memory_space<hbm>> -> memref<32x32xf32, #tpu.memory_space<hbm>>
      %dma_wait3A_330 = arith.constant 0 : i32
      %dma_wait3A_331 = tpu.memref_slice %arg7[%add3A_231, %dma_wait3A_330] : memref<16384x32xf32, #tpu.memory_space<hbm>> -> memref<32x32xf32, #tpu.memory_space<hbm>>
      tpu.wait_dma2 semaphore(%run_scoped3A : memref<!tpu.dma_semaphore, #tpu.memory_space<semaphore_mem>>) src(%arg14 : memref<32x32xf32, #tpu.memory_space<vmem>>) dst(%dma_wait3A_331 : memref<32x32xf32, #tpu.memory_space<hbm>>)
      tpu.yield
    }) : () -> ()
    %dma_wait3A_232 = arith.constant 32 : i32
    %dma_wait3A_233 = arith.constant 0 : i32
    %dma_wait3A_234 = tpu.memref_slice %arg11[%dma_wait3A_232, %dma_wait3A_233] : memref<64x64xf32, #tpu.memory_space<vmem>> -> memref<32x64xf32, #tpu.memory_space<vmem>>
    %dma_wait3A_235 = arith.constant 0 : i32
    %dma_wait3A_236 = arith.constant 0 : i32
    %dma_wait3A_237 = tpu.memref_slice %arg5[%dma_wait3A_235, %dma_wait3A_236] : memref<1000000x64xf32, #tpu.memory_space<hbm>> -> memref<32x64xf32, #tpu.memory_space<hbm>>
    %dma_wait3A_238 = arith.constant 32 : i32
    %dma_wait3A_239 = arith.constant 0 : i32
    %dma_wait3A_240 = tpu.memref_slice %arg11[%dma_wait3A_238, %dma_wait3A_239] : memref<64x64xf32, #tpu.memory_space<vmem>> -> memref<32x64xf32, #tpu.memory_space<vmem>>
    %dma_wait3A_241 = arith.constant 0 : i32
    %dma_wait3A_242 = arith.constant 0 : i32
    %dma_wait3A_243 = tpu.memref_slice %arg5[%dma_wait3A_241, %dma_wait3A_242] : memref<1000000x64xf32, #tpu.memory_space<hbm>> -> memref<32x64xf32, #tpu.memory_space<hbm>>
    tpu.wait_dma2 semaphore(%arg16 : memref<!tpu.dma_semaphore, #tpu.memory_space<semaphore_mem>>) src(%dma_wait3A_243 : memref<32x64xf32, #tpu.memory_space<hbm>>) dst(%dma_wait3A_240 : memref<32x64xf32, #tpu.memory_space<vmem>>)
    %dma_wait3A_244 = arith.constant 32 : i32
    %dma_wait3A_245 = arith.constant 0 : i32
    %dma_wait3A_246 = tpu.memref_slice %arg12[%dma_wait3A_244, %dma_wait3A_245] : memref<64x64xf32, #tpu.memory_space<vmem>> -> memref<32x64xf32, #tpu.memory_space<vmem>>
    %dma_wait3A_247 = arith.constant 0 : i32
    %dma_wait3A_248 = arith.constant 0 : i32
    %dma_wait3A_249 = tpu.memref_slice %arg6[%dma_wait3A_247, %dma_wait3A_248] : memref<1000000x64xf32, #tpu.memory_space<hbm>> -> memref<32x64xf32, #tpu.memory_space<hbm>>
    %dma_wait3A_250 = arith.constant 32 : i32
    %dma_wait3A_251 = arith.constant 0 : i32
    %dma_wait3A_252 = tpu.memref_slice %arg12[%dma_wait3A_250, %dma_wait3A_251] : memref<64x64xf32, #tpu.memory_space<vmem>> -> memref<32x64xf32, #tpu.memory_space<vmem>>
    %dma_wait3A_253 = arith.constant 0 : i32
    %dma_wait3A_254 = arith.constant 0 : i32
    %dma_wait3A_255 = tpu.memref_slice %arg6[%dma_wait3A_253, %dma_wait3A_254] : memref<1000000x64xf32, #tpu.memory_space<hbm>> -> memref<32x64xf32, #tpu.memory_space<hbm>>
    tpu.wait_dma2 semaphore(%arg16 : memref<!tpu.dma_semaphore, #tpu.memory_space<semaphore_mem>>) src(%dma_wait3A_255 : memref<32x64xf32, #tpu.memory_space<hbm>>) dst(%dma_wait3A_252 : memref<32x64xf32, #tpu.memory_space<vmem>>)
    %dma_wait3A_256 = arith.constant 640 : i32
    %dma_wait3A_257 = arith.constant 0 : i32
    %dma_wait3A_258 = tpu.memref_slice %arg13[%dma_wait3A_256, %dma_wait3A_257] : memref<1280x64xf32, #tpu.memory_space<vmem>> -> memref<128x64xf32, #tpu.memory_space<vmem>>
    %dma_wait3A_259 = arith.constant 0 : i32
    %dma_wait3A_260 = arith.constant 0 : i32
    %dma_wait3A_261 = tpu.memref_slice %arg6[%dma_wait3A_259, %dma_wait3A_260] : memref<1000000x64xf32, #tpu.memory_space<hbm>> -> memref<128x64xf32, #tpu.memory_space<hbm>>
    %dma_wait3A_262 = arith.constant 640 : i32
    %dma_wait3A_263 = arith.constant 0 : i32
    %dma_wait3A_264 = tpu.memref_slice %arg13[%dma_wait3A_262, %dma_wait3A_263] : memref<1280x64xf32, #tpu.memory_space<vmem>> -> memref<128x64xf32, #tpu.memory_space<vmem>>
    %dma_wait3A_265 = arith.constant 0 : i32
    %dma_wait3A_266 = arith.constant 0 : i32
    %dma_wait3A_267 = tpu.memref_slice %arg6[%dma_wait3A_265, %dma_wait3A_266] : memref<1000000x64xf32, #tpu.memory_space<hbm>> -> memref<128x64xf32, #tpu.memory_space<hbm>>
    tpu.wait_dma2 semaphore(%arg16 : memref<!tpu.dma_semaphore, #tpu.memory_space<semaphore_mem>>) src(%dma_wait3A_267 : memref<128x64xf32, #tpu.memory_space<hbm>>) dst(%dma_wait3A_264 : memref<128x64xf32, #tpu.memory_space<vmem>>)
    %dma_wait3A_268 = arith.constant 768 : i32
    %dma_wait3A_269 = arith.constant 0 : i32
    %dma_wait3A_270 = tpu.memref_slice %arg13[%dma_wait3A_268, %dma_wait3A_269] : memref<1280x64xf32, #tpu.memory_space<vmem>> -> memref<128x64xf32, #tpu.memory_space<vmem>>
    %dma_wait3A_271 = arith.constant 0 : i32
    %dma_wait3A_272 = arith.constant 0 : i32
    %dma_wait3A_273 = tpu.memref_slice %arg6[%dma_wait3A_271, %dma_wait3A_272] : memref<1000000x64xf32, #tpu.memory_space<hbm>> -> memref<128x64xf32, #tpu.memory_space<hbm>>
    %dma_wait3A_274 = arith.constant 768 : i32
    %dma_wait3A_275 = arith.constant 0 : i32
    %dma_wait3A_276 = tpu.memref_slice %arg13[%dma_wait3A_274, %dma_wait3A_275] : memref<1280x64xf32, #tpu.memory_space<vmem>> -> memref<128x64xf32, #tpu.memory_space<vmem>>
    %dma_wait3A_277 = arith.constant 0 : i32
    %dma_wait3A_278 = arith.constant 0 : i32
    %dma_wait3A_279 = tpu.memref_slice %arg6[%dma_wait3A_277, %dma_wait3A_278] : memref<1000000x64xf32, #tpu.memory_space<hbm>> -> memref<128x64xf32, #tpu.memory_space<hbm>>
    tpu.wait_dma2 semaphore(%arg16 : memref<!tpu.dma_semaphore, #tpu.memory_space<semaphore_mem>>) src(%dma_wait3A_279 : memref<128x64xf32, #tpu.memory_space<hbm>>) dst(%dma_wait3A_276 : memref<128x64xf32, #tpu.memory_space<vmem>>)
    %dma_wait3A_280 = arith.constant 896 : i32
    %dma_wait3A_281 = arith.constant 0 : i32
    %dma_wait3A_282 = tpu.memref_slice %arg13[%dma_wait3A_280, %dma_wait3A_281] : memref<1280x64xf32, #tpu.memory_space<vmem>> -> memref<128x64xf32, #tpu.memory_space<vmem>>
    %dma_wait3A_283 = arith.constant 0 : i32
    %dma_wait3A_284 = arith.constant 0 : i32
    %dma_wait3A_285 = tpu.memref_slice %arg6[%dma_wait3A_283, %dma_wait3A_284] : memref<1000000x64xf32, #tpu.memory_space<hbm>> -> memref<128x64xf32, #tpu.memory_space<hbm>>
    %dma_wait3A_286 = arith.constant 896 : i32
    %dma_wait3A_287 = arith.constant 0 : i32
    %dma_wait3A_288 = tpu.memref_slice %arg13[%dma_wait3A_286, %dma_wait3A_287] : memref<1280x64xf32, #tpu.memory_space<vmem>> -> memref<128x64xf32, #tpu.memory_space<vmem>>
    %dma_wait3A_289 = arith.constant 0 : i32
    %dma_wait3A_290 = arith.constant 0 : i32
    %dma_wait3A_291 = tpu.memref_slice %arg6[%dma_wait3A_289, %dma_wait3A_290] : memref<1000000x64xf32, #tpu.memory_space<hbm>> -> memref<128x64xf32, #tpu.memory_space<hbm>>
    tpu.wait_dma2 semaphore(%arg16 : memref<!tpu.dma_semaphore, #tpu.memory_space<semaphore_mem>>) src(%dma_wait3A_291 : memref<128x64xf32, #tpu.memory_space<hbm>>) dst(%dma_wait3A_288 : memref<128x64xf32, #tpu.memory_space<vmem>>)
    %dma_wait3A_292 = arith.constant 1024 : i32
    %dma_wait3A_293 = arith.constant 0 : i32
    %dma_wait3A_294 = tpu.memref_slice %arg13[%dma_wait3A_292, %dma_wait3A_293] : memref<1280x64xf32, #tpu.memory_space<vmem>> -> memref<128x64xf32, #tpu.memory_space<vmem>>
    %dma_wait3A_295 = arith.constant 0 : i32
    %dma_wait3A_296 = arith.constant 0 : i32
    %dma_wait3A_297 = tpu.memref_slice %arg6[%dma_wait3A_295, %dma_wait3A_296] : memref<1000000x64xf32, #tpu.memory_space<hbm>> -> memref<128x64xf32, #tpu.memory_space<hbm>>
    %dma_wait3A_298 = arith.constant 1024 : i32
    %dma_wait3A_299 = arith.constant 0 : i32
    %dma_wait3A_300 = tpu.memref_slice %arg13[%dma_wait3A_298, %dma_wait3A_299] : memref<1280x64xf32, #tpu.memory_space<vmem>> -> memref<128x64xf32, #tpu.memory_space<vmem>>
    %dma_wait3A_301 = arith.constant 0 : i32
    %dma_wait3A_302 = arith.constant 0 : i32
    %dma_wait3A_303 = tpu.memref_slice %arg6[%dma_wait3A_301, %dma_wait3A_302] : memref<1000000x64xf32, #tpu.memory_space<hbm>> -> memref<128x64xf32, #tpu.memory_space<hbm>>
    tpu.wait_dma2 semaphore(%arg16 : memref<!tpu.dma_semaphore, #tpu.memory_space<semaphore_mem>>) src(%dma_wait3A_303 : memref<128x64xf32, #tpu.memory_space<hbm>>) dst(%dma_wait3A_300 : memref<128x64xf32, #tpu.memory_space<vmem>>)
    %dma_wait3A_304 = arith.constant 1152 : i32
    %dma_wait3A_305 = arith.constant 0 : i32
    %dma_wait3A_306 = tpu.memref_slice %arg13[%dma_wait3A_304, %dma_wait3A_305] : memref<1280x64xf32, #tpu.memory_space<vmem>> -> memref<128x64xf32, #tpu.memory_space<vmem>>
    %dma_wait3A_307 = arith.constant 0 : i32
    %dma_wait3A_308 = arith.constant 0 : i32
    %dma_wait3A_309 = tpu.memref_slice %arg6[%dma_wait3A_307, %dma_wait3A_308] : memref<1000000x64xf32, #tpu.memory_space<hbm>> -> memref<128x64xf32, #tpu.memory_space<hbm>>
    %dma_wait3A_310 = arith.constant 1152 : i32
    %dma_wait3A_311 = arith.constant 0 : i32
    %dma_wait3A_312 = tpu.memref_slice %arg13[%dma_wait3A_310, %dma_wait3A_311] : memref<1280x64xf32, #tpu.memory_space<vmem>> -> memref<128x64xf32, #tpu.memory_space<vmem>>
    %dma_wait3A_313 = arith.constant 0 : i32
    %dma_wait3A_314 = arith.constant 0 : i32
    %dma_wait3A_315 = tpu.memref_slice %arg6[%dma_wait3A_313, %dma_wait3A_314] : memref<1000000x64xf32, #tpu.memory_space<hbm>> -> memref<128x64xf32, #tpu.memory_space<hbm>>
    tpu.wait_dma2 semaphore(%arg16 : memref<!tpu.dma_semaphore, #tpu.memory_space<semaphore_mem>>) src(%dma_wait3A_315 : memref<128x64xf32, #tpu.memory_space<hbm>>) dst(%dma_wait3A_312 : memref<128x64xf32, #tpu.memory_space<vmem>>)
    %scan3A_316 = arith.constant 0 : i32
    %scan3A_317 = arith.constant 0 : i32
    %scan3A_318 = arith.constant 32 : i32
    %scan3A_319 = arith.addi %scan3A_317, %scan3A_318 : i32
    %scan3A_320 = arith.constant 1 : i32
    scf.for %scan3A_324 = %scan3A_317 to %scan3A_319 step %scan3A_320  : i32 {
      %add3A_325 = arith.constant 32 : i32
      %add3A_326 = arith.addi %add3A_325, %scan3A_324 : i32
      %get3A = arith.index_cast %add3A_326 : i32 to index
      %get3A_327 = arith.constant 0 : index
      %get3A_328 = tpu.vector_load %arg11[%get3A, %get3A_327] {strides = array<i32>} : memref<64x64xf32, #tpu.memory_space<vmem>>, vector<16xf32>,
      %get3A_329 = arith.index_cast %add3A_326 : i32 to index
      %get3A_330 = arith.constant 16 : index
      %get3A_331 = tpu.vector_load %arg11[%get3A_329, %get3A_330] {strides = array<i32>} : memref<64x64xf32, #tpu.memory_space<vmem>>, vector<16xf32>,
      %get3A_332 = arith.index_cast %add3A_326 : i32 to index
      %get3A_333 = arith.constant 32 : index
      %get3A_334 = tpu.vector_load %arg11[%get3A_332, %get3A_333] {strides = array<i32>} : memref<64x64xf32, #tpu.memory_space<vmem>>, vector<16xf32>,
      %get3A_335 = arith.index_cast %add3A_326 : i32 to index
      %get3A_336 = arith.constant 48 : index
      %get3A_337 = tpu.vector_load %arg11[%get3A_335, %get3A_336] {strides = array<i32>} : memref<64x64xf32, #tpu.memory_space<vmem>>, vector<16xf32>,
      %get3A_338 = arith.index_cast %add3A_326 : i32 to index
      %get3A_339 = arith.constant 0 : index
      %get3A_340 = tpu.vector_load %arg12[%get3A_338, %get3A_339] {strides = array<i32>} : memref<64x64xf32, #tpu.memory_space<vmem>>, vector<16xf32>,
      %mul3A_341 = arith.mulf %get3A_328, %get3A_340 : vector<16xf32>
      %get3A_342 = arith.index_cast %add3A_326 : i32 to index
      %get3A_343 = arith.constant 16 : index
      %get3A_344 = tpu.vector_load %arg12[%get3A_342, %get3A_343] {strides = array<i32>} : memref<64x64xf32, #tpu.memory_space<vmem>>, vector<16xf32>,
      %mul3A_345 = arith.mulf %get3A_331, %get3A_344 : vector<16xf32>
      %add3A_346 = arith.addf %mul3A_341, %mul3A_345 : vector<16xf32>
      %get3A_347 = arith.index_cast %add3A_326 : i32 to index
      %get3A_348 = arith.constant 32 : index
      %get3A_349 = tpu.vector_load %arg12[%get3A_347, %get3A_348] {strides = array<i32>} : memref<64x64xf32, #tpu.memory_space<vmem>>, vector<16xf32>,
      %mul3A_350 = arith.mulf %get3A_334, %get3A_349 : vector<16xf32>
      %add3A_351 = arith.addf %add3A_346, %mul3A_350 : vector<16xf32>
      %get3A_352 = arith.index_cast %add3A_326 : i32 to index
      %get3A_353 = arith.constant 48 : index
      %get3A_354 = tpu.vector_load %arg12[%get3A_352, %get3A_353] {strides = array<i32>} : memref<64x64xf32, #tpu.memory_space<vmem>>, vector<16xf32>,
      %mul3A_355 = arith.mulf %get3A_337, %get3A_354 : vector<16xf32>
      %add3A_356 = arith.addf %add3A_351, %mul3A_355 : vector<16xf32>
      %eq3A = arith.constant 0 : i32
      %eq3A_357 = vector.broadcast %eq3A : i32 to vector<16xi32>
      %eq3A_358 = arith.cmpi eq, %iota3A, %eq3A_357 : vector<16xi32>
      %reduce_sum3A = arith.constant true
      %reduce_sum3A_359 = vector.broadcast %reduce_sum3A : i1 to vector<16xi1>
      %reduce_sum3A_360 = tpu.scan <sum>, %add3A_356 masked %reduce_sum3A_359 : vector<16xf32>, vector<16xi1> -> vector<16xf32>
      %reduce_sum3A_361 = vector.extract %reduce_sum3A_360[15] : f32 from vector<16xf32>
      %jit3A = arith.constant 0.000000e+00 : f32
      %broadcast_in_dim3A = vector.broadcast %reduce_sum3A_361 : f32 to vector<16xf32>
      %broadcast_in_dim3A_362 = vector.broadcast %jit3A : f32 to vector<16xf32>
      %select_n3A = arith.select %eq3A_358, %broadcast_in_dim3A, %broadcast_in_dim3A_362 : vector<16xi1>, vector<16xf32>
      %broadcast_in_dim3A_363 = arith.constant 0.000000e+00 : f32
      %broadcast_in_dim3A_364 = vector.broadcast %broadcast_in_dim3A_363 : f32 to vector<16xf32>
      %mul3A_365 = arith.constant 20 : i32
      %mul3A_366 = arith.muli %scan3A_324, %mul3A_365 : i32
      %add3A_367 = arith.constant 640 : i32
      %add3A_368 = arith.addi %add3A_367, %mul3A_366 : i32
      %add3A_369 = arith.constant 0 : i32
      %add3A_370 = arith.addi %add3A_368, %add3A_369 : i32
      %get3A_371 = arith.index_cast %add3A_370 : i32 to index
      %get3A_372 = arith.constant 0 : index
      %get3A_373 = tpu.vector_load %arg13[%get3A_371, %get3A_372] {strides = array<i32>} : memref<1280x64xf32, #tpu.memory_space<vmem>>, vector<16xf32>,
      %mul3A_374 = arith.mulf %get3A_328, %get3A_373 : vector<16xf32>
      %add3A_375 = arith.constant 0 : i32
      %add3A_376 = arith.addi %add3A_368, %add3A_375 : i32
      %get3A_377 = arith.index_cast %add3A_376 : i32 to index
      %get3A_378 = arith.constant 16 : index
      %get3A_379 = tpu.vector_load %arg13[%get3A_377, %get3A_378] {strides = array<i32>} : memref<1280x64xf32, #tpu.memory_space<vmem>>, vector<16xf32>,
      %mul3A_380 = arith.mulf %get3A_331, %get3A_379 : vector<16xf32>
      %add3A_381 = arith.addf %mul3A_374, %mul3A_380 : vector<16xf32>
      %add3A_382 = arith.constant 0 : i32
      %add3A_383 = arith.addi %add3A_368, %add3A_382 : i32
      %get3A_384 = arith.index_cast %add3A_383 : i32 to index
      %get3A_385 = arith.constant 32 : index
      %get3A_386 = tpu.vector_load %arg13[%get3A_384, %get3A_385] {strides = array<i32>} : memref<1280x64xf32, #tpu.memory_space<vmem>>, vector<16xf32>,
      %mul3A_387 = arith.mulf %get3A_334, %get3A_386 : vector<16xf32>
      %add3A_388 = arith.addf %add3A_381, %mul3A_387 : vector<16xf32>
      %add3A_389 = arith.constant 0 : i32
      %add3A_390 = arith.addi %add3A_368, %add3A_389 : i32
      %get3A_391 = arith.index_cast %add3A_390 : i32 to index
      %get3A_392 = arith.constant 48 : index
      %get3A_393 = tpu.vector_load %arg13[%get3A_391, %get3A_392] {strides = array<i32>} : memref<1280x64xf32, #tpu.memory_space<vmem>>, vector<16xf32>,
      %mul3A_394 = arith.mulf %get3A_337, %get3A_393 : vector<16xf32>
      %add3A_395 = arith.addf %add3A_388, %mul3A_394 : vector<16xf32>
      %reduce_sum3A_396 = arith.constant true
      %reduce_sum3A_397 = vector.broadcast %reduce_sum3A_396 : i1 to vector<16xi1>
      %reduce_sum3A_398 = tpu.scan <sum>, %add3A_395 masked %reduce_sum3A_397 : vector<16xf32>, vector<16xi1> -> vector<16xf32>
      %reduce_sum3A_399 = vector.extract %reduce_sum3A_398[15] : f32 from vector<16xf32>
      %eq3A_400 = arith.constant 1 : i32
      %eq3A_401 = vector.broadcast %eq3A_400 : i32 to vector<16xi32>
      %eq3A_402 = arith.cmpi eq, %iota3A, %eq3A_401 : vector<16xi32>
      %broadcast_in_dim3A_403 = vector.broadcast %reduce_sum3A_399 : f32 to vector<16xf32>
      %select_n3A_404 = arith.select %eq3A_402, %broadcast_in_dim3A_403, %select_n3A : vector<16xi1>, vector<16xf32>
      %add3A_405 = arith.constant 1 : i32
      %add3A_406 = arith.addi %add3A_368, %add3A_405 : i32
      %get3A_407 = arith.index_cast %add3A_406 : i32 to index
      %get3A_408 = arith.constant 0 : index
      %get3A_409 = tpu.vector_load %arg13[%get3A_407, %get3A_408] {strides = array<i32>} : memref<1280x64xf32, #tpu.memory_space<vmem>>, vector<16xf32>,
      %mul3A_410 = arith.mulf %get3A_328, %get3A_409 : vector<16xf32>
      %add3A_411 = arith.constant 1 : i32
      %add3A_412 = arith.addi %add3A_368, %add3A_411 : i32
      %get3A_413 = arith.index_cast %add3A_412 : i32 to index
      %get3A_414 = arith.constant 16 : index
      %get3A_415 = tpu.vector_load %arg13[%get3A_413, %get3A_414] {strides = array<i32>} : memref<1280x64xf32, #tpu.memory_space<vmem>>, vector<16xf32>,
      %mul3A_416 = arith.mulf %get3A_331, %get3A_415 : vector<16xf32>
      %add3A_417 = arith.addf %mul3A_410, %mul3A_416 : vector<16xf32>
      %add3A_418 = arith.constant 1 : i32
      %add3A_419 = arith.addi %add3A_368, %add3A_418 : i32
      %get3A_420 = arith.index_cast %add3A_419 : i32 to index
      %get3A_421 = arith.constant 32 : index
      %get3A_422 = tpu.vector_load %arg13[%get3A_420, %get3A_421] {strides = array<i32>} : memref<1280x64xf32, #tpu.memory_space<vmem>>, vector<16xf32>,
      %mul3A_423 = arith.mulf %get3A_334, %get3A_422 : vector<16xf32>
      %add3A_424 = arith.addf %add3A_417, %mul3A_423 : vector<16xf32>
      %add3A_425 = arith.constant 1 : i32
      %add3A_426 = arith.addi %add3A_368, %add3A_425 : i32
      %get3A_427 = arith.index_cast %add3A_426 : i32 to index
      %get3A_428 = arith.constant 48 : index
      %get3A_429 = tpu.vector_load %arg13[%get3A_427, %get3A_428] {strides = array<i32>} : memref<1280x64xf32, #tpu.memory_space<vmem>>, vector<16xf32>,
      %mul3A_430 = arith.mulf %get3A_337, %get3A_429 : vector<16xf32>
      %add3A_431 = arith.addf %add3A_424, %mul3A_430 : vector<16xf32>
      %reduce_sum3A_432 = arith.constant true
      %reduce_sum3A_433 = vector.broadcast %reduce_sum3A_432 : i1 to vector<16xi1>
      %reduce_sum3A_434 = tpu.scan <sum>, %add3A_431 masked %reduce_sum3A_433 : vector<16xf32>, vector<16xi1> -> vector<16xf32>
      %reduce_sum3A_435 = vector.extract %reduce_sum3A_434[15] : f32 from vector<16xf32>
      %eq3A_436 = arith.constant 2 : i32
      %eq3A_437 = vector.broadcast %eq3A_436 : i32 to vector<16xi32>
      %eq3A_438 = arith.cmpi eq, %iota3A, %eq3A_437 : vector<16xi32>
      %broadcast_in_dim3A_439 = vector.broadcast %reduce_sum3A_435 : f32 to vector<16xf32>
      %select_n3A_440 = arith.select %eq3A_438, %broadcast_in_dim3A_439, %select_n3A_404 : vector<16xi1>, vector<16xf32>
      %add3A_441 = arith.constant 2 : i32
      %add3A_442 = arith.addi %add3A_368, %add3A_441 : i32
      %get3A_443 = arith.index_cast %add3A_442 : i32 to index
      %get3A_444 = arith.constant 0 : index
      %get3A_445 = tpu.vector_load %arg13[%get3A_443, %get3A_444] {strides = array<i32>} : memref<1280x64xf32, #tpu.memory_space<vmem>>, vector<16xf32>,
      %mul3A_446 = arith.mulf %get3A_328, %get3A_445 : vector<16xf32>
      %add3A_447 = arith.constant 2 : i32
      %add3A_448 = arith.addi %add3A_368, %add3A_447 : i32
      %get3A_449 = arith.index_cast %add3A_448 : i32 to index
      %get3A_450 = arith.constant 16 : index
      %get3A_451 = tpu.vector_load %arg13[%get3A_449, %get3A_450] {strides = array<i32>} : memref<1280x64xf32, #tpu.memory_space<vmem>>, vector<16xf32>,
      %mul3A_452 = arith.mulf %get3A_331, %get3A_451 : vector<16xf32>
      %add3A_453 = arith.addf %mul3A_446, %mul3A_452 : vector<16xf32>
      %add3A_454 = arith.constant 2 : i32
      %add3A_455 = arith.addi %add3A_368, %add3A_454 : i32
      %get3A_456 = arith.index_cast %add3A_455 : i32 to index
      %get3A_457 = arith.constant 32 : index
      %get3A_458 = tpu.vector_load %arg13[%get3A_456, %get3A_457] {strides = array<i32>} : memref<1280x64xf32, #tpu.memory_space<vmem>>, vector<16xf32>,
      %mul3A_459 = arith.mulf %get3A_334, %get3A_458 : vector<16xf32>
      %add3A_460 = arith.addf %add3A_453, %mul3A_459 : vector<16xf32>
      %add3A_461 = arith.constant 2 : i32
      %add3A_462 = arith.addi %add3A_368, %add3A_461 : i32
      %get3A_463 = arith.index_cast %add3A_462 : i32 to index
      %get3A_464 = arith.constant 48 : index
      %get3A_465 = tpu.vector_load %arg13[%get3A_463, %get3A_464] {strides = array<i32>} : memref<1280x64xf32, #tpu.memory_space<vmem>>, vector<16xf32>,
      %mul3A_466 = arith.mulf %get3A_337, %get3A_465 : vector<16xf32>
      %add3A_467 = arith.addf %add3A_460, %mul3A_466 : vector<16xf32>
      %reduce_sum3A_468 = arith.constant true
      %reduce_sum3A_469 = vector.broadcast %reduce_sum3A_468 : i1 to vector<16xi1>
      %reduce_sum3A_470 = tpu.scan <sum>, %add3A_467 masked %reduce_sum3A_469 : vector<16xf32>, vector<16xi1> -> vector<16xf32>
      %reduce_sum3A_471 = vector.extract %reduce_sum3A_470[15] : f32 from vector<16xf32>
      %eq3A_472 = arith.constant 3 : i32
      %eq3A_473 = vector.broadcast %eq3A_472 : i32 to vector<16xi32>
      %eq3A_474 = arith.cmpi eq, %iota3A, %eq3A_473 : vector<16xi32>
      %broadcast_in_dim3A_475 = vector.broadcast %reduce_sum3A_471 : f32 to vector<16xf32>
      %select_n3A_476 = arith.select %eq3A_474, %broadcast_in_dim3A_475, %select_n3A_440 : vector<16xi1>, vector<16xf32>
      %add3A_477 = arith.constant 3 : i32
      %add3A_478 = arith.addi %add3A_368, %add3A_477 : i32
      %get3A_479 = arith.index_cast %add3A_478 : i32 to index
      %get3A_480 = arith.constant 0 : index
      %get3A_481 = tpu.vector_load %arg13[%get3A_479, %get3A_480] {strides = array<i32>} : memref<1280x64xf32, #tpu.memory_space<vmem>>, vector<16xf32>,
      %mul3A_482 = arith.mulf %get3A_328, %get3A_481 : vector<16xf32>
      %add3A_483 = arith.constant 3 : i32
      %add3A_484 = arith.addi %add3A_368, %add3A_483 : i32
      %get3A_485 = arith.index_cast %add3A_484 : i32 to index
      %get3A_486 = arith.constant 16 : index
      %get3A_487 = tpu.vector_load %arg13[%get3A_485, %get3A_486] {strides = array<i32>} : memref<1280x64xf32, #tpu.memory_space<vmem>>, vector<16xf32>,
      %mul3A_488 = arith.mulf %get3A_331, %get3A_487 : vector<16xf32>
      %add3A_489 = arith.addf %mul3A_482, %mul3A_488 : vector<16xf32>
      %add3A_490 = arith.constant 3 : i32
      %add3A_491 = arith.addi %add3A_368, %add3A_490 : i32
      %get3A_492 = arith.index_cast %add3A_491 : i32 to index
      %get3A_493 = arith.constant 32 : index
      %get3A_494 = tpu.vector_load %arg13[%get3A_492, %get3A_493] {strides = array<i32>} : memref<1280x64xf32, #tpu.memory_space<vmem>>, vector<16xf32>,
      %mul3A_495 = arith.mulf %get3A_334, %get3A_494 : vector<16xf32>
      %add3A_496 = arith.addf %add3A_489, %mul3A_495 : vector<16xf32>
      %add3A_497 = arith.constant 3 : i32
      %add3A_498 = arith.addi %add3A_368, %add3A_497 : i32
      %get3A_499 = arith.index_cast %add3A_498 : i32 to index
      %get3A_500 = arith.constant 48 : index
      %get3A_501 = tpu.vector_load %arg13[%get3A_499, %get3A_500] {strides = array<i32>} : memref<1280x64xf32, #tpu.memory_space<vmem>>, vector<16xf32>,
      %mul3A_502 = arith.mulf %get3A_337, %get3A_501 : vector<16xf32>
      %add3A_503 = arith.addf %add3A_496, %mul3A_502 : vector<16xf32>
      %reduce_sum3A_504 = arith.constant true
      %reduce_sum3A_505 = vector.broadcast %reduce_sum3A_504 : i1 to vector<16xi1>
      %reduce_sum3A_506 = tpu.scan <sum>, %add3A_503 masked %reduce_sum3A_505 : vector<16xf32>, vector<16xi1> -> vector<16xf32>
      %reduce_sum3A_507 = vector.extract %reduce_sum3A_506[15] : f32 from vector<16xf32>
      %eq3A_508 = arith.constant 4 : i32
      %eq3A_509 = vector.broadcast %eq3A_508 : i32 to vector<16xi32>
      %eq3A_510 = arith.cmpi eq, %iota3A, %eq3A_509 : vector<16xi32>
      %broadcast_in_dim3A_511 = vector.broadcast %reduce_sum3A_507 : f32 to vector<16xf32>
      %select_n3A_512 = arith.select %eq3A_510, %broadcast_in_dim3A_511, %select_n3A_476 : vector<16xi1>, vector<16xf32>
      %add3A_513 = arith.constant 4 : i32
      %add3A_514 = arith.addi %add3A_368, %add3A_513 : i32
      %get3A_515 = arith.index_cast %add3A_514 : i32 to index
      %get3A_516 = arith.constant 0 : index
      %get3A_517 = tpu.vector_load %arg13[%get3A_515, %get3A_516] {strides = array<i32>} : memref<1280x64xf32, #tpu.memory_space<vmem>>, vector<16xf32>,
      %mul3A_518 = arith.mulf %get3A_328, %get3A_517 : vector<16xf32>
      %add3A_519 = arith.constant 4 : i32
      %add3A_520 = arith.addi %add3A_368, %add3A_519 : i32
      %get3A_521 = arith.index_cast %add3A_520 : i32 to index
      %get3A_522 = arith.constant 16 : index
      %get3A_523 = tpu.vector_load %arg13[%get3A_521, %get3A_522] {strides = array<i32>} : memref<1280x64xf32, #tpu.memory_space<vmem>>, vector<16xf32>,
      %mul3A_524 = arith.mulf %get3A_331, %get3A_523 : vector<16xf32>
      %add3A_525 = arith.addf %mul3A_518, %mul3A_524 : vector<16xf32>
      %add3A_526 = arith.constant 4 : i32
      %add3A_527 = arith.addi %add3A_368, %add3A_526 : i32
      %get3A_528 = arith.index_cast %add3A_527 : i32 to index
      %get3A_529 = arith.constant 32 : index
      %get3A_530 = tpu.vector_load %arg13[%get3A_528, %get3A_529] {strides = array<i32>} : memref<1280x64xf32, #tpu.memory_space<vmem>>, vector<16xf32>,
      %mul3A_531 = arith.mulf %get3A_334, %get3A_530 : vector<16xf32>
      %add3A_532 = arith.addf %add3A_525, %mul3A_531 : vector<16xf32>
      %add3A_533 = arith.constant 4 : i32
      %add3A_534 = arith.addi %add3A_368, %add3A_533 : i32
      %get3A_535 = arith.index_cast %add3A_534 : i32 to index
      %get3A_536 = arith.constant 48 : index
      %get3A_537 = tpu.vector_load %arg13[%get3A_535, %get3A_536] {strides = array<i32>} : memref<1280x64xf32, #tpu.memory_space<vmem>>, vector<16xf32>,
      %mul3A_538 = arith.mulf %get3A_337, %get3A_537 : vector<16xf32>
      %add3A_539 = arith.addf %add3A_532, %mul3A_538 : vector<16xf32>
      %reduce_sum3A_540 = arith.constant true
      %reduce_sum3A_541 = vector.broadcast %reduce_sum3A_540 : i1 to vector<16xi1>
      %reduce_sum3A_542 = tpu.scan <sum>, %add3A_539 masked %reduce_sum3A_541 : vector<16xf32>, vector<16xi1> -> vector<16xf32>
      %reduce_sum3A_543 = vector.extract %reduce_sum3A_542[15] : f32 from vector<16xf32>
      %eq3A_544 = arith.constant 5 : i32
      %eq3A_545 = vector.broadcast %eq3A_544 : i32 to vector<16xi32>
      %eq3A_546 = arith.cmpi eq, %iota3A, %eq3A_545 : vector<16xi32>
      %broadcast_in_dim3A_547 = vector.broadcast %reduce_sum3A_543 : f32 to vector<16xf32>
      %select_n3A_548 = arith.select %eq3A_546, %broadcast_in_dim3A_547, %select_n3A_512 : vector<16xi1>, vector<16xf32>
      %add3A_549 = arith.constant 5 : i32
      %add3A_550 = arith.addi %add3A_368, %add3A_549 : i32
      %get3A_551 = arith.index_cast %add3A_550 : i32 to index
      %get3A_552 = arith.constant 0 : index
      %get3A_553 = tpu.vector_load %arg13[%get3A_551, %get3A_552] {strides = array<i32>} : memref<1280x64xf32, #tpu.memory_space<vmem>>, vector<16xf32>,
      %mul3A_554 = arith.mulf %get3A_328, %get3A_553 : vector<16xf32>
      %add3A_555 = arith.constant 5 : i32
      %add3A_556 = arith.addi %add3A_368, %add3A_555 : i32
      %get3A_557 = arith.index_cast %add3A_556 : i32 to index
      %get3A_558 = arith.constant 16 : index
      %get3A_559 = tpu.vector_load %arg13[%get3A_557, %get3A_558] {strides = array<i32>} : memref<1280x64xf32, #tpu.memory_space<vmem>>, vector<16xf32>,
      %mul3A_560 = arith.mulf %get3A_331, %get3A_559 : vector<16xf32>
      %add3A_561 = arith.addf %mul3A_554, %mul3A_560 : vector<16xf32>
      %add3A_562 = arith.constant 5 : i32
      %add3A_563 = arith.addi %add3A_368, %add3A_562 : i32
      %get3A_564 = arith.index_cast %add3A_563 : i32 to index
      %get3A_565 = arith.constant 32 : index
      %get3A_566 = tpu.vector_load %arg13[%get3A_564, %get3A_565] {strides = array<i32>} : memref<1280x64xf32, #tpu.memory_space<vmem>>, vector<16xf32>,
      %mul3A_567 = arith.mulf %get3A_334, %get3A_566 : vector<16xf32>
      %add3A_568 = arith.addf %add3A_561, %mul3A_567 : vector<16xf32>
      %add3A_569 = arith.constant 5 : i32
      %add3A_570 = arith.addi %add3A_368, %add3A_569 : i32
      %get3A_571 = arith.index_cast %add3A_570 : i32 to index
      %get3A_572 = arith.constant 48 : index
      %get3A_573 = tpu.vector_load %arg13[%get3A_571, %get3A_572] {strides = array<i32>} : memref<1280x64xf32, #tpu.memory_space<vmem>>, vector<16xf32>,
      %mul3A_574 = arith.mulf %get3A_337, %get3A_573 : vector<16xf32>
      %add3A_575 = arith.addf %add3A_568, %mul3A_574 : vector<16xf32>
      %reduce_sum3A_576 = arith.constant true
      %reduce_sum3A_577 = vector.broadcast %reduce_sum3A_576 : i1 to vector<16xi1>
      %reduce_sum3A_578 = tpu.scan <sum>, %add3A_575 masked %reduce_sum3A_577 : vector<16xf32>, vector<16xi1> -> vector<16xf32>
      %reduce_sum3A_579 = vector.extract %reduce_sum3A_578[15] : f32 from vector<16xf32>
      %eq3A_580 = arith.constant 6 : i32
      %eq3A_581 = vector.broadcast %eq3A_580 : i32 to vector<16xi32>
      %eq3A_582 = arith.cmpi eq, %iota3A, %eq3A_581 : vector<16xi32>
      %broadcast_in_dim3A_583 = vector.broadcast %reduce_sum3A_579 : f32 to vector<16xf32>
      %select_n3A_584 = arith.select %eq3A_582, %broadcast_in_dim3A_583, %select_n3A_548 : vector<16xi1>, vector<16xf32>
      %add3A_585 = arith.constant 6 : i32
      %add3A_586 = arith.addi %add3A_368, %add3A_585 : i32
      %get3A_587 = arith.index_cast %add3A_586 : i32 to index
      %get3A_588 = arith.constant 0 : index
      %get3A_589 = tpu.vector_load %arg13[%get3A_587, %get3A_588] {strides = array<i32>} : memref<1280x64xf32, #tpu.memory_space<vmem>>, vector<16xf32>,
      %mul3A_590 = arith.mulf %get3A_328, %get3A_589 : vector<16xf32>
      %add3A_591 = arith.constant 6 : i32
      %add3A_592 = arith.addi %add3A_368, %add3A_591 : i32
      %get3A_593 = arith.index_cast %add3A_592 : i32 to index
      %get3A_594 = arith.constant 16 : index
      %get3A_595 = tpu.vector_load %arg13[%get3A_593, %get3A_594] {strides = array<i32>} : memref<1280x64xf32, #tpu.memory_space<vmem>>, vector<16xf32>,
      %mul3A_596 = arith.mulf %get3A_331, %get3A_595 : vector<16xf32>
      %add3A_597 = arith.addf %mul3A_590, %mul3A_596 : vector<16xf32>
      %add3A_598 = arith.constant 6 : i32
      %add3A_599 = arith.addi %add3A_368, %add3A_598 : i32
      %get3A_600 = arith.index_cast %add3A_599 : i32 to index
      %get3A_601 = arith.constant 32 : index
      %get3A_602 = tpu.vector_load %arg13[%get3A_600, %get3A_601] {strides = array<i32>} : memref<1280x64xf32, #tpu.memory_space<vmem>>, vector<16xf32>,
      %mul3A_603 = arith.mulf %get3A_334, %get3A_602 : vector<16xf32>
      %add3A_604 = arith.addf %add3A_597, %mul3A_603 : vector<16xf32>
      %add3A_605 = arith.constant 6 : i32
      %add3A_606 = arith.addi %add3A_368, %add3A_605 : i32
      %get3A_607 = arith.index_cast %add3A_606 : i32 to index
      %get3A_608 = arith.constant 48 : index
      %get3A_609 = tpu.vector_load %arg13[%get3A_607, %get3A_608] {strides = array<i32>} : memref<1280x64xf32, #tpu.memory_space<vmem>>, vector<16xf32>,
      %mul3A_610 = arith.mulf %get3A_337, %get3A_609 : vector<16xf32>
      %add3A_611 = arith.addf %add3A_604, %mul3A_610 : vector<16xf32>
      %reduce_sum3A_612 = arith.constant true
      %reduce_sum3A_613 = vector.broadcast %reduce_sum3A_612 : i1 to vector<16xi1>
      %reduce_sum3A_614 = tpu.scan <sum>, %add3A_611 masked %reduce_sum3A_613 : vector<16xf32>, vector<16xi1> -> vector<16xf32>
      %reduce_sum3A_615 = vector.extract %reduce_sum3A_614[15] : f32 from vector<16xf32>
      %eq3A_616 = arith.constant 7 : i32
      %eq3A_617 = vector.broadcast %eq3A_616 : i32 to vector<16xi32>
      %eq3A_618 = arith.cmpi eq, %iota3A, %eq3A_617 : vector<16xi32>
      %broadcast_in_dim3A_619 = vector.broadcast %reduce_sum3A_615 : f32 to vector<16xf32>
      %select_n3A_620 = arith.select %eq3A_618, %broadcast_in_dim3A_619, %select_n3A_584 : vector<16xi1>, vector<16xf32>
      %add3A_621 = arith.constant 7 : i32
      %add3A_622 = arith.addi %add3A_368, %add3A_621 : i32
      %get3A_623 = arith.index_cast %add3A_622 : i32 to index
      %get3A_624 = arith.constant 0 : index
      %get3A_625 = tpu.vector_load %arg13[%get3A_623, %get3A_624] {strides = array<i32>} : memref<1280x64xf32, #tpu.memory_space<vmem>>, vector<16xf32>,
      %mul3A_626 = arith.mulf %get3A_328, %get3A_625 : vector<16xf32>
      %add3A_627 = arith.constant 7 : i32
      %add3A_628 = arith.addi %add3A_368, %add3A_627 : i32
      %get3A_629 = arith.index_cast %add3A_628 : i32 to index
      %get3A_630 = arith.constant 16 : index
      %get3A_631 = tpu.vector_load %arg13[%get3A_629, %get3A_630] {strides = array<i32>} : memref<1280x64xf32, #tpu.memory_space<vmem>>, vector<16xf32>,
      %mul3A_632 = arith.mulf %get3A_331, %get3A_631 : vector<16xf32>
      %add3A_633 = arith.addf %mul3A_626, %mul3A_632 : vector<16xf32>
      %add3A_634 = arith.constant 7 : i32
      %add3A_635 = arith.addi %add3A_368, %add3A_634 : i32
      %get3A_636 = arith.index_cast %add3A_635 : i32 to index
      %get3A_637 = arith.constant 32 : index
      %get3A_638 = tpu.vector_load %arg13[%get3A_636, %get3A_637] {strides = array<i32>} : memref<1280x64xf32, #tpu.memory_space<vmem>>, vector<16xf32>,
      %mul3A_639 = arith.mulf %get3A_334, %get3A_638 : vector<16xf32>
      %add3A_640 = arith.addf %add3A_633, %mul3A_639 : vector<16xf32>
      %add3A_641 = arith.constant 7 : i32
      %add3A_642 = arith.addi %add3A_368, %add3A_641 : i32
      %get3A_643 = arith.index_cast %add3A_642 : i32 to index
      %get3A_644 = arith.constant 48 : index
      %get3A_645 = tpu.vector_load %arg13[%get3A_643, %get3A_644] {strides = array<i32>} : memref<1280x64xf32, #tpu.memory_space<vmem>>, vector<16xf32>,
      %mul3A_646 = arith.mulf %get3A_337, %get3A_645 : vector<16xf32>
      %add3A_647 = arith.addf %add3A_640, %mul3A_646 : vector<16xf32>
      %reduce_sum3A_648 = arith.constant true
      %reduce_sum3A_649 = vector.broadcast %reduce_sum3A_648 : i1 to vector<16xi1>
      %reduce_sum3A_650 = tpu.scan <sum>, %add3A_647 masked %reduce_sum3A_649 : vector<16xf32>, vector<16xi1> -> vector<16xf32>
      %reduce_sum3A_651 = vector.extract %reduce_sum3A_650[15] : f32 from vector<16xf32>
      %eq3A_652 = arith.constant 8 : i32
      %eq3A_653 = vector.broadcast %eq3A_652 : i32 to vector<16xi32>
      %eq3A_654 = arith.cmpi eq, %iota3A, %eq3A_653 : vector<16xi32>
      %broadcast_in_dim3A_655 = vector.broadcast %reduce_sum3A_651 : f32 to vector<16xf32>
      %select_n3A_656 = arith.select %eq3A_654, %broadcast_in_dim3A_655, %select_n3A_620 : vector<16xi1>, vector<16xf32>
      %add3A_657 = arith.constant 8 : i32
      %add3A_658 = arith.addi %add3A_368, %add3A_657 : i32
      %get3A_659 = arith.index_cast %add3A_658 : i32 to index
      %get3A_660 = arith.constant 0 : index
      %get3A_661 = tpu.vector_load %arg13[%get3A_659, %get3A_660] {strides = array<i32>} : memref<1280x64xf32, #tpu.memory_space<vmem>>, vector<16xf32>,
      %mul3A_662 = arith.mulf %get3A_328, %get3A_661 : vector<16xf32>
      %add3A_663 = arith.constant 8 : i32
      %add3A_664 = arith.addi %add3A_368, %add3A_663 : i32
      %get3A_665 = arith.index_cast %add3A_664 : i32 to index
      %get3A_666 = arith.constant 16 : index
      %get3A_667 = tpu.vector_load %arg13[%get3A_665, %get3A_666] {strides = array<i32>} : memref<1280x64xf32, #tpu.memory_space<vmem>>, vector<16xf32>,
      %mul3A_668 = arith.mulf %get3A_331, %get3A_667 : vector<16xf32>
      %add3A_669 = arith.addf %mul3A_662, %mul3A_668 : vector<16xf32>
      %add3A_670 = arith.constant 8 : i32
      %add3A_671 = arith.addi %add3A_368, %add3A_670 : i32
      %get3A_672 = arith.index_cast %add3A_671 : i32 to index
      %get3A_673 = arith.constant 32 : index
      %get3A_674 = tpu.vector_load %arg13[%get3A_672, %get3A_673] {strides = array<i32>} : memref<1280x64xf32, #tpu.memory_space<vmem>>, vector<16xf32>,
      %mul3A_675 = arith.mulf %get3A_334, %get3A_674 : vector<16xf32>
      %add3A_676 = arith.addf %add3A_669, %mul3A_675 : vector<16xf32>
      %add3A_677 = arith.constant 8 : i32
      %add3A_678 = arith.addi %add3A_368, %add3A_677 : i32
      %get3A_679 = arith.index_cast %add3A_678 : i32 to index
      %get3A_680 = arith.constant 48 : index
      %get3A_681 = tpu.vector_load %arg13[%get3A_679, %get3A_680] {strides = array<i32>} : memref<1280x64xf32, #tpu.memory_space<vmem>>, vector<16xf32>,
      %mul3A_682 = arith.mulf %get3A_337, %get3A_681 : vector<16xf32>
      %add3A_683 = arith.addf %add3A_676, %mul3A_682 : vector<16xf32>
      %reduce_sum3A_684 = arith.constant true
      %reduce_sum3A_685 = vector.broadcast %reduce_sum3A_684 : i1 to vector<16xi1>
      %reduce_sum3A_686 = tpu.scan <sum>, %add3A_683 masked %reduce_sum3A_685 : vector<16xf32>, vector<16xi1> -> vector<16xf32>
      %reduce_sum3A_687 = vector.extract %reduce_sum3A_686[15] : f32 from vector<16xf32>
      %eq3A_688 = arith.constant 9 : i32
      %eq3A_689 = vector.broadcast %eq3A_688 : i32 to vector<16xi32>
      %eq3A_690 = arith.cmpi eq, %iota3A, %eq3A_689 : vector<16xi32>
      %broadcast_in_dim3A_691 = vector.broadcast %reduce_sum3A_687 : f32 to vector<16xf32>
      %select_n3A_692 = arith.select %eq3A_690, %broadcast_in_dim3A_691, %select_n3A_656 : vector<16xi1>, vector<16xf32>
      %add3A_693 = arith.constant 9 : i32
      %add3A_694 = arith.addi %add3A_368, %add3A_693 : i32
      %get3A_695 = arith.index_cast %add3A_694 : i32 to index
      %get3A_696 = arith.constant 0 : index
      %get3A_697 = tpu.vector_load %arg13[%get3A_695, %get3A_696] {strides = array<i32>} : memref<1280x64xf32, #tpu.memory_space<vmem>>, vector<16xf32>,
      %mul3A_698 = arith.mulf %get3A_328, %get3A_697 : vector<16xf32>
      %add3A_699 = arith.constant 9 : i32
      %add3A_700 = arith.addi %add3A_368, %add3A_699 : i32
      %get3A_701 = arith.index_cast %add3A_700 : i32 to index
      %get3A_702 = arith.constant 16 : index
      %get3A_703 = tpu.vector_load %arg13[%get3A_701, %get3A_702] {strides = array<i32>} : memref<1280x64xf32, #tpu.memory_space<vmem>>, vector<16xf32>,
      %mul3A_704 = arith.mulf %get3A_331, %get3A_703 : vector<16xf32>
      %add3A_705 = arith.addf %mul3A_698, %mul3A_704 : vector<16xf32>
      %add3A_706 = arith.constant 9 : i32
      %add3A_707 = arith.addi %add3A_368, %add3A_706 : i32
      %get3A_708 = arith.index_cast %add3A_707 : i32 to index
      %get3A_709 = arith.constant 32 : index
      %get3A_710 = tpu.vector_load %arg13[%get3A_708, %get3A_709] {strides = array<i32>} : memref<1280x64xf32, #tpu.memory_space<vmem>>, vector<16xf32>,
      %mul3A_711 = arith.mulf %get3A_334, %get3A_710 : vector<16xf32>
      %add3A_712 = arith.addf %add3A_705, %mul3A_711 : vector<16xf32>
      %add3A_713 = arith.constant 9 : i32
      %add3A_714 = arith.addi %add3A_368, %add3A_713 : i32
      %get3A_715 = arith.index_cast %add3A_714 : i32 to index
      %get3A_716 = arith.constant 48 : index
      %get3A_717 = tpu.vector_load %arg13[%get3A_715, %get3A_716] {strides = array<i32>} : memref<1280x64xf32, #tpu.memory_space<vmem>>, vector<16xf32>,
      %mul3A_718 = arith.mulf %get3A_337, %get3A_717 : vector<16xf32>
      %add3A_719 = arith.addf %add3A_712, %mul3A_718 : vector<16xf32>
      %reduce_sum3A_720 = arith.constant true
      %reduce_sum3A_721 = vector.broadcast %reduce_sum3A_720 : i1 to vector<16xi1>
      %reduce_sum3A_722 = tpu.scan <sum>, %add3A_719 masked %reduce_sum3A_721 : vector<16xf32>, vector<16xi1> -> vector<16xf32>
      %reduce_sum3A_723 = vector.extract %reduce_sum3A_722[15] : f32 from vector<16xf32>
      %eq3A_724 = arith.constant 10 : i32
      %eq3A_725 = vector.broadcast %eq3A_724 : i32 to vector<16xi32>
      %eq3A_726 = arith.cmpi eq, %iota3A, %eq3A_725 : vector<16xi32>
      %broadcast_in_dim3A_727 = vector.broadcast %reduce_sum3A_723 : f32 to vector<16xf32>
      %select_n3A_728 = arith.select %eq3A_726, %broadcast_in_dim3A_727, %select_n3A_692 : vector<16xi1>, vector<16xf32>
      %add3A_729 = arith.constant 10 : i32
      %add3A_730 = arith.addi %add3A_368, %add3A_729 : i32
      %get3A_731 = arith.index_cast %add3A_730 : i32 to index
      %get3A_732 = arith.constant 0 : index
      %get3A_733 = tpu.vector_load %arg13[%get3A_731, %get3A_732] {strides = array<i32>} : memref<1280x64xf32, #tpu.memory_space<vmem>>, vector<16xf32>,
      %mul3A_734 = arith.mulf %get3A_328, %get3A_733 : vector<16xf32>
      %add3A_735 = arith.constant 10 : i32
      %add3A_736 = arith.addi %add3A_368, %add3A_735 : i32
      %get3A_737 = arith.index_cast %add3A_736 : i32 to index
      %get3A_738 = arith.constant 16 : index
      %get3A_739 = tpu.vector_load %arg13[%get3A_737, %get3A_738] {strides = array<i32>} : memref<1280x64xf32, #tpu.memory_space<vmem>>, vector<16xf32>,
      %mul3A_740 = arith.mulf %get3A_331, %get3A_739 : vector<16xf32>
      %add3A_741 = arith.addf %mul3A_734, %mul3A_740 : vector<16xf32>
      %add3A_742 = arith.constant 10 : i32
      %add3A_743 = arith.addi %add3A_368, %add3A_742 : i32
      %get3A_744 = arith.index_cast %add3A_743 : i32 to index
      %get3A_745 = arith.constant 32 : index
      %get3A_746 = tpu.vector_load %arg13[%get3A_744, %get3A_745] {strides = array<i32>} : memref<1280x64xf32, #tpu.memory_space<vmem>>, vector<16xf32>,
      %mul3A_747 = arith.mulf %get3A_334, %get3A_746 : vector<16xf32>
      %add3A_748 = arith.addf %add3A_741, %mul3A_747 : vector<16xf32>
      %add3A_749 = arith.constant 10 : i32
      %add3A_750 = arith.addi %add3A_368, %add3A_749 : i32
      %get3A_751 = arith.index_cast %add3A_750 : i32 to index
      %get3A_752 = arith.constant 48 : index
      %get3A_753 = tpu.vector_load %arg13[%get3A_751, %get3A_752] {strides = array<i32>} : memref<1280x64xf32, #tpu.memory_space<vmem>>, vector<16xf32>,
      %mul3A_754 = arith.mulf %get3A_337, %get3A_753 : vector<16xf32>
      %add3A_755 = arith.addf %add3A_748, %mul3A_754 : vector<16xf32>
      %reduce_sum3A_756 = arith.constant true
      %reduce_sum3A_757 = vector.broadcast %reduce_sum3A_756 : i1 to vector<16xi1>
      %reduce_sum3A_758 = tpu.scan <sum>, %add3A_755 masked %reduce_sum3A_757 : vector<16xf32>, vector<16xi1> -> vector<16xf32>
      %reduce_sum3A_759 = vector.extract %reduce_sum3A_758[15] : f32 from vector<16xf32>
      %eq3A_760 = arith.constant 11 : i32
      %eq3A_761 = vector.broadcast %eq3A_760 : i32 to vector<16xi32>
      %eq3A_762 = arith.cmpi eq, %iota3A, %eq3A_761 : vector<16xi32>
      %broadcast_in_dim3A_763 = vector.broadcast %reduce_sum3A_759 : f32 to vector<16xf32>
      %select_n3A_764 = arith.select %eq3A_762, %broadcast_in_dim3A_763, %select_n3A_728 : vector<16xi1>, vector<16xf32>
      %add3A_765 = arith.constant 11 : i32
      %add3A_766 = arith.addi %add3A_368, %add3A_765 : i32
      %get3A_767 = arith.index_cast %add3A_766 : i32 to index
      %get3A_768 = arith.constant 0 : index
      %get3A_769 = tpu.vector_load %arg13[%get3A_767, %get3A_768] {strides = array<i32>} : memref<1280x64xf32, #tpu.memory_space<vmem>>, vector<16xf32>,
      %mul3A_770 = arith.mulf %get3A_328, %get3A_769 : vector<16xf32>
      %add3A_771 = arith.constant 11 : i32
      %add3A_772 = arith.addi %add3A_368, %add3A_771 : i32
      %get3A_773 = arith.index_cast %add3A_772 : i32 to index
      %get3A_774 = arith.constant 16 : index
      %get3A_775 = tpu.vector_load %arg13[%get3A_773, %get3A_774] {strides = array<i32>} : memref<1280x64xf32, #tpu.memory_space<vmem>>, vector<16xf32>,
      %mul3A_776 = arith.mulf %get3A_331, %get3A_775 : vector<16xf32>
      %add3A_777 = arith.addf %mul3A_770, %mul3A_776 : vector<16xf32>
      %add3A_778 = arith.constant 11 : i32
      %add3A_779 = arith.addi %add3A_368, %add3A_778 : i32
      %get3A_780 = arith.index_cast %add3A_779 : i32 to index
      %get3A_781 = arith.constant 32 : index
      %get3A_782 = tpu.vector_load %arg13[%get3A_780, %get3A_781] {strides = array<i32>} : memref<1280x64xf32, #tpu.memory_space<vmem>>, vector<16xf32>,
      %mul3A_783 = arith.mulf %get3A_334, %get3A_782 : vector<16xf32>
      %add3A_784 = arith.addf %add3A_777, %mul3A_783 : vector<16xf32>
      %add3A_785 = arith.constant 11 : i32
      %add3A_786 = arith.addi %add3A_368, %add3A_785 : i32
      %get3A_787 = arith.index_cast %add3A_786 : i32 to index
      %get3A_788 = arith.constant 48 : index
      %get3A_789 = tpu.vector_load %arg13[%get3A_787, %get3A_788] {strides = array<i32>} : memref<1280x64xf32, #tpu.memory_space<vmem>>, vector<16xf32>,
      %mul3A_790 = arith.mulf %get3A_337, %get3A_789 : vector<16xf32>
      %add3A_791 = arith.addf %add3A_784, %mul3A_790 : vector<16xf32>
      %reduce_sum3A_792 = arith.constant true
      %reduce_sum3A_793 = vector.broadcast %reduce_sum3A_792 : i1 to vector<16xi1>
      %reduce_sum3A_794 = tpu.scan <sum>, %add3A_791 masked %reduce_sum3A_793 : vector<16xf32>, vector<16xi1> -> vector<16xf32>
      %reduce_sum3A_795 = vector.extract %reduce_sum3A_794[15] : f32 from vector<16xf32>
      %eq3A_796 = arith.constant 12 : i32
      %eq3A_797 = vector.broadcast %eq3A_796 : i32 to vector<16xi32>
      %eq3A_798 = arith.cmpi eq, %iota3A, %eq3A_797 : vector<16xi32>
      %broadcast_in_dim3A_799 = vector.broadcast %reduce_sum3A_795 : f32 to vector<16xf32>
      %select_n3A_800 = arith.select %eq3A_798, %broadcast_in_dim3A_799, %select_n3A_764 : vector<16xi1>, vector<16xf32>
      %add3A_801 = arith.constant 12 : i32
      %add3A_802 = arith.addi %add3A_368, %add3A_801 : i32
      %get3A_803 = arith.index_cast %add3A_802 : i32 to index
      %get3A_804 = arith.constant 0 : index
      %get3A_805 = tpu.vector_load %arg13[%get3A_803, %get3A_804] {strides = array<i32>} : memref<1280x64xf32, #tpu.memory_space<vmem>>, vector<16xf32>,
      %mul3A_806 = arith.mulf %get3A_328, %get3A_805 : vector<16xf32>
      %add3A_807 = arith.constant 12 : i32
      %add3A_808 = arith.addi %add3A_368, %add3A_807 : i32
      %get3A_809 = arith.index_cast %add3A_808 : i32 to index
      %get3A_810 = arith.constant 16 : index
      %get3A_811 = tpu.vector_load %arg13[%get3A_809, %get3A_810] {strides = array<i32>} : memref<1280x64xf32, #tpu.memory_space<vmem>>, vector<16xf32>,
      %mul3A_812 = arith.mulf %get3A_331, %get3A_811 : vector<16xf32>
      %add3A_813 = arith.addf %mul3A_806, %mul3A_812 : vector<16xf32>
      %add3A_814 = arith.constant 12 : i32
      %add3A_815 = arith.addi %add3A_368, %add3A_814 : i32
      %get3A_816 = arith.index_cast %add3A_815 : i32 to index
      %get3A_817 = arith.constant 32 : index
      %get3A_818 = tpu.vector_load %arg13[%get3A_816, %get3A_817] {strides = array<i32>} : memref<1280x64xf32, #tpu.memory_space<vmem>>, vector<16xf32>,
      %mul3A_819 = arith.mulf %get3A_334, %get3A_818 : vector<16xf32>
      %add3A_820 = arith.addf %add3A_813, %mul3A_819 : vector<16xf32>
      %add3A_821 = arith.constant 12 : i32
      %add3A_822 = arith.addi %add3A_368, %add3A_821 : i32
      %get3A_823 = arith.index_cast %add3A_822 : i32 to index
      %get3A_824 = arith.constant 48 : index
      %get3A_825 = tpu.vector_load %arg13[%get3A_823, %get3A_824] {strides = array<i32>} : memref<1280x64xf32, #tpu.memory_space<vmem>>, vector<16xf32>,
      %mul3A_826 = arith.mulf %get3A_337, %get3A_825 : vector<16xf32>
      %add3A_827 = arith.addf %add3A_820, %mul3A_826 : vector<16xf32>
      %reduce_sum3A_828 = arith.constant true
      %reduce_sum3A_829 = vector.broadcast %reduce_sum3A_828 : i1 to vector<16xi1>
      %reduce_sum3A_830 = tpu.scan <sum>, %add3A_827 masked %reduce_sum3A_829 : vector<16xf32>, vector<16xi1> -> vector<16xf32>
      %reduce_sum3A_831 = vector.extract %reduce_sum3A_830[15] : f32 from vector<16xf32>
      %eq3A_832 = arith.constant 13 : i32
      %eq3A_833 = vector.broadcast %eq3A_832 : i32 to vector<16xi32>
      %eq3A_834 = arith.cmpi eq, %iota3A, %eq3A_833 : vector<16xi32>
      %broadcast_in_dim3A_835 = vector.broadcast %reduce_sum3A_831 : f32 to vector<16xf32>
      %select_n3A_836 = arith.select %eq3A_834, %broadcast_in_dim3A_835, %select_n3A_800 : vector<16xi1>, vector<16xf32>
      %add3A_837 = arith.constant 13 : i32
      %add3A_838 = arith.addi %add3A_368, %add3A_837 : i32
      %get3A_839 = arith.index_cast %add3A_838 : i32 to index
      %get3A_840 = arith.constant 0 : index
      %get3A_841 = tpu.vector_load %arg13[%get3A_839, %get3A_840] {strides = array<i32>} : memref<1280x64xf32, #tpu.memory_space<vmem>>, vector<16xf32>,
      %mul3A_842 = arith.mulf %get3A_328, %get3A_841 : vector<16xf32>
      %add3A_843 = arith.constant 13 : i32
      %add3A_844 = arith.addi %add3A_368, %add3A_843 : i32
      %get3A_845 = arith.index_cast %add3A_844 : i32 to index
      %get3A_846 = arith.constant 16 : index
      %get3A_847 = tpu.vector_load %arg13[%get3A_845, %get3A_846] {strides = array<i32>} : memref<1280x64xf32, #tpu.memory_space<vmem>>, vector<16xf32>,
      %mul3A_848 = arith.mulf %get3A_331, %get3A_847 : vector<16xf32>
      %add3A_849 = arith.addf %mul3A_842, %mul3A_848 : vector<16xf32>
      %add3A_850 = arith.constant 13 : i32
      %add3A_851 = arith.addi %add3A_368, %add3A_850 : i32
      %get3A_852 = arith.index_cast %add3A_851 : i32 to index
      %get3A_853 = arith.constant 32 : index
      %get3A_854 = tpu.vector_load %arg13[%get3A_852, %get3A_853] {strides = array<i32>} : memref<1280x64xf32, #tpu.memory_space<vmem>>, vector<16xf32>,
      %mul3A_855 = arith.mulf %get3A_334, %get3A_854 : vector<16xf32>
      %add3A_856 = arith.addf %add3A_849, %mul3A_855 : vector<16xf32>
      %add3A_857 = arith.constant 13 : i32
      %add3A_858 = arith.addi %add3A_368, %add3A_857 : i32
      %get3A_859 = arith.index_cast %add3A_858 : i32 to index
      %get3A_860 = arith.constant 48 : index
      %get3A_861 = tpu.vector_load %arg13[%get3A_859, %get3A_860] {strides = array<i32>} : memref<1280x64xf32, #tpu.memory_space<vmem>>, vector<16xf32>,
      %mul3A_862 = arith.mulf %get3A_337, %get3A_861 : vector<16xf32>
      %add3A_863 = arith.addf %add3A_856, %mul3A_862 : vector<16xf32>
      %reduce_sum3A_864 = arith.constant true
      %reduce_sum3A_865 = vector.broadcast %reduce_sum3A_864 : i1 to vector<16xi1>
      %reduce_sum3A_866 = tpu.scan <sum>, %add3A_863 masked %reduce_sum3A_865 : vector<16xf32>, vector<16xi1> -> vector<16xf32>
      %reduce_sum3A_867 = vector.extract %reduce_sum3A_866[15] : f32 from vector<16xf32>
      %eq3A_868 = arith.constant 14 : i32
      %eq3A_869 = vector.broadcast %eq3A_868 : i32 to vector<16xi32>
      %eq3A_870 = arith.cmpi eq, %iota3A, %eq3A_869 : vector<16xi32>
      %broadcast_in_dim3A_871 = vector.broadcast %reduce_sum3A_867 : f32 to vector<16xf32>
      %select_n3A_872 = arith.select %eq3A_870, %broadcast_in_dim3A_871, %select_n3A_836 : vector<16xi1>, vector<16xf32>
      %add3A_873 = arith.constant 14 : i32
      %add3A_874 = arith.addi %add3A_368, %add3A_873 : i32
      %get3A_875 = arith.index_cast %add3A_874 : i32 to index
      %get3A_876 = arith.constant 0 : index
      %get3A_877 = tpu.vector_load %arg13[%get3A_875, %get3A_876] {strides = array<i32>} : memref<1280x64xf32, #tpu.memory_space<vmem>>, vector<16xf32>,
      %mul3A_878 = arith.mulf %get3A_328, %get3A_877 : vector<16xf32>
      %add3A_879 = arith.constant 14 : i32
      %add3A_880 = arith.addi %add3A_368, %add3A_879 : i32
      %get3A_881 = arith.index_cast %add3A_880 : i32 to index
      %get3A_882 = arith.constant 16 : index
      %get3A_883 = tpu.vector_load %arg13[%get3A_881, %get3A_882] {strides = array<i32>} : memref<1280x64xf32, #tpu.memory_space<vmem>>, vector<16xf32>,
      %mul3A_884 = arith.mulf %get3A_331, %get3A_883 : vector<16xf32>
      %add3A_885 = arith.addf %mul3A_878, %mul3A_884 : vector<16xf32>
      %add3A_886 = arith.constant 14 : i32
      %add3A_887 = arith.addi %add3A_368, %add3A_886 : i32
      %get3A_888 = arith.index_cast %add3A_887 : i32 to index
      %get3A_889 = arith.constant 32 : index
      %get3A_890 = tpu.vector_load %arg13[%get3A_888, %get3A_889] {strides = array<i32>} : memref<1280x64xf32, #tpu.memory_space<vmem>>, vector<16xf32>,
      %mul3A_891 = arith.mulf %get3A_334, %get3A_890 : vector<16xf32>
      %add3A_892 = arith.addf %add3A_885, %mul3A_891 : vector<16xf32>
      %add3A_893 = arith.constant 14 : i32
      %add3A_894 = arith.addi %add3A_368, %add3A_893 : i32
      %get3A_895 = arith.index_cast %add3A_894 : i32 to index
      %get3A_896 = arith.constant 48 : index
      %get3A_897 = tpu.vector_load %arg13[%get3A_895, %get3A_896] {strides = array<i32>} : memref<1280x64xf32, #tpu.memory_space<vmem>>, vector<16xf32>,
      %mul3A_898 = arith.mulf %get3A_337, %get3A_897 : vector<16xf32>
      %add3A_899 = arith.addf %add3A_892, %mul3A_898 : vector<16xf32>
      %reduce_sum3A_900 = arith.constant true
      %reduce_sum3A_901 = vector.broadcast %reduce_sum3A_900 : i1 to vector<16xi1>
      %reduce_sum3A_902 = tpu.scan <sum>, %add3A_899 masked %reduce_sum3A_901 : vector<16xf32>, vector<16xi1> -> vector<16xf32>
      %reduce_sum3A_903 = vector.extract %reduce_sum3A_902[15] : f32 from vector<16xf32>
      %eq3A_904 = arith.constant 15 : i32
      %eq3A_905 = vector.broadcast %eq3A_904 : i32 to vector<16xi32>
      %eq3A_906 = arith.cmpi eq, %iota3A, %eq3A_905 : vector<16xi32>
      %broadcast_in_dim3A_907 = vector.broadcast %reduce_sum3A_903 : f32 to vector<16xf32>
      %select_n3A_908 = arith.select %eq3A_906, %broadcast_in_dim3A_907, %select_n3A_872 : vector<16xi1>, vector<16xf32>
      %add3A_909 = arith.constant 15 : i32
      %add3A_910 = arith.addi %add3A_368, %add3A_909 : i32
      %get3A_911 = arith.index_cast %add3A_910 : i32 to index
      %get3A_912 = arith.constant 0 : index
      %get3A_913 = tpu.vector_load %arg13[%get3A_911, %get3A_912] {strides = array<i32>} : memref<1280x64xf32, #tpu.memory_space<vmem>>, vector<16xf32>,
      %mul3A_914 = arith.mulf %get3A_328, %get3A_913 : vector<16xf32>
      %add3A_915 = arith.constant 15 : i32
      %add3A_916 = arith.addi %add3A_368, %add3A_915 : i32
      %get3A_917 = arith.index_cast %add3A_916 : i32 to index
      %get3A_918 = arith.constant 16 : index
      %get3A_919 = tpu.vector_load %arg13[%get3A_917, %get3A_918] {strides = array<i32>} : memref<1280x64xf32, #tpu.memory_space<vmem>>, vector<16xf32>,
      %mul3A_920 = arith.mulf %get3A_331, %get3A_919 : vector<16xf32>
      %add3A_921 = arith.addf %mul3A_914, %mul3A_920 : vector<16xf32>
      %add3A_922 = arith.constant 15 : i32
      %add3A_923 = arith.addi %add3A_368, %add3A_922 : i32
      %get3A_924 = arith.index_cast %add3A_923 : i32 to index
      %get3A_925 = arith.constant 32 : index
      %get3A_926 = tpu.vector_load %arg13[%get3A_924, %get3A_925] {strides = array<i32>} : memref<1280x64xf32, #tpu.memory_space<vmem>>, vector<16xf32>,
      %mul3A_927 = arith.mulf %get3A_334, %get3A_926 : vector<16xf32>
      %add3A_928 = arith.addf %add3A_921, %mul3A_927 : vector<16xf32>
      %add3A_929 = arith.constant 15 : i32
      %add3A_930 = arith.addi %add3A_368, %add3A_929 : i32
      %get3A_931 = arith.index_cast %add3A_930 : i32 to index
      %get3A_932 = arith.constant 48 : index
      %get3A_933 = tpu.vector_load %arg13[%get3A_931, %get3A_932] {strides = array<i32>} : memref<1280x64xf32, #tpu.memory_space<vmem>>, vector<16xf32>,
      %mul3A_934 = arith.mulf %get3A_337, %get3A_933 : vector<16xf32>
      %add3A_935 = arith.addf %add3A_928, %mul3A_934 : vector<16xf32>
      %reduce_sum3A_936 = arith.constant true
      %reduce_sum3A_937 = vector.broadcast %reduce_sum3A_936 : i1 to vector<16xi1>
      %reduce_sum3A_938 = tpu.scan <sum>, %add3A_935 masked %reduce_sum3A_937 : vector<16xf32>, vector<16xi1> -> vector<16xf32>
      %reduce_sum3A_939 = vector.extract %reduce_sum3A_938[15] : f32 from vector<16xf32>
      %eq3A_940 = arith.constant 0 : i32
      %eq3A_941 = vector.broadcast %eq3A_940 : i32 to vector<16xi32>
      %eq3A_942 = arith.cmpi eq, %iota3A, %eq3A_941 : vector<16xi32>
      %broadcast_in_dim3A_943 = vector.broadcast %reduce_sum3A_939 : f32 to vector<16xf32>
      %select_n3A_944 = arith.select %eq3A_942, %broadcast_in_dim3A_943, %broadcast_in_dim3A_364 : vector<16xi1>, vector<16xf32>
      %add3A_945 = arith.constant 16 : i32
      %add3A_946 = arith.addi %add3A_368, %add3A_945 : i32
      %get3A_947 = arith.index_cast %add3A_946 : i32 to index
      %get3A_948 = arith.constant 0 : index
      %get3A_949 = tpu.vector_load %arg13[%get3A_947, %get3A_948] {strides = array<i32>} : memref<1280x64xf32, #tpu.memory_space<vmem>>, vector<16xf32>,
      %mul3A_950 = arith.mulf %get3A_328, %get3A_949 : vector<16xf32>
      %add3A_951 = arith.constant 16 : i32
      %add3A_952 = arith.addi %add3A_368, %add3A_951 : i32
      %get3A_953 = arith.index_cast %add3A_952 : i32 to index
      %get3A_954 = arith.constant 16 : index
      %get3A_955 = tpu.vector_load %arg13[%get3A_953, %get3A_954] {strides = array<i32>} : memref<1280x64xf32, #tpu.memory_space<vmem>>, vector<16xf32>,
      %mul3A_956 = arith.mulf %get3A_331, %get3A_955 : vector<16xf32>
      %add3A_957 = arith.addf %mul3A_950, %mul3A_956 : vector<16xf32>
      %add3A_958 = arith.constant 16 : i32
      %add3A_959 = arith.addi %add3A_368, %add3A_958 : i32
      %get3A_960 = arith.index_cast %add3A_959 : i32 to index
      %get3A_961 = arith.constant 32 : index
      %get3A_962 = tpu.vector_load %arg13[%get3A_960, %get3A_961] {strides = array<i32>} : memref<1280x64xf32, #tpu.memory_space<vmem>>, vector<16xf32>,
      %mul3A_963 = arith.mulf %get3A_334, %get3A_962 : vector<16xf32>
      %add3A_964 = arith.addf %add3A_957, %mul3A_963 : vector<16xf32>
      %add3A_965 = arith.constant 16 : i32
      %add3A_966 = arith.addi %add3A_368, %add3A_965 : i32
      %get3A_967 = arith.index_cast %add3A_966 : i32 to index
      %get3A_968 = arith.constant 48 : index
      %get3A_969 = tpu.vector_load %arg13[%get3A_967, %get3A_968] {strides = array<i32>} : memref<1280x64xf32, #tpu.memory_space<vmem>>, vector<16xf32>,
      %mul3A_970 = arith.mulf %get3A_337, %get3A_969 : vector<16xf32>
      %add3A_971 = arith.addf %add3A_964, %mul3A_970 : vector<16xf32>
      %reduce_sum3A_972 = arith.constant true
      %reduce_sum3A_973 = vector.broadcast %reduce_sum3A_972 : i1 to vector<16xi1>
      %reduce_sum3A_974 = tpu.scan <sum>, %add3A_971 masked %reduce_sum3A_973 : vector<16xf32>, vector<16xi1> -> vector<16xf32>
      %reduce_sum3A_975 = vector.extract %reduce_sum3A_974[15] : f32 from vector<16xf32>
      %eq3A_976 = arith.constant 1 : i32
      %eq3A_977 = vector.broadcast %eq3A_976 : i32 to vector<16xi32>
      %eq3A_978 = arith.cmpi eq, %iota3A, %eq3A_977 : vector<16xi32>
      %broadcast_in_dim3A_979 = vector.broadcast %reduce_sum3A_975 : f32 to vector<16xf32>
      %select_n3A_980 = arith.select %eq3A_978, %broadcast_in_dim3A_979, %select_n3A_944 : vector<16xi1>, vector<16xf32>
      %add3A_981 = arith.constant 17 : i32
      %add3A_982 = arith.addi %add3A_368, %add3A_981 : i32
      %get3A_983 = arith.index_cast %add3A_982 : i32 to index
      %get3A_984 = arith.constant 0 : index
      %get3A_985 = tpu.vector_load %arg13[%get3A_983, %get3A_984] {strides = array<i32>} : memref<1280x64xf32, #tpu.memory_space<vmem>>, vector<16xf32>,
      %mul3A_986 = arith.mulf %get3A_328, %get3A_985 : vector<16xf32>
      %add3A_987 = arith.constant 17 : i32
      %add3A_988 = arith.addi %add3A_368, %add3A_987 : i32
      %get3A_989 = arith.index_cast %add3A_988 : i32 to index
      %get3A_990 = arith.constant 16 : index
      %get3A_991 = tpu.vector_load %arg13[%get3A_989, %get3A_990] {strides = array<i32>} : memref<1280x64xf32, #tpu.memory_space<vmem>>, vector<16xf32>,
      %mul3A_992 = arith.mulf %get3A_331, %get3A_991 : vector<16xf32>
      %add3A_993 = arith.addf %mul3A_986, %mul3A_992 : vector<16xf32>
      %add3A_994 = arith.constant 17 : i32
      %add3A_995 = arith.addi %add3A_368, %add3A_994 : i32
      %get3A_996 = arith.index_cast %add3A_995 : i32 to index
      %get3A_997 = arith.constant 32 : index
      %get3A_998 = tpu.vector_load %arg13[%get3A_996, %get3A_997] {strides = array<i32>} : memref<1280x64xf32, #tpu.memory_space<vmem>>, vector<16xf32>,
      %mul3A_999 = arith.mulf %get3A_334, %get3A_998 : vector<16xf32>
      %add3A_1000 = arith.addf %add3A_993, %mul3A_999 : vector<16xf32>
      %add3A_1001 = arith.constant 17 : i32
      %add3A_1002 = arith.addi %add3A_368, %add3A_1001 : i32
      %get3A_1003 = arith.index_cast %add3A_1002 : i32 to index
      %get3A_1004 = arith.constant 48 : index
      %get3A_1005 = tpu.vector_load %arg13[%get3A_1003, %get3A_1004] {strides = array<i32>} : memref<1280x64xf32, #tpu.memory_space<vmem>>, vector<16xf32>,
      %mul3A_1006 = arith.mulf %get3A_337, %get3A_1005 : vector<16xf32>
      %add3A_1007 = arith.addf %add3A_1000, %mul3A_1006 : vector<16xf32>
      %reduce_sum3A_1008 = arith.constant true
      %reduce_sum3A_1009 = vector.broadcast %reduce_sum3A_1008 : i1 to vector<16xi1>
      %reduce_sum3A_1010 = tpu.scan <sum>, %add3A_1007 masked %reduce_sum3A_1009 : vector<16xf32>, vector<16xi1> -> vector<16xf32>
      %reduce_sum3A_1011 = vector.extract %reduce_sum3A_1010[15] : f32 from vector<16xf32>
      %eq3A_1012 = arith.constant 2 : i32
      %eq3A_1013 = vector.broadcast %eq3A_1012 : i32 to vector<16xi32>
      %eq3A_1014 = arith.cmpi eq, %iota3A, %eq3A_1013 : vector<16xi32>
      %broadcast_in_dim3A_1015 = vector.broadcast %reduce_sum3A_1011 : f32 to vector<16xf32>
      %select_n3A_1016 = arith.select %eq3A_1014, %broadcast_in_dim3A_1015, %select_n3A_980 : vector<16xi1>, vector<16xf32>
      %add3A_1017 = arith.constant 18 : i32
      %add3A_1018 = arith.addi %add3A_368, %add3A_1017 : i32
      %get3A_1019 = arith.index_cast %add3A_1018 : i32 to index
      %get3A_1020 = arith.constant 0 : index
      %get3A_1021 = tpu.vector_load %arg13[%get3A_1019, %get3A_1020] {strides = array<i32>} : memref<1280x64xf32, #tpu.memory_space<vmem>>, vector<16xf32>,
      %mul3A_1022 = arith.mulf %get3A_328, %get3A_1021 : vector<16xf32>
      %add3A_1023 = arith.constant 18 : i32
      %add3A_1024 = arith.addi %add3A_368, %add3A_1023 : i32
      %get3A_1025 = arith.index_cast %add3A_1024 : i32 to index
      %get3A_1026 = arith.constant 16 : index
      %get3A_1027 = tpu.vector_load %arg13[%get3A_1025, %get3A_1026] {strides = array<i32>} : memref<1280x64xf32, #tpu.memory_space<vmem>>, vector<16xf32>,
      %mul3A_1028 = arith.mulf %get3A_331, %get3A_1027 : vector<16xf32>
      %add3A_1029 = arith.addf %mul3A_1022, %mul3A_1028 : vector<16xf32>
      %add3A_1030 = arith.constant 18 : i32
      %add3A_1031 = arith.addi %add3A_368, %add3A_1030 : i32
      %get3A_1032 = arith.index_cast %add3A_1031 : i32 to index
      %get3A_1033 = arith.constant 32 : index
      %get3A_1034 = tpu.vector_load %arg13[%get3A_1032, %get3A_1033] {strides = array<i32>} : memref<1280x64xf32, #tpu.memory_space<vmem>>, vector<16xf32>,
      %mul3A_1035 = arith.mulf %get3A_334, %get3A_1034 : vector<16xf32>
      %add3A_1036 = arith.addf %add3A_1029, %mul3A_1035 : vector<16xf32>
      %add3A_1037 = arith.constant 18 : i32
      %add3A_1038 = arith.addi %add3A_368, %add3A_1037 : i32
      %get3A_1039 = arith.index_cast %add3A_1038 : i32 to index
      %get3A_1040 = arith.constant 48 : index
      %get3A_1041 = tpu.vector_load %arg13[%get3A_1039, %get3A_1040] {strides = array<i32>} : memref<1280x64xf32, #tpu.memory_space<vmem>>, vector<16xf32>,
      %mul3A_1042 = arith.mulf %get3A_337, %get3A_1041 : vector<16xf32>
      %add3A_1043 = arith.addf %add3A_1036, %mul3A_1042 : vector<16xf32>
      %reduce_sum3A_1044 = arith.constant true
      %reduce_sum3A_1045 = vector.broadcast %reduce_sum3A_1044 : i1 to vector<16xi1>
      %reduce_sum3A_1046 = tpu.scan <sum>, %add3A_1043 masked %reduce_sum3A_1045 : vector<16xf32>, vector<16xi1> -> vector<16xf32>
      %reduce_sum3A_1047 = vector.extract %reduce_sum3A_1046[15] : f32 from vector<16xf32>
      %eq3A_1048 = arith.constant 3 : i32
      %eq3A_1049 = vector.broadcast %eq3A_1048 : i32 to vector<16xi32>
      %eq3A_1050 = arith.cmpi eq, %iota3A, %eq3A_1049 : vector<16xi32>
      %broadcast_in_dim3A_1051 = vector.broadcast %reduce_sum3A_1047 : f32 to vector<16xf32>
      %select_n3A_1052 = arith.select %eq3A_1050, %broadcast_in_dim3A_1051, %select_n3A_1016 : vector<16xi1>, vector<16xf32>
      %add3A_1053 = arith.constant 19 : i32
      %add3A_1054 = arith.addi %add3A_368, %add3A_1053 : i32
      %get3A_1055 = arith.index_cast %add3A_1054 : i32 to index
      %get3A_1056 = arith.constant 0 : index
      %get3A_1057 = tpu.vector_load %arg13[%get3A_1055, %get3A_1056] {strides = array<i32>} : memref<1280x64xf32, #tpu.memory_space<vmem>>, vector<16xf32>,
      %mul3A_1058 = arith.mulf %get3A_328, %get3A_1057 : vector<16xf32>
      %add3A_1059 = arith.constant 19 : i32
      %add3A_1060 = arith.addi %add3A_368, %add3A_1059 : i32
      %get3A_1061 = arith.index_cast %add3A_1060 : i32 to index
      %get3A_1062 = arith.constant 16 : index
      %get3A_1063 = tpu.vector_load %arg13[%get3A_1061, %get3A_1062] {strides = array<i32>} : memref<1280x64xf32, #tpu.memory_space<vmem>>, vector<16xf32>,
      %mul3A_1064 = arith.mulf %get3A_331, %get3A_1063 : vector<16xf32>
      %add3A_1065 = arith.addf %mul3A_1058, %mul3A_1064 : vector<16xf32>
      %add3A_1066 = arith.constant 19 : i32
      %add3A_1067 = arith.addi %add3A_368, %add3A_1066 : i32
      %get3A_1068 = arith.index_cast %add3A_1067 : i32 to index
      %get3A_1069 = arith.constant 32 : index
      %get3A_1070 = tpu.vector_load %arg13[%get3A_1068, %get3A_1069] {strides = array<i32>} : memref<1280x64xf32, #tpu.memory_space<vmem>>, vector<16xf32>,
      %mul3A_1071 = arith.mulf %get3A_334, %get3A_1070 : vector<16xf32>
      %add3A_1072 = arith.addf %add3A_1065, %mul3A_1071 : vector<16xf32>
      %add3A_1073 = arith.constant 19 : i32
      %add3A_1074 = arith.addi %add3A_368, %add3A_1073 : i32
      %get3A_1075 = arith.index_cast %add3A_1074 : i32 to index
      %get3A_1076 = arith.constant 48 : index
      %get3A_1077 = tpu.vector_load %arg13[%get3A_1075, %get3A_1076] {strides = array<i32>} : memref<1280x64xf32, #tpu.memory_space<vmem>>, vector<16xf32>,
      %mul3A_1078 = arith.mulf %get3A_337, %get3A_1077 : vector<16xf32>
      %add3A_1079 = arith.addf %add3A_1072, %mul3A_1078 : vector<16xf32>
      %reduce_sum3A_1080 = arith.constant true
      %reduce_sum3A_1081 = vector.broadcast %reduce_sum3A_1080 : i1 to vector<16xi1>
      %reduce_sum3A_1082 = tpu.scan <sum>, %add3A_1079 masked %reduce_sum3A_1081 : vector<16xf32>, vector<16xi1> -> vector<16xf32>
      %reduce_sum3A_1083 = vector.extract %reduce_sum3A_1082[15] : f32 from vector<16xf32>
      %eq3A_1084 = arith.constant 4 : i32
      %eq3A_1085 = vector.broadcast %eq3A_1084 : i32 to vector<16xi32>
      %eq3A_1086 = arith.cmpi eq, %iota3A, %eq3A_1085 : vector<16xi32>
      %broadcast_in_dim3A_1087 = vector.broadcast %reduce_sum3A_1083 : f32 to vector<16xf32>
      %select_n3A_1088 = arith.select %eq3A_1086, %broadcast_in_dim3A_1087, %select_n3A_1052 : vector<16xi1>, vector<16xf32>
      %swap3A = arith.index_cast %scan3A_324 : i32 to index
      %swap3A_1089 = arith.constant 0 : index
      %swap3A_1090 = tpu.vector_load %arg14[%swap3A, %swap3A_1089] {strides = array<i32>} : memref<32x32xf32, #tpu.memory_space<vmem>>, vector<16xf32>,
      tpu.vector_store %arg14[%swap3A, %swap3A_1089], %select_n3A_908 {strides = array<i32>} : memref<32x32xf32, #tpu.memory_space<vmem>>, vector<16xf32>,
      %swap3A_1091 = arith.index_cast %scan3A_324 : i32 to index
      %swap3A_1092 = arith.constant 16 : index
      %swap3A_1093 = tpu.vector_load %arg14[%swap3A_1091, %swap3A_1092] {strides = array<i32>} : memref<32x32xf32, #tpu.memory_space<vmem>>, vector<16xf32>,
      tpu.vector_store %arg14[%swap3A_1091, %swap3A_1092], %select_n3A_1088 {strides = array<i32>} : memref<32x32xf32, #tpu.memory_space<vmem>>, vector<16xf32>,
    }
    %scan3A_321 = arith.constant 32 : i32
    %add3A_322 = arith.constant 480 : i32
    %add3A_323 = arith.addi %mul3A_2, %add3A_322 : i32
    "tpu.region"() ({
      %run_scoped3A = tpu.sem_alloc : memref<!tpu.dma_semaphore, #tpu.memory_space<semaphore_mem>>
      %dma_start3A_324 = arith.constant 0 : i32
      %dma_start3A_325 = tpu.memref_slice %arg7[%add3A_323, %dma_start3A_324] : memref<16384x32xf32, #tpu.memory_space<hbm>> -> memref<32x32xf32, #tpu.memory_space<hbm>>
      %dma_start3A_326 = arith.constant 0 : i32
      %dma_start3A_327 = tpu.memref_slice %arg7[%add3A_323, %dma_start3A_326] : memref<16384x32xf32, #tpu.memory_space<hbm>> -> memref<32x32xf32, #tpu.memory_space<hbm>>
      tpu.enqueue_dma source(%arg14 : memref<32x32xf32, #tpu.memory_space<vmem>>) target(%dma_start3A_327 : memref<32x32xf32, #tpu.memory_space<hbm>>) target_semaphore(%run_scoped3A : memref<!tpu.dma_semaphore, #tpu.memory_space<semaphore_mem>>)
      %dma_wait3A_328 = arith.constant 0 : i32
      %dma_wait3A_329 = tpu.memref_slice %arg7[%add3A_323, %dma_wait3A_328] : memref<16384x32xf32, #tpu.memory_space<hbm>> -> memref<32x32xf32, #tpu.memory_space<hbm>>
      %dma_wait3A_330 = arith.constant 0 : i32
      %dma_wait3A_331 = tpu.memref_slice %arg7[%add3A_323, %dma_wait3A_330] : memref<16384x32xf32, #tpu.memory_space<hbm>> -> memref<32x32xf32, #tpu.memory_space<hbm>>
      tpu.wait_dma2 semaphore(%run_scoped3A : memref<!tpu.dma_semaphore, #tpu.memory_space<semaphore_mem>>) src(%arg14 : memref<32x32xf32, #tpu.memory_space<vmem>>) dst(%dma_wait3A_331 : memref<32x32xf32, #tpu.memory_space<hbm>>)
      tpu.yield
    }) : () -> ()
    return
  }
}

module attributes {stable_mosaic.version = 14 : i64} {
  func.func @_tc_loss_body(%arg0: memref<4096x128xf32, #tpu.memory_space<vmem>>, %arg1: memref<1x1xf32, #tpu.memory_space<smem>>) attributes {dimension_semantics = [], scalar_prefetch = 0 : i64, scratch_operands = 0 : i64, tpu.core_type = #tpu.core_type<tc>} {
    %get3A = arith.constant 0 : index
    %get3A_0 = arith.constant 0 : index
    %get3A_1 = vector.load %arg0[%get3A, %get3A_0] : memref<4096x128xf32, #tpu.memory_space<vmem>>, vector<4096x128xf32>
    %iota3A = tpu.iota {dimensions = array<i32: 1>} : vector<4096x128xi32>
    %jit3A = arith.constant 32 : i32
    %eq3A = arith.constant 0 : i32
    %eq3A_2 = arith.cmpi eq, %jit3A, %eq3A : i32
    %jit3A_3 = arith.constant 1 : i32
    %select_n3A = arith.select %eq3A_2, %jit3A_3, %jit3A : i32
    %rem3A = vector.broadcast %select_n3A : i32 to vector<4096x128xi32>
    %rem3A_4 = arith.remsi %iota3A, %rem3A : vector<4096x128xi32>
    %ne3A = arith.constant 0 : i32
    %ne3A_5 = vector.broadcast %ne3A : i32 to vector<4096x128xi32>
    %ne3A_6 = arith.cmpi ne, %rem3A_4, %ne3A_5 : vector<4096x128xi32>
    %lt3A = arith.constant 0 : i32
    %lt3A_7 = vector.broadcast %lt3A : i32 to vector<4096x128xi32>
    %lt3A_8 = arith.cmpi slt, %rem3A_4, %lt3A_7 : vector<4096x128xi32>
    %lt3A_9 = arith.constant 0 : i32
    %lt3A_10 = arith.cmpi slt, %select_n3A, %lt3A_9 : i32
    %ne3A_11 = vector.broadcast %lt3A_10 : i1 to vector<4096x128xi1>
    %ne3A_12 = vector.broadcast %ne3A_11 : vector<4096x128xi1> to vector<4096x128xi1>
    %ne3A_13 = arith.xori %lt3A_8, %ne3A_12 : vector<4096x128xi1>
    %and3A = arith.andi %ne3A_13, %ne3A_6 : vector<4096x128xi1>
    %add3A = vector.broadcast %select_n3A : i32 to vector<4096x128xi32>
    %add3A_14 = arith.addi %rem3A_4, %add3A : vector<4096x128xi32>
    %select_n3A_15 = arith.select %and3A, %add3A_14, %rem3A_4 : vector<4096x128xi1>, vector<4096x128xi32>
    %jit3A_16 = arith.constant -1.000000e+01 : f32
    %jit3A_17 = arith.constant 1.000000e+01 : f32
    %max3A = vector.broadcast %jit3A_16 : f32 to vector<4096x128xf32>
    %max3A_18 = arith.maximumf %max3A, %get3A_1 : vector<4096x128xf32>
    %min3A = vector.broadcast %jit3A_17 : f32 to vector<4096x128xf32>
    %min3A_19 = arith.minimumf %min3A, %max3A_18 : vector<4096x128xf32>
    %neg3A = arith.constant 0.000000e+00 : f32
    %neg3A_20 = vector.broadcast %neg3A : f32 to vector<4096x128xf32>
    %neg3A_21 = arith.subf %neg3A_20, %min3A_19 : vector<4096x128xf32>
    %exp3A = math.exp %neg3A_21 : vector<4096x128xf32>
    %log1p3A = math.log1p %exp3A : vector<4096x128xf32>
    %exp3A_22 = math.exp %min3A_19 : vector<4096x128xf32>
    %log1p3A_23 = math.log1p %exp3A_22 : vector<4096x128xf32>
    %eq3A_24 = arith.constant 0 : i32
    %eq3A_25 = vector.broadcast %eq3A_24 : i32 to vector<4096x128xi32>
    %eq3A_26 = arith.cmpi eq, %select_n3A_15, %eq3A_25 : vector<4096x128xi32>
    %le3A = arith.constant 20 : i32
    %le3A_27 = vector.broadcast %le3A : i32 to vector<4096x128xi32>
    %le3A_28 = arith.cmpi sle, %select_n3A_15, %le3A_27 : vector<4096x128xi32>
    %jit3A_29 = arith.constant 0.000000e+00 : f32
    %broadcast_in_dim3A = vector.broadcast %jit3A_29 : f32 to vector<4096x128xf32>
    %select_n3A_30 = arith.select %le3A_28, %log1p3A_23, %broadcast_in_dim3A : vector<4096x128xi1>, vector<4096x128xf32>
    %select_n3A_31 = arith.select %eq3A_26, %log1p3A, %select_n3A_30 : vector<4096x128xi1>, vector<4096x128xf32>
    %reduce_sum3A = vector.shape_cast %select_n3A_31 : vector<4096x128xf32> to vector<1x4096x128xf32>
    %reduce_sum3A_32 = arith.constant dense<0.000000e+00> : vector<1xf32>
    %reduce_sum3A_33 = vector.multi_reduction <add>, %reduce_sum3A, %reduce_sum3A_32 [1, 2] : vector<1x4096x128xf32> to vector<1xf32>
    %reduce_sum3A_34 = vector.shape_cast %reduce_sum3A_33 : vector<1xf32> to vector<1x1x1xf32>
    %reduce_sum3A_35 = vector.extract %reduce_sum3A_34[0, 0, 0] : f32 from vector<1x1x1xf32>
    %mul3A = arith.constant 6.10351563E-5 : f32
    %mul3A_36 = arith.mulf %reduce_sum3A_35, %mul3A : f32
    %swap3A = arith.constant 0 : index
    %swap3A_37 = arith.constant 0 : index
    %swap3A_38 = memref.load %arg1[%swap3A, %swap3A_37] : memref<1x1xf32, #tpu.memory_space<smem>>
    memref.store %mul3A_36, %arg1[%swap3A, %swap3A_37] : memref<1x1xf32, #tpu.memory_space<smem>>
    return
  }
}

</mosaic_0001>

<sc_bundles>
// kernel: kernel.4.cloned.1.call-start
scs
__scs_entry_jumppad:
0x0: {  	(pc) =	sbr.rel $0x88, $3  }
0x1: {  	(tag) =	ssettag $0x0;
	lr =	simm.s32 $0x1  }
0x2: {  	[smem:$0x3F9C] =	sst lr;
	_ =	strace $0xD0000000  }
0x3: {  	_ = 	snop  }
0x4: {  	_ = 	snop  }
0x5: {  	_ = 	snop  }
0x6: {  	_ = 	snop  }
0x7: {  	_ = 	snop  }
__scs_overlays_trampoline_lowered:
0x8: {  	[smem:$0x3FAB] =	sst s0  }
0x9: {  	[smem:$0x3FAC] =	sst s1  }
0xa: {  	[smem:$0x3FAD] =	sst s2  }
0xb: {  	[smem:$0x3FAE] =	sst s3  }
0xc: {  	[smem:$0x3FAF] =	sst s4  }
0xd: {  	[smem:$0x3FB0] =	sst s5  }
0xe: {  	[smem:$0x3FB1] =	sst s6  }
0xf: {  	[smem:$0x3FB2] =	sst s7  }
0x10: {  	[smem:$0x3FB3] =	sst s8  }
0x11: {  	[smem:$0x3FB4] =	sst s9;
	s0 =	simm.s32 @!p0 $0x0  }
0x12: {  	s1 =	sld [smem:$0x3F9A];
	s0 =	simm.s32 @p0 $0x1  }
0x13: {  	[smem:$0x3FB5] =	sst s0;
	s0 =	simm.s32 @!p1 $0x0  }
0x14: {  	s2 =	sld [smem:$0x3F99];
	s0 =	simm.s32 @p1 $0x1  }
0x15: {  	[smem:$0x3FB6] =	sst s0;
	s0 =	simm.s32 @!p2 $0x0  }
0x16: {  	s3 =	sld [smem:$0x3FDB];
	s0 =	simm.s32 @p2 $0x1  }
0x17: {  	s4 =	simm.s32 $0x1BF5;
	[smem:$0x3FB8] =	sst s0  }
0x18: {  	s0 =	sld [smem:$0x3F9B];
	_ =	swait.ge [sflag:s4], $0x0  }
0x19: {  	s7 =	sld [smem:$0x3F9C]  }
0x1a: {  	s8 =	sadd.s32 $0xFFFFE003, lr  }
0x1b: {  	s9 =	sadd.s32 $0xFFFFFEF7, lr;
	s5 =	simm.s32 $0xFFFFFFFF;
	p2 =	slt.u32 s8, $0xFFFFF086  }
0x1c: {  	p1 =	slt.u32 s9, $0xF7A;
	s5 =	simm.s32 @!p2 $0x0  }
0x1d: {  	s5 =	simm.s32 @p1 $0x1;
	p0 =	seq.s32 s7, s2  }
0x1e: {  	s7 =	smul.u32 @!p0 $0xF7A, s2;
	p2 =	seq.s32 @!p0 s5, $0x0  }
0x1f: {  	s9 =	smul.u32 $0xF7A, s1;
	s8 =	simm.s32 @!p0 $0x1BF5;
	p2 =	por !p2, p0  }
0x20: {  	[sflag:s8] =	ssyncset.s32 @!p0 $0xFFFFF086;
	s6 =	sadd.s32 @!p0 s3, s7;
	s7 =	simm.s32 @!p0 $0x108  }
0x21: {  	s3 =	sadd.s32 s3, s9;
	s6 =	sadd.s32 @!p0 $0x88, s6;
	s7 =	simm.s32 @p2 $0x1082  }
0x22: {  	[simem:s7], [sflag:s8] =	dma.local @!p0 [hbm:s6], $0xF7A  }
0x23: {  	s9 =	sor.u32 $0xD0000000, s2;
	s6 =	simm.s32 $0x108;
	_ =	swait.ge @!p0 [sflag:s8], $0x0  }
0x24: {  	s3 =	sadd.s32 $0x88, s3;
	s6 =	simm.s32 @!p1 $0x1082;
	[sflag:s4] =	ssyncset.s32 $0xFFFFF086  }
0x25: {  	[simem:s6], [sflag:s4] =	dma.local [hbm:s3], $0xF7A  }
0x26: {  	[smem:$0x3F9C] =	sst s1;
	(tag) =	ssettag s2;
	_ =	strace s9  }
0x27: {  	s1 =	sld [smem:$0x3FAC]  }
0x28: {  	s2 =	sld [smem:$0x3FAD]  }
0x29: {  	s4 =	sld [smem:$0x3FAF]  }
0x2a: {  	p0 =	seq.s32 s5, $0x0;
	s5 =	sld [smem:$0x3FB0]  }
0x2b: {  	s6 =	sld [smem:$0x3FB1]  }
0x2c: {  	s7 =	sld [smem:$0x3FB2]  }
0x2d: {  	s3 =	simm.s32 $0x108;
	s8 =	sld [smem:$0x3FB3]  }
0x2e: {  	s3 =	simm.s32 @!p0 $0x1082;
	s9 =	sld [smem:$0x3FB4]  }
0x2f: {  	lr =	sadd.s32 s0, s3;
	s0 =	sld [smem:$0x3FAB]  }
0x30: {  	s3 =	sld [smem:$0x3FAE]  }
0x31: {  	[smem:$0x3FB7] =	sst s10  }
0x32: {  	s10 =	sld [smem:$0x3FB5];
	_ =	sdelay $0x3  }
0x33: {  	p0 =	seq.s32 s10, $0x1;
	s10 =	sld [smem:$0x3FB7];
	_ =	sdelay $0x3  }
0x34: {  	[smem:$0x3FB7] =	sst s10  }
0x35: {  	s10 =	sld [smem:$0x3FB6];
	_ =	sdelay $0x3  }
0x36: {  	p1 =	seq.s32 s10, $0x1;
	s10 =	sld [smem:$0x3FB7];
	_ =	sdelay $0x3  }
0x37: {  	[smem:$0x3FB7] =	sst s10  }
0x38: {  	s10 =	sld [smem:$0x3FB8]  }
0x39: {  	_ = 	snop;
	(pc) =	sbr.ind lr, $3  }
0x3a: {  	_ = 	snop  }
0x3b: {  	_ = 	snop  }
0x3c: {  	p2 =	seq.s32 s10, $0x1;
	s10 =	sld [smem:$0x3FB7]  }
0x3d: {  	_ =	shalt  }
0x3e: {  	_ =	shalt  }
0x3f: {  	_ =	shalt  }
0x40: {  	_ =	shalt  }
0x41: {  	_ =	shalt  }
0x42: {  	_ =	shalt  }
0x43: {  	_ =	shalt  }
0x44: {  	_ =	shalt  }
0x45: {  	_ =	shalt  }
0x46: {  	_ =	shalt  }
0x47: {  	_ =	shalt  }
0x48: {  	_ =	shalt  }
0x49: {  	_ =	shalt  }
0x4a: {  	_ =	shalt  }
0x4b: {  	_ =	shalt  }
0x4c: {  	_ =	shalt  }
0x4d: {  	_ =	shalt  }
0x4e: {  	_ =	shalt  }
0x4f: {  	_ =	shalt  }
0x50: {  	_ =	shalt  }
0x51: {  	_ =	shalt  }
0x52: {  	_ =	shalt  }
0x53: {  	_ =	shalt  }
0x54: {  	_ =	shalt  }
0x55: {  	_ =	shalt  }
0x56: {  	_ =	shalt  }
0x57: {  	_ =	shalt  }
0x58: {  	_ =	shalt  }
0x59: {  	_ =	shalt  }
0x5a: {  	_ =	shalt  }
0x5b: {  	_ =	shalt  }
0x5c: {  	_ =	shalt  }
0x5d: {  	_ =	shalt  }
0x5e: {  	_ =	shalt  }
0x5f: {  	_ =	shalt  }
0x60: {  	_ =	shalt  }
0x61: {  	_ =	shalt  }
0x62: {  	_ =	shalt  }
0x63: {  	_ =	shalt  }
0x64: {  	_ =	shalt  }
0x65: {  	_ =	shalt  }
0x66: {  	_ =	shalt  }
0x67: {  	_ =	shalt  }
0x68: {  	_ =	shalt  }
0x69: {  	_ =	shalt  }
0x6a: {  	_ =	shalt  }
0x6b: {  	_ =	shalt  }
0x6c: {  	_ =	shalt  }
0x6d: {  	_ =	shalt  }
0x6e: {  	_ =	shalt  }
0x6f: {  	_ =	shalt  }
0x70: {  	_ =	shalt  }
0x71: {  	_ =	shalt  }
0x72: {  	_ =	shalt  }
0x73: {  	_ =	shalt  }
0x74: {  	_ =	shalt  }
0x75: {  	_ =	shalt  }
0x76: {  	_ =	shalt  }
0x77: {  	_ =	shalt  }
0x78: {  	_ =	shalt  }
0x79: {  	_ =	shalt  }
0x7a: {  	_ =	shalt  }
0x7b: {  	_ =	shalt  }
0x7c: {  	_ =	shalt  }
0x7d: {  	_ =	shalt  }
0x7e: {  	_ =	shalt  }
0x7f: {  	_ =	shalt  }
0x80: {  	_ =	shalt  }
0x81: {  	_ =	shalt  }
0x82: {  	_ =	shalt  }
0x83: {  	_ =	shalt  }
0x84: {  	_ =	shalt  }
0x85: {  	_ =	shalt  }
0x86: {  	_ =	shalt  }
0x87: {  	_ =	shalt  }
.Lfunc_end0:
.L_simem_size_0:
called_computation_lowered:
.L_overlay_start_0:
0x88: {  	s2 =	sld [smem:$0x3FD9]  }
0x89: {  	s3 =	sld [smem:$0x3FFE];
	_ =	sdelay $0x1  }
0x8a: {  	s1 =	srdreg.scid  }
0x8b: {  	s0 =	sand.u32 $0x1, s1  }
0x8c: {  	s17 =	sshll.u32 s0, $0xA;
	s2 =	sadd.s32 s3, s2  }
0x8d: {  	s2 =	sadd.s32 s2, s17  }
0x8e: {  	[smem:$0x3FC3] =	sst s2  }
0x8f: {  	_ = 	snop  }
0x90: {  	s2 =	sld [smem:$0x3FC9]  }
0x91: {  	s18 =	sld [smem:$0x3FC8];
	(tm) =	ssettm $0x1  }
0x92: {  	s4 =	sld [smem:$0x3FFB];
	_ =	sdelay $0x3  }
0x93: {  	_ =	strace s4  }
0x94: {  	s4 =	sld [smem:$0x3FFC];
	_ =	sdelay $0x3  }
0x95: {  	_ =	strace s4  }
0x96: {  	s4 =	sld [smem:$0x3FFD];
	_ =	sdelay $0x3  }
0x97: {  	_ =	strace s4  }
0x98: {  	_ =	strace $0x8FFFFFFF  }
0x99: {  	s19 =	sld [smem:$0x3FDB];
	_ =	sdelay $0x1  }
0x9a: {  	s5 =	simm.s32 $_scs_section_size  }
0x9b: {  	s6 =	simm.s32 $_size__tile_overlayer_lowered;
	s7 =	simm.s32 $_tile_overlayer_lowered  }
0x9c: {  	s22 =	simm.s32 $0x1BFF;
	s21 =	sshll.u32 s7, $0x1;
	s4 =	sadd.s32 s5, s19  }
0x9d: {  	s8 =	simm.s32 $0x0;
	s20 =	sshll.u32 s6, $0x1;
	s6 =	sadd.s32 s21, s4  }
0x9e: {  	[timem:s8], [sflag:s22] =	dma.local [hbm:s6], s20  }
0x9f: {  	_ =	swait.ge [sflag:s22], s20  }
0xa0: {  	s5 =	ssub.s32 $0x0, s20;
	[sflag:s22] =	ssyncset.done $0x0  }
0xa1: {  	[sflag:s22] =	ssyncadd.s32 s5;
	_ =	sdelay $0x1  }
0xa2: {  	s23 =	simm.s32 $0x1B8B  }
0xa3: {  	_ =	swait.ge [sflag:s23], $0x1  }
0xa4: {  	[sflag:s23] =	ssyncset.done $0x0  }
0xa5: {  	s25 =	simm.s32 $0x1B8E;
	s24 =	sld [smem:$0x3FFE];
	[sflag:s23] =	ssyncadd.s32 $0xFFFFFFFF  }
0xa6: {  	s26 =	simm.s32 $execute0_lowered;
	[smem:$0x3FD2] =	sst s25  }
0xa7: {  	s6 =	sshll.u32 s26, $0x1;
	_ =	strace $0x80000046;
	[dreg:$0x1] =	wrdreg $0xFFFFFFFF  }
0xa8: {  	s28 =	simm.s32 $_size_execute0_lowered;
	s4 =	sadd.s32 s4, s6;
	[dreg:$0x0] =	wrdreg $0x0  }
0xa9: {  	s6 =	sshll.u32 s28, $0x1;
	[dreg:$0x2] =	wrdreg s4  }
0xaa: {  	[dreg:$0x3] =	wrdreg s6  }
0xab: {  	[dreg:$0x4] =	wrdreg $0xC0  }
0xac: {  	_ =	task [dreg:s8], $0x5FFFF  }
0xad: {  	[dreg:$0x1] =	wrdreg $0xFFFFFFFF  }
0xae: {  	[dreg:$0x0] =	wrdreg $0x60  }
0xaf: {  	[dreg:$0x2] =	wrdreg s2  }
0xb0: {  	[dreg:$0x3] =	wrdreg s18  }
0xb1: {  	[dreg:$0x4] =	wrdreg s24  }
0xb2: {  	[dreg:$0x5] =	wrdreg $0x9  }
0xb3: {  	_ =	task.clear_ibuf [dreg:s8], $0x6FFFF;
	_ =	strace $0x90000046  }
0xb4: {  	s29 =	simm.s32 $0x9;
	_ =	strace $0x80000048  }
0xb5: {  	_ =	swait.ge [sflag:s29], $0x1  }
0xb6: {  	[sflag:s29] =	ssyncadd.s32 $0xFFFFFFFF  }
0xb7: {  	_ =	strace $0x90000048  }
0xb8: {  	_ =	sfence  }
0xb9: {  	s30 =	sld [smem:$0x0];
	_ =	sdelay $0x2  }
0xba: {  	s31 =	sshll.u32 s1, $0xD;
	s1 =	sshrl.u32 s1, $0x2  }
0xbb: {  	s3 =	sand.u32 $0x4000, s31;
	s1 =	sadd.s32 s1, s30  }
0xbc: {  	s0 =	sor.u32 s3, s0;
	s1 =	sshll.u32 s1, $0x11  }
0xbd: {  	s0 =	sor.u32 s1, s0  }
0xbe: {  	s0 =	sadd.s32 $0x8F2B, s0  }
0xbf: {  	[sflag:s0] =	ssyncadd.remote.s32 $0x1  }
0xc0: {  	_ =	sfence.sel $0xFFFF  }
0xc1: {  	[dreg:$0x0] =	wrdreg $0xFFFFFFFF;
	(pc) =	sbr.abs _section_cstart, $3  }
0xc2: {  	[dreg:$0x1] =	wrdreg $0xFFFFFFFF  }
0xc3: {  	_ =	task.clear_ibuf [dreg:s8], $0x2FFFF;
	_ =	strace $0x9FFFFFFF  }
0xc4: {  	(tm) =	ssettm $0x7FFFFFFF  }
0xc5: {  	_ =	shalt  }
tec
execute0_lowered:
.L_overlay_start_1:
0x0: {  	(tag) =	ssettag $0x1  }
0x1: {  	s1 =	srdreg.scid;
	s2 =	stileid.u32  }
0x2: {  	s0 =	rddreg [dreg:$0x0];
	s1 =	sand.u32 $0x1, s1;
	s2 =	sshll.u32 s2, $0x1  }
0x3: {  	s5 =	rddreg [dreg:$0x1];
	vm1 =	vmmov $0x3;
	v0 =	vimm.s32 $0x0;
	s7 =	sor.u32 s1, s2;
	s2 =	simm.s32 $0x0  }
0x4: {  	vm15 =	vmmov $0x7;
	v50 =	vimm.s32 $0x0;
	v0 =	vsel vm1, $0xFFFFFFFF, v0;
	[smem:$0x7FF] =	sst s2  }
0x5: {  	s6 =	rddreg [dreg:$0x2];
	s12 =	simm.s32 $0x3;
	vm4 =	vmmov $0xf;
	v51 =	vimm.s32 $0x0;
	_ =	strace $0x80000047;
	[tilespmem:$0x1FF10] =	vst v0;
	v0 =	vsel vm15, $0xFFFFFFFF, v50  }
0x6: {  	s15 =	simm.s32 $0x20;
	s17 =	simm.s32 $0x3C00;
	s18 =	simm.s32 $0x80;
	vm5 =	vmmov $0x1f;
	v52 =	vimm.s32 $0x0;
	[tilespmem:$0x1FF20] =	vst v0;
	v0 =	vsel vm4, $0xFFFFFFFF, v51  }
0x7: {  	s19 =	simm.s32 $0x4C00;
	s21 =	simm.s32 $0x6C00;
	s28 =	simm.s32 $0xCC00;
	vm6 =	vmmov $0x3f;
	v53 =	vimm.s32 $0x0;
	[tilespmem:$0x1FF30] =	vst v0;
	v0 =	vsel vm5, $0xFFFFFFFF, v52  }
0x8: {  	s29 =	simm.s32 $0x3400;
	vm7 =	vmmov $0x7f;
	v54 =	vimm.s32 $0x0;
	s31 =	simm.s32 $0x4400;
	s30 =	simm.s32 $0x1;
	[tilespmem:$0x1FF40] =	vst v0;
	v0 =	vsel vm6, $0xFFFFFFFF, v53  }
0x9: {  	vm8 =	vmmov $0xff;
	v55 =	vimm.s32 $0x0;
	s20 =	simm.s32 $0x18C00;
	s13 =	simm.s32 $0x2;
	s1 =	ssub.s32 $0x2, s1;
	[tilespmem:$0x1FF50] =	vst v0;
	v0 =	vsel vm7, $0xFFFFFFFF, v54  }
0xa: {  	vm9 =	vmmov $0x1ff;
	v56 =	vimm.s32 $0x0;
	s4 =	sadd.s32 $0xF42C00, s6;
	s3 =	smul.u32 $0x500, s7;
	s10 =	sshrl.u32 s1, $0x1;
	[tilespmem:$0x1FF60] =	vst v0;
	v0 =	vsel vm8, $0xFFFFFFFF, v55  }
0xb: {  	vm10 =	vmmov $0x3ff;
	v57 =	vimm.s32 $0x0;
	s9 =	sshll.u32 s7, $0xB;
	s7 =	sshll.u32 s7, $0x6;
	s1 =	ssub.s32 s1, s10;
	[tilespmem:$0x1FF70] =	vst v0;
	v0 =	vsel vm9, $0xFFFFFFFF, v56  }
0xc: {  	vm11 =	vmmov $0x7ff;
	v58 =	vimm.s32 $0x0;
	s0 =	sadd.s32 s0, s7;
	s22 =	sadd.s32 s5, s7;
	s8 =	sadd.s32 s3, s6;
	[tilespmem:$0x1FF80] =	vst v0;
	v0 =	vsel vm10, $0xFFFFFFFF, v57  }
0xd: {  	vm12 =	vmmov $0xfff;
	v59 =	vimm.s32 $0x0;
	s3 =	sadd.s32 $0x16E3E00, s6;
	s6 =	sadd.s32 s9, s6;
	[dreg:$0x4] =	wrdreg s0;
	[tilespmem:$0x1FF90] =	vst v0;
	v0 =	vsel vm11, $0xFFFFFFFF, v58  }
0xe: {  	vm13 =	vmmov $0x1fff;
	v60 =	vimm.s32 $0x0;
	[dreg:$0x5] =	wrdreg s22;
	s26 =	smax.u32 s1, $0x1;
	s0 =	simm.s32 $0xEC00;
	[tilespmem:$0x1FFA0] =	vst v0;
	v0 =	vsel vm12, $0xFFFFFFFF, v59  }
0xf: {  	vm14 =	vmmov $0x3fff;
	v61 =	vimm.s32 $0x0;
	s22 =	simm.s32 $0x10C00;
	s23 =	sadd.s32 $0x800, s8;
	[dreg:$0x9] =	wrdreg s26;
	[tilespmem:$0x1FFB0] =	vst v0;
	v0 =	vsel vm13, $0xFFFFFFFF, v60  }
0x10: {  	v62 =	vimm.s32 $0x0;
	vm15 =	vmmov $0x7fff;
	s1 =	simm.s32 $0x14C00;
	s24 =	sadd.s32 $0xAF00, s6;
	[dreg:$0x6] =	wrdreg s23;
	[tilespmem:$0x1FFC0] =	vst v0;
	v0 =	vsel vm14, $0xFFFFFFFF, v61  }
0x11: {  	vm0 =	vmmov $0x1;
	v63 =	vimm.s32 $0x0;
	s8 =	sadd.s32 $0xA800, s6;
	s25 =	sadd.s32 $0xAF80, s6;
	[dreg:$0x7] =	wrdreg s24;
	[tilespmem:$0x1FFD0] =	vst v0;
	v0 =	vsel vm15, $0xFFFFFFFF, v62  }
0x12: {  	s26 =	simm.s32 $0x12C00;
	s6 =	simm.s32 $0x0;
	[dreg:$0x8] =	wrdreg s25;
	[tilespmem:$0x1FFE0] =	vst v0;
	v0 =	vsel vm0, $0xFFFFFFFF, v63  }
0x13: {  	s23 =	simm.s32 $0x8C00;
	s25 =	simm.s32 $0xAC00;
	s24 =	simm.s32 $0x16C00;
	[tilespmem:$0x1FFF0] =	vst v0  }
.LBB2_1:
0x14: {  	[dreg:$0xa] =	wrdreg s6  }
0x15: {  	s5 =	rddreg [dreg:$0x4]  }
0x16: {  	[tilespmem:s2], [sflag:$0x3] =	stream.linear.gather [hbm4b:s5+s2], $0x200, $0x38;
	[tilespmem:$0x19000] =	vst v63  }
0x17: {  	_ =	swait.ge [sflag:s12], $0x200  }
0x18: {  	[sflag:s12] =	ssyncset.done $0x0  }
0x19: {  	s16 =	simm.s32 $0x200;
	s14 =	rddreg [dreg:$0x5];
	[sflag:s12] =	ssyncadd.s32 $0xFFFFFE00  }
0x1a: {  	[tilespmem:s16], [sflag:$0x3] =	stream.linear.gather [hbm4b:s14+s2], $0x200, $0x38;
	[tilespmem:$0x19000] =	vst v63  }
0x1b: {  	_ =	swait.ge [sflag:s12], $0x200  }
0x1c: {  	[sflag:s12] =	ssyncset.done $0x0  }
0x1d: {  	s7 =	simm.s32 $0x400;
	s9 =	rddreg [dreg:$0x6];
	[sflag:s12] =	ssyncadd.s32 $0xFFFFFE00  }
0x1e: {  	[tilespmem:s7], [sflag:$0x3] =	stream.linear.gather [hbm4b:s9+s2], $0x2800, $0x38;
	[tilespmem:$0x19000] =	vst v63  }
0x1f: {  	_ =	swait.ge [sflag:s12], $0x2800  }
0x20: {  	[sflag:s12] =	ssyncset.done $0x0  }
0x21: {  	s10 =	simm.s32 $0x2C00;
	[sflag:s12] =	ssyncadd.s32 $0xFFFFD800  }
0x22: {  	[tilespmem:s10], [sflag:$0x1] =	stream.indirect.gather [hbm4b:s3+s15], $0x40, s2, s15, $0xb8;
	[tilespmem:$0x19000] =	vst v63  }
0x23: {  	_ = 	snop  }
0x24: {  	[tilespmem:s17], [sflag:$0x1] =	stream.indirect.gather [hbm4b:s4+s15], $0x40, s16, s15, $0xb8;
	[tilespmem:$0x19000] =	vst v63  }
0x25: {  	_ = 	snop  }
0x26: {  	[tilespmem:s19], [sflag:$0x1] =	stream.indirect.gather [hbm4b:s4+s18], $0x40, s7, s18, $0xb8;
	[tilespmem:$0x19000] =	vst v63  }
0x27: {  	s11 =	simm.s32 $0x480  }
0x28: {  	[tilespmem:s21], [sflag:$0x1] =	stream.indirect.gather [hbm4b:s4+s18], $0x40, s11, s18, $0xb8;
	[tilespmem:$0x19000] =	vst v63  }
0x29: {  	s14 =	simm.s32 $0x500  }
0x2a: {  	[tilespmem:s23], [sflag:$0x1] =	stream.indirect.gather [hbm4b:s4+s18], $0x40, s14, s18, $0xb8;
	[tilespmem:$0x19000] =	vst v63  }
0x2b: {  	s16 =	simm.s32 $0x580  }
0x2c: {  	[tilespmem:s25], [sflag:$0x1] =	stream.indirect.gather [hbm4b:s4+s18], $0x40, s16, s18, $0xb8;
	[tilespmem:$0x19000] =	vst v63  }
0x2d: {  	s6 =	simm.s32 $0x600  }
0x2e: {  	[tilespmem:s28], [sflag:$0x1] =	stream.indirect.gather [hbm4b:s4+s18], $0x40, s6, s18, $0xb8;
	[tilespmem:$0x19000] =	vst v63  }
0x2f: {  	_ = 	snop  }
0x30: {  	[tilespmem:s29], [sflag:$0x2] =	stream.indirect.gather [hbm4b:s3+s15], $0x40, s15, s15, $0xb8;
	[tilespmem:$0x19000] =	vst v63  }
0x31: {  	s7 =	simm.s32 $0x220  }
0x32: {  	[tilespmem:s31], [sflag:$0x2] =	stream.indirect.gather [hbm4b:s4+s15], $0x40, s7, s15, $0xb8;
	[tilespmem:$0x19000] =	vst v63  }
0x33: {  	s9 =	simm.s32 $0x680  }
0x34: {  	[tilespmem:s0], [sflag:$0x2] =	stream.indirect.gather [hbm4b:s4+s18], $0x40, s9, s18, $0xb8;
	[tilespmem:$0x19000] =	vst v63  }
0x35: {  	s10 =	simm.s32 $0x700  }
0x36: {  	[tilespmem:s22], [sflag:$0x2] =	stream.indirect.gather [hbm4b:s4+s18], $0x40, s10, s18, $0xb8;
	[tilespmem:$0x19000] =	vst v63  }
0x37: {  	s11 =	simm.s32 $0x780  }
0x38: {  	[tilespmem:s26], [sflag:$0x2] =	stream.indirect.gather [hbm4b:s4+s18], $0x40, s11, s18, $0xb8;
	[tilespmem:$0x19000] =	vst v63  }
0x39: {  	s14 =	simm.s32 $0x800  }
0x3a: {  	[tilespmem:s1], [sflag:$0x2] =	stream.indirect.gather [hbm4b:s4+s18], $0x40, s14, s18, $0xb8;
	[tilespmem:$0x19000] =	vst v63  }
0x3b: {  	s5 =	simm.s32 $0x0;
	s16 =	simm.s32 $0x880  }
0x3c: {  	[tilespmem:s24], [sflag:$0x2] =	stream.indirect.gather [hbm4b:s4+s18], $0x40, s16, s18, $0xb8;
	[tilespmem:$0x19000] =	vst v63  }
.LBB2_2:
0x3d: {  	_ =	swait.ge [sflag:s30], $0x800  }
0x3e: {  	[sflag:s30] =	ssyncset.done $0x0  }
0x3f: {  	[sflag:s30] =	ssyncadd.s32 $0xFFFFF800  }
0x40: {  	_ =	swait.ge [sflag:s30], $0x800  }
0x41: {  	[sflag:s30] =	ssyncset.done $0x0  }
0x42: {  	[sflag:s30] =	ssyncadd.s32 $0xFFFFF800  }
0x43: {  	_ =	swait.ge [sflag:s30], $0x2000  }
0x44: {  	[sflag:s30] =	ssyncset.done $0x0  }
0x45: {  	[sflag:s30] =	ssyncadd.s32 $0xFFFFE000  }
0x46: {  	_ =	swait.ge [sflag:s30], $0x2000  }
0x47: {  	[sflag:s30] =	ssyncset.done $0x0  }
0x48: {  	[sflag:s30] =	ssyncadd.s32 $0xFFFFE000  }
0x49: {  	_ =	swait.ge [sflag:s30], $0x2000  }
0x4a: {  	[sflag:s30] =	ssyncset.done $0x0  }
0x4b: {  	[sflag:s30] =	ssyncadd.s32 $0xFFFFE000  }
0x4c: {  	_ =	swait.ge [sflag:s30], $0x2000  }
0x4d: {  	[sflag:s30] =	ssyncset.done $0x0  }
0x4e: {  	[sflag:s30] =	ssyncadd.s32 $0xFFFFE000  }
0x4f: {  	_ =	swait.ge [sflag:s30], $0x2000  }
0x50: {  	v0 =	vld [tilespmem:$0x1FF20]  }
0x51: {  	v51 =	vld [tilespmem:$0x1FF30]  }
0x52: {  	v52 =	vld [tilespmem:$0x1FF40]  }
0x53: {  	v53 =	vld [tilespmem:$0x1FF50]  }
0x54: {  	v54 =	vld [tilespmem:$0x1FF60]  }
0x55: {  	v55 =	vld [tilespmem:$0x1FF70]  }
0x56: {  	v56 =	vld [tilespmem:$0x1FF80]  }
0x57: {  	v57 =	vld [tilespmem:$0x1FF90]  }
0x58: {  	v58 =	vld [tilespmem:$0x1FFA0]  }
0x59: {  	v59 =	vld [tilespmem:$0x1FFB0]  }
0x5a: {  	v60 =	vld [tilespmem:$0x1FFC0]  }
0x5b: {  	v61 =	vld [tilespmem:$0x1FFD0]  }
0x5c: {  	v62 =	vld [tilespmem:$0x1FFE0]  }
0x5d: {  	v63 =	vld [tilespmem:$0x1FFF0]  }
0x5e: {  	vm1 =	vcmask $0xF14;
	vm3 =	vnez.u8 v0;
	vm4 =	vnez.u8 v51  }
0x5f: {  	vm5 =	vnez.u8 v52;
	vm6 =	vnez.u8 v53;
	vm7 =	vnez.u8 v54  }
0x60: {  	vm8 =	vnez.u8 v55;
	vm9 =	vnez.u8 v56;
	vm10 =	vnez.u8 v57  }
0x61: {  	s6 =	simm.s32 $0x0;
	[sflag:s30] =	ssyncset.done $0x0;
	vm11 =	vnez.u8 v58;
	vm12 =	vnez.u8 v59;
	vm13 =	vnez.u8 v60  }
0x62: {  	s7 =	simm.s32 $0x18C10;
	s9 =	simm.s32 $0x4E80;
	[sflag:s30] =	ssyncadd.s32 $0xFFFFE000;
	vm14 =	vnez.u8 v61;
	vm15 =	vnez.u8 v62;
	vm2 =	vnez.u8 v63  }
.LBB2_3:
0x63: {  	v8 =	vld [tilespmem:s9+$0xFFFFFD80]  }
0x64: {  	v9 =	vld [tilespmem:s9+$0xFFFFFD90]  }
0x65: {  	v10 =	vld [tilespmem:s9+$0xFFFFFDA0]  }
0x66: {  	v11 =	vld [tilespmem:s9+$0xFFFFFDB0]  }
0x67: {  	v12 =	vld [tilespmem:s9+$0xFFFFFDC0]  }
0x68: {  	v13 =	vld [tilespmem:s9+$0xFFFFFDD0]  }
0x69: {  	v14 =	vld [tilespmem:s9+$0xFFFFFDE0]  }
0x6a: {  	v15 =	vld [tilespmem:s9+$0xFFFFFDF0]  }
0x6b: {  	v16 =	vld [tilespmem:s9+$0xFFFFFE00]  }
0x6c: {  	v17 =	vld [tilespmem:s9+$0xFFFFFE10]  }
0x6d: {  	v18 =	vld [tilespmem:s9+$0xFFFFFE20]  }
0x6e: {  	v19 =	vld [tilespmem:s9+$0xFFFFFE30]  }
0x6f: {  	v20 =	vld [tilespmem:s9+$0xFFFFFE40]  }
0x70: {  	v21 =	vld [tilespmem:s9+$0xFFFFFE50]  }
0x71: {  	v22 =	vld [tilespmem:s9+$0xFFFFFE60]  }
0x72: {  	v23 =	vld [tilespmem:s9+$0xFFFFFE70]  }
0x73: {  	v24 =	vld [tilespmem:s9+$0xFFFFFE80]  }
0x74: {  	v25 =	vld [tilespmem:s9+$0xFFFFFE90]  }
0x75: {  	v26 =	vld [tilespmem:s9+$0xFFFFFEA0]  }
0x76: {  	v27 =	vld [tilespmem:s9+$0xFFFFFEB0]  }
0x77: {  	v28 =	vld [tilespmem:s9+$0xFFFFFEC0]  }
0x78: {  	v29 =	vld [tilespmem:s9+$0xFFFFFED0]  }
0x79: {  	v30 =	vld [tilespmem:s9+$0xFFFFFEE0]  }
0x7a: {  	v31 =	vld [tilespmem:s9+$0xFFFFFEF0]  }
0x7b: {  	v32 =	vld [tilespmem:s9+$0xFFFFFF00]  }
0x7c: {  	v33 =	vld [tilespmem:s9+$0xFFFFFF10]  }
0x7d: {  	v34 =	vld [tilespmem:s9+$0xFFFFFF20]  }
0x7e: {  	v35 =	vld [tilespmem:s9+$0xFFFFFF30]  }
0x7f: {  	v36 =	vld [tilespmem:s9+$0xFFFFFF40]  }
0x80: {  	v37 =	vld [tilespmem:s9+$0xFFFFFF50]  }
0x81: {  	v38 =	vld [tilespmem:s9+$0xFFFFFF60]  }
0x82: {  	s10 =	sshra.s32 s6, $0x2;
	v39 =	vld [tilespmem:s9+$0xFFFFFF70]  }
0x83: {  	v2 =	vld [tilespmem:s10+$0x2C00]  }
0x84: {  	v3 =	vld [tilespmem:s10+$0x2C10]  }
0x85: {  	v1 =	vld [tilespmem:s10+$0x2C20]  }
0x86: {  	v4 =	vld [tilespmem:s10+$0x3C00]  }
0x87: {  	v5 =	vld [tilespmem:s10+$0x3C10]  }
0x88: {  	v6 =	vld [tilespmem:s10+$0x3C20]  }
0x89: {  	v40 =	vld [tilespmem:s9+$0xFFFFFF80]  }
0x8a: {  	v0 =	vld [tilespmem:s10+$0x2C30]  }
0x8b: {  	v7 =	vld [tilespmem:s10+$0x3C30]  }
0x8c: {  	v41 =	vld [tilespmem:s9+$0xFFFFFF90];
	v4 =	vmul.f32 v4, v2;
	v5 =	vmul.f32 v5, v3  }
0x8d: {  	v42 =	vld [tilespmem:s9+$0xFFFFFFA0];
	v6 =	vmul.f32 v6, v1;
	v62 =	vmul.f32 v8, v2  }
0x8e: {  	v43 =	vld [tilespmem:s9+$0xFFFFFFB0];
	v63 =	vmul.f32 v9, v3;
	v12 =	vmul.f32 v12, v2  }
0x8f: {  	v44 =	vld [tilespmem:s9+$0xFFFFFFD0];
	v13 =	vmul.f32 v13, v3;
	v48 =	vmul.f32 v10, v1  }
0x90: {  	v9 =	vld [tilespmem:s9+$0xFFFFFFC0];
	v7 =	vmul.f32 v7, v0;
	v50 =	vmul.f32 v14, v1  }
0x91: {  	v8 =	vld [tilespmem:s9+$0xFFFFFFE0];
	v51 =	vmul.f32 v11, v0;
	v53 =	vmul.f32 v15, v0  }
0x92: {  	v11 =	vld [tilespmem:s9+$0x0];
	v54 =	vmul.f32 v16, v2;
	v55 =	vmul.f32 v17, v3  }
0x93: {  	v15 =	vld [tilespmem:s9+$0x20];
	v56 =	vmul.f32 v20, v2;
	v57 =	vmul.f32 v21, v3  }
0x94: {  	v17 =	vld [tilespmem:s9+$0x30];
	v58 =	vmul.f32 v18, v1;
	v59 =	vmul.f32 v19, v0  }
0x95: {  	v19 =	vld [tilespmem:s9+$0x40];
	v60 =	vmul.f32 v22, v1;
	v61 =	vmul.f32 v23, v0  }
0x96: {  	v21 =	vld [tilespmem:s9+$0x50];
	v28 =	vmul.f32 v28, v2;
	v45 =	vmul.f32 v29, v3  }
0x97: {  	v23 =	vld [tilespmem:s9+$0x60];
	v46 =	vmul.f32 v26, v1;
	v47 =	vmul.f32 v30, v1  }
0x98: {  	v22 =	vld [tilespmem:s9+$0x80];
	v27 =	vmul.f32 v27, v0;
	v4 =	vadd.f32 v5, v4;
	v5 =	vadd.f32 v63, v62  }
0x99: {  	v30 =	vld [tilespmem:s9+$0xB0];
	v31 =	vmul.f32 v31, v0;
	v49 =	vadd.f32 v13, v12;
	v10 =	vadd.f32 v57, v56  }
0x9a: {  	v29 =	vld [tilespmem:s9+$0x130];
	v62 =	vmul.f32 v24, v2;
	v63 =	vmul.f32 v25, v3;
	v4 =	vadd.f32 v6, v4  }
0x9b: {  	v13 =	vld [tilespmem:s9+$0xFFFFFFF0];
	v56 =	vmul.f32 v35, v0;
	v5 =	vadd.f32 v48, v5;
	v52 =	vadd.f32 v50, v49  }
0x9c: {  	v12 =	vld [tilespmem:s9+$0x10];
	v6 =	vadd.f32 v55, v54;
	v48 =	vmul.f32 v32, v2;
	v49 =	vmul.f32 v33, v3  }
0x9d: {  	v25 =	vld [tilespmem:s9+$0x70];
	v10 =	vadd.f32 v60, v10;
	v50 =	vmul.f32 v36, v2;
	v54 =	vmul.f32 v38, v1  }
0x9e: {  	v24 =	vld [tilespmem:s9+$0x90];
	v14 =	vadd.f32 v63, v62;
	v60 =	vmul.f32 v41, v3;
	v62 =	vmul.f32 v42, v1  }
0x9f: {  	v16 =	vadd.f32 v45, v28;
	v28 =	vld [tilespmem:s9+$0xA0];
	v63 =	vmul.f32 v43, v0;
	v9 =	vmul.f32 v9, v2  }
0xa0: {  	v57 =	vld [tilespmem:s9+$0xE0];
	v8 =	vmul.f32 v8, v1;
	v11 =	vmul.f32 v11, v2  }
0xa1: {  	v35 =	vld [tilespmem:s9+$0x100];
	v16 =	vadd.f32 v47, v16;
	v41 =	vmul.f32 v21, v3;
	v43 =	vmul.f32 v15, v1  }
0xa2: {  	v55 =	vld [tilespmem:s9+$0xD0];
	v45 =	vmul.f32 v23, v1;
	v47 =	vmul.f32 v22, v2;
	v4 =	vadd.f32 v7, v4  }
0xa3: {  	v36 =	vld [tilespmem:s9+$0x110];
	v17 =	vmul.f32 v17, v0;
	v5 =	vadd.f32 v51, v5;
	v7 =	vadd.f32 v53, v52  }
0xa4: {  	v38 =	vld [tilespmem:s9+$0x120];
	v6 =	vadd.f32 v58, v6;
	v10 =	vadd.f32 v61, v10;
	v51 =	vmul.f32 v37, v3  }
0xa5: {  	v42 =	vld [tilespmem:s9+$0x150];
	v14 =	vadd.f32 v46, v14;
	v52 =	vmul.f32 v34, v1;
	v58 =	vmul.f32 v39, v0  }
0xa6: {  	v18 =	vadd.f32 v49, v48;
	v53 =	vld [tilespmem:s9+$0xC0];
	v61 =	vmul.f32 v44, v3;
	v13 =	vmul.f32 v13, v0  }
0xa7: {  	v16 =	vadd.f32 v31, v16;
	v31 =	vld [tilespmem:s9+$0xF0];
	v12 =	vmul.f32 v12, v3;
	v48 =	vmul.f32 v24, v3  }
0xa8: {  	v39 =	vld [tilespmem:s9+$0x140];
	v25 =	vmul.f32 v25, v0;
	v6 =	vadd.f32 v59, v6;
	v20 =	vadd.f32 v51, v50  }
0xa9: {  	v44 =	vld [tilespmem:s9+$0x160];
	v14 =	vadd.f32 v27, v14;
	v18 =	vadd.f32 v52, v18;
	v59 =	vmul.f32 v40, v2  }
0xaa: {  	v46 =	vld [tilespmem:s9+$0x170];
	v9 =	vadd.f32 v61, v9;
	v40 =	vmul.f32 v19, v2;
	v11 =	vadd.f32 v12, v11  }
0xab: {  	v49 =	vld [tilespmem:s9+$0x180];
	v51 =	vmul.f32 v55, v3;
	v12 =	vadd.f32 v48, v47;
	v55 =	vmul.f32 v57, v1  }
0xac: {  	v52 =	vld [tilespmem:s9+$0x190];
	v38 =	vmul.f32 v38, v1;
	v20 =	vadd.f32 v54, v20;
	v18 =	vadd.f32 v56, v18  }
0xad: {  	v26 =	vadd.f32 v60, v59;
	v8 =	vadd.f32 v8, v9;
	v54 =	vld [tilespmem:s9+$0x1A0];
	v50 =	vmul.f32 v53, v2  }
0xae: {  	v9 =	vadd.f32 v41, v40;
	v56 =	vld [tilespmem:s9+$0x1B0];
	v53 =	vmul.f32 v28, v1;
	v61 =	vmul.f32 v31, v0  }
0xaf: {  	v59 =	vld [tilespmem:s9+$0x1C0];
	v11 =	vadd.f32 v43, v11;
	v34 =	vmul.f32 v39, v2;
	v39 =	vmul.f32 v29, v0  }
0xb0: {  	(xrf2) =	vadd.scan.msk.f32 $0xffff, v4;
	v40 =	vld [tilespmem:s9+$0x200];
	v41 =	vmul.f32 v44, v1;
	v20 =	vadd.f32 v58, v20;
	v26 =	vadd.f32 v62, v26  }
0xb1: {  	(xrf2) =	vadd.scan.msk.f32 $0xffff, v5;
	v31 =	vld [tilespmem:s9+$0x1E0];
	v44 =	vmul.f32 v49, v2;
	v8 =	vadd.f32 v13, v8;
	v9 =	vadd.f32 v45, v9  }
0xb2: {  	(xrf2) =	vadd.scan.msk.f32 $0xffff, v7;
	v43 =	vld [tilespmem:s9+$0x210];
	v58 =	vmul.f32 v30, v0;
	v30 =	vmul.f32 v36, v3;
	v13 =	vadd.f32 v51, v50  }
0xb3: {  	(xrf2) =	vadd.scan.msk.f32 $0xffff, v6;
	v62 =	vld [tilespmem:s9+$0x1D0];
	v4 =	vadd.f32 v17, v11;
	v57 =	vadd.f32 v53, v12;
	v45 =	vmul.f32 v52, v3  }
0xb4: {  	v36 =	vld [tilespmem:s9+$0x1F0];
	(xrf2) =	vadd.scan.msk.f32 $0xffff, v10;
	v26 =	vadd.f32 v63, v26;
	v5 =	vadd.f32 v25, v9;
	v63 =	vmul.f32 v35, v2  }
0xb5: {  	v49 =	vld [tilespmem:s9+$0x250];
	(xrf2) =	vadd.scan.msk.f32 $0xffff, v14;
	v35 =	vmul.f32 v42, v3;
	v42 =	vmul.f32 v46, v0;
	v60 =	vadd.f32 v55, v13  }
0xb6: {  	v51 =	vld [tilespmem:s9+$0x220];
	(xrf2) =	vadd.scan.msk.f32 $0xffff, v16;
	v7 =	vadd.f32 v58, v57;
	v47 =	vmul.f32 v59, v2;
	v11 =	vadd.f32 v45, v44  }
0xb7: {  	v53 =	vld [tilespmem:s9+$0x260];
	(xrf2) =	vadd.scan.msk.f32 $0xffff, v18;
	v50 =	vmul.f32 v54, v1;
	v56 =	vmul.f32 v56, v0;
	v37 =	vadd.f32 v30, v63  }
0xb8: {  	v46 =	vld [tilespmem:s9+$0x240];
	v9 =	vadd.f32 v35, v34;
	(xrf2) =	vadd.scan.msk.f32 $0xffff, v20;
	v52 =	vmul.f32 v31, v1;
	v48 =	vmul.f32 v62, v3  }
0xb9: {  	v33 =	vadd.f32 v61, v60;
	(xrf2) =	vadd.scan.msk.f32 $0xffff, v26;
	v57 =	vmul.f32 v36, v0;
	v61 =	vmul.f32 v40, v2  }
0xba: {  	v58 =	vld [tilespmem:s9+$0x230];
	v55 =	vadd.f32 v50, v11;
	v62 =	vmul.f32 v43, v3;
	v3 =	vmul.f32 v49, v3;
	v54, _, _ =	vpop (xrf2);
	(xrf2) =	vadd.scan.msk.f32 $0xffff, v8  }
0xbb: {  	v63 =	vld [tilespmem:s9+$0x270];
	v10 =	vadd.f32 v38, v37;
	v9 =	vadd.f32 v41, v9;
	v28 =	vmul.f32 v51, v1;
	v59, _, _ =	vpop (xrf2);
	(xrf2) =	vadd.scan.msk.f32 $0xffff, v4  }
0xbc: {  	v1 =	vmul.f32 v53, v1;
	v13 =	vadd.f32 v48, v47;
	v25 =	vadd.f32 v56, v55;
	v24, _, _ =	vpop (xrf2);
	(xrf2) =	vadd.scan.msk.f32 $0xffff, v5  }
0xbd: {  	v2 =	vmul.f32 v46, v2;
	v27 =	vadd.f32 v62, v61;
	v10 =	vadd.f32 v39, v10;
	v39 =	vld [tilespmem:$0x1FF10];
	v26, _, _ =	vpop (xrf2);
	(xrf2) =	vadd.scan.msk.f32 $0xffff, v7  }
0xbe: {  	v30 =	vbroadcast v54, $0xF;
	v9 =	vadd.f32 v42, v9;
	v32 =	vbroadcast v59, $0xF;
	v29, _, _ =	vpop (xrf2);
	(xrf2) =	vadd.scan.msk.f32 $0xffff, v33  }
0xbf: {  	v60 =	vadd.f32 v52, v13;
	v2 =	vadd.f32 v3, v2;
	v35 =	vbroadcast v24, $0xF;
	v31, _, _ =	vpop (xrf2);
	(xrf2) =	vadd.scan.msk.f32 $0xffff, v10  }
0xc0: {  	v7 =	vadd.f32 v28, v27;
	v33 =	vmul.f32 v58, v0;
	v0 =	vmul.f32 v63, v0;
	v34, _, _ =	vpop (xrf2);
	(xrf2) =	vadd.scan.msk.f32 $0xffff, v9  }
0xc1: {  	v3 =	vsel vm2, v30, v32;
	v4 =	vadd.f32 v57, v60;
	v1 =	vadd.f32 v1, v2;
	v36, _, _ =	vpop (xrf2);
	(xrf2) =	vadd.scan.msk.f32 $0xffff, v25  }
0xc2: {  	v38 =	vbroadcast v26, $0xF;
	v37 =	vadd.f32 v33, v7;
	vm0 =	vnez.u8 v39;
	v40, _, _ =	vpop (xrf2)  }
0xc3: {  	v41 =	vbroadcast v29, $0xF;
	v0 =	vadd.f32 v0, v1;
	v2 =	vsel vm0, v3, v35;
	(xrf2) =	vadd.scan.msk.f32 $0xffff, v4;
	v42, _, _ =	vpop (xrf2)  }
0xc4: {  	v43 =	vbroadcast v31, $0xF;
	v2 =	vsel vm3, v2, v38;
	(xrf2) =	vadd.scan.msk.f32 $0xffff, v37;
	v45, _, _ =	vpop (xrf2)  }
0xc5: {  	v44 =	vbroadcast v34, $0xF;
	v1 =	vsel vm4, v2, v41;
	(xrf2) =	vadd.scan.msk.f32 $0xffff, v0;
	v46, _, _ =	vpop (xrf2)  }
0xc6: {  	v47 =	vbroadcast v36, $0xF;
	v1 =	vsel vm5, v1, v43;
	v48, _, _ =	vpop (xrf2)  }
0xc7: {  	v49 =	vbroadcast v40, $0xF;
	v1 =	vsel vm6, v1, v44;
	v50, _, _ =	vpop (xrf2)  }
0xc8: {  	v4 =	vbroadcast v42, $0xF;
	v1 =	vsel vm7, v1, v47;
	v51, _, _ =	vpop (xrf2)  }
0xc9: {  	vm0 =	vmmov vm1;
	v52 =	vbroadcast v45, $0xF;
	v1 =	vsel vm8, v1, v49;
	v53, _, _ =	vpop (xrf2)  }
0xca: {  	vm1 =	vcmask $0x314;
	v0 =	vbroadcast v46, $0xF;
	v1 =	vsel vm9, v1, v4;
	v54, _, _ =	vpop (xrf2)  }
0xcb: {  	v55 =	vbroadcast v48, $0xF;
	v1 =	vsel vm10, v1, v52;
	v56, _, _ =	vpop (xrf2);
	v57 =	vbroadcast v54, $0xF  }
0xcc: {  	v59 =	vbroadcast v50, $0xF;
	v0 =	vsel vm11, v1, v0;
	v60 =	vbroadcast v56, $0xF  }
0xcd: {  	v5 =	vbroadcast v51, $0xF;
	v58, _, _ =	vpop (xrf2);
	v0 =	vsel vm12, v0, v55;
	v1 =	vnsel vm2, $0x0, v57  }
0xce: {  	p0 =	sne.s32 s6, $0x1F00;
	v61, _, _ =	vpop (xrf2);
	v4 =	vbroadcast v58, $0xF;
	v0 =	vsel vm13, v0, v59;
	v1 =	vsel vm1, v1, v60  }
.Ltmp0:
0xcf: {  	v62 =	vbroadcast v61, $0xF;
	v63, _, _ =	vpop (xrf2);
	v0 =	vsel vm14, v0, v5;
	vm1 =	vcmask $0x714;
	(pc) =	sbr.rel @p0 .LBB2_3-.Ltmp0, $4  }
0xd0: {  	v1 =	vsel vm1, v1, v4;
	v3 =	vbroadcast v63, $0xF;
	vm1 =	vcmask $0xB14  }
0xd1: {  	v0 =	vsel vm15, v0, v53;
	v1 =	vsel vm1, v1, v62  }
0xd2: {  	[tilespmem:s7+$0xFFFFFFF0] =	vst v0;
	v1 =	vsel vm0, v1, v3  }
0xd3: {  	s6 =	sadd.s32 $0x100, s6;
	s9 =	sadd.s32 $0x500, s9;
	vm1 =	vmmov vm0;
	[tilespmem:s7+$0x0] =	vst v1;
	s7 =	sadd.s32 $0x20, s7  }
0xd4: {  	s6 =	sshll.u32 s5, $0x8  }
0xd5: {  	s9 =	simm.s32 $0x0;
	s7 =	sadd.s32 s6, s8  }
0xd6: {  	[hbm4b:s7+s9] =	stream.linear.scatter [tilespmem:s20], [sflag:$0x3], $0x400, $0x38;
	[tilespmem:$0x19000] =	vst v63  }
0xd7: {  	s6 =	sshll.u32 s5, $0x1;
	_ =	swait.ge [sflag:s12], $0x400  }
0xd8: {  	s14 =	simm.s32 $0x2C00;
	s10 =	sadd.s32 $0x2, s6;
	[sflag:s12] =	ssyncset.done $0x0  }
0xd9: {  	s11 =	sshll.u32 s10, $0x5;
	s10 =	smul.u32 $0xA00, s10;
	[sflag:s12] =	ssyncadd.s32 $0xFFFFFC00  }
0xda: {  	[tilespmem:s14], [sflag:$0x1] =	stream.indirect.gather [hbm4b:s3+s15], $0x40, s11, s15, $0xb8;
	[tilespmem:$0x19000] =	vst v63  }
0xdb: {  	s10 =	sshra.s32 s10, $0x2;
	s11 =	sadd.s32 $0x200, s11  }
0xdc: {  	[tilespmem:s17], [sflag:$0x1] =	stream.indirect.gather [hbm4b:s4+s15], $0x40, s11, s15, $0xb8;
	[tilespmem:$0x19000] =	vst v63  }
0xdd: {  	s14 =	sadd.s32 $0x400, s10  }
0xde: {  	[tilespmem:s19], [sflag:$0x1] =	stream.indirect.gather [hbm4b:s4+s18], $0x40, s14, s18, $0xb8;
	[tilespmem:$0x19000] =	vst v63  }
0xdf: {  	s16 =	sadd.s32 $0x480, s10  }
0xe0: {  	[tilespmem:s21], [sflag:$0x1] =	stream.indirect.gather [hbm4b:s4+s18], $0x40, s16, s18, $0xb8;
	[tilespmem:$0x19000] =	vst v63  }
0xe1: {  	s14 =	sadd.s32 $0x500, s10  }
0xe2: {  	[tilespmem:s23], [sflag:$0x1] =	stream.indirect.gather [hbm4b:s4+s18], $0x40, s14, s18, $0xb8;
	[tilespmem:$0x19000] =	vst v63  }
0xe3: {  	s16 =	sadd.s32 $0x580, s10  }
0xe4: {  	[tilespmem:s25], [sflag:$0x1] =	stream.indirect.gather [hbm4b:s4+s18], $0x40, s16, s18, $0xb8;
	[tilespmem:$0x19000] =	vst v63  }
0xe5: {  	s10 =	sadd.s32 $0x600, s10  }
0xe6: {  	[tilespmem:s28], [sflag:$0x1] =	stream.indirect.gather [hbm4b:s4+s18], $0x40, s10, s18, $0xb8;
	[tilespmem:$0x19000] =	vst v63  }
0xe7: {  	_ =	swait.ge [sflag:s13], $0x800  }
0xe8: {  	[sflag:s13] =	ssyncset.done $0x0  }
0xe9: {  	[sflag:s13] =	ssyncadd.s32 $0xFFFFF800  }
0xea: {  	_ =	swait.ge [sflag:s13], $0x800  }
0xeb: {  	[sflag:s13] =	ssyncset.done $0x0  }
0xec: {  	[sflag:s13] =	ssyncadd.s32 $0xFFFFF800  }
0xed: {  	_ =	swait.ge [sflag:s13], $0x2000  }
0xee: {  	[sflag:s13] =	ssyncset.done $0x0  }
0xef: {  	[sflag:s13] =	ssyncadd.s32 $0xFFFFE000  }
0xf0: {  	_ =	swait.ge [sflag:s13], $0x2000  }
0xf1: {  	[sflag:s13] =	ssyncset.done $0x0  }
0xf2: {  	[sflag:s13] =	ssyncadd.s32 $0xFFFFE000  }
0xf3: {  	_ =	swait.ge [sflag:s13], $0x2000  }
0xf4: {  	[sflag:s13] =	ssyncset.done $0x0  }
0xf5: {  	[sflag:s13] =	ssyncadd.s32 $0xFFFFE000  }
0xf6: {  	_ =	swait.ge [sflag:s13], $0x2000  }
0xf7: {  	[sflag:s13] =	ssyncset.done $0x0  }
0xf8: {  	[sflag:s13] =	ssyncadd.s32 $0xFFFFE000  }
0xf9: {  	_ =	swait.ge [sflag:s13], $0x2000  }
0xfa: {  	s11 =	simm.s32 $0x3430;
	[sflag:s13] =	ssyncset.done $0x0  }
0xfb: {  	s14 =	simm.s32 $0x4430;
	s10 =	simm.s32 $0x18C10;
	[sflag:s13] =	ssyncadd.s32 $0xFFFFE000  }
.LBB2_5:
0xfc: {  	v2 =	vld [tilespmem:s11+$0xFFFFFFD0]  }
0xfd: {  	v3 =	vld [tilespmem:s11+$0xFFFFFFE0]  }
0xfe: {  	v1 =	vld [tilespmem:s11+$0xFFFFFFF0]  }
0xff: {  	v0 =	vld [tilespmem:s11+$0x0]  }
0x100: {  	v4 =	vld [tilespmem:s14+$0xFFFFFFD0]  }
0x101: {  	v5 =	vld [tilespmem:s14+$0xFFFFFFE0]  }
0x102: {  	v6 =	vld [tilespmem:s14+$0xFFFFFFF0]  }
0x103: {  	v7 =	vld [tilespmem:s14+$0x0];
	s16 =	sshra.s32 s9, $0x2  }
0x104: {  	v8 =	vld [tilespmem:s16+$0xEC00]  }
0x105: {  	v9 =	vld [tilespmem:s16+$0xEC10]  }
0x106: {  	v10 =	vld [tilespmem:s16+$0xEC20]  }
0x107: {  	v11 =	vld [tilespmem:s16+$0xEC30]  }
0x108: {  	v12 =	vld [tilespmem:s16+$0xEC40]  }
0x109: {  	v13 =	vld [tilespmem:s16+$0xEC50]  }
0x10a: {  	v14 =	vld [tilespmem:s16+$0xEC60]  }
0x10b: {  	v15 =	vld [tilespmem:s16+$0xEC70]  }
0x10c: {  	v16 =	vld [tilespmem:s16+$0xEC80]  }
0x10d: {  	v17 =	vld [tilespmem:s16+$0xEC90]  }
0x10e: {  	v18 =	vld [tilespmem:s16+$0xECA0]  }
0x10f: {  	v19 =	vld [tilespmem:s16+$0xECB0]  }
0x110: {  	v20 =	vld [tilespmem:s16+$0xECC0]  }
0x111: {  	v21 =	vld [tilespmem:s16+$0xECD0]  }
0x112: {  	v22 =	vld [tilespmem:s16+$0xECE0]  }
0x113: {  	v23 =	vld [tilespmem:s16+$0xECF0]  }
0x114: {  	v24 =	vld [tilespmem:s16+$0xED00]  }
0x115: {  	v25 =	vld [tilespmem:s16+$0xED10]  }
0x116: {  	v26 =	vld [tilespmem:s16+$0xED20]  }
0x117: {  	v27 =	vld [tilespmem:s16+$0xED30]  }
0x118: {  	v28 =	vld [tilespmem:s16+$0xED40]  }
0x119: {  	v29 =	vld [tilespmem:s16+$0xED50]  }
0x11a: {  	v30 =	vld [tilespmem:s16+$0xED60]  }
0x11b: {  	v31 =	vld [tilespmem:s16+$0xED70]  }
0x11c: {  	v32 =	vld [tilespmem:s16+$0xED80]  }
0x11d: {  	v33 =	vld [tilespmem:s16+$0xED90]  }
0x11e: {  	v34 =	vld [tilespmem:s16+$0xEDA0]  }
0x11f: {  	v35 =	vld [tilespmem:s16+$0xEDB0]  }
0x120: {  	v36 =	vld [tilespmem:s16+$0xEDC0]  }
0x121: {  	v37 =	vld [tilespmem:s16+$0xEDD0]  }
0x122: {  	v38 =	vld [tilespmem:s16+$0xEDE0]  }
0x123: {  	v39 =	vld [tilespmem:s16+$0xEDF0]  }
0x124: {  	v40 =	vld [tilespmem:s16+$0xEE00]  }
0x125: {  	v41 =	vld [tilespmem:s16+$0xEE10];
	v4 =	vmul.f32 v4, v2  }
0x126: {  	v42 =	vld [tilespmem:s16+$0xEE20];
	v5 =	vmul.f32 v5, v3;
	v6 =	vmul.f32 v6, v1  }
0x127: {  	v43 =	vld [tilespmem:s16+$0xEE30];
	v7 =	vmul.f32 v7, v0;
	v62 =	vmul.f32 v8, v2  }
0x128: {  	v44 =	vld [tilespmem:s16+$0xEE50];
	v63 =	vmul.f32 v9, v3;
	v12 =	vmul.f32 v12, v2  }
0x129: {  	v9 =	vld [tilespmem:s16+$0xEE40];
	v13 =	vmul.f32 v13, v3;
	v48 =	vmul.f32 v10, v1  }
0x12a: {  	v8 =	vld [tilespmem:s16+$0xEE60];
	v50 =	vmul.f32 v14, v1;
	v51 =	vmul.f32 v11, v0  }
0x12b: {  	v11 =	vld [tilespmem:s16+$0xEE80];
	v53 =	vmul.f32 v15, v0;
	v54 =	vmul.f32 v16, v2  }
0x12c: {  	v55 =	vmul.f32 v17, v3;
	v15 =	vld [tilespmem:s16+$0xEEA0];
	v56 =	vmul.f32 v20, v2  }
0x12d: {  	v57 =	vmul.f32 v21, v3;
	v17 =	vld [tilespmem:s16+$0xEEB0];
	v58 =	vmul.f32 v18, v1  }
0x12e: {  	v59 =	vmul.f32 v19, v0;
	v19 =	vld [tilespmem:s16+$0xEEC0];
	v60 =	vmul.f32 v22, v1  }
0x12f: {  	v61 =	vmul.f32 v23, v0;
	v21 =	vld [tilespmem:s16+$0xEED0];
	v28 =	vmul.f32 v28, v2  }
0x130: {  	v23 =	vld [tilespmem:s16+$0xEEE0];
	v45 =	vmul.f32 v29, v3;
	v46 =	vmul.f32 v26, v1  }
0x131: {  	v22 =	vld [tilespmem:s16+$0xEF00];
	v47 =	vmul.f32 v30, v1;
	v27 =	vmul.f32 v27, v0;
	v4 =	vadd.f32 v5, v4  }
0x132: {  	v30 =	vld [tilespmem:s16+$0xEF30];
	v31 =	vmul.f32 v31, v0;
	v5 =	vadd.f32 v63, v62;
	v49 =	vadd.f32 v13, v12  }
0x133: {  	v29 =	vld [tilespmem:s16+$0xEFB0];
	v10 =	vadd.f32 v57, v56;
	v62 =	vmul.f32 v24, v2;
	v63 =	vmul.f32 v25, v3  }
0x134: {  	v13 =	vld [tilespmem:s16+$0xEE70];
	v16 =	vadd.f32 v45, v28;
	v56 =	vmul.f32 v35, v0;
	v4 =	vadd.f32 v6, v4  }
0x135: {  	v12 =	vld [tilespmem:s16+$0xEE90];
	v6 =	vadd.f32 v55, v54;
	v54 =	vmul.f32 v38, v1;
	v5 =	vadd.f32 v48, v5  }
0x136: {  	v25 =	vld [tilespmem:s16+$0xEEF0];
	v52 =	vadd.f32 v50, v49;
	v48 =	vmul.f32 v32, v2;
	v49 =	vmul.f32 v33, v3  }
0x137: {  	v24 =	vld [tilespmem:s16+$0xEF10];
	v10 =	vadd.f32 v60, v10;
	v50 =	vmul.f32 v36, v2;
	v60 =	vmul.f32 v41, v3  }
0x138: {  	v28 =	vld [tilespmem:s16+$0xEF20];
	v14 =	vadd.f32 v63, v62;
	v62 =	vmul.f32 v42, v1;
	v63 =	vmul.f32 v43, v0  }
0x139: {  	v57 =	vld [tilespmem:s16+$0xEF60];
	v6 =	vadd.f32 v58, v6;
	v58 =	vmul.f32 v39, v0;
	v9 =	vmul.f32 v9, v2  }
0x13a: {  	v35 =	vld [tilespmem:s16+$0xEF80];
	v16 =	vadd.f32 v47, v16;
	v8 =	vmul.f32 v8, v1;
	v11 =	vmul.f32 v11, v2  }
0x13b: {  	v55 =	vld [tilespmem:s16+$0xEF50];
	v4 =	vadd.f32 v7, v4;
	v41 =	vmul.f32 v21, v3;
	v43 =	vmul.f32 v15, v1  }
0x13c: {  	v38 =	vld [tilespmem:s16+$0xEFA0];
	v45 =	vmul.f32 v23, v1;
	v47 =	vmul.f32 v22, v2;
	v5 =	vadd.f32 v51, v5  }
0x13d: {  	v36 =	vld [tilespmem:s16+$0xEF90];
	v17 =	vmul.f32 v17, v0;
	v7 =	vadd.f32 v53, v52;
	v10 =	vadd.f32 v61, v10  }
0x13e: {  	v42 =	vld [tilespmem:s16+$0xEFD0];
	v14 =	vadd.f32 v46, v14;
	v51 =	vmul.f32 v37, v3;
	v18 =	vadd.f32 v49, v48  }
0x13f: {  	v39 =	vld [tilespmem:s16+$0xEFC0];
	v52 =	vmul.f32 v34, v1;
	v16 =	vadd.f32 v31, v16;
	v61 =	vmul.f32 v44, v3  }
0x140: {  	v53 =	vld [tilespmem:s16+$0xEF40];
	v6 =	vadd.f32 v59, v6;
	v59 =	vmul.f32 v40, v2;
	v13 =	vmul.f32 v13, v0  }
0x141: {  	v31 =	vld [tilespmem:s16+$0xEF70];
	v12 =	vmul.f32 v12, v3;
	v40 =	vmul.f32 v19, v2;
	v20 =	vadd.f32 v51, v50  }
0x142: {  	v44 =	vld [tilespmem:s16+$0xEFE0];
	v48 =	vmul.f32 v24, v3;
	v14 =	vadd.f32 v27, v14;
	v18 =	vadd.f32 v52, v18  }
0x143: {  	v46 =	vld [tilespmem:s16+$0xEFF0];
	v25 =	vmul.f32 v25, v0;
	v9 =	vadd.f32 v61, v9;
	v26 =	vadd.f32 v60, v59  }
0x144: {  	v49 =	vld [tilespmem:s16+$0xF000];
	v51 =	vmul.f32 v55, v3;
	v11 =	vadd.f32 v12, v11;
	v12 =	vadd.f32 v48, v47  }
0x145: {  	v52 =	vld [tilespmem:s16+$0xF010];
	v55 =	vmul.f32 v57, v1;
	v20 =	vadd.f32 v54, v20;
	v18 =	vadd.f32 v56, v18  }
0x146: {  	v38 =	vmul.f32 v38, v1;
	v59 =	vld [tilespmem:s16+$0xF040];
	v8 =	vadd.f32 v8, v9;
	v9 =	vadd.f32 v41, v40  }
0x147: {  	v54 =	vld [tilespmem:s16+$0xF020];
	v34 =	vmul.f32 v39, v2;
	v39 =	vmul.f32 v29, v0;
	v26 =	vadd.f32 v62, v26  }
0x148: {  	v56 =	vld [tilespmem:s16+$0xF030];
	v11 =	vadd.f32 v43, v11;
	v50 =	vmul.f32 v53, v2;
	v53 =	vmul.f32 v28, v1  }
0x149: {  	(xrf2) =	vadd.scan.msk.f32 $0xffff, v4;
	v40 =	vld [tilespmem:s16+$0xF080];
	v61 =	vmul.f32 v31, v0;
	v41 =	vmul.f32 v44, v1;
	v20 =	vadd.f32 v58, v20  }
0x14a: {  	(xrf2) =	vadd.scan.msk.f32 $0xffff, v5;
	v62 =	vld [tilespmem:s16+$0xF050];
	v44 =	vmul.f32 v49, v2;
	v8 =	vadd.f32 v13, v8;
	v9 =	vadd.f32 v45, v9  }
0x14b: {  	(xrf2) =	vadd.scan.msk.f32 $0xffff, v7;
	v31 =	vld [tilespmem:s16+$0xF060];
	v58 =	vmul.f32 v30, v0;
	v30 =	vmul.f32 v36, v3;
	v26 =	vadd.f32 v63, v26  }
0x14c: {  	(xrf2) =	vadd.scan.msk.f32 $0xffff, v6;
	v43 =	vld [tilespmem:s16+$0xF090];
	v13 =	vadd.f32 v51, v50;
	v4 =	vadd.f32 v17, v11;
	v63 =	vmul.f32 v35, v2  }
0x14d: {  	(xrf2) =	vadd.scan.msk.f32 $0xffff, v10;
	v49 =	vld [tilespmem:s16+$0xF0D0];
	v57 =	vadd.f32 v53, v12;
	v35 =	vmul.f32 v42, v3;
	v42 =	vmul.f32 v46, v0  }
0x14e: {  	v36 =	vld [tilespmem:s16+$0xF070];
	(xrf2) =	vadd.scan.msk.f32 $0xffff, v14;
	v45 =	vmul.f32 v52, v3;
	v5 =	vadd.f32 v25, v9;
	v60 =	vadd.f32 v55, v13  }
0x14f: {  	(xrf2) =	vadd.scan.msk.f32 $0xffff, v16;
	v46 =	vld [tilespmem:s16+$0xF0C0];
	v47 =	vmul.f32 v59, v2;
	v7 =	vadd.f32 v58, v57;
	v37 =	vadd.f32 v30, v63  }
0x150: {  	v51 =	vld [tilespmem:s16+$0xF0A0];
	(xrf2) =	vadd.scan.msk.f32 $0xffff, v18;
	v9 =	vadd.f32 v35, v34;
	v50 =	vmul.f32 v54, v1;
	v56 =	vmul.f32 v56, v0  }
0x151: {  	v53 =	vld [tilespmem:s16+$0xF0E0];
	(xrf2) =	vadd.scan.msk.f32 $0xffff, v20;
	v11 =	vadd.f32 v45, v44;
	v48 =	vmul.f32 v62, v3;
	v52 =	vmul.f32 v31, v1  }
0x152: {  	(xrf2) =	vadd.scan.msk.f32 $0xffff, v26;
	v62 =	vmul.f32 v43, v3;
	v3 =	vmul.f32 v49, v3;
	v33 =	vadd.f32 v61, v60  }
0x153: {  	v58 =	vld [tilespmem:s16+$0xF0B0];
	v10 =	vadd.f32 v38, v37;
	v9 =	vadd.f32 v41, v9;
	v54, _, _ =	vpop (xrf2);
	(xrf2) =	vadd.scan.msk.f32 $0xffff, v8;
	v57 =	vmul.f32 v36, v0  }
0x154: {  	v63 =	vld [tilespmem:s16+$0xF0F0];
	v55 =	vadd.f32 v50, v11;
	v61 =	vmul.f32 v40, v2;
	v59, _, _ =	vpop (xrf2);
	(xrf2) =	vadd.scan.msk.f32 $0xffff, v4;
	v2 =	vmul.f32 v46, v2  }
0x155: {  	v13 =	vadd.f32 v48, v47;
	v28 =	vmul.f32 v51, v1;
	v30 =	vbroadcast v54, $0xF;
	v24, _, _ =	vpop (xrf2);
	(xrf2) =	vadd.scan.msk.f32 $0xffff, v5  }
0x156: {  	v1 =	vmul.f32 v53, v1;
	v10 =	vadd.f32 v39, v10;
	v9 =	vadd.f32 v42, v9;
	v39 =	vld [tilespmem:$0x1FF10];
	v26, _, _ =	vpop (xrf2);
	(xrf2) =	vadd.scan.msk.f32 $0xffff, v7  }
0x157: {  	v25 =	vadd.f32 v56, v55;
	v27 =	vadd.f32 v62, v61;
	v32 =	vbroadcast v59, $0xF;
	v29, _, _ =	vpop (xrf2);
	(xrf2) =	vadd.scan.msk.f32 $0xffff, v33  }
0x158: {  	v60 =	vadd.f32 v52, v13;
	v2 =	vadd.f32 v3, v2;
	v35 =	vbroadcast v24, $0xF;
	v31, _, _ =	vpop (xrf2);
	(xrf2) =	vadd.scan.msk.f32 $0xffff, v10  }
0x159: {  	v7 =	vadd.f32 v28, v27;
	v33 =	vmul.f32 v58, v0;
	v0 =	vmul.f32 v63, v0;
	v34, _, _ =	vpop (xrf2);
	(xrf2) =	vadd.scan.msk.f32 $0xffff, v9  }
0x15a: {  	v3 =	vsel vm2, v30, v32;
	v4 =	vadd.f32 v57, v60;
	v1 =	vadd.f32 v1, v2;
	v36, _, _ =	vpop (xrf2);
	(xrf2) =	vadd.scan.msk.f32 $0xffff, v25  }
0x15b: {  	v38 =	vbroadcast v26, $0xF;
	v37 =	vadd.f32 v33, v7;
	vm1 =	vnez.u8 v39;
	v40, _, _ =	vpop (xrf2)  }
0x15c: {  	v41 =	vbroadcast v29, $0xF;
	v0 =	vadd.f32 v0, v1;
	v2 =	vsel vm1, v3, v35;
	(xrf2) =	vadd.scan.msk.f32 $0xffff, v4;
	v42, _, _ =	vpop (xrf2)  }
0x15d: {  	v43 =	vbroadcast v31, $0xF;
	v2 =	vsel vm3, v2, v38;
	(xrf2) =	vadd.scan.msk.f32 $0xffff, v37;
	v45, _, _ =	vpop (xrf2)  }
0x15e: {  	v44 =	vbroadcast v34, $0xF;
	v1 =	vsel vm4, v2, v41;
	(xrf2) =	vadd.scan.msk.f32 $0xffff, v0;
	v46, _, _ =	vpop (xrf2)  }
0x15f: {  	v47 =	vbroadcast v36, $0xF;
	v1 =	vsel vm5, v1, v43;
	v48, _, _ =	vpop (xrf2)  }
0x160: {  	v49 =	vbroadcast v40, $0xF;
	v1 =	vsel vm6, v1, v44;
	v50, _, _ =	vpop (xrf2)  }
0x161: {  	v4 =	vbroadcast v42, $0xF;
	v1 =	vsel vm7, v1, v47;
	v51, _, _ =	vpop (xrf2)  }
0x162: {  	v52 =	vbroadcast v45, $0xF;
	v1 =	vsel vm8, v1, v49;
	v53, _, _ =	vpop (xrf2)  }
0x163: {  	vm1 =	vcmask $0x314;
	v0 =	vbroadcast v46, $0xF;
	v1 =	vsel vm9, v1, v4;
	v54, _, _ =	vpop (xrf2)  }
0x164: {  	v55 =	vbroadcast v48, $0xF;
	v1 =	vsel vm10, v1, v52;
	v56, _, _ =	vpop (xrf2);
	v57 =	vbroadcast v54, $0xF  }
0x165: {  	v59 =	vbroadcast v50, $0xF;
	v0 =	vsel vm11, v1, v0;
	v60 =	vbroadcast v56, $0xF  }
0x166: {  	v5 =	vbroadcast v51, $0xF;
	v58, _, _ =	vpop (xrf2);
	v0 =	vsel vm12, v0, v55;
	v1 =	vnsel vm2, $0x0, v57  }
0x167: {  	p0 =	sne.s32 s9, $0x26C00;
	v61, _, _ =	vpop (xrf2);
	v4 =	vbroadcast v58, $0xF;
	v0 =	vsel vm13, v0, v59;
	v1 =	vsel vm1, v1, v60  }
.Ltmp1:
0x168: {  	v62 =	vbroadcast v61, $0xF;
	v63, _, _ =	vpop (xrf2);
	v0 =	vsel vm14, v0, v5;
	vm1 =	vcmask $0x714;
	(pc) =	sbr.rel @p0 .LBB2_5-.Ltmp1, $4  }
0x169: {  	v1 =	vsel vm1, v1, v4;
	v3 =	vbroadcast v63, $0xF;
	vm1 =	vcmask $0xB14  }
0x16a: {  	v0 =	vsel vm15, v0, v53;
	v1 =	vsel vm1, v1, v62  }
0x16b: {  	s11 =	sadd.s32 $0x40, s11;
	[tilespmem:s10+$0xFFFFFFF0] =	vst v0;
	v1 =	vsel vm0, v1, v3  }
0x16c: {  	s14 =	sadd.s32 $0x40, s14;
	s9 =	sadd.s32 $0x1400, s9;
	[tilespmem:s10+$0x0] =	vst v1;
	s10 =	sadd.s32 $0x20, s10  }
0x16d: {  	s7 =	sadd.s32 $0x80, s7  }
0x16e: {  	[hbm4b:s7+s2] =	stream.linear.scatter [tilespmem:s20], [sflag:$0x3], $0x400, $0x38;
	[tilespmem:$0x19000] =	vst v63  }
0x16f: {  	_ =	swait.ge [sflag:s12], $0x400  }
0x170: {  	s6 =	sadd.s32 $0x3, s6;
	[sflag:s12] =	ssyncset.done $0x0  }
0x171: {  	s9 =	sshll.u32 s6, $0x5;
	s6 =	smul.u32 $0xA00, s6;
	[sflag:s12] =	ssyncadd.s32 $0xFFFFFC00  }
0x172: {  	[tilespmem:s29], [sflag:$0x2] =	stream.indirect.gather [hbm4b:s3+s15], $0x40, s9, s15, $0xb8;
	[tilespmem:$0x19000] =	vst v63  }
0x173: {  	s7 =	sadd.s32 $0x200, s9;
	s6 =	sshra.s32 s6, $0x2  }
0x174: {  	[tilespmem:s31], [sflag:$0x2] =	stream.indirect.gather [hbm4b:s4+s15], $0x40, s7, s15, $0xb8;
	[tilespmem:$0x19000] =	vst v63  }
0x175: {  	s10 =	sadd.s32 $0x400, s6  }
0x176: {  	[tilespmem:s0], [sflag:$0x2] =	stream.indirect.gather [hbm4b:s4+s18], $0x40, s10, s18, $0xb8;
	[tilespmem:$0x19000] =	vst v63  }
0x177: {  	s5 =	sadd.s32 $0x1, s5;
	s11 =	sadd.s32 $0x480, s6  }
0x178: {  	[tilespmem:s22], [sflag:$0x2] =	stream.indirect.gather [hbm4b:s4+s18], $0x40, s11, s18, $0xb8;
	[tilespmem:$0x19000] =	vst v63  }
0x179: {  	p0 =	sne.s32 s5, $0x7;
	s14 =	sadd.s32 $0x500, s6  }
0x17a: {  	[tilespmem:s26], [sflag:$0x2] =	stream.indirect.gather [hbm4b:s4+s18], $0x40, s14, s18, $0xb8;
	[tilespmem:$0x19000] =	vst v63  }
.Ltmp2:
0x17b: {  	_ = 	snop;
	(pc) =	sbr.rel @p0 .LBB2_2-.Ltmp2, $4  }
0x17c: {  	s16 =	sadd.s32 $0x580, s6  }
0x17d: {  	[tilespmem:s1], [sflag:$0x2] =	stream.indirect.gather [hbm4b:s4+s18], $0x40, s16, s18, $0xb8;
	[tilespmem:$0x19000] =	vst v63  }
0x17e: {  	s6 =	sadd.s32 $0x600, s6  }
0x17f: {  	[tilespmem:s24], [sflag:$0x2] =	stream.indirect.gather [hbm4b:s4+s18], $0x40, s6, s18, $0xb8;
	[tilespmem:$0x19000] =	vst v63  }
0x180: {  	_ =	swait.ge [sflag:s30], $0x800  }
0x181: {  	[sflag:s30] =	ssyncset.done $0x0  }
0x182: {  	[sflag:s30] =	ssyncadd.s32 $0xFFFFF800  }
0x183: {  	_ =	swait.ge [sflag:s30], $0x800  }
0x184: {  	[sflag:s30] =	ssyncset.done $0x0  }
0x185: {  	[sflag:s30] =	ssyncadd.s32 $0xFFFFF800  }
0x186: {  	_ =	swait.ge [sflag:s30], $0x2000  }
0x187: {  	[sflag:s30] =	ssyncset.done $0x0  }
0x188: {  	[sflag:s30] =	ssyncadd.s32 $0xFFFFE000  }
0x189: {  	_ =	swait.ge [sflag:s30], $0x2000  }
0x18a: {  	[sflag:s30] =	ssyncset.done $0x0  }
0x18b: {  	[sflag:s30] =	ssyncadd.s32 $0xFFFFE000  }
0x18c: {  	_ =	swait.ge [sflag:s30], $0x2000  }
0x18d: {  	[sflag:s30] =	ssyncset.done $0x0  }
0x18e: {  	[sflag:s30] =	ssyncadd.s32 $0xFFFFE000  }
0x18f: {  	_ =	swait.ge [sflag:s30], $0x2000  }
0x190: {  	[sflag:s30] =	ssyncset.done $0x0  }
0x191: {  	[sflag:s30] =	ssyncadd.s32 $0xFFFFE000  }
0x192: {  	_ =	swait.ge [sflag:s30], $0x2000  }
0x193: {  	v0 =	vld [tilespmem:$0x1FF20]  }
0x194: {  	v51 =	vld [tilespmem:$0x1FF30]  }
0x195: {  	v52 =	vld [tilespmem:$0x1FF40]  }
0x196: {  	v53 =	vld [tilespmem:$0x1FF50]  }
0x197: {  	v54 =	vld [tilespmem:$0x1FF60]  }
0x198: {  	v55 =	vld [tilespmem:$0x1FF70]  }
0x199: {  	v56 =	vld [tilespmem:$0x1FF80]  }
0x19a: {  	v57 =	vld [tilespmem:$0x1FF90]  }
0x19b: {  	v58 =	vld [tilespmem:$0x1FFA0]  }
0x19c: {  	v59 =	vld [tilespmem:$0x1FFB0]  }
0x19d: {  	v60 =	vld [tilespmem:$0x1FFC0]  }
0x19e: {  	v61 =	vld [tilespmem:$0x1FFD0]  }
0x19f: {  	v62 =	vld [tilespmem:$0x1FFE0]  }
0x1a0: {  	v63 =	vld [tilespmem:$0x1FFF0]  }
0x1a1: {  	vm1 =	vcmask $0xF14;
	vm3 =	vnez.u8 v0;
	vm4 =	vnez.u8 v51  }
0x1a2: {  	vm5 =	vnez.u8 v52;
	vm6 =	vnez.u8 v53;
	vm7 =	vnez.u8 v54  }
0x1a3: {  	vm8 =	vnez.u8 v55;
	vm9 =	vnez.u8 v56;
	vm10 =	vnez.u8 v57  }
0x1a4: {  	s5 =	simm.s32 $0x0;
	[sflag:s30] =	ssyncset.done $0x0;
	vm11 =	vnez.u8 v58;
	vm12 =	vnez.u8 v59;
	vm13 =	vnez.u8 v60  }
0x1a5: {  	s6 =	simm.s32 $0x18C10;
	s7 =	simm.s32 $0x4E80;
	[sflag:s30] =	ssyncadd.s32 $0xFFFFE000;
	vm14 =	vnez.u8 v61;
	vm15 =	vnez.u8 v62;
	vm0 =	vnez.u8 v63  }
.LBB2_8:
0x1a6: {  	v8 =	vld [tilespmem:s7+$0xFFFFFD80]  }
0x1a7: {  	v9 =	vld [tilespmem:s7+$0xFFFFFD90]  }
0x1a8: {  	v10 =	vld [tilespmem:s7+$0xFFFFFDA0]  }
0x1a9: {  	v11 =	vld [tilespmem:s7+$0xFFFFFDB0]  }
0x1aa: {  	v12 =	vld [tilespmem:s7+$0xFFFFFDC0]  }
0x1ab: {  	v13 =	vld [tilespmem:s7+$0xFFFFFDD0]  }
0x1ac: {  	v14 =	vld [tilespmem:s7+$0xFFFFFDE0]  }
0x1ad: {  	v15 =	vld [tilespmem:s7+$0xFFFFFDF0]  }
0x1ae: {  	v16 =	vld [tilespmem:s7+$0xFFFFFE00]  }
0x1af: {  	v17 =	vld [tilespmem:s7+$0xFFFFFE10]  }
0x1b0: {  	v18 =	vld [tilespmem:s7+$0xFFFFFE20]  }
0x1b1: {  	v19 =	vld [tilespmem:s7+$0xFFFFFE30]  }
0x1b2: {  	v20 =	vld [tilespmem:s7+$0xFFFFFE40]  }
0x1b3: {  	v21 =	vld [tilespmem:s7+$0xFFFFFE50]  }
0x1b4: {  	v22 =	vld [tilespmem:s7+$0xFFFFFE60]  }
0x1b5: {  	v23 =	vld [tilespmem:s7+$0xFFFFFE70]  }
0x1b6: {  	v24 =	vld [tilespmem:s7+$0xFFFFFE80]  }
0x1b7: {  	v25 =	vld [tilespmem:s7+$0xFFFFFE90]  }
0x1b8: {  	v26 =	vld [tilespmem:s7+$0xFFFFFEA0]  }
0x1b9: {  	v27 =	vld [tilespmem:s7+$0xFFFFFEB0]  }
0x1ba: {  	v28 =	vld [tilespmem:s7+$0xFFFFFEC0]  }
0x1bb: {  	v29 =	vld [tilespmem:s7+$0xFFFFFED0]  }
0x1bc: {  	v30 =	vld [tilespmem:s7+$0xFFFFFEE0]  }
0x1bd: {  	v31 =	vld [tilespmem:s7+$0xFFFFFEF0]  }
0x1be: {  	v32 =	vld [tilespmem:s7+$0xFFFFFF00]  }
0x1bf: {  	v33 =	vld [tilespmem:s7+$0xFFFFFF10]  }
0x1c0: {  	v34 =	vld [tilespmem:s7+$0xFFFFFF20]  }
0x1c1: {  	v35 =	vld [tilespmem:s7+$0xFFFFFF30]  }
0x1c2: {  	v36 =	vld [tilespmem:s7+$0xFFFFFF40]  }
0x1c3: {  	v37 =	vld [tilespmem:s7+$0xFFFFFF50]  }
0x1c4: {  	v38 =	vld [tilespmem:s7+$0xFFFFFF60]  }
0x1c5: {  	s9 =	sshra.s32 s5, $0x2;
	v39 =	vld [tilespmem:s7+$0xFFFFFF70]  }
0x1c6: {  	v2 =	vld [tilespmem:s9+$0x2C00]  }
0x1c7: {  	v3 =	vld [tilespmem:s9+$0x2C10]  }
0x1c8: {  	v1 =	vld [tilespmem:s9+$0x2C20]  }
0x1c9: {  	v4 =	vld [tilespmem:s9+$0x3C00]  }
0x1ca: {  	v5 =	vld [tilespmem:s9+$0x3C10]  }
0x1cb: {  	v6 =	vld [tilespmem:s9+$0x3C20]  }
0x1cc: {  	v40 =	vld [tilespmem:s7+$0xFFFFFF80]  }
0x1cd: {  	v0 =	vld [tilespmem:s9+$0x2C30]  }
0x1ce: {  	v7 =	vld [tilespmem:s9+$0x3C30]  }
0x1cf: {  	v41 =	vld [tilespmem:s7+$0xFFFFFF90];
	v4 =	vmul.f32 v4, v2;
	v5 =	vmul.f32 v5, v3  }
0x1d0: {  	v42 =	vld [tilespmem:s7+$0xFFFFFFA0];
	v6 =	vmul.f32 v6, v1;
	v62 =	vmul.f32 v8, v2  }
0x1d1: {  	v43 =	vld [tilespmem:s7+$0xFFFFFFB0];
	v63 =	vmul.f32 v9, v3;
	v12 =	vmul.f32 v12, v2  }
0x1d2: {  	v44 =	vld [tilespmem:s7+$0xFFFFFFD0];
	v13 =	vmul.f32 v13, v3;
	v48 =	vmul.f32 v10, v1  }
0x1d3: {  	v9 =	vld [tilespmem:s7+$0xFFFFFFC0];
	v7 =	vmul.f32 v7, v0;
	v50 =	vmul.f32 v14, v1  }
0x1d4: {  	v8 =	vld [tilespmem:s7+$0xFFFFFFE0];
	v51 =	vmul.f32 v11, v0;
	v53 =	vmul.f32 v15, v0  }
0x1d5: {  	v11 =	vld [tilespmem:s7+$0x0];
	v54 =	vmul.f32 v16, v2;
	v55 =	vmul.f32 v17, v3  }
0x1d6: {  	v15 =	vld [tilespmem:s7+$0x20];
	v56 =	vmul.f32 v20, v2;
	v57 =	vmul.f32 v21, v3  }
0x1d7: {  	v17 =	vld [tilespmem:s7+$0x30];
	v58 =	vmul.f32 v18, v1;
	v59 =	vmul.f32 v19, v0  }
0x1d8: {  	v19 =	vld [tilespmem:s7+$0x40];
	v60 =	vmul.f32 v22, v1;
	v61 =	vmul.f32 v23, v0  }
0x1d9: {  	v21 =	vld [tilespmem:s7+$0x50];
	v28 =	vmul.f32 v28, v2;
	v45 =	vmul.f32 v29, v3  }
0x1da: {  	v23 =	vld [tilespmem:s7+$0x60];
	v46 =	vmul.f32 v26, v1;
	v47 =	vmul.f32 v30, v1  }
0x1db: {  	v22 =	vld [tilespmem:s7+$0x80];
	v27 =	vmul.f32 v27, v0;
	v4 =	vadd.f32 v5, v4;
	v5 =	vadd.f32 v63, v62  }
0x1dc: {  	v30 =	vld [tilespmem:s7+$0xB0];
	v31 =	vmul.f32 v31, v0;
	v49 =	vadd.f32 v13, v12;
	v10 =	vadd.f32 v57, v56  }
0x1dd: {  	v29 =	vld [tilespmem:s7+$0x130];
	v62 =	vmul.f32 v24, v2;
	v63 =	vmul.f32 v25, v3;
	v4 =	vadd.f32 v6, v4  }
0x1de: {  	v13 =	vld [tilespmem:s7+$0xFFFFFFF0];
	v56 =	vmul.f32 v35, v0;
	v5 =	vadd.f32 v48, v5;
	v52 =	vadd.f32 v50, v49  }
0x1df: {  	v12 =	vld [tilespmem:s7+$0x10];
	v6 =	vadd.f32 v55, v54;
	v48 =	vmul.f32 v32, v2;
	v49 =	vmul.f32 v33, v3  }
0x1e0: {  	v25 =	vld [tilespmem:s7+$0x70];
	v10 =	vadd.f32 v60, v10;
	v50 =	vmul.f32 v36, v2;
	v54 =	vmul.f32 v38, v1  }
0x1e1: {  	v24 =	vld [tilespmem:s7+$0x90];
	v14 =	vadd.f32 v63, v62;
	v60 =	vmul.f32 v41, v3;
	v62 =	vmul.f32 v42, v1  }
0x1e2: {  	v16 =	vadd.f32 v45, v28;
	v28 =	vld [tilespmem:s7+$0xA0];
	v63 =	vmul.f32 v43, v0;
	v9 =	vmul.f32 v9, v2  }
0x1e3: {  	v57 =	vld [tilespmem:s7+$0xE0];
	v8 =	vmul.f32 v8, v1;
	v11 =	vmul.f32 v11, v2  }
0x1e4: {  	v35 =	vld [tilespmem:s7+$0x100];
	v16 =	vadd.f32 v47, v16;
	v41 =	vmul.f32 v21, v3;
	v43 =	vmul.f32 v15, v1  }
0x1e5: {  	v55 =	vld [tilespmem:s7+$0xD0];
	v45 =	vmul.f32 v23, v1;
	v47 =	vmul.f32 v22, v2;
	v4 =	vadd.f32 v7, v4  }
0x1e6: {  	v36 =	vld [tilespmem:s7+$0x110];
	v17 =	vmul.f32 v17, v0;
	v5 =	vadd.f32 v51, v5;
	v7 =	vadd.f32 v53, v52  }
0x1e7: {  	v38 =	vld [tilespmem:s7+$0x120];
	v6 =	vadd.f32 v58, v6;
	v10 =	vadd.f32 v61, v10;
	v51 =	vmul.f32 v37, v3  }
0x1e8: {  	v42 =	vld [tilespmem:s7+$0x150];
	v14 =	vadd.f32 v46, v14;
	v52 =	vmul.f32 v34, v1;
	v58 =	vmul.f32 v39, v0  }
0x1e9: {  	v18 =	vadd.f32 v49, v48;
	v53 =	vld [tilespmem:s7+$0xC0];
	v61 =	vmul.f32 v44, v3;
	v13 =	vmul.f32 v13, v0  }
0x1ea: {  	v16 =	vadd.f32 v31, v16;
	v31 =	vld [tilespmem:s7+$0xF0];
	v12 =	vmul.f32 v12, v3;
	v48 =	vmul.f32 v24, v3  }
0x1eb: {  	v39 =	vld [tilespmem:s7+$0x140];
	v25 =	vmul.f32 v25, v0;
	v6 =	vadd.f32 v59, v6;
	v20 =	vadd.f32 v51, v50  }
0x1ec: {  	v44 =	vld [tilespmem:s7+$0x160];
	v14 =	vadd.f32 v27, v14;
	v18 =	vadd.f32 v52, v18;
	v59 =	vmul.f32 v40, v2  }
0x1ed: {  	v46 =	vld [tilespmem:s7+$0x170];
	v9 =	vadd.f32 v61, v9;
	v40 =	vmul.f32 v19, v2;
	v11 =	vadd.f32 v12, v11  }
0x1ee: {  	v49 =	vld [tilespmem:s7+$0x180];
	v51 =	vmul.f32 v55, v3;
	v12 =	vadd.f32 v48, v47;
	v55 =	vmul.f32 v57, v1  }
0x1ef: {  	v52 =	vld [tilespmem:s7+$0x190];
	v38 =	vmul.f32 v38, v1;
	v20 =	vadd.f32 v54, v20;
	v18 =	vadd.f32 v56, v18  }
0x1f0: {  	v26 =	vadd.f32 v60, v59;
	v8 =	vadd.f32 v8, v9;
	v54 =	vld [tilespmem:s7+$0x1A0];
	v50 =	vmul.f32 v53, v2  }
0x1f1: {  	v9 =	vadd.f32 v41, v40;
	v56 =	vld [tilespmem:s7+$0x1B0];
	v53 =	vmul.f32 v28, v1;
	v61 =	vmul.f32 v31, v0  }
0x1f2: {  	v59 =	vld [tilespmem:s7+$0x1C0];
	v11 =	vadd.f32 v43, v11;
	v34 =	vmul.f32 v39, v2;
	v39 =	vmul.f32 v29, v0  }
0x1f3: {  	(xrf2) =	vadd.scan.msk.f32 $0xffff, v4;
	v40 =	vld [tilespmem:s7+$0x200];
	v41 =	vmul.f32 v44, v1;
	v20 =	vadd.f32 v58, v20;
	v26 =	vadd.f32 v62, v26  }
0x1f4: {  	(xrf2) =	vadd.scan.msk.f32 $0xffff, v5;
	v31 =	vld [tilespmem:s7+$0x1E0];
	v44 =	vmul.f32 v49, v2;
	v8 =	vadd.f32 v13, v8;
	v9 =	vadd.f32 v45, v9  }
0x1f5: {  	(xrf2) =	vadd.scan.msk.f32 $0xffff, v7;
	v43 =	vld [tilespmem:s7+$0x210];
	v58 =	vmul.f32 v30, v0;
	v30 =	vmul.f32 v36, v3;
	v13 =	vadd.f32 v51, v50  }
0x1f6: {  	(xrf2) =	vadd.scan.msk.f32 $0xffff, v6;
	v62 =	vld [tilespmem:s7+$0x1D0];
	v4 =	vadd.f32 v17, v11;
	v57 =	vadd.f32 v53, v12;
	v45 =	vmul.f32 v52, v3  }
0x1f7: {  	v36 =	vld [tilespmem:s7+$0x1F0];
	(xrf2) =	vadd.scan.msk.f32 $0xffff, v10;
	v26 =	vadd.f32 v63, v26;
	v5 =	vadd.f32 v25, v9;
	v63 =	vmul.f32 v35, v2  }
0x1f8: {  	v49 =	vld [tilespmem:s7+$0x250];
	(xrf2) =	vadd.scan.msk.f32 $0xffff, v14;
	v35 =	vmul.f32 v42, v3;
	v42 =	vmul.f32 v46, v0;
	v60 =	vadd.f32 v55, v13  }
0x1f9: {  	v51 =	vld [tilespmem:s7+$0x220];
	(xrf2) =	vadd.scan.msk.f32 $0xffff, v16;
	v7 =	vadd.f32 v58, v57;
	v47 =	vmul.f32 v59, v2;
	v11 =	vadd.f32 v45, v44  }
0x1fa: {  	v53 =	vld [tilespmem:s7+$0x260];
	(xrf2) =	vadd.scan.msk.f32 $0xffff, v18;
	v50 =	vmul.f32 v54, v1;
	v56 =	vmul.f32 v56, v0;
	v37 =	vadd.f32 v30, v63  }
0x1fb: {  	v46 =	vld [tilespmem:s7+$0x240];
	v9 =	vadd.f32 v35, v34;
	(xrf2) =	vadd.scan.msk.f32 $0xffff, v20;
	v52 =	vmul.f32 v31, v1;
	v48 =	vmul.f32 v62, v3  }
0x1fc: {  	v33 =	vadd.f32 v61, v60;
	(xrf2) =	vadd.scan.msk.f32 $0xffff, v26;
	v57 =	vmul.f32 v36, v0;
	v61 =	vmul.f32 v40, v2  }
0x1fd: {  	v58 =	vld [tilespmem:s7+$0x230];
	v55 =	vadd.f32 v50, v11;
	v62 =	vmul.f32 v43, v3;
	v3 =	vmul.f32 v49, v3;
	v54, _, _ =	vpop (xrf2);
	(xrf2) =	vadd.scan.msk.f32 $0xffff, v8  }
0x1fe: {  	v63 =	vld [tilespmem:s7+$0x270];
	v10 =	vadd.f32 v38, v37;
	v9 =	vadd.f32 v41, v9;
	v28 =	vmul.f32 v51, v1;
	v59, _, _ =	vpop (xrf2);
	(xrf2) =	vadd.scan.msk.f32 $0xffff, v4  }
0x1ff: {  	v1 =	vmul.f32 v53, v1;
	v13 =	vadd.f32 v48, v47;
	v25 =	vadd.f32 v56, v55;
	v24, _, _ =	vpop (xrf2);
	(xrf2) =	vadd.scan.msk.f32 $0xffff, v5  }
0x200: {  	v2 =	vmul.f32 v46, v2;
	v27 =	vadd.f32 v62, v61;
	v10 =	vadd.f32 v39, v10;
	v39 =	vld [tilespmem:$0x1FF10];
	v26, _, _ =	vpop (xrf2);
	(xrf2) =	vadd.scan.msk.f32 $0xffff, v7  }
0x201: {  	v30 =	vbroadcast v54, $0xF;
	v9 =	vadd.f32 v42, v9;
	v32 =	vbroadcast v59, $0xF;
	v29, _, _ =	vpop (xrf2);
	(xrf2) =	vadd.scan.msk.f32 $0xffff, v33  }
0x202: {  	v60 =	vadd.f32 v52, v13;
	v2 =	vadd.f32 v3, v2;
	v35 =	vbroadcast v24, $0xF;
	v31, _, _ =	vpop (xrf2);
	(xrf2) =	vadd.scan.msk.f32 $0xffff, v10  }
0x203: {  	v7 =	vadd.f32 v28, v27;
	v33 =	vmul.f32 v58, v0;
	v0 =	vmul.f32 v63, v0;
	v34, _, _ =	vpop (xrf2);
	(xrf2) =	vadd.scan.msk.f32 $0xffff, v9  }
0x204: {  	v3 =	vsel vm0, v30, v32;
	v4 =	vadd.f32 v57, v60;
	v1 =	vadd.f32 v1, v2;
	v36, _, _ =	vpop (xrf2);
	(xrf2) =	vadd.scan.msk.f32 $0xffff, v25  }
0x205: {  	v38 =	vbroadcast v26, $0xF;
	v37 =	vadd.f32 v33, v7;
	vm2 =	vnez.u8 v39;
	v40, _, _ =	vpop (xrf2)  }
0x206: {  	v41 =	vbroadcast v29, $0xF;
	v0 =	vadd.f32 v0, v1;
	v2 =	vsel vm2, v3, v35;
	(xrf2) =	vadd.scan.msk.f32 $0xffff, v4;
	v42, _, _ =	vpop (xrf2)  }
0x207: {  	v43 =	vbroadcast v31, $0xF;
	v2 =	vsel vm3, v2, v38;
	(xrf2) =	vadd.scan.msk.f32 $0xffff, v37;
	v45, _, _ =	vpop (xrf2)  }
0x208: {  	v44 =	vbroadcast v34, $0xF;
	v1 =	vsel vm4, v2, v41;
	(xrf2) =	vadd.scan.msk.f32 $0xffff, v0;
	v46, _, _ =	vpop (xrf2)  }
0x209: {  	v47 =	vbroadcast v36, $0xF;
	v1 =	vsel vm5, v1, v43;
	v48, _, _ =	vpop (xrf2)  }
0x20a: {  	v49 =	vbroadcast v40, $0xF;
	v1 =	vsel vm6, v1, v44;
	v50, _, _ =	vpop (xrf2)  }
0x20b: {  	v4 =	vbroadcast v42, $0xF;
	v1 =	vsel vm7, v1, v47;
	v51, _, _ =	vpop (xrf2)  }
0x20c: {  	vm2 =	vmmov vm1;
	v52 =	vbroadcast v45, $0xF;
	v1 =	vsel vm8, v1, v49;
	v53, _, _ =	vpop (xrf2)  }
0x20d: {  	vm1 =	vcmask $0x314;
	v0 =	vbroadcast v46, $0xF;
	v1 =	vsel vm9, v1, v4;
	v54, _, _ =	vpop (xrf2)  }
0x20e: {  	v55 =	vbroadcast v48, $0xF;
	v1 =	vsel vm10, v1, v52;
	v56, _, _ =	vpop (xrf2);
	v57 =	vbroadcast v54, $0xF  }
0x20f: {  	v59 =	vbroadcast v50, $0xF;
	v0 =	vsel vm11, v1, v0;
	v60 =	vbroadcast v56, $0xF  }
0x210: {  	v5 =	vbroadcast v51, $0xF;
	v58, _, _ =	vpop (xrf2);
	v0 =	vsel vm12, v0, v55;
	v1 =	vnsel vm0, $0x0, v57  }
0x211: {  	p0 =	sne.s32 s5, $0x1F00;
	v61, _, _ =	vpop (xrf2);
	v4 =	vbroadcast v58, $0xF;
	v0 =	vsel vm13, v0, v59;
	v1 =	vsel vm1, v1, v60  }
.Ltmp3:
0x212: {  	v62 =	vbroadcast v61, $0xF;
	v63, _, _ =	vpop (xrf2);
	v0 =	vsel vm14, v0, v5;
	vm1 =	vcmask $0x714;
	(pc) =	sbr.rel @p0 .LBB2_8-.Ltmp3, $4  }
0x213: {  	v1 =	vsel vm1, v1, v4;
	v3 =	vbroadcast v63, $0xF;
	vm1 =	vcmask $0xB14  }
0x214: {  	v0 =	vsel vm15, v0, v53;
	v1 =	vsel vm1, v1, v62  }
0x215: {  	[tilespmem:s6+$0xFFFFFFF0] =	vst v0;
	v1 =	vsel vm2, v1, v3  }
0x216: {  	s5 =	sadd.s32 $0x100, s5;
	s7 =	sadd.s32 $0x500, s7;
	vm1 =	vmmov vm2;
	[tilespmem:s6+$0x0] =	vst v1;
	s6 =	sadd.s32 $0x20, s6  }
0x217: {  	s5 =	simm.s32 $0x0;
	s6 =	rddreg [dreg:$0x7]  }
0x218: {  	[hbm4b:s6+s5] =	stream.linear.scatter [tilespmem:s20], [sflag:$0x3], $0x400, $0x38;
	[tilespmem:$0x19000] =	vst v63  }
0x219: {  	_ =	swait.ge [sflag:s12], $0x400  }
0x21a: {  	[sflag:s12] =	ssyncset.done $0x0  }
0x21b: {  	[sflag:s12] =	ssyncadd.s32 $0xFFFFFC00  }
0x21c: {  	_ =	swait.ge [sflag:s13], $0x800  }
0x21d: {  	[sflag:s13] =	ssyncset.done $0x0  }
0x21e: {  	[sflag:s13] =	ssyncadd.s32 $0xFFFFF800  }
0x21f: {  	_ =	swait.ge [sflag:s13], $0x800  }
0x220: {  	[sflag:s13] =	ssyncset.done $0x0  }
0x221: {  	[sflag:s13] =	ssyncadd.s32 $0xFFFFF800  }
0x222: {  	_ =	swait.ge [sflag:s13], $0x2000  }
0x223: {  	[sflag:s13] =	ssyncset.done $0x0  }
0x224: {  	[sflag:s13] =	ssyncadd.s32 $0xFFFFE000  }
0x225: {  	_ =	swait.ge [sflag:s13], $0x2000  }
0x226: {  	[sflag:s13] =	ssyncset.done $0x0  }
0x227: {  	[sflag:s13] =	ssyncadd.s32 $0xFFFFE000  }
0x228: {  	_ =	swait.ge [sflag:s13], $0x2000  }
0x229: {  	[sflag:s13] =	ssyncset.done $0x0  }
0x22a: {  	[sflag:s13] =	ssyncadd.s32 $0xFFFFE000  }
0x22b: {  	_ =	swait.ge [sflag:s13], $0x2000  }
0x22c: {  	[sflag:s13] =	ssyncset.done $0x0  }
0x22d: {  	[sflag:s13] =	ssyncadd.s32 $0xFFFFE000  }
0x22e: {  	_ =	swait.ge [sflag:s13], $0x2000  }
0x22f: {  	s7 =	simm.s32 $0x3430;
	[sflag:s13] =	ssyncset.done $0x0  }
0x230: {  	s9 =	simm.s32 $0x4430;
	s6 =	simm.s32 $0x18C10;
	[sflag:s13] =	ssyncadd.s32 $0xFFFFE000  }
.LBB2_10:
0x231: {  	v2 =	vld [tilespmem:s7+$0xFFFFFFD0]  }
0x232: {  	v3 =	vld [tilespmem:s7+$0xFFFFFFE0]  }
0x233: {  	v1 =	vld [tilespmem:s7+$0xFFFFFFF0]  }
0x234: {  	v0 =	vld [tilespmem:s7+$0x0]  }
0x235: {  	v4 =	vld [tilespmem:s9+$0xFFFFFFD0]  }
0x236: {  	v5 =	vld [tilespmem:s9+$0xFFFFFFE0]  }
0x237: {  	v6 =	vld [tilespmem:s9+$0xFFFFFFF0]  }
0x238: {  	v7 =	vld [tilespmem:s9+$0x0];
	s10 =	sshra.s32 s5, $0x2  }
0x239: {  	v8 =	vld [tilespmem:s10+$0xEC00]  }
0x23a: {  	v9 =	vld [tilespmem:s10+$0xEC10]  }
0x23b: {  	v10 =	vld [tilespmem:s10+$0xEC20]  }
0x23c: {  	v11 =	vld [tilespmem:s10+$0xEC30]  }
0x23d: {  	v12 =	vld [tilespmem:s10+$0xEC40]  }
0x23e: {  	v13 =	vld [tilespmem:s10+$0xEC50]  }
0x23f: {  	v14 =	vld [tilespmem:s10+$0xEC60]  }
0x240: {  	v15 =	vld [tilespmem:s10+$0xEC70]  }
0x241: {  	v16 =	vld [tilespmem:s10+$0xEC80]  }
0x242: {  	v17 =	vld [tilespmem:s10+$0xEC90]  }
0x243: {  	v18 =	vld [tilespmem:s10+$0xECA0]  }
0x244: {  	v19 =	vld [tilespmem:s10+$0xECB0]  }
0x245: {  	v20 =	vld [tilespmem:s10+$0xECC0]  }
0x246: {  	v21 =	vld [tilespmem:s10+$0xECD0]  }
0x247: {  	v22 =	vld [tilespmem:s10+$0xECE0]  }
0x248: {  	v23 =	vld [tilespmem:s10+$0xECF0]  }
0x249: {  	v24 =	vld [tilespmem:s10+$0xED00]  }
0x24a: {  	v25 =	vld [tilespmem:s10+$0xED10]  }
0x24b: {  	v26 =	vld [tilespmem:s10+$0xED20]  }
0x24c: {  	v27 =	vld [tilespmem:s10+$0xED30]  }
0x24d: {  	v28 =	vld [tilespmem:s10+$0xED40]  }
0x24e: {  	v29 =	vld [tilespmem:s10+$0xED50]  }
0x24f: {  	v30 =	vld [tilespmem:s10+$0xED60]  }
0x250: {  	v31 =	vld [tilespmem:s10+$0xED70]  }
0x251: {  	v32 =	vld [tilespmem:s10+$0xED80]  }
0x252: {  	v33 =	vld [tilespmem:s10+$0xED90]  }
0x253: {  	v34 =	vld [tilespmem:s10+$0xEDA0]  }
0x254: {  	v35 =	vld [tilespmem:s10+$0xEDB0]  }
0x255: {  	v36 =	vld [tilespmem:s10+$0xEDC0]  }
0x256: {  	v37 =	vld [tilespmem:s10+$0xEDD0]  }
0x257: {  	v38 =	vld [tilespmem:s10+$0xEDE0]  }
0x258: {  	v39 =	vld [tilespmem:s10+$0xEDF0]  }
0x259: {  	v40 =	vld [tilespmem:s10+$0xEE00]  }
0x25a: {  	v41 =	vld [tilespmem:s10+$0xEE10];
	v4 =	vmul.f32 v4, v2  }
0x25b: {  	v42 =	vld [tilespmem:s10+$0xEE20];
	v5 =	vmul.f32 v5, v3;
	v6 =	vmul.f32 v6, v1  }
0x25c: {  	v43 =	vld [tilespmem:s10+$0xEE30];
	v7 =	vmul.f32 v7, v0;
	v62 =	vmul.f32 v8, v2  }
0x25d: {  	v44 =	vld [tilespmem:s10+$0xEE50];
	v63 =	vmul.f32 v9, v3;
	v12 =	vmul.f32 v12, v2  }
0x25e: {  	v9 =	vld [tilespmem:s10+$0xEE40];
	v13 =	vmul.f32 v13, v3;
	v48 =	vmul.f32 v10, v1  }
0x25f: {  	v8 =	vld [tilespmem:s10+$0xEE60];
	v50 =	vmul.f32 v14, v1;
	v51 =	vmul.f32 v11, v0  }
0x260: {  	v11 =	vld [tilespmem:s10+$0xEE80];
	v53 =	vmul.f32 v15, v0;
	v54 =	vmul.f32 v16, v2  }
0x261: {  	v55 =	vmul.f32 v17, v3;
	v15 =	vld [tilespmem:s10+$0xEEA0];
	v56 =	vmul.f32 v20, v2  }
0x262: {  	v57 =	vmul.f32 v21, v3;
	v17 =	vld [tilespmem:s10+$0xEEB0];
	v58 =	vmul.f32 v18, v1  }
0x263: {  	v59 =	vmul.f32 v19, v0;
	v19 =	vld [tilespmem:s10+$0xEEC0];
	v60 =	vmul.f32 v22, v1  }
0x264: {  	v61 =	vmul.f32 v23, v0;
	v21 =	vld [tilespmem:s10+$0xEED0];
	v28 =	vmul.f32 v28, v2  }
0x265: {  	v23 =	vld [tilespmem:s10+$0xEEE0];
	v45 =	vmul.f32 v29, v3;
	v46 =	vmul.f32 v26, v1  }
0x266: {  	v22 =	vld [tilespmem:s10+$0xEF00];
	v47 =	vmul.f32 v30, v1;
	v27 =	vmul.f32 v27, v0;
	v4 =	vadd.f32 v5, v4  }
0x267: {  	v30 =	vld [tilespmem:s10+$0xEF30];
	v31 =	vmul.f32 v31, v0;
	v5 =	vadd.f32 v63, v62;
	v49 =	vadd.f32 v13, v12  }
0x268: {  	v29 =	vld [tilespmem:s10+$0xEFB0];
	v10 =	vadd.f32 v57, v56;
	v62 =	vmul.f32 v24, v2;
	v63 =	vmul.f32 v25, v3  }
0x269: {  	v13 =	vld [tilespmem:s10+$0xEE70];
	v16 =	vadd.f32 v45, v28;
	v56 =	vmul.f32 v35, v0;
	v4 =	vadd.f32 v6, v4  }
0x26a: {  	v12 =	vld [tilespmem:s10+$0xEE90];
	v6 =	vadd.f32 v55, v54;
	v54 =	vmul.f32 v38, v1;
	v5 =	vadd.f32 v48, v5  }
0x26b: {  	v25 =	vld [tilespmem:s10+$0xEEF0];
	v52 =	vadd.f32 v50, v49;
	v48 =	vmul.f32 v32, v2;
	v49 =	vmul.f32 v33, v3  }
0x26c: {  	v24 =	vld [tilespmem:s10+$0xEF10];
	v10 =	vadd.f32 v60, v10;
	v50 =	vmul.f32 v36, v2;
	v60 =	vmul.f32 v41, v3  }
0x26d: {  	v28 =	vld [tilespmem:s10+$0xEF20];
	v14 =	vadd.f32 v63, v62;
	v62 =	vmul.f32 v42, v1;
	v63 =	vmul.f32 v43, v0  }
0x26e: {  	v57 =	vld [tilespmem:s10+$0xEF60];
	v6 =	vadd.f32 v58, v6;
	v58 =	vmul.f32 v39, v0;
	v9 =	vmul.f32 v9, v2  }
0x26f: {  	v35 =	vld [tilespmem:s10+$0xEF80];
	v16 =	vadd.f32 v47, v16;
	v8 =	vmul.f32 v8, v1;
	v11 =	vmul.f32 v11, v2  }
0x270: {  	v55 =	vld [tilespmem:s10+$0xEF50];
	v4 =	vadd.f32 v7, v4;
	v41 =	vmul.f32 v21, v3;
	v43 =	vmul.f32 v15, v1  }
0x271: {  	v38 =	vld [tilespmem:s10+$0xEFA0];
	v45 =	vmul.f32 v23, v1;
	v47 =	vmul.f32 v22, v2;
	v5 =	vadd.f32 v51, v5  }
0x272: {  	v36 =	vld [tilespmem:s10+$0xEF90];
	v17 =	vmul.f32 v17, v0;
	v7 =	vadd.f32 v53, v52;
	v10 =	vadd.f32 v61, v10  }
0x273: {  	v42 =	vld [tilespmem:s10+$0xEFD0];
	v14 =	vadd.f32 v46, v14;
	v51 =	vmul.f32 v37, v3;
	v18 =	vadd.f32 v49, v48  }
0x274: {  	v39 =	vld [tilespmem:s10+$0xEFC0];
	v52 =	vmul.f32 v34, v1;
	v16 =	vadd.f32 v31, v16;
	v61 =	vmul.f32 v44, v3  }
0x275: {  	v53 =	vld [tilespmem:s10+$0xEF40];
	v6 =	vadd.f32 v59, v6;
	v59 =	vmul.f32 v40, v2;
	v13 =	vmul.f32 v13, v0  }
0x276: {  	v31 =	vld [tilespmem:s10+$0xEF70];
	v12 =	vmul.f32 v12, v3;
	v40 =	vmul.f32 v19, v2;
	v20 =	vadd.f32 v51, v50  }
0x277: {  	v44 =	vld [tilespmem:s10+$0xEFE0];
	v48 =	vmul.f32 v24, v3;
	v14 =	vadd.f32 v27, v14;
	v18 =	vadd.f32 v52, v18  }
0x278: {  	v46 =	vld [tilespmem:s10+$0xEFF0];
	v25 =	vmul.f32 v25, v0;
	v9 =	vadd.f32 v61, v9;
	v26 =	vadd.f32 v60, v59  }
0x279: {  	v49 =	vld [tilespmem:s10+$0xF000];
	v51 =	vmul.f32 v55, v3;
	v11 =	vadd.f32 v12, v11;
	v12 =	vadd.f32 v48, v47  }
0x27a: {  	v52 =	vld [tilespmem:s10+$0xF010];
	v55 =	vmul.f32 v57, v1;
	v20 =	vadd.f32 v54, v20;
	v18 =	vadd.f32 v56, v18  }
0x27b: {  	v38 =	vmul.f32 v38, v1;
	v59 =	vld [tilespmem:s10+$0xF040];
	v8 =	vadd.f32 v8, v9;
	v9 =	vadd.f32 v41, v40  }
0x27c: {  	v54 =	vld [tilespmem:s10+$0xF020];
	v34 =	vmul.f32 v39, v2;
	v39 =	vmul.f32 v29, v0;
	v26 =	vadd.f32 v62, v26  }
0x27d: {  	v56 =	vld [tilespmem:s10+$0xF030];
	v11 =	vadd.f32 v43, v11;
	v50 =	vmul.f32 v53, v2;
	v53 =	vmul.f32 v28, v1  }
0x27e: {  	(xrf2) =	vadd.scan.msk.f32 $0xffff, v4;
	v40 =	vld [tilespmem:s10+$0xF080];
	v61 =	vmul.f32 v31, v0;
	v41 =	vmul.f32 v44, v1;
	v20 =	vadd.f32 v58, v20  }
0x27f: {  	(xrf2) =	vadd.scan.msk.f32 $0xffff, v5;
	v62 =	vld [tilespmem:s10+$0xF050];
	v44 =	vmul.f32 v49, v2;
	v8 =	vadd.f32 v13, v8;
	v9 =	vadd.f32 v45, v9  }
0x280: {  	(xrf2) =	vadd.scan.msk.f32 $0xffff, v7;
	v31 =	vld [tilespmem:s10+$0xF060];
	v58 =	vmul.f32 v30, v0;
	v30 =	vmul.f32 v36, v3;
	v26 =	vadd.f32 v63, v26  }
0x281: {  	(xrf2) =	vadd.scan.msk.f32 $0xffff, v6;
	v43 =	vld [tilespmem:s10+$0xF090];
	v13 =	vadd.f32 v51, v50;
	v4 =	vadd.f32 v17, v11;
	v63 =	vmul.f32 v35, v2  }
0x282: {  	(xrf2) =	vadd.scan.msk.f32 $0xffff, v10;
	v49 =	vld [tilespmem:s10+$0xF0D0];
	v57 =	vadd.f32 v53, v12;
	v35 =	vmul.f32 v42, v3;
	v42 =	vmul.f32 v46, v0  }
0x283: {  	v36 =	vld [tilespmem:s10+$0xF070];
	(xrf2) =	vadd.scan.msk.f32 $0xffff, v14;
	v45 =	vmul.f32 v52, v3;
	v5 =	vadd.f32 v25, v9;
	v60 =	vadd.f32 v55, v13  }
0x284: {  	(xrf2) =	vadd.scan.msk.f32 $0xffff, v16;
	v46 =	vld [tilespmem:s10+$0xF0C0];
	v47 =	vmul.f32 v59, v2;
	v7 =	vadd.f32 v58, v57;
	v37 =	vadd.f32 v30, v63  }
0x285: {  	v51 =	vld [tilespmem:s10+$0xF0A0];
	(xrf2) =	vadd.scan.msk.f32 $0xffff, v18;
	v9 =	vadd.f32 v35, v34;
	v50 =	vmul.f32 v54, v1;
	v56 =	vmul.f32 v56, v0  }
0x286: {  	v53 =	vld [tilespmem:s10+$0xF0E0];
	(xrf2) =	vadd.scan.msk.f32 $0xffff, v20;
	v11 =	vadd.f32 v45, v44;
	v48 =	vmul.f32 v62, v3;
	v52 =	vmul.f32 v31, v1  }
0x287: {  	(xrf2) =	vadd.scan.msk.f32 $0xffff, v26;
	v62 =	vmul.f32 v43, v3;
	v3 =	vmul.f32 v49, v3;
	v33 =	vadd.f32 v61, v60  }
0x288: {  	v58 =	vld [tilespmem:s10+$0xF0B0];
	v10 =	vadd.f32 v38, v37;
	v9 =	vadd.f32 v41, v9;
	v54, _, _ =	vpop (xrf2);
	(xrf2) =	vadd.scan.msk.f32 $0xffff, v8;
	v57 =	vmul.f32 v36, v0  }
0x289: {  	v63 =	vld [tilespmem:s10+$0xF0F0];
	v55 =	vadd.f32 v50, v11;
	v61 =	vmul.f32 v40, v2;
	v59, _, _ =	vpop (xrf2);
	(xrf2) =	vadd.scan.msk.f32 $0xffff, v4;
	v2 =	vmul.f32 v46, v2  }
0x28a: {  	v13 =	vadd.f32 v48, v47;
	v28 =	vmul.f32 v51, v1;
	v30 =	vbroadcast v54, $0xF;
	v24, _, _ =	vpop (xrf2);
	(xrf2) =	vadd.scan.msk.f32 $0xffff, v5  }
0x28b: {  	v1 =	vmul.f32 v53, v1;
	v10 =	vadd.f32 v39, v10;
	v9 =	vadd.f32 v42, v9;
	v39 =	vld [tilespmem:$0x1FF10];
	v26, _, _ =	vpop (xrf2);
	(xrf2) =	vadd.scan.msk.f32 $0xffff, v7  }
0x28c: {  	v25 =	vadd.f32 v56, v55;
	v27 =	vadd.f32 v62, v61;
	v32 =	vbroadcast v59, $0xF;
	v29, _, _ =	vpop (xrf2);
	(xrf2) =	vadd.scan.msk.f32 $0xffff, v33  }
0x28d: {  	v60 =	vadd.f32 v52, v13;
	v2 =	vadd.f32 v3, v2;
	v35 =	vbroadcast v24, $0xF;
	v31, _, _ =	vpop (xrf2);
	(xrf2) =	vadd.scan.msk.f32 $0xffff, v10  }
0x28e: {  	v7 =	vadd.f32 v28, v27;
	v33 =	vmul.f32 v58, v0;
	v0 =	vmul.f32 v63, v0;
	v34, _, _ =	vpop (xrf2);
	(xrf2) =	vadd.scan.msk.f32 $0xffff, v9  }
0x28f: {  	v3 =	vsel vm0, v30, v32;
	v4 =	vadd.f32 v57, v60;
	v1 =	vadd.f32 v1, v2;
	v36, _, _ =	vpop (xrf2);
	(xrf2) =	vadd.scan.msk.f32 $0xffff, v25  }
0x290: {  	v38 =	vbroadcast v26, $0xF;
	v37 =	vadd.f32 v33, v7;
	vm1 =	vnez.u8 v39;
	v40, _, _ =	vpop (xrf2)  }
0x291: {  	v41 =	vbroadcast v29, $0xF;
	v0 =	vadd.f32 v0, v1;
	v2 =	vsel vm1, v3, v35;
	(xrf2) =	vadd.scan.msk.f32 $0xffff, v4;
	v42, _, _ =	vpop (xrf2)  }
0x292: {  	v43 =	vbroadcast v31, $0xF;
	v2 =	vsel vm3, v2, v38;
	(xrf2) =	vadd.scan.msk.f32 $0xffff, v37;
	v45, _, _ =	vpop (xrf2)  }
0x293: {  	v44 =	vbroadcast v34, $0xF;
	v1 =	vsel vm4, v2, v41;
	(xrf2) =	vadd.scan.msk.f32 $0xffff, v0;
	v46, _, _ =	vpop (xrf2)  }
0x294: {  	v47 =	vbroadcast v36, $0xF;
	v1 =	vsel vm5, v1, v43;
	v48, _, _ =	vpop (xrf2)  }
0x295: {  	v49 =	vbroadcast v40, $0xF;
	v1 =	vsel vm6, v1, v44;
	v50, _, _ =	vpop (xrf2)  }
0x296: {  	v4 =	vbroadcast v42, $0xF;
	v1 =	vsel vm7, v1, v47;
	v51, _, _ =	vpop (xrf2)  }
0x297: {  	v52 =	vbroadcast v45, $0xF;
	v1 =	vsel vm8, v1, v49;
	v53, _, _ =	vpop (xrf2)  }
0x298: {  	vm1 =	vcmask $0x314;
	v0 =	vbroadcast v46, $0xF;
	v1 =	vsel vm9, v1, v4;
	v54, _, _ =	vpop (xrf2)  }
0x299: {  	v55 =	vbroadcast v48, $0xF;
	v1 =	vsel vm10, v1, v52;
	v56, _, _ =	vpop (xrf2);
	v57 =	vbroadcast v54, $0xF  }
0x29a: {  	v59 =	vbroadcast v50, $0xF;
	v0 =	vsel vm11, v1, v0;
	v60 =	vbroadcast v56, $0xF  }
0x29b: {  	v5 =	vbroadcast v51, $0xF;
	v58, _, _ =	vpop (xrf2);
	v0 =	vsel vm12, v0, v55;
	v1 =	vnsel vm0, $0x0, v57  }
0x29c: {  	p0 =	sne.s32 s5, $0x26C00;
	v61, _, _ =	vpop (xrf2);
	v4 =	vbroadcast v58, $0xF;
	v0 =	vsel vm13, v0, v59;
	v1 =	vsel vm1, v1, v60  }
.Ltmp4:
0x29d: {  	v62 =	vbroadcast v61, $0xF;
	v63, _, _ =	vpop (xrf2);
	v0 =	vsel vm14, v0, v5;
	vm1 =	vcmask $0x714;
	(pc) =	sbr.rel @p0 .LBB2_10-.Ltmp4, $4  }
0x29e: {  	v1 =	vsel vm1, v1, v4;
	v3 =	vbroadcast v63, $0xF;
	vm1 =	vcmask $0xB14  }
0x29f: {  	v0 =	vsel vm15, v0, v53;
	v1 =	vsel vm1, v1, v62  }
0x2a0: {  	s7 =	sadd.s32 $0x40, s7;
	[tilespmem:s6+$0xFFFFFFF0] =	vst v0;
	v1 =	vsel vm2, v1, v3  }
0x2a1: {  	s9 =	sadd.s32 $0x40, s9;
	s5 =	sadd.s32 $0x1400, s5;
	[tilespmem:s6+$0x0] =	vst v1;
	s6 =	sadd.s32 $0x20, s6  }
0x2a2: {  	s5 =	rddreg [dreg:$0x8]  }
0x2a3: {  	[hbm4b:s5+s2] =	stream.linear.scatter [tilespmem:s20], [sflag:$0x3], $0x400, $0x38;
	[tilespmem:$0x19000] =	vst v63  }
0x2a4: {  	_ =	swait.ge [sflag:s12], $0x400  }
0x2a5: {  	s6 =	rddreg [dreg:$0xa]  }
0x2a6: {  	s16 =	rddreg [dreg:$0x9];
	s6 =	sadd.s32 $0x1, s6  }
0x2a7: {  	p0 =	sne.s32 s6, s16  }
.Ltmp5:
0x2a8: {  	_ = 	snop;
	(pc) =	sbr.rel @p0 .LBB2_1-.Ltmp5, $3  }
0x2a9: {  	_ =	sdelay $0x1  }
0x2aa: {  	[sflag:s12] =	ssyncset.done $0x0  }
0x2ab: {  	[sflag:s12] =	ssyncadd.s32 $0xFFFFFC00  }
0x2ac: {  	_ =	sfence.sel $0x180000  }
0x2ad: {  	[bflag:$0x0] =	sbarrier.arrive $0xFFFF  }
0x2ae: {  	_ =	strace $0x90000047  }
0x2af: {  	s0 =	stileid.u32;
	[bflag:$0x2] =	sbarrier.arrive $0xFFFF  }
0x2b0: {  	p0 =	sne.s32 s0, $0x0;
	s0 =	rddreg [dreg:$0x3]  }
0x2b1: {  	s0 =	sadd.s32 @!p0 $0x100000, s0  }
0x2b2: {  	[sflag:s0] =	ssyncadd.tile.s32 @!p0 $0x1;
	_ =	shalt  }
.Lfunc_end2:
_tile_overlayer_lowered:
.L_overlay_start_2:
0x2b3: {  	(tag) =	ssettag $0x2  }
0x2b4: {  	s0 =	rddreg [dreg:$0x0];
	s2 =	stileid.u32  }
0x2b5: {  	s1 =	rddreg [dreg:$0x1];
	p0 =	sne.s32 s2, $0x0  }
0x2b6: {  	s3 =	rddreg [dreg:$0x2];
	[bflag:$0x3] =	sbarrier.arrive $0xFFFF;
	s2 =	simm.s32 @!p0 $0x1C03  }
0x2b7: {  	[timem:s3], [sflag:s2] =	dma.local @!p0 [hbm:s0], s1  }
0x2b8: {  	s0 =	simm.s32 @!p0 $0x3  }
0x2b9: {  	_ =	swait.ge @!p0 [sflag:s0], s1  }
0x2ba: {  	s1 =	ssub.s32 @!p0 $0x0, s1;
	[sflag:s0] =	ssyncset.done @!p0 $0x0  }
0x2bb: {  	[sflag:s0] =	ssyncadd.s32 @!p0 s1  }
0x2bc: {  	[bflag:$0x3] =	sbarrier.arrive $0xFFFF  }
0x2bd: {  	_ =	shalt  }

</sc_bundles>
